<compile_context>
chip_gen: v7x
topology: tpu7x:2x2x1
jax: 0.10.2.dev20260603
libtpu: 0.0.44.dev20260713+nightly
codegen_flags: <defaults>
</compile_context>

<pallas_src>
import functools

import jax
import jax.numpy as jnp
from jax import lax
from jax.experimental import pallas as pl
from jax.experimental.pallas import tpu as pltpu
from jax.experimental.pallas import tpu_sc as plsc

N = 10000
E = 320000
D = 128
FD = 2 * D
NM = 3000
ROWS = 3072
NW = 32
EPW = E // NW
B = 16
SEG = 2000
NSEG = EPW // SEG
CAP = SEG + B
SOFF = ROWS * FD
SPAD = 4096
ACC = SOFF + SPAD


def _sc_accumulate(x, src, dst, w, comp):
    mesh = plsc.VectorSubcoreMesh(core_axis_name="c", subcore_axis_name="s")

    @functools.partial(
        pl.kernel,
        mesh=mesh,
        out_type=[
            jax.ShapeDtypeStruct((2, ROWS * FD), jnp.float32),
            jax.ShapeDtypeStruct((2, ROWS), jnp.float32),
        ],
        scratch_types=[
            pltpu.VMEM((N,), jnp.int32),
            pltpu.VMEM((SEG,), jnp.int32),
            pltpu.VMEM((SEG,), jnp.int32),
            pltpu.VMEM((SEG,), jnp.int32),
            pltpu.VMEM((SEG,), jnp.int32),
            pltpu.VMEM((SEG,), jnp.float32),
            pltpu.VMEM((SEG,), jnp.float32),
            pltpu.VMEM((CAP,), jnp.int32),
            pltpu.VMEM((CAP,), jnp.float32),
            pltpu.VMEM((CAP,), jnp.int32),
            pltpu.VMEM((CAP,), jnp.int32),
            pltpu.VMEM((B, D), jnp.float32),
            pltpu.VMEM((B, D), jnp.float32),
            pltpu.VMEM((B * D + B,), jnp.float32),
            pltpu.VMEM((B * D + B,), jnp.float32),
            pltpu.VMEM((B * D + B,), jnp.int32),
            pltpu.VMEM((B * D + B,), jnp.int32),
            pltpu.VMEM_SHARED((ACC,), jnp.float32),
            pltpu.SemaphoreType.DMA,
            pltpu.SemaphoreType.DMA,
            pltpu.SemaphoreType.DMA,
            pltpu.SemaphoreType.DMA,
            pltpu.SemaphoreType.DMA,
            pltpu.SemaphoreType.DMA,
        ],
        compiler_params=pltpu.CompilerParams(needs_layout_passes=False),
    )
    def body(x_h, src_h, dst_h, w_h, comp_h, out_h, outs_h,
             comp_v, ssb0, ssb1, dsb0, dsb1, wsb0, wsb1,
             stg_s, stg_w, stg_c, stg_m,
             rows0, rows1, tbuf0, tbuf1, eidx0, eidx1, acc_s,
             gsem0, gsem1, ssem0, ssem1, psem0, psem1):
        cid = lax.axis_index("c")
        sid = lax.axis_index("s")
        wid = sid * 2 + cid

        pltpu.sync_copy(comp_h, comp_v)

        spw = ACC // 16

        def zchunk(k, c):
            tbuf0[pl.ds(k * 16, 16)] = jnp.zeros((16,), jnp.float32)
            return c

        lax.fori_loop(0, 2048 // 16, zchunk, 0)
        zchunks = [2048] * 24 + [256]
        zoff = 0
        for zc in zchunks:
            pltpu.async_copy(tbuf0.at[pl.ds(0, zc)],
                             acc_s.at[pl.ds(sid * spw + zoff, zc)], gsem0)
            zoff += zc
        zoff = 0
        for zc in zchunks:
            pltpu.make_async_copy(tbuf0.at[pl.ds(0, zc)],
                                  acc_s.at[pl.ds(sid * spw + zoff, zc)],
                                  gsem0).wait()
            zoff += zc
        plsc.subcore_barrier()

        lane = lax.iota(jnp.int32, 16)

        bufs = ((rows0, tbuf0, eidx0, gsem0, ssem0),
                (rows1, tbuf1, eidx1, gsem1, ssem1))
        p1bufs = ((ssb0, dsb0, wsb0, psem0), (ssb1, dsb1, wsb1, psem1))

        def _p1_start(seg, b):
            base = wid * EPW + seg * SEG
            ssb_b, dsb_b, wsb_b, psem_b = p1bufs[b]
            pltpu.async_copy(src_h.at[pl.ds(base, SEG)], ssb_b, psem_b)
            pltpu.async_copy(dst_h.at[pl.ds(base, SEG)], dsb_b, psem_b)
            pltpu.async_copy(w_h.at[pl.ds(base, SEG)], wsb_b, psem_b)

        def _p1_wait(b):
            ssb_b, dsb_b, wsb_b, psem_b = p1bufs[b]
            pltpu.make_async_copy(src_h.at[pl.ds(0, SEG)], ssb_b,
                                  psem_b).wait()
            pltpu.make_async_copy(dst_h.at[pl.ds(0, SEG)], dsb_b,
                                  psem_b).wait()
            pltpu.make_async_copy(w_h.at[pl.ds(0, SEG)], wsb_b,
                                  psem_b).wait()

        def _gather_start(b2, b):
            pltpu.async_copy(
                x_h.at[stg_s.at[pl.ds(b2, B)]], bufs[b][0], bufs[b][3])

        def _gather_wait(b):
            pltpu.make_async_copy(
                x_h.at[stg_s.at[pl.ds(0, B)]], bufs[b][0], bufs[b][3]).wait()

        def _scatter_start(b):
            pltpu.async_copy(
                bufs[b][1], acc_s.at[bufs[b][2]], bufs[b][4], add=True)

        def _scatter_wait(b):
            pltpu.make_async_copy(
                bufs[b][1], acc_s.at[bufs[b][2]], bufs[b][4]).wait()

        def do_segment(seg, sb):
            ssb_v, dsb_v, wsb_v, _ = p1bufs[sb]
            _p1_wait(sb)

            @pl.when(seg + 1 < NSEG)
            def _():
                _p1_start(seg + 1, 1 - sb)

            def scan(q, ncnt):
                sl = pl.ds(q * 16, 16)
                sch = ssb_v[sl]
                cd = plsc.load_gather(comp_v, [dsb_v[sl]])
                keep = cd < NM
                ki = keep.astype(jnp.int32)
                pc = plsc.cumsum(ki)
                pos = jnp.full((16,), ncnt, jnp.int32) + pc - ki
                plsc.store_scatter(stg_s, [pos], sch, mask=keep)
                plsc.store_scatter(stg_w, [pos], wsb_v[sl], mask=keep)
                plsc.store_scatter(stg_c, [pos], cd, mask=keep)
                plsc.store_scatter(stg_m, [pos],
                                   plsc.load_gather(comp_v, [sch]), mask=keep)
                return ncnt + jnp.max(pc)

            ncnt = lax.fori_loop(0, SEG // 16, scan, jnp.int32(0))

            for q in range(B // 16):
                sl = pl.ds(ncnt + q * 16, 16)
                stg_s[sl] = jnp.zeros((16,), jnp.int32)
                stg_w[sl] = jnp.zeros((16,), jnp.float32)
                stg_c[sl] = jnp.full((16,), NM, jnp.int32)
                stg_m[sl] = jnp.full((16,), NM, jnp.int32)

            nb2 = jnp.maximum((ncnt + (B - 1)) // B, 1)

            _gather_start(0, 0)

            def do_batch(it, b):
                b2 = it * B

                _gather_wait(b)

                @pl.when(it + 1 < nb2)
                def _():
                    _gather_start(b2 + B, 1 - b)

                @pl.when(it >= 2)
                def _():
                    _scatter_wait(b)

                rows_b, tbuf_b, eidx_b = bufs[b][0], bufs[b][1], bufs[b][2]

                def edge(r, c2):
                    rv = jnp.full((16,), b2 + r, jnp.int32)
                    wv = plsc.load_gather(stg_w, [rv])
                    mb = plsc.load_gather(stg_m, [rv]) < NM
                    cv = (plsc.load_gather(stg_c, [rv]) * FD + lane
                          + mb.astype(jnp.int32) * D)
                    rbase = r * D
                    for j in range(D // 16):
                        tbuf_b[pl.ds(rbase + j * 16, 16)] = (
                            rows_b[r, pl.ds(j * 16, 16)] * wv)
                        eidx_b[pl.ds(rbase + j * 16, 16)] = cv + (j * 16)
                    return c2

                lax.fori_loop(0, B, edge, 0)

                for q in range(B // 16):
                    sl = pl.ds(b2 + q * 16, 16)
                    tl = pl.ds(B * D + q * 16, 16)
                    mb16 = stg_m[sl] < NM
                    tbuf_b[tl] = jnp.where(mb16, stg_w[sl],
                                           jnp.zeros((16,), jnp.float32))
                    eidx_b[tl] = stg_c[sl] + SOFF

                _scatter_start(b)

            def pair(it2, c1):
                for b in range(2):
                    it = it2 * 2 + b

                    @pl.when(it < nb2)
                    def _():
                        do_batch(it, b)
                return c1

            lax.fori_loop(0, (nb2 + 1) // 2, pair, 0)

            _scatter_wait(0)

            @pl.when(nb2 >= 2)
            def _():
                _scatter_wait(1)

        _p1_start(0, 0)

        def segpair(s2, c0):
            for sb in range(2):
                seg = s2 * 2 + sb

                @pl.when(seg < NSEG)
                def _():
                    do_segment(seg, sb)
            return c0

        lax.fori_loop(0, (NSEG + 1) // 2, segpair, 0)
        plsc.subcore_barrier()

        spw_r = ROWS * FD // 16
        pltpu.sync_copy(acc_s.at[pl.ds(sid * spw_r, spw_r)],
                        out_h.at[cid, pl.ds(sid * spw_r, spw_r)])

        @pl.when(sid < ROWS // 256)
        def _():
            pltpu.sync_copy(acc_s.at[pl.ds(SOFF + sid * 256, 256)],
                            outs_h.at[cid, pl.ds(sid * 256, 256)])

    return body(x, src, dst, w, comp)


def _tc_tail(partials, spartials, mask_token, W_enc, b_enc, W_pred, b_pred):

    def body(p_ref, ps_ref, mt_ref, we_ref, be_ref, wp_ref, bp_ref, out_ref):
        s2 = p_ref[0] + p_ref[1]
        a = s2[:NM, :D]
        b = s2[:NM, D:]
        sv = ps_ref[0, :NM] + ps_ref[1, :NM]
        aggT = a + b
        aggC = a + sv * mt_ref[...]
        we = we_ref[...]
        be = be_ref[...]
        tea = jnp.maximum(
            jax.lax.dot(aggT, we, precision=jax.lax.Precision.HIGHEST) + be, 0.0)
        ctx = jnp.maximum(
            jax.lax.dot(aggC, we, precision=jax.lax.Precision.HIGHEST) + be, 0.0)
        pred = jax.lax.dot(ctx, wp_ref[...],
                           precision=jax.lax.Precision.HIGHEST) + bp_ref[...]
        d = pred - tea
        out_ref[...] = (jnp.sum(d * d) / (NM * D)).reshape(1, 1)

    return pl.pallas_call(
        body,
        out_shape=jax.ShapeDtypeStruct((1, 1), jnp.float32),
    )(partials, spartials, mask_token, W_enc, b_enc, W_pred, b_pred)


def kernel(x, edge_index, edge_weight, mask_token, W_enc, b_enc, W_pred, b_pred):
    perm = jax.random.permutation(jax.random.key(42), N)
    mask_idx = perm[:NM]
    comp = jnp.full((N,), NM, jnp.int32).at[mask_idx].set(
        jnp.arange(NM, dtype=jnp.int32))
    partials, spartials = _sc_accumulate(
        x, edge_index[0], edge_index[1], edge_weight, comp)
    loss = _tc_tail(partials.reshape(2, ROWS, FD),
                    spartials.reshape(2, ROWS, 1), mask_token,
                    W_enc, b_enc.reshape(1, D), W_pred, b_pred.reshape(1, D))
    return loss[0, 0]

# --- scband reference (transcript-rebuilt; emitter-appended) ---
"""Pipeline reference for scband-graph-jepa-86053964742720 (READ-ONLY COPY).

The authoritative reference and input builder live on the scoring server;
editing this copy changes nothing except your own understanding.
"""

import jax, jax.numpy as jnp
import numpy as np

N = 10000
E = 320000
D = 128
MASK_RATIO = 0.3


def setup_inputs(seed: int = 0) -> dict:
    key = jax.random.key(seed)
    k1, k2, k3, k4, k5, k6 = jax.random.split(key, 6)
    x = jax.random.normal(k1, (N, D), dtype=jnp.float32)
    edge_index = jax.random.randint(k2, (2, E), 0, N, dtype=jnp.int32)
    edge_weight = jax.random.uniform(k3, (E,), dtype=jnp.float32)
    # learned parameters
    mask_token = jax.random.normal(k4, (1, D), dtype=jnp.float32) * 0.02
    W_enc = jax.random.normal(k5, (D, D), dtype=jnp.float32) / np.sqrt(D)
    b_enc = jnp.zeros((D,), dtype=jnp.float32)
    W_pred = jax.random.normal(k6, (D, D), dtype=jnp.float32) / np.sqrt(D)
    b_pred = jnp.zeros((D,), dtype=jnp.float32)
    return {
        'x': x,
        'edge_index': edge_index,
        'edge_weight': edge_weight,
        'mask_token': mask_token,
        'W_enc': W_enc,
        'b_enc': b_enc,
        'W_pred': W_pred,
        'b_pred': b_pred,
    }


def _encode(x, edge_index, edge_weight, W, b):
    # single GCN-style message passing layer: gather -> weight -> scatter-add -> linear -> relu
    src = edge_index[0]
    dst = edge_index[1]
    msgs = jnp.take(x, src, axis=0) * edge_weight[:, None]
    agg = jax.ops.segment_sum(msgs, dst, num_segments=N)
    return jax.nn.relu(agg @ W + b)


def reference(x, edge_index, edge_weight, mask_token, W_enc, b_enc, W_pred, b_pred):
    # deterministic stand-in for torch.randperm masking
    num_mask = int(N * MASK_RATIO)
    perm = jax.random.permutation(jax.random.key(42), N)
    mask_idx = perm[:num_mask]
    mask = jnp.zeros((N,), dtype=bool).at[mask_idx].set(True)
    # scatter-overwrite masked rows with the mask token
    x_masked = jnp.where(mask[:, None], mask_token, x)
    context_enc = _encode(x_masked, edge_index, edge_weight, W_enc, b_enc)
    # teacher is a frozen copy of the (identical at init) encoder
    teacher_enc = jax.lax.stop_gradient(_encode(x, edge_index, edge_weight, W_enc, b_enc))
    pred = context_enc @ W_pred + b_pred
    diff = jnp.take(pred, mask_idx, axis=0) - jnp.take(teacher_enc, mask_idx, axis=0)
    loss = jnp.mean(diff ** 2)
    return loss

if __name__ == "__main__":
    import jax
    _d = setup_inputs()
    print(jax.jit(kernel)(*tuple(_d.values())))

</pallas_src>

<mosaic_0001>
#map = affine_map<(d0, d1) -> (0, 0)>
#map1 = affine_map<(d0, d1) -> (0)>
module attributes {stable_mosaic.version = 14 : i64} {
  func.func @body(%arg0: i32, %arg1: i32, %arg2: memref<10000x128xf32, #tpu.memory_space<hbm>>, %arg3: memref<320000xi32, #tpu.memory_space<hbm>>, %arg4: memref<320000xi32, #tpu.memory_space<hbm>>, %arg5: memref<320000xf32, #tpu.memory_space<hbm>>, %arg6: memref<10000xi32, #tpu.memory_space<hbm>>, %arg7: memref<2x786432xf32, #tpu.memory_space<hbm>>, %arg8: memref<2x3072xf32, #tpu.memory_space<hbm>>, %arg9: memref<10000xi32, #tpu.memory_space<vmem>>, %arg10: memref<2000xi32, #tpu.memory_space<vmem>>, %arg11: memref<2000xi32, #tpu.memory_space<vmem>>, %arg12: memref<2000xi32, #tpu.memory_space<vmem>>, %arg13: memref<2000xi32, #tpu.memory_space<vmem>>, %arg14: memref<2000xf32, #tpu.memory_space<vmem>>, %arg15: memref<2000xf32, #tpu.memory_space<vmem>>, %arg16: memref<2016xi32, #tpu.memory_space<vmem>>, %arg17: memref<2016xf32, #tpu.memory_space<vmem>>, %arg18: memref<2016xi32, #tpu.memory_space<vmem>>, %arg19: memref<2016xi32, #tpu.memory_space<vmem>>, %arg20: memref<16x128xf32, #tpu.memory_space<vmem>>, %arg21: memref<16x128xf32, #tpu.memory_space<vmem>>, %arg22: memref<2064xf32, #tpu.memory_space<vmem>>, %arg23: memref<2064xf32, #tpu.memory_space<vmem>>, %arg24: memref<2064xi32, #tpu.memory_space<vmem>>, %arg25: memref<2064xi32, #tpu.memory_space<vmem>>, %arg26: memref<790528xf32, #tpu.memory_space<vmem_shared>>, %arg27: memref<!tpu.dma_semaphore, #tpu.memory_space<semaphore_mem>>, %arg28: memref<!tpu.dma_semaphore, #tpu.memory_space<semaphore_mem>>, %arg29: memref<!tpu.dma_semaphore, #tpu.memory_space<semaphore_mem>>, %arg30: memref<!tpu.dma_semaphore, #tpu.memory_space<semaphore_mem>>, %arg31: memref<!tpu.dma_semaphore, #tpu.memory_space<semaphore_mem>>, %arg32: memref<!tpu.dma_semaphore, #tpu.memory_space<semaphore_mem>>) attributes {dimension_semantics = [#tpu.dimension_semantics<core_parallel>, #tpu.dimension_semantics<subcore_parallel>], iteration_bounds = array<i64: 2, 16>, scalar_prefetch = 0 : i64, scratch_operands = 24 : i64, tpu.core_type = #tpu.core_type<sc_vector_subcore>, window_params = [{transform_indices = #map}, {transform_indices = #map1}, {transform_indices = #map1}, {transform_indices = #map1}, {transform_indices = #map1}, {transform_indices = #map}, {transform_indices = #map}]} {
    %mul3A = arith.constant 2 : i32
    %mul3A_0 = arith.muli %arg1, %mul3A : i32
    %add3A = arith.addi %mul3A_0, %arg0 : i32
    "tpu.region"() ({
      %run_scoped3A = tpu.sem_alloc : memref<!tpu.dma_semaphore, #tpu.memory_space<semaphore_mem>>
      tpu.enqueue_dma source(%arg6 : memref<10000xi32, #tpu.memory_space<hbm>>) target(%arg9 : memref<10000xi32, #tpu.memory_space<vmem>>) target_semaphore(%run_scoped3A : memref<!tpu.dma_semaphore, #tpu.memory_space<semaphore_mem>>)
      tpu.wait_dma2 semaphore(%run_scoped3A : memref<!tpu.dma_semaphore, #tpu.memory_space<semaphore_mem>>) src(%arg6 : memref<10000xi32, #tpu.memory_space<hbm>>) dst(%arg9 : memref<10000xi32, #tpu.memory_space<vmem>>)
      tpu.yield
    }) : () -> ()
    %scan3A = arith.constant 0 : i32
    %scan3A_1 = arith.constant 0 : i32
    %scan3A_2 = arith.constant 128 : i32
    %scan3A_3 = arith.addi %scan3A_1, %scan3A_2 : i32
    %scan3A_4 = arith.constant 1 : i32
    scf.for %scan3A_527 = %scan3A_1 to %scan3A_3 step %scan3A_4  : i32 {
      %broadcast_in_dim3A = arith.constant 0.000000e+00 : f32
      %broadcast_in_dim3A_528 = vector.broadcast %broadcast_in_dim3A : f32 to vector<16xf32>
      %mul3A_529 = arith.constant 16 : i32
      %mul3A_530 = arith.muli %scan3A_527, %mul3A_529 : i32
      %swap3A = arith.index_cast %mul3A_530 : i32 to index
      %swap3A_531 = tpu.vector_load %arg22[%swap3A] {strides = array<i32>} : memref<2064xf32, #tpu.memory_space<vmem>>, vector<16xf32>,
      tpu.vector_store %arg22[%swap3A], %broadcast_in_dim3A_528 {strides = array<i32>} : memref<2064xf32, #tpu.memory_space<vmem>>, vector<16xf32>,
    }
    %scan3A_5 = arith.constant 128 : i32
    %mul3A_6 = arith.constant 49408 : i32
    %mul3A_7 = arith.muli %arg1, %mul3A_6 : i32
    %add3A_8 = arith.constant 0 : i32
    %add3A_9 = arith.addi %mul3A_7, %add3A_8 : i32
    %dma_start3A = arith.constant 0 : i32
    %dma_start3A_10 = tpu.memref_slice %arg22[%dma_start3A] : memref<2064xf32, #tpu.memory_space<vmem>> -> memref<2048xf32, #tpu.memory_space<vmem>>
    %dma_start3A_11 = tpu.memref_slice %arg26[%add3A_9] : memref<790528xf32, #tpu.memory_space<vmem_shared>> -> memref<2048xf32, #tpu.memory_space<vmem_shared>>
    %dma_start3A_12 = tpu.memref_slice %arg26[%add3A_9] : memref<790528xf32, #tpu.memory_space<vmem_shared>> -> memref<2048xf32, #tpu.memory_space<vmem_shared>>
    %dma_start3A_13 = arith.constant 0 : i32
    %dma_start3A_14 = tpu.memref_slice %arg22[%dma_start3A_13] : memref<2064xf32, #tpu.memory_space<vmem>> -> memref<2048xf32, #tpu.memory_space<vmem>>
    tpu.enqueue_dma source(%dma_start3A_14 : memref<2048xf32, #tpu.memory_space<vmem>>) target(%dma_start3A_12 : memref<2048xf32, #tpu.memory_space<vmem_shared>>) target_semaphore(%arg27 : memref<!tpu.dma_semaphore, #tpu.memory_space<semaphore_mem>>)
    %mul3A_15 = arith.constant 49408 : i32
    %mul3A_16 = arith.muli %arg1, %mul3A_15 : i32
    %add3A_17 = arith.constant 2048 : i32
    %add3A_18 = arith.addi %mul3A_16, %add3A_17 : i32
    %dma_start3A_19 = arith.constant 0 : i32
    %dma_start3A_20 = tpu.memref_slice %arg22[%dma_start3A_19] : memref<2064xf32, #tpu.memory_space<vmem>> -> memref<2048xf32, #tpu.memory_space<vmem>>
    %dma_start3A_21 = tpu.memref_slice %arg26[%add3A_18] : memref<790528xf32, #tpu.memory_space<vmem_shared>> -> memref<2048xf32, #tpu.memory_space<vmem_shared>>
    %dma_start3A_22 = tpu.memref_slice %arg26[%add3A_18] : memref<790528xf32, #tpu.memory_space<vmem_shared>> -> memref<2048xf32, #tpu.memory_space<vmem_shared>>
    %dma_start3A_23 = arith.constant 0 : i32
    %dma_start3A_24 = tpu.memref_slice %arg22[%dma_start3A_23] : memref<2064xf32, #tpu.memory_space<vmem>> -> memref<2048xf32, #tpu.memory_space<vmem>>
    tpu.enqueue_dma source(%dma_start3A_24 : memref<2048xf32, #tpu.memory_space<vmem>>) target(%dma_start3A_22 : memref<2048xf32, #tpu.memory_space<vmem_shared>>) target_semaphore(%arg27 : memref<!tpu.dma_semaphore, #tpu.memory_space<semaphore_mem>>)
    %mul3A_25 = arith.constant 49408 : i32
    %mul3A_26 = arith.muli %arg1, %mul3A_25 : i32
    %add3A_27 = arith.constant 4096 : i32
    %add3A_28 = arith.addi %mul3A_26, %add3A_27 : i32
    %dma_start3A_29 = arith.constant 0 : i32
    %dma_start3A_30 = tpu.memref_slice %arg22[%dma_start3A_29] : memref<2064xf32, #tpu.memory_space<vmem>> -> memref<2048xf32, #tpu.memory_space<vmem>>
    %dma_start3A_31 = tpu.memref_slice %arg26[%add3A_28] : memref<790528xf32, #tpu.memory_space<vmem_shared>> -> memref<2048xf32, #tpu.memory_space<vmem_shared>>
    %dma_start3A_32 = tpu.memref_slice %arg26[%add3A_28] : memref<790528xf32, #tpu.memory_space<vmem_shared>> -> memref<2048xf32, #tpu.memory_space<vmem_shared>>
    %dma_start3A_33 = arith.constant 0 : i32
    %dma_start3A_34 = tpu.memref_slice %arg22[%dma_start3A_33] : memref<2064xf32, #tpu.memory_space<vmem>> -> memref<2048xf32, #tpu.memory_space<vmem>>
    tpu.enqueue_dma source(%dma_start3A_34 : memref<2048xf32, #tpu.memory_space<vmem>>) target(%dma_start3A_32 : memref<2048xf32, #tpu.memory_space<vmem_shared>>) target_semaphore(%arg27 : memref<!tpu.dma_semaphore, #tpu.memory_space<semaphore_mem>>)
    %mul3A_35 = arith.constant 49408 : i32
    %mul3A_36 = arith.muli %arg1, %mul3A_35 : i32
    %add3A_37 = arith.constant 6144 : i32
    %add3A_38 = arith.addi %mul3A_36, %add3A_37 : i32
    %dma_start3A_39 = arith.constant 0 : i32
    %dma_start3A_40 = tpu.memref_slice %arg22[%dma_start3A_39] : memref<2064xf32, #tpu.memory_space<vmem>> -> memref<2048xf32, #tpu.memory_space<vmem>>
    %dma_start3A_41 = tpu.memref_slice %arg26[%add3A_38] : memref<790528xf32, #tpu.memory_space<vmem_shared>> -> memref<2048xf32, #tpu.memory_space<vmem_shared>>
    %dma_start3A_42 = tpu.memref_slice %arg26[%add3A_38] : memref<790528xf32, #tpu.memory_space<vmem_shared>> -> memref<2048xf32, #tpu.memory_space<vmem_shared>>
    %dma_start3A_43 = arith.constant 0 : i32
    %dma_start3A_44 = tpu.memref_slice %arg22[%dma_start3A_43] : memref<2064xf32, #tpu.memory_space<vmem>> -> memref<2048xf32, #tpu.memory_space<vmem>>
    tpu.enqueue_dma source(%dma_start3A_44 : memref<2048xf32, #tpu.memory_space<vmem>>) target(%dma_start3A_42 : memref<2048xf32, #tpu.memory_space<vmem_shared>>) target_semaphore(%arg27 : memref<!tpu.dma_semaphore, #tpu.memory_space<semaphore_mem>>)
    %mul3A_45 = arith.constant 49408 : i32
    %mul3A_46 = arith.muli %arg1, %mul3A_45 : i32
    %add3A_47 = arith.constant 8192 : i32
    %add3A_48 = arith.addi %mul3A_46, %add3A_47 : i32
    %dma_start3A_49 = arith.constant 0 : i32
    %dma_start3A_50 = tpu.memref_slice %arg22[%dma_start3A_49] : memref<2064xf32, #tpu.memory_space<vmem>> -> memref<2048xf32, #tpu.memory_space<vmem>>
    %dma_start3A_51 = tpu.memref_slice %arg26[%add3A_48] : memref<790528xf32, #tpu.memory_space<vmem_shared>> -> memref<2048xf32, #tpu.memory_space<vmem_shared>>
    %dma_start3A_52 = tpu.memref_slice %arg26[%add3A_48] : memref<790528xf32, #tpu.memory_space<vmem_shared>> -> memref<2048xf32, #tpu.memory_space<vmem_shared>>
    %dma_start3A_53 = arith.constant 0 : i32
    %dma_start3A_54 = tpu.memref_slice %arg22[%dma_start3A_53] : memref<2064xf32, #tpu.memory_space<vmem>> -> memref<2048xf32, #tpu.memory_space<vmem>>
    tpu.enqueue_dma source(%dma_start3A_54 : memref<2048xf32, #tpu.memory_space<vmem>>) target(%dma_start3A_52 : memref<2048xf32, #tpu.memory_space<vmem_shared>>) target_semaphore(%arg27 : memref<!tpu.dma_semaphore, #tpu.memory_space<semaphore_mem>>)
    %mul3A_55 = arith.constant 49408 : i32
    %mul3A_56 = arith.muli %arg1, %mul3A_55 : i32
    %add3A_57 = arith.constant 10240 : i32
    %add3A_58 = arith.addi %mul3A_56, %add3A_57 : i32
    %dma_start3A_59 = arith.constant 0 : i32
    %dma_start3A_60 = tpu.memref_slice %arg22[%dma_start3A_59] : memref<2064xf32, #tpu.memory_space<vmem>> -> memref<2048xf32, #tpu.memory_space<vmem>>
    %dma_start3A_61 = tpu.memref_slice %arg26[%add3A_58] : memref<790528xf32, #tpu.memory_space<vmem_shared>> -> memref<2048xf32, #tpu.memory_space<vmem_shared>>
    %dma_start3A_62 = tpu.memref_slice %arg26[%add3A_58] : memref<790528xf32, #tpu.memory_space<vmem_shared>> -> memref<2048xf32, #tpu.memory_space<vmem_shared>>
    %dma_start3A_63 = arith.constant 0 : i32
    %dma_start3A_64 = tpu.memref_slice %arg22[%dma_start3A_63] : memref<2064xf32, #tpu.memory_space<vmem>> -> memref<2048xf32, #tpu.memory_space<vmem>>
    tpu.enqueue_dma source(%dma_start3A_64 : memref<2048xf32, #tpu.memory_space<vmem>>) target(%dma_start3A_62 : memref<2048xf32, #tpu.memory_space<vmem_shared>>) target_semaphore(%arg27 : memref<!tpu.dma_semaphore, #tpu.memory_space<semaphore_mem>>)
    %mul3A_65 = arith.constant 49408 : i32
    %mul3A_66 = arith.muli %arg1, %mul3A_65 : i32
    %add3A_67 = arith.constant 12288 : i32
    %add3A_68 = arith.addi %mul3A_66, %add3A_67 : i32
    %dma_start3A_69 = arith.constant 0 : i32
    %dma_start3A_70 = tpu.memref_slice %arg22[%dma_start3A_69] : memref<2064xf32, #tpu.memory_space<vmem>> -> memref<2048xf32, #tpu.memory_space<vmem>>
    %dma_start3A_71 = tpu.memref_slice %arg26[%add3A_68] : memref<790528xf32, #tpu.memory_space<vmem_shared>> -> memref<2048xf32, #tpu.memory_space<vmem_shared>>
    %dma_start3A_72 = tpu.memref_slice %arg26[%add3A_68] : memref<790528xf32, #tpu.memory_space<vmem_shared>> -> memref<2048xf32, #tpu.memory_space<vmem_shared>>
    %dma_start3A_73 = arith.constant 0 : i32
    %dma_start3A_74 = tpu.memref_slice %arg22[%dma_start3A_73] : memref<2064xf32, #tpu.memory_space<vmem>> -> memref<2048xf32, #tpu.memory_space<vmem>>
    tpu.enqueue_dma source(%dma_start3A_74 : memref<2048xf32, #tpu.memory_space<vmem>>) target(%dma_start3A_72 : memref<2048xf32, #tpu.memory_space<vmem_shared>>) target_semaphore(%arg27 : memref<!tpu.dma_semaphore, #tpu.memory_space<semaphore_mem>>)
    %mul3A_75 = arith.constant 49408 : i32
    %mul3A_76 = arith.muli %arg1, %mul3A_75 : i32
    %add3A_77 = arith.constant 14336 : i32
    %add3A_78 = arith.addi %mul3A_76, %add3A_77 : i32
    %dma_start3A_79 = arith.constant 0 : i32
    %dma_start3A_80 = tpu.memref_slice %arg22[%dma_start3A_79] : memref<2064xf32, #tpu.memory_space<vmem>> -> memref<2048xf32, #tpu.memory_space<vmem>>
    %dma_start3A_81 = tpu.memref_slice %arg26[%add3A_78] : memref<790528xf32, #tpu.memory_space<vmem_shared>> -> memref<2048xf32, #tpu.memory_space<vmem_shared>>
    %dma_start3A_82 = tpu.memref_slice %arg26[%add3A_78] : memref<790528xf32, #tpu.memory_space<vmem_shared>> -> memref<2048xf32, #tpu.memory_space<vmem_shared>>
    %dma_start3A_83 = arith.constant 0 : i32
    %dma_start3A_84 = tpu.memref_slice %arg22[%dma_start3A_83] : memref<2064xf32, #tpu.memory_space<vmem>> -> memref<2048xf32, #tpu.memory_space<vmem>>
    tpu.enqueue_dma source(%dma_start3A_84 : memref<2048xf32, #tpu.memory_space<vmem>>) target(%dma_start3A_82 : memref<2048xf32, #tpu.memory_space<vmem_shared>>) target_semaphore(%arg27 : memref<!tpu.dma_semaphore, #tpu.memory_space<semaphore_mem>>)
    %mul3A_85 = arith.constant 49408 : i32
    %mul3A_86 = arith.muli %arg1, %mul3A_85 : i32
    %add3A_87 = arith.constant 16384 : i32
    %add3A_88 = arith.addi %mul3A_86, %add3A_87 : i32
    %dma_start3A_89 = arith.constant 0 : i32
    %dma_start3A_90 = tpu.memref_slice %arg22[%dma_start3A_89] : memref<2064xf32, #tpu.memory_space<vmem>> -> memref<2048xf32, #tpu.memory_space<vmem>>
    %dma_start3A_91 = tpu.memref_slice %arg26[%add3A_88] : memref<790528xf32, #tpu.memory_space<vmem_shared>> -> memref<2048xf32, #tpu.memory_space<vmem_shared>>
    %dma_start3A_92 = tpu.memref_slice %arg26[%add3A_88] : memref<790528xf32, #tpu.memory_space<vmem_shared>> -> memref<2048xf32, #tpu.memory_space<vmem_shared>>
    %dma_start3A_93 = arith.constant 0 : i32
    %dma_start3A_94 = tpu.memref_slice %arg22[%dma_start3A_93] : memref<2064xf32, #tpu.memory_space<vmem>> -> memref<2048xf32, #tpu.memory_space<vmem>>
    tpu.enqueue_dma source(%dma_start3A_94 : memref<2048xf32, #tpu.memory_space<vmem>>) target(%dma_start3A_92 : memref<2048xf32, #tpu.memory_space<vmem_shared>>) target_semaphore(%arg27 : memref<!tpu.dma_semaphore, #tpu.memory_space<semaphore_mem>>)
    %mul3A_95 = arith.constant 49408 : i32
    %mul3A_96 = arith.muli %arg1, %mul3A_95 : i32
    %add3A_97 = arith.constant 18432 : i32
    %add3A_98 = arith.addi %mul3A_96, %add3A_97 : i32
    %dma_start3A_99 = arith.constant 0 : i32
    %dma_start3A_100 = tpu.memref_slice %arg22[%dma_start3A_99] : memref<2064xf32, #tpu.memory_space<vmem>> -> memref<2048xf32, #tpu.memory_space<vmem>>
    %dma_start3A_101 = tpu.memref_slice %arg26[%add3A_98] : memref<790528xf32, #tpu.memory_space<vmem_shared>> -> memref<2048xf32, #tpu.memory_space<vmem_shared>>
    %dma_start3A_102 = tpu.memref_slice %arg26[%add3A_98] : memref<790528xf32, #tpu.memory_space<vmem_shared>> -> memref<2048xf32, #tpu.memory_space<vmem_shared>>
    %dma_start3A_103 = arith.constant 0 : i32
    %dma_start3A_104 = tpu.memref_slice %arg22[%dma_start3A_103] : memref<2064xf32, #tpu.memory_space<vmem>> -> memref<2048xf32, #tpu.memory_space<vmem>>
    tpu.enqueue_dma source(%dma_start3A_104 : memref<2048xf32, #tpu.memory_space<vmem>>) target(%dma_start3A_102 : memref<2048xf32, #tpu.memory_space<vmem_shared>>) target_semaphore(%arg27 : memref<!tpu.dma_semaphore, #tpu.memory_space<semaphore_mem>>)
    %mul3A_105 = arith.constant 49408 : i32
    %mul3A_106 = arith.muli %arg1, %mul3A_105 : i32
    %add3A_107 = arith.constant 20480 : i32
    %add3A_108 = arith.addi %mul3A_106, %add3A_107 : i32
    %dma_start3A_109 = arith.constant 0 : i32
    %dma_start3A_110 = tpu.memref_slice %arg22[%dma_start3A_109] : memref<2064xf32, #tpu.memory_space<vmem>> -> memref<2048xf32, #tpu.memory_space<vmem>>
    %dma_start3A_111 = tpu.memref_slice %arg26[%add3A_108] : memref<790528xf32, #tpu.memory_space<vmem_shared>> -> memref<2048xf32, #tpu.memory_space<vmem_shared>>
    %dma_start3A_112 = tpu.memref_slice %arg26[%add3A_108] : memref<790528xf32, #tpu.memory_space<vmem_shared>> -> memref<2048xf32, #tpu.memory_space<vmem_shared>>
    %dma_start3A_113 = arith.constant 0 : i32
    %dma_start3A_114 = tpu.memref_slice %arg22[%dma_start3A_113] : memref<2064xf32, #tpu.memory_space<vmem>> -> memref<2048xf32, #tpu.memory_space<vmem>>
    tpu.enqueue_dma source(%dma_start3A_114 : memref<2048xf32, #tpu.memory_space<vmem>>) target(%dma_start3A_112 : memref<2048xf32, #tpu.memory_space<vmem_shared>>) target_semaphore(%arg27 : memref<!tpu.dma_semaphore, #tpu.memory_space<semaphore_mem>>)
    %mul3A_115 = arith.constant 49408 : i32
    %mul3A_116 = arith.muli %arg1, %mul3A_115 : i32
    %add3A_117 = arith.constant 22528 : i32
    %add3A_118 = arith.addi %mul3A_116, %add3A_117 : i32
    %dma_start3A_119 = arith.constant 0 : i32
    %dma_start3A_120 = tpu.memref_slice %arg22[%dma_start3A_119] : memref<2064xf32, #tpu.memory_space<vmem>> -> memref<2048xf32, #tpu.memory_space<vmem>>
    %dma_start3A_121 = tpu.memref_slice %arg26[%add3A_118] : memref<790528xf32, #tpu.memory_space<vmem_shared>> -> memref<2048xf32, #tpu.memory_space<vmem_shared>>
    %dma_start3A_122 = tpu.memref_slice %arg26[%add3A_118] : memref<790528xf32, #tpu.memory_space<vmem_shared>> -> memref<2048xf32, #tpu.memory_space<vmem_shared>>
    %dma_start3A_123 = arith.constant 0 : i32
    %dma_start3A_124 = tpu.memref_slice %arg22[%dma_start3A_123] : memref<2064xf32, #tpu.memory_space<vmem>> -> memref<2048xf32, #tpu.memory_space<vmem>>
    tpu.enqueue_dma source(%dma_start3A_124 : memref<2048xf32, #tpu.memory_space<vmem>>) target(%dma_start3A_122 : memref<2048xf32, #tpu.memory_space<vmem_shared>>) target_semaphore(%arg27 : memref<!tpu.dma_semaphore, #tpu.memory_space<semaphore_mem>>)
    %mul3A_125 = arith.constant 49408 : i32
    %mul3A_126 = arith.muli %arg1, %mul3A_125 : i32
    %add3A_127 = arith.constant 24576 : i32
    %add3A_128 = arith.addi %mul3A_126, %add3A_127 : i32
    %dma_start3A_129 = arith.constant 0 : i32
    %dma_start3A_130 = tpu.memref_slice %arg22[%dma_start3A_129] : memref<2064xf32, #tpu.memory_space<vmem>> -> memref<2048xf32, #tpu.memory_space<vmem>>
    %dma_start3A_131 = tpu.memref_slice %arg26[%add3A_128] : memref<790528xf32, #tpu.memory_space<vmem_shared>> -> memref<2048xf32, #tpu.memory_space<vmem_shared>>
    %dma_start3A_132 = tpu.memref_slice %arg26[%add3A_128] : memref<790528xf32, #tpu.memory_space<vmem_shared>> -> memref<2048xf32, #tpu.memory_space<vmem_shared>>
    %dma_start3A_133 = arith.constant 0 : i32
    %dma_start3A_134 = tpu.memref_slice %arg22[%dma_start3A_133] : memref<2064xf32, #tpu.memory_space<vmem>> -> memref<2048xf32, #tpu.memory_space<vmem>>
    tpu.enqueue_dma source(%dma_start3A_134 : memref<2048xf32, #tpu.memory_space<vmem>>) target(%dma_start3A_132 : memref<2048xf32, #tpu.memory_space<vmem_shared>>) target_semaphore(%arg27 : memref<!tpu.dma_semaphore, #tpu.memory_space<semaphore_mem>>)
    %mul3A_135 = arith.constant 49408 : i32
    %mul3A_136 = arith.muli %arg1, %mul3A_135 : i32
    %add3A_137 = arith.constant 26624 : i32
    %add3A_138 = arith.addi %mul3A_136, %add3A_137 : i32
    %dma_start3A_139 = arith.constant 0 : i32
    %dma_start3A_140 = tpu.memref_slice %arg22[%dma_start3A_139] : memref<2064xf32, #tpu.memory_space<vmem>> -> memref<2048xf32, #tpu.memory_space<vmem>>
    %dma_start3A_141 = tpu.memref_slice %arg26[%add3A_138] : memref<790528xf32, #tpu.memory_space<vmem_shared>> -> memref<2048xf32, #tpu.memory_space<vmem_shared>>
    %dma_start3A_142 = tpu.memref_slice %arg26[%add3A_138] : memref<790528xf32, #tpu.memory_space<vmem_shared>> -> memref<2048xf32, #tpu.memory_space<vmem_shared>>
    %dma_start3A_143 = arith.constant 0 : i32
    %dma_start3A_144 = tpu.memref_slice %arg22[%dma_start3A_143] : memref<2064xf32, #tpu.memory_space<vmem>> -> memref<2048xf32, #tpu.memory_space<vmem>>
    tpu.enqueue_dma source(%dma_start3A_144 : memref<2048xf32, #tpu.memory_space<vmem>>) target(%dma_start3A_142 : memref<2048xf32, #tpu.memory_space<vmem_shared>>) target_semaphore(%arg27 : memref<!tpu.dma_semaphore, #tpu.memory_space<semaphore_mem>>)
    %mul3A_145 = arith.constant 49408 : i32
    %mul3A_146 = arith.muli %arg1, %mul3A_145 : i32
    %add3A_147 = arith.constant 28672 : i32
    %add3A_148 = arith.addi %mul3A_146, %add3A_147 : i32
    %dma_start3A_149 = arith.constant 0 : i32
    %dma_start3A_150 = tpu.memref_slice %arg22[%dma_start3A_149] : memref<2064xf32, #tpu.memory_space<vmem>> -> memref<2048xf32, #tpu.memory_space<vmem>>
    %dma_start3A_151 = tpu.memref_slice %arg26[%add3A_148] : memref<790528xf32, #tpu.memory_space<vmem_shared>> -> memref<2048xf32, #tpu.memory_space<vmem_shared>>
    %dma_start3A_152 = tpu.memref_slice %arg26[%add3A_148] : memref<790528xf32, #tpu.memory_space<vmem_shared>> -> memref<2048xf32, #tpu.memory_space<vmem_shared>>
    %dma_start3A_153 = arith.constant 0 : i32
    %dma_start3A_154 = tpu.memref_slice %arg22[%dma_start3A_153] : memref<2064xf32, #tpu.memory_space<vmem>> -> memref<2048xf32, #tpu.memory_space<vmem>>
    tpu.enqueue_dma source(%dma_start3A_154 : memref<2048xf32, #tpu.memory_space<vmem>>) target(%dma_start3A_152 : memref<2048xf32, #tpu.memory_space<vmem_shared>>) target_semaphore(%arg27 : memref<!tpu.dma_semaphore, #tpu.memory_space<semaphore_mem>>)
    %mul3A_155 = arith.constant 49408 : i32
    %mul3A_156 = arith.muli %arg1, %mul3A_155 : i32
    %add3A_157 = arith.constant 30720 : i32
    %add3A_158 = arith.addi %mul3A_156, %add3A_157 : i32
    %dma_start3A_159 = arith.constant 0 : i32
    %dma_start3A_160 = tpu.memref_slice %arg22[%dma_start3A_159] : memref<2064xf32, #tpu.memory_space<vmem>> -> memref<2048xf32, #tpu.memory_space<vmem>>
    %dma_start3A_161 = tpu.memref_slice %arg26[%add3A_158] : memref<790528xf32, #tpu.memory_space<vmem_shared>> -> memref<2048xf32, #tpu.memory_space<vmem_shared>>
    %dma_start3A_162 = tpu.memref_slice %arg26[%add3A_158] : memref<790528xf32, #tpu.memory_space<vmem_shared>> -> memref<2048xf32, #tpu.memory_space<vmem_shared>>
    %dma_start3A_163 = arith.constant 0 : i32
    %dma_start3A_164 = tpu.memref_slice %arg22[%dma_start3A_163] : memref<2064xf32, #tpu.memory_space<vmem>> -> memref<2048xf32, #tpu.memory_space<vmem>>
    tpu.enqueue_dma source(%dma_start3A_164 : memref<2048xf32, #tpu.memory_space<vmem>>) target(%dma_start3A_162 : memref<2048xf32, #tpu.memory_space<vmem_shared>>) target_semaphore(%arg27 : memref<!tpu.dma_semaphore, #tpu.memory_space<semaphore_mem>>)
    %mul3A_165 = arith.constant 49408 : i32
    %mul3A_166 = arith.muli %arg1, %mul3A_165 : i32
    %add3A_167 = arith.constant 32768 : i32
    %add3A_168 = arith.addi %mul3A_166, %add3A_167 : i32
    %dma_start3A_169 = arith.constant 0 : i32
    %dma_start3A_170 = tpu.memref_slice %arg22[%dma_start3A_169] : memref<2064xf32, #tpu.memory_space<vmem>> -> memref<2048xf32, #tpu.memory_space<vmem>>
    %dma_start3A_171 = tpu.memref_slice %arg26[%add3A_168] : memref<790528xf32, #tpu.memory_space<vmem_shared>> -> memref<2048xf32, #tpu.memory_space<vmem_shared>>
    %dma_start3A_172 = tpu.memref_slice %arg26[%add3A_168] : memref<790528xf32, #tpu.memory_space<vmem_shared>> -> memref<2048xf32, #tpu.memory_space<vmem_shared>>
    %dma_start3A_173 = arith.constant 0 : i32
    %dma_start3A_174 = tpu.memref_slice %arg22[%dma_start3A_173] : memref<2064xf32, #tpu.memory_space<vmem>> -> memref<2048xf32, #tpu.memory_space<vmem>>
    tpu.enqueue_dma source(%dma_start3A_174 : memref<2048xf32, #tpu.memory_space<vmem>>) target(%dma_start3A_172 : memref<2048xf32, #tpu.memory_space<vmem_shared>>) target_semaphore(%arg27 : memref<!tpu.dma_semaphore, #tpu.memory_space<semaphore_mem>>)
    %mul3A_175 = arith.constant 49408 : i32
    %mul3A_176 = arith.muli %arg1, %mul3A_175 : i32
    %add3A_177 = arith.constant 34816 : i32
    %add3A_178 = arith.addi %mul3A_176, %add3A_177 : i32
    %dma_start3A_179 = arith.constant 0 : i32
    %dma_start3A_180 = tpu.memref_slice %arg22[%dma_start3A_179] : memref<2064xf32, #tpu.memory_space<vmem>> -> memref<2048xf32, #tpu.memory_space<vmem>>
    %dma_start3A_181 = tpu.memref_slice %arg26[%add3A_178] : memref<790528xf32, #tpu.memory_space<vmem_shared>> -> memref<2048xf32, #tpu.memory_space<vmem_shared>>
    %dma_start3A_182 = tpu.memref_slice %arg26[%add3A_178] : memref<790528xf32, #tpu.memory_space<vmem_shared>> -> memref<2048xf32, #tpu.memory_space<vmem_shared>>
    %dma_start3A_183 = arith.constant 0 : i32
    %dma_start3A_184 = tpu.memref_slice %arg22[%dma_start3A_183] : memref<2064xf32, #tpu.memory_space<vmem>> -> memref<2048xf32, #tpu.memory_space<vmem>>
    tpu.enqueue_dma source(%dma_start3A_184 : memref<2048xf32, #tpu.memory_space<vmem>>) target(%dma_start3A_182 : memref<2048xf32, #tpu.memory_space<vmem_shared>>) target_semaphore(%arg27 : memref<!tpu.dma_semaphore, #tpu.memory_space<semaphore_mem>>)
    %mul3A_185 = arith.constant 49408 : i32
    %mul3A_186 = arith.muli %arg1, %mul3A_185 : i32
    %add3A_187 = arith.constant 36864 : i32
    %add3A_188 = arith.addi %mul3A_186, %add3A_187 : i32
    %dma_start3A_189 = arith.constant 0 : i32
    %dma_start3A_190 = tpu.memref_slice %arg22[%dma_start3A_189] : memref<2064xf32, #tpu.memory_space<vmem>> -> memref<2048xf32, #tpu.memory_space<vmem>>
    %dma_start3A_191 = tpu.memref_slice %arg26[%add3A_188] : memref<790528xf32, #tpu.memory_space<vmem_shared>> -> memref<2048xf32, #tpu.memory_space<vmem_shared>>
    %dma_start3A_192 = tpu.memref_slice %arg26[%add3A_188] : memref<790528xf32, #tpu.memory_space<vmem_shared>> -> memref<2048xf32, #tpu.memory_space<vmem_shared>>
    %dma_start3A_193 = arith.constant 0 : i32
    %dma_start3A_194 = tpu.memref_slice %arg22[%dma_start3A_193] : memref<2064xf32, #tpu.memory_space<vmem>> -> memref<2048xf32, #tpu.memory_space<vmem>>
    tpu.enqueue_dma source(%dma_start3A_194 : memref<2048xf32, #tpu.memory_space<vmem>>) target(%dma_start3A_192 : memref<2048xf32, #tpu.memory_space<vmem_shared>>) target_semaphore(%arg27 : memref<!tpu.dma_semaphore, #tpu.memory_space<semaphore_mem>>)
    %mul3A_195 = arith.constant 49408 : i32
    %mul3A_196 = arith.muli %arg1, %mul3A_195 : i32
    %add3A_197 = arith.constant 38912 : i32
    %add3A_198 = arith.addi %mul3A_196, %add3A_197 : i32
    %dma_start3A_199 = arith.constant 0 : i32
    %dma_start3A_200 = tpu.memref_slice %arg22[%dma_start3A_199] : memref<2064xf32, #tpu.memory_space<vmem>> -> memref<2048xf32, #tpu.memory_space<vmem>>
    %dma_start3A_201 = tpu.memref_slice %arg26[%add3A_198] : memref<790528xf32, #tpu.memory_space<vmem_shared>> -> memref<2048xf32, #tpu.memory_space<vmem_shared>>
    %dma_start3A_202 = tpu.memref_slice %arg26[%add3A_198] : memref<790528xf32, #tpu.memory_space<vmem_shared>> -> memref<2048xf32, #tpu.memory_space<vmem_shared>>
    %dma_start3A_203 = arith.constant 0 : i32
    %dma_start3A_204 = tpu.memref_slice %arg22[%dma_start3A_203] : memref<2064xf32, #tpu.memory_space<vmem>> -> memref<2048xf32, #tpu.memory_space<vmem>>
    tpu.enqueue_dma source(%dma_start3A_204 : memref<2048xf32, #tpu.memory_space<vmem>>) target(%dma_start3A_202 : memref<2048xf32, #tpu.memory_space<vmem_shared>>) target_semaphore(%arg27 : memref<!tpu.dma_semaphore, #tpu.memory_space<semaphore_mem>>)
    %mul3A_205 = arith.constant 49408 : i32
    %mul3A_206 = arith.muli %arg1, %mul3A_205 : i32
    %add3A_207 = arith.constant 40960 : i32
    %add3A_208 = arith.addi %mul3A_206, %add3A_207 : i32
    %dma_start3A_209 = arith.constant 0 : i32
    %dma_start3A_210 = tpu.memref_slice %arg22[%dma_start3A_209] : memref<2064xf32, #tpu.memory_space<vmem>> -> memref<2048xf32, #tpu.memory_space<vmem>>
    %dma_start3A_211 = tpu.memref_slice %arg26[%add3A_208] : memref<790528xf32, #tpu.memory_space<vmem_shared>> -> memref<2048xf32, #tpu.memory_space<vmem_shared>>
    %dma_start3A_212 = tpu.memref_slice %arg26[%add3A_208] : memref<790528xf32, #tpu.memory_space<vmem_shared>> -> memref<2048xf32, #tpu.memory_space<vmem_shared>>
    %dma_start3A_213 = arith.constant 0 : i32
    %dma_start3A_214 = tpu.memref_slice %arg22[%dma_start3A_213] : memref<2064xf32, #tpu.memory_space<vmem>> -> memref<2048xf32, #tpu.memory_space<vmem>>
    tpu.enqueue_dma source(%dma_start3A_214 : memref<2048xf32, #tpu.memory_space<vmem>>) target(%dma_start3A_212 : memref<2048xf32, #tpu.memory_space<vmem_shared>>) target_semaphore(%arg27 : memref<!tpu.dma_semaphore, #tpu.memory_space<semaphore_mem>>)
    %mul3A_215 = arith.constant 49408 : i32
    %mul3A_216 = arith.muli %arg1, %mul3A_215 : i32
    %add3A_217 = arith.constant 43008 : i32
    %add3A_218 = arith.addi %mul3A_216, %add3A_217 : i32
    %dma_start3A_219 = arith.constant 0 : i32
    %dma_start3A_220 = tpu.memref_slice %arg22[%dma_start3A_219] : memref<2064xf32, #tpu.memory_space<vmem>> -> memref<2048xf32, #tpu.memory_space<vmem>>
    %dma_start3A_221 = tpu.memref_slice %arg26[%add3A_218] : memref<790528xf32, #tpu.memory_space<vmem_shared>> -> memref<2048xf32, #tpu.memory_space<vmem_shared>>
    %dma_start3A_222 = tpu.memref_slice %arg26[%add3A_218] : memref<790528xf32, #tpu.memory_space<vmem_shared>> -> memref<2048xf32, #tpu.memory_space<vmem_shared>>
    %dma_start3A_223 = arith.constant 0 : i32
    %dma_start3A_224 = tpu.memref_slice %arg22[%dma_start3A_223] : memref<2064xf32, #tpu.memory_space<vmem>> -> memref<2048xf32, #tpu.memory_space<vmem>>
    tpu.enqueue_dma source(%dma_start3A_224 : memref<2048xf32, #tpu.memory_space<vmem>>) target(%dma_start3A_222 : memref<2048xf32, #tpu.memory_space<vmem_shared>>) target_semaphore(%arg27 : memref<!tpu.dma_semaphore, #tpu.memory_space<semaphore_mem>>)
    %mul3A_225 = arith.constant 49408 : i32
    %mul3A_226 = arith.muli %arg1, %mul3A_225 : i32
    %add3A_227 = arith.constant 45056 : i32
    %add3A_228 = arith.addi %mul3A_226, %add3A_227 : i32
    %dma_start3A_229 = arith.constant 0 : i32
    %dma_start3A_230 = tpu.memref_slice %arg22[%dma_start3A_229] : memref<2064xf32, #tpu.memory_space<vmem>> -> memref<2048xf32, #tpu.memory_space<vmem>>
    %dma_start3A_231 = tpu.memref_slice %arg26[%add3A_228] : memref<790528xf32, #tpu.memory_space<vmem_shared>> -> memref<2048xf32, #tpu.memory_space<vmem_shared>>
    %dma_start3A_232 = tpu.memref_slice %arg26[%add3A_228] : memref<790528xf32, #tpu.memory_space<vmem_shared>> -> memref<2048xf32, #tpu.memory_space<vmem_shared>>
    %dma_start3A_233 = arith.constant 0 : i32
    %dma_start3A_234 = tpu.memref_slice %arg22[%dma_start3A_233] : memref<2064xf32, #tpu.memory_space<vmem>> -> memref<2048xf32, #tpu.memory_space<vmem>>
    tpu.enqueue_dma source(%dma_start3A_234 : memref<2048xf32, #tpu.memory_space<vmem>>) target(%dma_start3A_232 : memref<2048xf32, #tpu.memory_space<vmem_shared>>) target_semaphore(%arg27 : memref<!tpu.dma_semaphore, #tpu.memory_space<semaphore_mem>>)
    %mul3A_235 = arith.constant 49408 : i32
    %mul3A_236 = arith.muli %arg1, %mul3A_235 : i32
    %add3A_237 = arith.constant 47104 : i32
    %add3A_238 = arith.addi %mul3A_236, %add3A_237 : i32
    %dma_start3A_239 = arith.constant 0 : i32
    %dma_start3A_240 = tpu.memref_slice %arg22[%dma_start3A_239] : memref<2064xf32, #tpu.memory_space<vmem>> -> memref<2048xf32, #tpu.memory_space<vmem>>
    %dma_start3A_241 = tpu.memref_slice %arg26[%add3A_238] : memref<790528xf32, #tpu.memory_space<vmem_shared>> -> memref<2048xf32, #tpu.memory_space<vmem_shared>>
    %dma_start3A_242 = tpu.memref_slice %arg26[%add3A_238] : memref<790528xf32, #tpu.memory_space<vmem_shared>> -> memref<2048xf32, #tpu.memory_space<vmem_shared>>
    %dma_start3A_243 = arith.constant 0 : i32
    %dma_start3A_244 = tpu.memref_slice %arg22[%dma_start3A_243] : memref<2064xf32, #tpu.memory_space<vmem>> -> memref<2048xf32, #tpu.memory_space<vmem>>
    tpu.enqueue_dma source(%dma_start3A_244 : memref<2048xf32, #tpu.memory_space<vmem>>) target(%dma_start3A_242 : memref<2048xf32, #tpu.memory_space<vmem_shared>>) target_semaphore(%arg27 : memref<!tpu.dma_semaphore, #tpu.memory_space<semaphore_mem>>)
    %mul3A_245 = arith.constant 49408 : i32
    %mul3A_246 = arith.muli %arg1, %mul3A_245 : i32
    %add3A_247 = arith.constant 49152 : i32
    %add3A_248 = arith.addi %mul3A_246, %add3A_247 : i32
    %dma_start3A_249 = arith.constant 0 : i32
    %dma_start3A_250 = tpu.memref_slice %arg22[%dma_start3A_249] : memref<2064xf32, #tpu.memory_space<vmem>> -> memref<256xf32, #tpu.memory_space<vmem>>
    %dma_start3A_251 = tpu.memref_slice %arg26[%add3A_248] : memref<790528xf32, #tpu.memory_space<vmem_shared>> -> memref<256xf32, #tpu.memory_space<vmem_shared>>
    %dma_start3A_252 = tpu.memref_slice %arg26[%add3A_248] : memref<790528xf32, #tpu.memory_space<vmem_shared>> -> memref<256xf32, #tpu.memory_space<vmem_shared>>
    %dma_start3A_253 = arith.constant 0 : i32
    %dma_start3A_254 = tpu.memref_slice %arg22[%dma_start3A_253] : memref<2064xf32, #tpu.memory_space<vmem>> -> memref<256xf32, #tpu.memory_space<vmem>>
    tpu.enqueue_dma source(%dma_start3A_254 : memref<256xf32, #tpu.memory_space<vmem>>) target(%dma_start3A_252 : memref<256xf32, #tpu.memory_space<vmem_shared>>) target_semaphore(%arg27 : memref<!tpu.dma_semaphore, #tpu.memory_space<semaphore_mem>>)
    %mul3A_255 = arith.constant 49408 : i32
    %mul3A_256 = arith.muli %arg1, %mul3A_255 : i32
    %add3A_257 = arith.constant 0 : i32
    %add3A_258 = arith.addi %mul3A_256, %add3A_257 : i32
    %dma_wait3A = arith.constant 0 : i32
    %dma_wait3A_259 = tpu.memref_slice %arg22[%dma_wait3A] : memref<2064xf32, #tpu.memory_space<vmem>> -> memref<2048xf32, #tpu.memory_space<vmem>>
    %dma_wait3A_260 = tpu.memref_slice %arg26[%add3A_258] : memref<790528xf32, #tpu.memory_space<vmem_shared>> -> memref<2048xf32, #tpu.memory_space<vmem_shared>>
    %dma_wait3A_261 = tpu.memref_slice %arg26[%add3A_258] : memref<790528xf32, #tpu.memory_space<vmem_shared>> -> memref<2048xf32, #tpu.memory_space<vmem_shared>>
    %dma_wait3A_262 = arith.constant 0 : i32
    %dma_wait3A_263 = tpu.memref_slice %arg22[%dma_wait3A_262] : memref<2064xf32, #tpu.memory_space<vmem>> -> memref<2048xf32, #tpu.memory_space<vmem>>
    tpu.wait_dma2 semaphore(%arg27 : memref<!tpu.dma_semaphore, #tpu.memory_space<semaphore_mem>>) src(%dma_wait3A_263 : memref<2048xf32, #tpu.memory_space<vmem>>) dst(%dma_wait3A_261 : memref<2048xf32, #tpu.memory_space<vmem_shared>>)
    %mul3A_264 = arith.constant 49408 : i32
    %mul3A_265 = arith.muli %arg1, %mul3A_264 : i32
    %add3A_266 = arith.constant 2048 : i32
    %add3A_267 = arith.addi %mul3A_265, %add3A_266 : i32
    %dma_wait3A_268 = arith.constant 0 : i32
    %dma_wait3A_269 = tpu.memref_slice %arg22[%dma_wait3A_268] : memref<2064xf32, #tpu.memory_space<vmem>> -> memref<2048xf32, #tpu.memory_space<vmem>>
    %dma_wait3A_270 = tpu.memref_slice %arg26[%add3A_267] : memref<790528xf32, #tpu.memory_space<vmem_shared>> -> memref<2048xf32, #tpu.memory_space<vmem_shared>>
    %dma_wait3A_271 = tpu.memref_slice %arg26[%add3A_267] : memref<790528xf32, #tpu.memory_space<vmem_shared>> -> memref<2048xf32, #tpu.memory_space<vmem_shared>>
    %dma_wait3A_272 = arith.constant 0 : i32
    %dma_wait3A_273 = tpu.memref_slice %arg22[%dma_wait3A_272] : memref<2064xf32, #tpu.memory_space<vmem>> -> memref<2048xf32, #tpu.memory_space<vmem>>
    tpu.wait_dma2 semaphore(%arg27 : memref<!tpu.dma_semaphore, #tpu.memory_space<semaphore_mem>>) src(%dma_wait3A_273 : memref<2048xf32, #tpu.memory_space<vmem>>) dst(%dma_wait3A_271 : memref<2048xf32, #tpu.memory_space<vmem_shared>>)
    %mul3A_274 = arith.constant 49408 : i32
    %mul3A_275 = arith.muli %arg1, %mul3A_274 : i32
    %add3A_276 = arith.constant 4096 : i32
    %add3A_277 = arith.addi %mul3A_275, %add3A_276 : i32
    %dma_wait3A_278 = arith.constant 0 : i32
    %dma_wait3A_279 = tpu.memref_slice %arg22[%dma_wait3A_278] : memref<2064xf32, #tpu.memory_space<vmem>> -> memref<2048xf32, #tpu.memory_space<vmem>>
    %dma_wait3A_280 = tpu.memref_slice %arg26[%add3A_277] : memref<790528xf32, #tpu.memory_space<vmem_shared>> -> memref<2048xf32, #tpu.memory_space<vmem_shared>>
    %dma_wait3A_281 = tpu.memref_slice %arg26[%add3A_277] : memref<790528xf32, #tpu.memory_space<vmem_shared>> -> memref<2048xf32, #tpu.memory_space<vmem_shared>>
    %dma_wait3A_282 = arith.constant 0 : i32
    %dma_wait3A_283 = tpu.memref_slice %arg22[%dma_wait3A_282] : memref<2064xf32, #tpu.memory_space<vmem>> -> memref<2048xf32, #tpu.memory_space<vmem>>
    tpu.wait_dma2 semaphore(%arg27 : memref<!tpu.dma_semaphore, #tpu.memory_space<semaphore_mem>>) src(%dma_wait3A_283 : memref<2048xf32, #tpu.memory_space<vmem>>) dst(%dma_wait3A_281 : memref<2048xf32, #tpu.memory_space<vmem_shared>>)
    %mul3A_284 = arith.constant 49408 : i32
    %mul3A_285 = arith.muli %arg1, %mul3A_284 : i32
    %add3A_286 = arith.constant 6144 : i32
    %add3A_287 = arith.addi %mul3A_285, %add3A_286 : i32
    %dma_wait3A_288 = arith.constant 0 : i32
    %dma_wait3A_289 = tpu.memref_slice %arg22[%dma_wait3A_288] : memref<2064xf32, #tpu.memory_space<vmem>> -> memref<2048xf32, #tpu.memory_space<vmem>>
    %dma_wait3A_290 = tpu.memref_slice %arg26[%add3A_287] : memref<790528xf32, #tpu.memory_space<vmem_shared>> -> memref<2048xf32, #tpu.memory_space<vmem_shared>>
    %dma_wait3A_291 = tpu.memref_slice %arg26[%add3A_287] : memref<790528xf32, #tpu.memory_space<vmem_shared>> -> memref<2048xf32, #tpu.memory_space<vmem_shared>>
    %dma_wait3A_292 = arith.constant 0 : i32
    %dma_wait3A_293 = tpu.memref_slice %arg22[%dma_wait3A_292] : memref<2064xf32, #tpu.memory_space<vmem>> -> memref<2048xf32, #tpu.memory_space<vmem>>
    tpu.wait_dma2 semaphore(%arg27 : memref<!tpu.dma_semaphore, #tpu.memory_space<semaphore_mem>>) src(%dma_wait3A_293 : memref<2048xf32, #tpu.memory_space<vmem>>) dst(%dma_wait3A_291 : memref<2048xf32, #tpu.memory_space<vmem_shared>>)
    %mul3A_294 = arith.constant 49408 : i32
    %mul3A_295 = arith.muli %arg1, %mul3A_294 : i32
    %add3A_296 = arith.constant 8192 : i32
    %add3A_297 = arith.addi %mul3A_295, %add3A_296 : i32
    %dma_wait3A_298 = arith.constant 0 : i32
    %dma_wait3A_299 = tpu.memref_slice %arg22[%dma_wait3A_298] : memref<2064xf32, #tpu.memory_space<vmem>> -> memref<2048xf32, #tpu.memory_space<vmem>>
    %dma_wait3A_300 = tpu.memref_slice %arg26[%add3A_297] : memref<790528xf32, #tpu.memory_space<vmem_shared>> -> memref<2048xf32, #tpu.memory_space<vmem_shared>>
    %dma_wait3A_301 = tpu.memref_slice %arg26[%add3A_297] : memref<790528xf32, #tpu.memory_space<vmem_shared>> -> memref<2048xf32, #tpu.memory_space<vmem_shared>>
    %dma_wait3A_302 = arith.constant 0 : i32
    %dma_wait3A_303 = tpu.memref_slice %arg22[%dma_wait3A_302] : memref<2064xf32, #tpu.memory_space<vmem>> -> memref<2048xf32, #tpu.memory_space<vmem>>
    tpu.wait_dma2 semaphore(%arg27 : memref<!tpu.dma_semaphore, #tpu.memory_space<semaphore_mem>>) src(%dma_wait3A_303 : memref<2048xf32, #tpu.memory_space<vmem>>) dst(%dma_wait3A_301 : memref<2048xf32, #tpu.memory_space<vmem_shared>>)
    %mul3A_304 = arith.constant 49408 : i32
    %mul3A_305 = arith.muli %arg1, %mul3A_304 : i32
    %add3A_306 = arith.constant 10240 : i32
    %add3A_307 = arith.addi %mul3A_305, %add3A_306 : i32
    %dma_wait3A_308 = arith.constant 0 : i32
    %dma_wait3A_309 = tpu.memref_slice %arg22[%dma_wait3A_308] : memref<2064xf32, #tpu.memory_space<vmem>> -> memref<2048xf32, #tpu.memory_space<vmem>>
    %dma_wait3A_310 = tpu.memref_slice %arg26[%add3A_307] : memref<790528xf32, #tpu.memory_space<vmem_shared>> -> memref<2048xf32, #tpu.memory_space<vmem_shared>>
    %dma_wait3A_311 = tpu.memref_slice %arg26[%add3A_307] : memref<790528xf32, #tpu.memory_space<vmem_shared>> -> memref<2048xf32, #tpu.memory_space<vmem_shared>>
    %dma_wait3A_312 = arith.constant 0 : i32
    %dma_wait3A_313 = tpu.memref_slice %arg22[%dma_wait3A_312] : memref<2064xf32, #tpu.memory_space<vmem>> -> memref<2048xf32, #tpu.memory_space<vmem>>
    tpu.wait_dma2 semaphore(%arg27 : memref<!tpu.dma_semaphore, #tpu.memory_space<semaphore_mem>>) src(%dma_wait3A_313 : memref<2048xf32, #tpu.memory_space<vmem>>) dst(%dma_wait3A_311 : memref<2048xf32, #tpu.memory_space<vmem_shared>>)
    %mul3A_314 = arith.constant 49408 : i32
    %mul3A_315 = arith.muli %arg1, %mul3A_314 : i32
    %add3A_316 = arith.constant 12288 : i32
    %add3A_317 = arith.addi %mul3A_315, %add3A_316 : i32
    %dma_wait3A_318 = arith.constant 0 : i32
    %dma_wait3A_319 = tpu.memref_slice %arg22[%dma_wait3A_318] : memref<2064xf32, #tpu.memory_space<vmem>> -> memref<2048xf32, #tpu.memory_space<vmem>>
    %dma_wait3A_320 = tpu.memref_slice %arg26[%add3A_317] : memref<790528xf32, #tpu.memory_space<vmem_shared>> -> memref<2048xf32, #tpu.memory_space<vmem_shared>>
    %dma_wait3A_321 = tpu.memref_slice %arg26[%add3A_317] : memref<790528xf32, #tpu.memory_space<vmem_shared>> -> memref<2048xf32, #tpu.memory_space<vmem_shared>>
    %dma_wait3A_322 = arith.constant 0 : i32
    %dma_wait3A_323 = tpu.memref_slice %arg22[%dma_wait3A_322] : memref<2064xf32, #tpu.memory_space<vmem>> -> memref<2048xf32, #tpu.memory_space<vmem>>
    tpu.wait_dma2 semaphore(%arg27 : memref<!tpu.dma_semaphore, #tpu.memory_space<semaphore_mem>>) src(%dma_wait3A_323 : memref<2048xf32, #tpu.memory_space<vmem>>) dst(%dma_wait3A_321 : memref<2048xf32, #tpu.memory_space<vmem_shared>>)
    %mul3A_324 = arith.constant 49408 : i32
    %mul3A_325 = arith.muli %arg1, %mul3A_324 : i32
    %add3A_326 = arith.constant 14336 : i32
    %add3A_327 = arith.addi %mul3A_325, %add3A_326 : i32
    %dma_wait3A_328 = arith.constant 0 : i32
    %dma_wait3A_329 = tpu.memref_slice %arg22[%dma_wait3A_328] : memref<2064xf32, #tpu.memory_space<vmem>> -> memref<2048xf32, #tpu.memory_space<vmem>>
    %dma_wait3A_330 = tpu.memref_slice %arg26[%add3A_327] : memref<790528xf32, #tpu.memory_space<vmem_shared>> -> memref<2048xf32, #tpu.memory_space<vmem_shared>>
    %dma_wait3A_331 = tpu.memref_slice %arg26[%add3A_327] : memref<790528xf32, #tpu.memory_space<vmem_shared>> -> memref<2048xf32, #tpu.memory_space<vmem_shared>>
    %dma_wait3A_332 = arith.constant 0 : i32
    %dma_wait3A_333 = tpu.memref_slice %arg22[%dma_wait3A_332] : memref<2064xf32, #tpu.memory_space<vmem>> -> memref<2048xf32, #tpu.memory_space<vmem>>
    tpu.wait_dma2 semaphore(%arg27 : memref<!tpu.dma_semaphore, #tpu.memory_space<semaphore_mem>>) src(%dma_wait3A_333 : memref<2048xf32, #tpu.memory_space<vmem>>) dst(%dma_wait3A_331 : memref<2048xf32, #tpu.memory_space<vmem_shared>>)
    %mul3A_334 = arith.constant 49408 : i32
    %mul3A_335 = arith.muli %arg1, %mul3A_334 : i32
    %add3A_336 = arith.constant 16384 : i32
    %add3A_337 = arith.addi %mul3A_335, %add3A_336 : i32
    %dma_wait3A_338 = arith.constant 0 : i32
    %dma_wait3A_339 = tpu.memref_slice %arg22[%dma_wait3A_338] : memref<2064xf32, #tpu.memory_space<vmem>> -> memref<2048xf32, #tpu.memory_space<vmem>>
    %dma_wait3A_340 = tpu.memref_slice %arg26[%add3A_337] : memref<790528xf32, #tpu.memory_space<vmem_shared>> -> memref<2048xf32, #tpu.memory_space<vmem_shared>>
    %dma_wait3A_341 = tpu.memref_slice %arg26[%add3A_337] : memref<790528xf32, #tpu.memory_space<vmem_shared>> -> memref<2048xf32, #tpu.memory_space<vmem_shared>>
    %dma_wait3A_342 = arith.constant 0 : i32
    %dma_wait3A_343 = tpu.memref_slice %arg22[%dma_wait3A_342] : memref<2064xf32, #tpu.memory_space<vmem>> -> memref<2048xf32, #tpu.memory_space<vmem>>
    tpu.wait_dma2 semaphore(%arg27 : memref<!tpu.dma_semaphore, #tpu.memory_space<semaphore_mem>>) src(%dma_wait3A_343 : memref<2048xf32, #tpu.memory_space<vmem>>) dst(%dma_wait3A_341 : memref<2048xf32, #tpu.memory_space<vmem_shared>>)
    %mul3A_344 = arith.constant 49408 : i32
    %mul3A_345 = arith.muli %arg1, %mul3A_344 : i32
    %add3A_346 = arith.constant 18432 : i32
    %add3A_347 = arith.addi %mul3A_345, %add3A_346 : i32
    %dma_wait3A_348 = arith.constant 0 : i32
    %dma_wait3A_349 = tpu.memref_slice %arg22[%dma_wait3A_348] : memref<2064xf32, #tpu.memory_space<vmem>> -> memref<2048xf32, #tpu.memory_space<vmem>>
    %dma_wait3A_350 = tpu.memref_slice %arg26[%add3A_347] : memref<790528xf32, #tpu.memory_space<vmem_shared>> -> memref<2048xf32, #tpu.memory_space<vmem_shared>>
    %dma_wait3A_351 = tpu.memref_slice %arg26[%add3A_347] : memref<790528xf32, #tpu.memory_space<vmem_shared>> -> memref<2048xf32, #tpu.memory_space<vmem_shared>>
    %dma_wait3A_352 = arith.constant 0 : i32
    %dma_wait3A_353 = tpu.memref_slice %arg22[%dma_wait3A_352] : memref<2064xf32, #tpu.memory_space<vmem>> -> memref<2048xf32, #tpu.memory_space<vmem>>
    tpu.wait_dma2 semaphore(%arg27 : memref<!tpu.dma_semaphore, #tpu.memory_space<semaphore_mem>>) src(%dma_wait3A_353 : memref<2048xf32, #tpu.memory_space<vmem>>) dst(%dma_wait3A_351 : memref<2048xf32, #tpu.memory_space<vmem_shared>>)
    %mul3A_354 = arith.constant 49408 : i32
    %mul3A_355 = arith.muli %arg1, %mul3A_354 : i32
    %add3A_356 = arith.constant 20480 : i32
    %add3A_357 = arith.addi %mul3A_355, %add3A_356 : i32
    %dma_wait3A_358 = arith.constant 0 : i32
    %dma_wait3A_359 = tpu.memref_slice %arg22[%dma_wait3A_358] : memref<2064xf32, #tpu.memory_space<vmem>> -> memref<2048xf32, #tpu.memory_space<vmem>>
    %dma_wait3A_360 = tpu.memref_slice %arg26[%add3A_357] : memref<790528xf32, #tpu.memory_space<vmem_shared>> -> memref<2048xf32, #tpu.memory_space<vmem_shared>>
    %dma_wait3A_361 = tpu.memref_slice %arg26[%add3A_357] : memref<790528xf32, #tpu.memory_space<vmem_shared>> -> memref<2048xf32, #tpu.memory_space<vmem_shared>>
    %dma_wait3A_362 = arith.constant 0 : i32
    %dma_wait3A_363 = tpu.memref_slice %arg22[%dma_wait3A_362] : memref<2064xf32, #tpu.memory_space<vmem>> -> memref<2048xf32, #tpu.memory_space<vmem>>
    tpu.wait_dma2 semaphore(%arg27 : memref<!tpu.dma_semaphore, #tpu.memory_space<semaphore_mem>>) src(%dma_wait3A_363 : memref<2048xf32, #tpu.memory_space<vmem>>) dst(%dma_wait3A_361 : memref<2048xf32, #tpu.memory_space<vmem_shared>>)
    %mul3A_364 = arith.constant 49408 : i32
    %mul3A_365 = arith.muli %arg1, %mul3A_364 : i32
    %add3A_366 = arith.constant 22528 : i32
    %add3A_367 = arith.addi %mul3A_365, %add3A_366 : i32
    %dma_wait3A_368 = arith.constant 0 : i32
    %dma_wait3A_369 = tpu.memref_slice %arg22[%dma_wait3A_368] : memref<2064xf32, #tpu.memory_space<vmem>> -> memref<2048xf32, #tpu.memory_space<vmem>>
    %dma_wait3A_370 = tpu.memref_slice %arg26[%add3A_367] : memref<790528xf32, #tpu.memory_space<vmem_shared>> -> memref<2048xf32, #tpu.memory_space<vmem_shared>>
    %dma_wait3A_371 = tpu.memref_slice %arg26[%add3A_367] : memref<790528xf32, #tpu.memory_space<vmem_shared>> -> memref<2048xf32, #tpu.memory_space<vmem_shared>>
    %dma_wait3A_372 = arith.constant 0 : i32
    %dma_wait3A_373 = tpu.memref_slice %arg22[%dma_wait3A_372] : memref<2064xf32, #tpu.memory_space<vmem>> -> memref<2048xf32, #tpu.memory_space<vmem>>
    tpu.wait_dma2 semaphore(%arg27 : memref<!tpu.dma_semaphore, #tpu.memory_space<semaphore_mem>>) src(%dma_wait3A_373 : memref<2048xf32, #tpu.memory_space<vmem>>) dst(%dma_wait3A_371 : memref<2048xf32, #tpu.memory_space<vmem_shared>>)
    %mul3A_374 = arith.constant 49408 : i32
    %mul3A_375 = arith.muli %arg1, %mul3A_374 : i32
    %add3A_376 = arith.constant 24576 : i32
    %add3A_377 = arith.addi %mul3A_375, %add3A_376 : i32
    %dma_wait3A_378 = arith.constant 0 : i32
    %dma_wait3A_379 = tpu.memref_slice %arg22[%dma_wait3A_378] : memref<2064xf32, #tpu.memory_space<vmem>> -> memref<2048xf32, #tpu.memory_space<vmem>>
    %dma_wait3A_380 = tpu.memref_slice %arg26[%add3A_377] : memref<790528xf32, #tpu.memory_space<vmem_shared>> -> memref<2048xf32, #tpu.memory_space<vmem_shared>>
    %dma_wait3A_381 = tpu.memref_slice %arg26[%add3A_377] : memref<790528xf32, #tpu.memory_space<vmem_shared>> -> memref<2048xf32, #tpu.memory_space<vmem_shared>>
    %dma_wait3A_382 = arith.constant 0 : i32
    %dma_wait3A_383 = tpu.memref_slice %arg22[%dma_wait3A_382] : memref<2064xf32, #tpu.memory_space<vmem>> -> memref<2048xf32, #tpu.memory_space<vmem>>
    tpu.wait_dma2 semaphore(%arg27 : memref<!tpu.dma_semaphore, #tpu.memory_space<semaphore_mem>>) src(%dma_wait3A_383 : memref<2048xf32, #tpu.memory_space<vmem>>) dst(%dma_wait3A_381 : memref<2048xf32, #tpu.memory_space<vmem_shared>>)
    %mul3A_384 = arith.constant 49408 : i32
    %mul3A_385 = arith.muli %arg1, %mul3A_384 : i32
    %add3A_386 = arith.constant 26624 : i32
    %add3A_387 = arith.addi %mul3A_385, %add3A_386 : i32
    %dma_wait3A_388 = arith.constant 0 : i32
    %dma_wait3A_389 = tpu.memref_slice %arg22[%dma_wait3A_388] : memref<2064xf32, #tpu.memory_space<vmem>> -> memref<2048xf32, #tpu.memory_space<vmem>>
    %dma_wait3A_390 = tpu.memref_slice %arg26[%add3A_387] : memref<790528xf32, #tpu.memory_space<vmem_shared>> -> memref<2048xf32, #tpu.memory_space<vmem_shared>>
    %dma_wait3A_391 = tpu.memref_slice %arg26[%add3A_387] : memref<790528xf32, #tpu.memory_space<vmem_shared>> -> memref<2048xf32, #tpu.memory_space<vmem_shared>>
    %dma_wait3A_392 = arith.constant 0 : i32
    %dma_wait3A_393 = tpu.memref_slice %arg22[%dma_wait3A_392] : memref<2064xf32, #tpu.memory_space<vmem>> -> memref<2048xf32, #tpu.memory_space<vmem>>
    tpu.wait_dma2 semaphore(%arg27 : memref<!tpu.dma_semaphore, #tpu.memory_space<semaphore_mem>>) src(%dma_wait3A_393 : memref<2048xf32, #tpu.memory_space<vmem>>) dst(%dma_wait3A_391 : memref<2048xf32, #tpu.memory_space<vmem_shared>>)
    %mul3A_394 = arith.constant 49408 : i32
    %mul3A_395 = arith.muli %arg1, %mul3A_394 : i32
    %add3A_396 = arith.constant 28672 : i32
    %add3A_397 = arith.addi %mul3A_395, %add3A_396 : i32
    %dma_wait3A_398 = arith.constant 0 : i32
    %dma_wait3A_399 = tpu.memref_slice %arg22[%dma_wait3A_398] : memref<2064xf32, #tpu.memory_space<vmem>> -> memref<2048xf32, #tpu.memory_space<vmem>>
    %dma_wait3A_400 = tpu.memref_slice %arg26[%add3A_397] : memref<790528xf32, #tpu.memory_space<vmem_shared>> -> memref<2048xf32, #tpu.memory_space<vmem_shared>>
    %dma_wait3A_401 = tpu.memref_slice %arg26[%add3A_397] : memref<790528xf32, #tpu.memory_space<vmem_shared>> -> memref<2048xf32, #tpu.memory_space<vmem_shared>>
    %dma_wait3A_402 = arith.constant 0 : i32
    %dma_wait3A_403 = tpu.memref_slice %arg22[%dma_wait3A_402] : memref<2064xf32, #tpu.memory_space<vmem>> -> memref<2048xf32, #tpu.memory_space<vmem>>
    tpu.wait_dma2 semaphore(%arg27 : memref<!tpu.dma_semaphore, #tpu.memory_space<semaphore_mem>>) src(%dma_wait3A_403 : memref<2048xf32, #tpu.memory_space<vmem>>) dst(%dma_wait3A_401 : memref<2048xf32, #tpu.memory_space<vmem_shared>>)
    %mul3A_404 = arith.constant 49408 : i32
    %mul3A_405 = arith.muli %arg1, %mul3A_404 : i32
    %add3A_406 = arith.constant 30720 : i32
    %add3A_407 = arith.addi %mul3A_405, %add3A_406 : i32
    %dma_wait3A_408 = arith.constant 0 : i32
    %dma_wait3A_409 = tpu.memref_slice %arg22[%dma_wait3A_408] : memref<2064xf32, #tpu.memory_space<vmem>> -> memref<2048xf32, #tpu.memory_space<vmem>>
    %dma_wait3A_410 = tpu.memref_slice %arg26[%add3A_407] : memref<790528xf32, #tpu.memory_space<vmem_shared>> -> memref<2048xf32, #tpu.memory_space<vmem_shared>>
    %dma_wait3A_411 = tpu.memref_slice %arg26[%add3A_407] : memref<790528xf32, #tpu.memory_space<vmem_shared>> -> memref<2048xf32, #tpu.memory_space<vmem_shared>>
    %dma_wait3A_412 = arith.constant 0 : i32
    %dma_wait3A_413 = tpu.memref_slice %arg22[%dma_wait3A_412] : memref<2064xf32, #tpu.memory_space<vmem>> -> memref<2048xf32, #tpu.memory_space<vmem>>
    tpu.wait_dma2 semaphore(%arg27 : memref<!tpu.dma_semaphore, #tpu.memory_space<semaphore_mem>>) src(%dma_wait3A_413 : memref<2048xf32, #tpu.memory_space<vmem>>) dst(%dma_wait3A_411 : memref<2048xf32, #tpu.memory_space<vmem_shared>>)
    %mul3A_414 = arith.constant 49408 : i32
    %mul3A_415 = arith.muli %arg1, %mul3A_414 : i32
    %add3A_416 = arith.constant 32768 : i32
    %add3A_417 = arith.addi %mul3A_415, %add3A_416 : i32
    %dma_wait3A_418 = arith.constant 0 : i32
    %dma_wait3A_419 = tpu.memref_slice %arg22[%dma_wait3A_418] : memref<2064xf32, #tpu.memory_space<vmem>> -> memref<2048xf32, #tpu.memory_space<vmem>>
    %dma_wait3A_420 = tpu.memref_slice %arg26[%add3A_417] : memref<790528xf32, #tpu.memory_space<vmem_shared>> -> memref<2048xf32, #tpu.memory_space<vmem_shared>>
    %dma_wait3A_421 = tpu.memref_slice %arg26[%add3A_417] : memref<790528xf32, #tpu.memory_space<vmem_shared>> -> memref<2048xf32, #tpu.memory_space<vmem_shared>>
    %dma_wait3A_422 = arith.constant 0 : i32
    %dma_wait3A_423 = tpu.memref_slice %arg22[%dma_wait3A_422] : memref<2064xf32, #tpu.memory_space<vmem>> -> memref<2048xf32, #tpu.memory_space<vmem>>
    tpu.wait_dma2 semaphore(%arg27 : memref<!tpu.dma_semaphore, #tpu.memory_space<semaphore_mem>>) src(%dma_wait3A_423 : memref<2048xf32, #tpu.memory_space<vmem>>) dst(%dma_wait3A_421 : memref<2048xf32, #tpu.memory_space<vmem_shared>>)
    %mul3A_424 = arith.constant 49408 : i32
    %mul3A_425 = arith.muli %arg1, %mul3A_424 : i32
    %add3A_426 = arith.constant 34816 : i32
    %add3A_427 = arith.addi %mul3A_425, %add3A_426 : i32
    %dma_wait3A_428 = arith.constant 0 : i32
    %dma_wait3A_429 = tpu.memref_slice %arg22[%dma_wait3A_428] : memref<2064xf32, #tpu.memory_space<vmem>> -> memref<2048xf32, #tpu.memory_space<vmem>>
    %dma_wait3A_430 = tpu.memref_slice %arg26[%add3A_427] : memref<790528xf32, #tpu.memory_space<vmem_shared>> -> memref<2048xf32, #tpu.memory_space<vmem_shared>>
    %dma_wait3A_431 = tpu.memref_slice %arg26[%add3A_427] : memref<790528xf32, #tpu.memory_space<vmem_shared>> -> memref<2048xf32, #tpu.memory_space<vmem_shared>>
    %dma_wait3A_432 = arith.constant 0 : i32
    %dma_wait3A_433 = tpu.memref_slice %arg22[%dma_wait3A_432] : memref<2064xf32, #tpu.memory_space<vmem>> -> memref<2048xf32, #tpu.memory_space<vmem>>
    tpu.wait_dma2 semaphore(%arg27 : memref<!tpu.dma_semaphore, #tpu.memory_space<semaphore_mem>>) src(%dma_wait3A_433 : memref<2048xf32, #tpu.memory_space<vmem>>) dst(%dma_wait3A_431 : memref<2048xf32, #tpu.memory_space<vmem_shared>>)
    %mul3A_434 = arith.constant 49408 : i32
    %mul3A_435 = arith.muli %arg1, %mul3A_434 : i32
    %add3A_436 = arith.constant 36864 : i32
    %add3A_437 = arith.addi %mul3A_435, %add3A_436 : i32
    %dma_wait3A_438 = arith.constant 0 : i32
    %dma_wait3A_439 = tpu.memref_slice %arg22[%dma_wait3A_438] : memref<2064xf32, #tpu.memory_space<vmem>> -> memref<2048xf32, #tpu.memory_space<vmem>>
    %dma_wait3A_440 = tpu.memref_slice %arg26[%add3A_437] : memref<790528xf32, #tpu.memory_space<vmem_shared>> -> memref<2048xf32, #tpu.memory_space<vmem_shared>>
    %dma_wait3A_441 = tpu.memref_slice %arg26[%add3A_437] : memref<790528xf32, #tpu.memory_space<vmem_shared>> -> memref<2048xf32, #tpu.memory_space<vmem_shared>>
    %dma_wait3A_442 = arith.constant 0 : i32
    %dma_wait3A_443 = tpu.memref_slice %arg22[%dma_wait3A_442] : memref<2064xf32, #tpu.memory_space<vmem>> -> memref<2048xf32, #tpu.memory_space<vmem>>
    tpu.wait_dma2 semaphore(%arg27 : memref<!tpu.dma_semaphore, #tpu.memory_space<semaphore_mem>>) src(%dma_wait3A_443 : memref<2048xf32, #tpu.memory_space<vmem>>) dst(%dma_wait3A_441 : memref<2048xf32, #tpu.memory_space<vmem_shared>>)
    %mul3A_444 = arith.constant 49408 : i32
    %mul3A_445 = arith.muli %arg1, %mul3A_444 : i32
    %add3A_446 = arith.constant 38912 : i32
    %add3A_447 = arith.addi %mul3A_445, %add3A_446 : i32
    %dma_wait3A_448 = arith.constant 0 : i32
    %dma_wait3A_449 = tpu.memref_slice %arg22[%dma_wait3A_448] : memref<2064xf32, #tpu.memory_space<vmem>> -> memref<2048xf32, #tpu.memory_space<vmem>>
    %dma_wait3A_450 = tpu.memref_slice %arg26[%add3A_447] : memref<790528xf32, #tpu.memory_space<vmem_shared>> -> memref<2048xf32, #tpu.memory_space<vmem_shared>>
    %dma_wait3A_451 = tpu.memref_slice %arg26[%add3A_447] : memref<790528xf32, #tpu.memory_space<vmem_shared>> -> memref<2048xf32, #tpu.memory_space<vmem_shared>>
    %dma_wait3A_452 = arith.constant 0 : i32
    %dma_wait3A_453 = tpu.memref_slice %arg22[%dma_wait3A_452] : memref<2064xf32, #tpu.memory_space<vmem>> -> memref<2048xf32, #tpu.memory_space<vmem>>
    tpu.wait_dma2 semaphore(%arg27 : memref<!tpu.dma_semaphore, #tpu.memory_space<semaphore_mem>>) src(%dma_wait3A_453 : memref<2048xf32, #tpu.memory_space<vmem>>) dst(%dma_wait3A_451 : memref<2048xf32, #tpu.memory_space<vmem_shared>>)
    %mul3A_454 = arith.constant 49408 : i32
    %mul3A_455 = arith.muli %arg1, %mul3A_454 : i32
    %add3A_456 = arith.constant 40960 : i32
    %add3A_457 = arith.addi %mul3A_455, %add3A_456 : i32
    %dma_wait3A_458 = arith.constant 0 : i32
    %dma_wait3A_459 = tpu.memref_slice %arg22[%dma_wait3A_458] : memref<2064xf32, #tpu.memory_space<vmem>> -> memref<2048xf32, #tpu.memory_space<vmem>>
    %dma_wait3A_460 = tpu.memref_slice %arg26[%add3A_457] : memref<790528xf32, #tpu.memory_space<vmem_shared>> -> memref<2048xf32, #tpu.memory_space<vmem_shared>>
    %dma_wait3A_461 = tpu.memref_slice %arg26[%add3A_457] : memref<790528xf32, #tpu.memory_space<vmem_shared>> -> memref<2048xf32, #tpu.memory_space<vmem_shared>>
    %dma_wait3A_462 = arith.constant 0 : i32
    %dma_wait3A_463 = tpu.memref_slice %arg22[%dma_wait3A_462] : memref<2064xf32, #tpu.memory_space<vmem>> -> memref<2048xf32, #tpu.memory_space<vmem>>
    tpu.wait_dma2 semaphore(%arg27 : memref<!tpu.dma_semaphore, #tpu.memory_space<semaphore_mem>>) src(%dma_wait3A_463 : memref<2048xf32, #tpu.memory_space<vmem>>) dst(%dma_wait3A_461 : memref<2048xf32, #tpu.memory_space<vmem_shared>>)
    %mul3A_464 = arith.constant 49408 : i32
    %mul3A_465 = arith.muli %arg1, %mul3A_464 : i32
    %add3A_466 = arith.constant 43008 : i32
    %add3A_467 = arith.addi %mul3A_465, %add3A_466 : i32
    %dma_wait3A_468 = arith.constant 0 : i32
    %dma_wait3A_469 = tpu.memref_slice %arg22[%dma_wait3A_468] : memref<2064xf32, #tpu.memory_space<vmem>> -> memref<2048xf32, #tpu.memory_space<vmem>>
    %dma_wait3A_470 = tpu.memref_slice %arg26[%add3A_467] : memref<790528xf32, #tpu.memory_space<vmem_shared>> -> memref<2048xf32, #tpu.memory_space<vmem_shared>>
    %dma_wait3A_471 = tpu.memref_slice %arg26[%add3A_467] : memref<790528xf32, #tpu.memory_space<vmem_shared>> -> memref<2048xf32, #tpu.memory_space<vmem_shared>>
    %dma_wait3A_472 = arith.constant 0 : i32
    %dma_wait3A_473 = tpu.memref_slice %arg22[%dma_wait3A_472] : memref<2064xf32, #tpu.memory_space<vmem>> -> memref<2048xf32, #tpu.memory_space<vmem>>
    tpu.wait_dma2 semaphore(%arg27 : memref<!tpu.dma_semaphore, #tpu.memory_space<semaphore_mem>>) src(%dma_wait3A_473 : memref<2048xf32, #tpu.memory_space<vmem>>) dst(%dma_wait3A_471 : memref<2048xf32, #tpu.memory_space<vmem_shared>>)
    %mul3A_474 = arith.constant 49408 : i32
    %mul3A_475 = arith.muli %arg1, %mul3A_474 : i32
    %add3A_476 = arith.constant 45056 : i32
    %add3A_477 = arith.addi %mul3A_475, %add3A_476 : i32
    %dma_wait3A_478 = arith.constant 0 : i32
    %dma_wait3A_479 = tpu.memref_slice %arg22[%dma_wait3A_478] : memref<2064xf32, #tpu.memory_space<vmem>> -> memref<2048xf32, #tpu.memory_space<vmem>>
    %dma_wait3A_480 = tpu.memref_slice %arg26[%add3A_477] : memref<790528xf32, #tpu.memory_space<vmem_shared>> -> memref<2048xf32, #tpu.memory_space<vmem_shared>>
    %dma_wait3A_481 = tpu.memref_slice %arg26[%add3A_477] : memref<790528xf32, #tpu.memory_space<vmem_shared>> -> memref<2048xf32, #tpu.memory_space<vmem_shared>>
    %dma_wait3A_482 = arith.constant 0 : i32
    %dma_wait3A_483 = tpu.memref_slice %arg22[%dma_wait3A_482] : memref<2064xf32, #tpu.memory_space<vmem>> -> memref<2048xf32, #tpu.memory_space<vmem>>
    tpu.wait_dma2 semaphore(%arg27 : memref<!tpu.dma_semaphore, #tpu.memory_space<semaphore_mem>>) src(%dma_wait3A_483 : memref<2048xf32, #tpu.memory_space<vmem>>) dst(%dma_wait3A_481 : memref<2048xf32, #tpu.memory_space<vmem_shared>>)
    %mul3A_484 = arith.constant 49408 : i32
    %mul3A_485 = arith.muli %arg1, %mul3A_484 : i32
    %add3A_486 = arith.constant 47104 : i32
    %add3A_487 = arith.addi %mul3A_485, %add3A_486 : i32
    %dma_wait3A_488 = arith.constant 0 : i32
    %dma_wait3A_489 = tpu.memref_slice %arg22[%dma_wait3A_488] : memref<2064xf32, #tpu.memory_space<vmem>> -> memref<2048xf32, #tpu.memory_space<vmem>>
    %dma_wait3A_490 = tpu.memref_slice %arg26[%add3A_487] : memref<790528xf32, #tpu.memory_space<vmem_shared>> -> memref<2048xf32, #tpu.memory_space<vmem_shared>>
    %dma_wait3A_491 = tpu.memref_slice %arg26[%add3A_487] : memref<790528xf32, #tpu.memory_space<vmem_shared>> -> memref<2048xf32, #tpu.memory_space<vmem_shared>>
    %dma_wait3A_492 = arith.constant 0 : i32
    %dma_wait3A_493 = tpu.memref_slice %arg22[%dma_wait3A_492] : memref<2064xf32, #tpu.memory_space<vmem>> -> memref<2048xf32, #tpu.memory_space<vmem>>
    tpu.wait_dma2 semaphore(%arg27 : memref<!tpu.dma_semaphore, #tpu.memory_space<semaphore_mem>>) src(%dma_wait3A_493 : memref<2048xf32, #tpu.memory_space<vmem>>) dst(%dma_wait3A_491 : memref<2048xf32, #tpu.memory_space<vmem_shared>>)
    %mul3A_494 = arith.constant 49408 : i32
    %mul3A_495 = arith.muli %arg1, %mul3A_494 : i32
    %add3A_496 = arith.constant 49152 : i32
    %add3A_497 = arith.addi %mul3A_495, %add3A_496 : i32
    %dma_wait3A_498 = arith.constant 0 : i32
    %dma_wait3A_499 = tpu.memref_slice %arg22[%dma_wait3A_498] : memref<2064xf32, #tpu.memory_space<vmem>> -> memref<256xf32, #tpu.memory_space<vmem>>
    %dma_wait3A_500 = tpu.memref_slice %arg26[%add3A_497] : memref<790528xf32, #tpu.memory_space<vmem_shared>> -> memref<256xf32, #tpu.memory_space<vmem_shared>>
    %dma_wait3A_501 = tpu.memref_slice %arg26[%add3A_497] : memref<790528xf32, #tpu.memory_space<vmem_shared>> -> memref<256xf32, #tpu.memory_space<vmem_shared>>
    %dma_wait3A_502 = arith.constant 0 : i32
    %dma_wait3A_503 = tpu.memref_slice %arg22[%dma_wait3A_502] : memref<2064xf32, #tpu.memory_space<vmem>> -> memref<256xf32, #tpu.memory_space<vmem>>
    tpu.wait_dma2 semaphore(%arg27 : memref<!tpu.dma_semaphore, #tpu.memory_space<semaphore_mem>>) src(%dma_wait3A_503 : memref<256xf32, #tpu.memory_space<vmem>>) dst(%dma_wait3A_501 : memref<256xf32, #tpu.memory_space<vmem_shared>>)
    %barrier3A = arith.constant 0 : index
    tpu.barrier barrier_id(%barrier3A)
    %iota3A = tpu.iota {dimensions = array<i32: 0>} : vector<16xi32>
    %mul3A_504 = arith.constant 10000 : i32
    %mul3A_505 = arith.muli %add3A, %mul3A_504 : i32
    %add3A_506 = arith.constant 0 : i32
    %add3A_507 = arith.addi %mul3A_505, %add3A_506 : i32
    %dma_start3A_508 = tpu.memref_slice %arg3[%add3A_507] : memref<320000xi32, #tpu.memory_space<hbm>> -> memref<2000xi32, #tpu.memory_space<hbm>>
    %dma_start3A_509 = tpu.memref_slice %arg3[%add3A_507] : memref<320000xi32, #tpu.memory_space<hbm>> -> memref<2000xi32, #tpu.memory_space<hbm>>
    tpu.enqueue_dma source(%dma_start3A_509 : memref<2000xi32, #tpu.memory_space<hbm>>) target(%arg10 : memref<2000xi32, #tpu.memory_space<vmem>>) target_semaphore(%arg31 : memref<!tpu.dma_semaphore, #tpu.memory_space<semaphore_mem>>)
    %dma_start3A_510 = tpu.memref_slice %arg4[%add3A_507] : memref<320000xi32, #tpu.memory_space<hbm>> -> memref<2000xi32, #tpu.memory_space<hbm>>
    %dma_start3A_511 = tpu.memref_slice %arg4[%add3A_507] : memref<320000xi32, #tpu.memory_space<hbm>> -> memref<2000xi32, #tpu.memory_space<hbm>>
    tpu.enqueue_dma source(%dma_start3A_511 : memref<2000xi32, #tpu.memory_space<hbm>>) target(%arg12 : memref<2000xi32, #tpu.memory_space<vmem>>) target_semaphore(%arg31 : memref<!tpu.dma_semaphore, #tpu.memory_space<semaphore_mem>>)
    %dma_start3A_512 = tpu.memref_slice %arg5[%add3A_507] : memref<320000xf32, #tpu.memory_space<hbm>> -> memref<2000xf32, #tpu.memory_space<hbm>>
    %dma_start3A_513 = tpu.memref_slice %arg5[%add3A_507] : memref<320000xf32, #tpu.memory_space<hbm>> -> memref<2000xf32, #tpu.memory_space<hbm>>
    tpu.enqueue_dma source(%dma_start3A_513 : memref<2000xf32, #tpu.memory_space<hbm>>) target(%arg14 : memref<2000xf32, #tpu.memory_space<vmem>>) target_semaphore(%arg31 : memref<!tpu.dma_semaphore, #tpu.memory_space<semaphore_mem>>)
    %scan3A_514 = arith.constant 0 : i32
    %scan3A_515 = arith.constant 0 : i32
    %scan3A_516 = arith.constant 3 : i32
    %scan3A_517 = arith.addi %scan3A_515, %scan3A_516 : i32
    %scan3A_518 = arith.constant 1 : i32
    scf.for %scan3A_527 = %scan3A_515 to %scan3A_517 step %scan3A_518  : i32 {
      %mul3A_528 = arith.constant 2 : i32
      %mul3A_529 = arith.muli %scan3A_527, %mul3A_528 : i32
      %add3A_530 = arith.constant 0 : i32
      %add3A_531 = arith.addi %mul3A_529, %add3A_530 : i32
      %lt3A_532 = arith.constant 5 : i32
      %lt3A_533 = arith.cmpi slt, %add3A_531, %lt3A_532 : i32
      %convert_element_type3A_534 = arith.extui %lt3A_533 : i1 to i32
      %cond3A_535 = arith.constant 0 : i32
      %cond3A_536 = arith.cmpi ne, %convert_element_type3A_534, %cond3A_535 : i32
      scf.if %cond3A_536 {
        %dma_wait3A_546 = arith.constant 0 : i32
        %dma_wait3A_547 = tpu.memref_slice %arg3[%dma_wait3A_546] : memref<320000xi32, #tpu.memory_space<hbm>> -> memref<2000xi32, #tpu.memory_space<hbm>>
        %dma_wait3A_548 = arith.constant 0 : i32
        %dma_wait3A_549 = tpu.memref_slice %arg3[%dma_wait3A_548] : memref<320000xi32, #tpu.memory_space<hbm>> -> memref<2000xi32, #tpu.memory_space<hbm>>
        tpu.wait_dma2 semaphore(%arg31 : memref<!tpu.dma_semaphore, #tpu.memory_space<semaphore_mem>>) src(%dma_wait3A_549 : memref<2000xi32, #tpu.memory_space<hbm>>) dst(%arg10 : memref<2000xi32, #tpu.memory_space<vmem>>)
        %dma_wait3A_550 = arith.constant 0 : i32
        %dma_wait3A_551 = tpu.memref_slice %arg4[%dma_wait3A_550] : memref<320000xi32, #tpu.memory_space<hbm>> -> memref<2000xi32, #tpu.memory_space<hbm>>
        %dma_wait3A_552 = arith.constant 0 : i32
        %dma_wait3A_553 = tpu.memref_slice %arg4[%dma_wait3A_552] : memref<320000xi32, #tpu.memory_space<hbm>> -> memref<2000xi32, #tpu.memory_space<hbm>>
        tpu.wait_dma2 semaphore(%arg31 : memref<!tpu.dma_semaphore, #tpu.memory_space<semaphore_mem>>) src(%dma_wait3A_553 : memref<2000xi32, #tpu.memory_space<hbm>>) dst(%arg12 : memref<2000xi32, #tpu.memory_space<vmem>>)
        %dma_wait3A_554 = arith.constant 0 : i32
        %dma_wait3A_555 = tpu.memref_slice %arg5[%dma_wait3A_554] : memref<320000xf32, #tpu.memory_space<hbm>> -> memref<2000xf32, #tpu.memory_space<hbm>>
        %dma_wait3A_556 = arith.constant 0 : i32
        %dma_wait3A_557 = tpu.memref_slice %arg5[%dma_wait3A_556] : memref<320000xf32, #tpu.memory_space<hbm>> -> memref<2000xf32, #tpu.memory_space<hbm>>
        tpu.wait_dma2 semaphore(%arg31 : memref<!tpu.dma_semaphore, #tpu.memory_space<semaphore_mem>>) src(%dma_wait3A_557 : memref<2000xf32, #tpu.memory_space<hbm>>) dst(%arg14 : memref<2000xf32, #tpu.memory_space<vmem>>)
        %add3A_558 = arith.constant 1 : i32
        %add3A_559 = arith.addi %add3A_531, %add3A_558 : i32
        %lt3A_560 = arith.constant 5 : i32
        %lt3A_561 = arith.cmpi slt, %add3A_559, %lt3A_560 : i32
        %convert_element_type3A_562 = arith.extui %lt3A_561 : i1 to i32
        %cond3A_563 = arith.constant 0 : i32
        %cond3A_564 = arith.cmpi ne, %convert_element_type3A_562, %cond3A_563 : i32
        scf.if %cond3A_564 {
          %add3A_653 = arith.constant 1 : i32
          %add3A_654 = arith.addi %add3A_531, %add3A_653 : i32
          %mul3A_655 = arith.constant 10000 : i32
          %mul3A_656 = arith.muli %add3A, %mul3A_655 : i32
          %mul3A_657 = arith.constant 2000 : i32
          %mul3A_658 = arith.muli %add3A_654, %mul3A_657 : i32
          %add3A_659 = arith.addi %mul3A_656, %mul3A_658 : i32
          %dma_start3A_660 = tpu.memref_slice %arg3[%add3A_659] : memref<320000xi32, #tpu.memory_space<hbm>> -> memref<2000xi32, #tpu.memory_space<hbm>>
          %dma_start3A_661 = tpu.memref_slice %arg3[%add3A_659] : memref<320000xi32, #tpu.memory_space<hbm>> -> memref<2000xi32, #tpu.memory_space<hbm>>
          tpu.enqueue_dma source(%dma_start3A_661 : memref<2000xi32, #tpu.memory_space<hbm>>) target(%arg11 : memref<2000xi32, #tpu.memory_space<vmem>>) target_semaphore(%arg32 : memref<!tpu.dma_semaphore, #tpu.memory_space<semaphore_mem>>)
          %dma_start3A_662 = tpu.memref_slice %arg4[%add3A_659] : memref<320000xi32, #tpu.memory_space<hbm>> -> memref<2000xi32, #tpu.memory_space<hbm>>
          %dma_start3A_663 = tpu.memref_slice %arg4[%add3A_659] : memref<320000xi32, #tpu.memory_space<hbm>> -> memref<2000xi32, #tpu.memory_space<hbm>>
          tpu.enqueue_dma source(%dma_start3A_663 : memref<2000xi32, #tpu.memory_space<hbm>>) target(%arg13 : memref<2000xi32, #tpu.memory_space<vmem>>) target_semaphore(%arg32 : memref<!tpu.dma_semaphore, #tpu.memory_space<semaphore_mem>>)
          %dma_start3A_664 = tpu.memref_slice %arg5[%add3A_659] : memref<320000xf32, #tpu.memory_space<hbm>> -> memref<2000xf32, #tpu.memory_space<hbm>>
          %dma_start3A_665 = tpu.memref_slice %arg5[%add3A_659] : memref<320000xf32, #tpu.memory_space<hbm>> -> memref<2000xf32, #tpu.memory_space<hbm>>
          tpu.enqueue_dma source(%dma_start3A_665 : memref<2000xf32, #tpu.memory_space<hbm>>) target(%arg15 : memref<2000xf32, #tpu.memory_space<vmem>>) target_semaphore(%arg32 : memref<!tpu.dma_semaphore, #tpu.memory_space<semaphore_mem>>)
        } else {
        }
        %scan3A_565 = arith.constant 0 : i32
        %scan3A_566 = arith.constant 0 : i32
        %scan3A_567 = arith.constant 125 : i32
        %scan3A_568 = arith.addi %scan3A_566, %scan3A_567 : i32
        %scan3A_569 = arith.constant 1 : i32
        %scan3A_570 = scf.for %scan3A_653 = %scan3A_566 to %scan3A_568 step %scan3A_569 iter_args(%scan3A_654 = %scan3A_565) -> (i32)  : i32 {
          %mul3A_655 = arith.constant 16 : i32
          %mul3A_656 = arith.muli %scan3A_653, %mul3A_655 : i32
          %get3A = arith.index_cast %mul3A_656 : i32 to index
          %get3A_657 = tpu.vector_load %arg10[%get3A] {strides = array<i32>} : memref<2000xi32, #tpu.memory_space<vmem>>, vector<16xi32>,
          %get3A_658 = arith.index_cast %mul3A_656 : i32 to index
          %get3A_659 = tpu.vector_load %arg12[%get3A_658] {strides = array<i32>} : memref<2000xi32, #tpu.memory_space<vmem>>, vector<16xi32>,
          %gather3A = tpu.vector_load_idx %arg9[%get3A_659] : memref<10000xi32, #tpu.memory_space<vmem>>[vector<16xi32>], vector<16xi32>,
          %lt3A_660 = arith.constant 3000 : i32
          %lt3A_661 = vector.broadcast %lt3A_660 : i32 to vector<16xi32>
          %lt3A_662 = arith.cmpi slt, %gather3A, %lt3A_661 : vector<16xi32>
          %convert_element_type3A_663 = arith.extui %lt3A_662 : vector<16xi1> to vector<16xi32>
          %broadcast_in_dim3A_664 = arith.constant true
          %broadcast_in_dim3A_665 = vector.broadcast %broadcast_in_dim3A_664 : i1 to vector<16xi1>
          %masked_cumsum3A = tpu.scan <sum>, %convert_element_type3A_663 masked %broadcast_in_dim3A_665 : vector<16xi32>, vector<16xi1> -> vector<16xi32>
          %broadcast_in_dim3A_666 = vector.broadcast %scan3A_654 : i32 to vector<16xi32>
          %add3A_667 = arith.addi %broadcast_in_dim3A_666, %masked_cumsum3A : vector<16xi32>
          %sub3A_668 = arith.subi %add3A_667, %convert_element_type3A_663 : vector<16xi32>
          tpu.vector_store_idx %arg16[%sub3A_668], %get3A_657 masked %lt3A_662 : memref<2016xi32, #tpu.memory_space<vmem>>[vector<16xi32>], vector<16xi32>, vector<16xi1>
          %get3A_669 = arith.index_cast %mul3A_656 : i32 to index
          %get3A_670 = tpu.vector_load %arg14[%get3A_669] {strides = array<i32>} : memref<2000xf32, #tpu.memory_space<vmem>>, vector<16xf32>,
          tpu.vector_store_idx %arg17[%sub3A_668], %get3A_670 masked %lt3A_662 : memref<2016xf32, #tpu.memory_space<vmem>>[vector<16xi32>], vector<16xf32>, vector<16xi1>
          tpu.vector_store_idx %arg18[%sub3A_668], %gather3A masked %lt3A_662 : memref<2016xi32, #tpu.memory_space<vmem>>[vector<16xi32>], vector<16xi32>, vector<16xi1>
          %gather3A_671 = tpu.vector_load_idx %arg9[%get3A_657] : memref<10000xi32, #tpu.memory_space<vmem>>[vector<16xi32>], vector<16xi32>,
          tpu.vector_store_idx %arg19[%sub3A_668], %gather3A_671 masked %lt3A_662 : memref<2016xi32, #tpu.memory_space<vmem>>[vector<16xi32>], vector<16xi32>, vector<16xi1>
          %reduce_max3A = arith.constant true
          %reduce_max3A_672 = vector.broadcast %reduce_max3A : i1 to vector<16xi1>
          %reduce_max3A_673 = arith.constant -2147483648 : i32
          %reduce_max3A_674 = vector.broadcast %reduce_max3A_673 : i32 to vector<16xi32>
          %reduce_max3A_675 = arith.xori %masked_cumsum3A, %reduce_max3A_674 : vector<16xi32>
          %reduce_max3A_676 = tpu.scan <max>, %reduce_max3A_675 masked %reduce_max3A_672 : vector<16xi32>, vector<16xi1> -> vector<16xi32>
          %reduce_max3A_677 = arith.xori %reduce_max3A_676, %reduce_max3A_674 : vector<16xi32>
          %reduce_max3A_678 = vector.extract %reduce_max3A_677[15] : i32 from vector<16xi32>
          %add3A_679 = arith.addi %scan3A_654, %reduce_max3A_678 : i32
          scf.yield %add3A_679 : i32
        }
        %scan3A_571 = arith.constant 125 : i32
        %add3A_572 = arith.constant 0 : i32
        %add3A_573 = arith.addi %scan3A_570, %add3A_572 : i32
        %broadcast_in_dim3A = arith.constant 0 : i32
        %broadcast_in_dim3A_574 = vector.broadcast %broadcast_in_dim3A : i32 to vector<16xi32>
        %swap3A = arith.index_cast %add3A_573 : i32 to index
        %swap3A_575 = tpu.vector_load %arg16[%swap3A] {strides = array<i32>} : memref<2016xi32, #tpu.memory_space<vmem>>, vector<16xi32>,
        tpu.vector_store %arg16[%swap3A], %broadcast_in_dim3A_574 {strides = array<i32>} : memref<2016xi32, #tpu.memory_space<vmem>>, vector<16xi32>,
        %broadcast_in_dim3A_576 = arith.constant 0.000000e+00 : f32
        %broadcast_in_dim3A_577 = vector.broadcast %broadcast_in_dim3A_576 : f32 to vector<16xf32>
        %swap3A_578 = arith.index_cast %add3A_573 : i32 to index
        %swap3A_579 = tpu.vector_load %arg17[%swap3A_578] {strides = array<i32>} : memref<2016xf32, #tpu.memory_space<vmem>>, vector<16xf32>,
        tpu.vector_store %arg17[%swap3A_578], %broadcast_in_dim3A_577 {strides = array<i32>} : memref<2016xf32, #tpu.memory_space<vmem>>, vector<16xf32>,
        %broadcast_in_dim3A_580 = arith.constant 3000 : i32
        %broadcast_in_dim3A_581 = vector.broadcast %broadcast_in_dim3A_580 : i32 to vector<16xi32>
        %swap3A_582 = arith.index_cast %add3A_573 : i32 to index
        %swap3A_583 = tpu.vector_load %arg18[%swap3A_582] {strides = array<i32>} : memref<2016xi32, #tpu.memory_space<vmem>>, vector<16xi32>,
        tpu.vector_store %arg18[%swap3A_582], %broadcast_in_dim3A_581 {strides = array<i32>} : memref<2016xi32, #tpu.memory_space<vmem>>, vector<16xi32>,
        %broadcast_in_dim3A_584 = arith.constant 3000 : i32
        %broadcast_in_dim3A_585 = vector.broadcast %broadcast_in_dim3A_584 : i32 to vector<16xi32>
        %swap3A_586 = arith.index_cast %add3A_573 : i32 to index
        %swap3A_587 = tpu.vector_load %arg19[%swap3A_586] {strides = array<i32>} : memref<2016xi32, #tpu.memory_space<vmem>>, vector<16xi32>,
        tpu.vector_store %arg19[%swap3A_586], %broadcast_in_dim3A_585 {strides = array<i32>} : memref<2016xi32, #tpu.memory_space<vmem>>, vector<16xi32>,
        %add3A_588 = arith.constant 15 : i32
        %add3A_589 = arith.addi %scan3A_570, %add3A_588 : i32
        %jit3A = arith.constant 16 : i32
        %div3A = arith.divsi %add3A_589, %jit3A : i32
        %sign3A = arith.constant 0 : i32
        %sign3A_590 = arith.cmpi sgt, %add3A_589, %sign3A : i32
        %sign3A_591 = arith.extui %sign3A_590 : i1 to i32
        %sign3A_592 = arith.constant 0 : i32
        %sign3A_593 = arith.cmpi slt, %add3A_589, %sign3A_592 : i32
        %sign3A_594 = arith.extui %sign3A_593 : i1 to i32
        %sign3A_595 = arith.subi %sign3A_591, %sign3A_594 : i32
        %sign3A_596 = arith.constant 0 : i32
        %sign3A_597 = arith.cmpi sgt, %jit3A, %sign3A_596 : i32
        %sign3A_598 = arith.extui %sign3A_597 : i1 to i32
        %sign3A_599 = arith.constant 0 : i32
        %sign3A_600 = arith.cmpi slt, %jit3A, %sign3A_599 : i32
        %sign3A_601 = arith.extui %sign3A_600 : i1 to i32
        %sign3A_602 = arith.subi %sign3A_598, %sign3A_601 : i32
        %ne3A = arith.cmpi ne, %sign3A_595, %sign3A_602 : i32
        %rem3A = arith.remsi %add3A_589, %jit3A : i32
        %ne3A_603 = arith.constant 0 : i32
        %ne3A_604 = arith.cmpi ne, %rem3A, %ne3A_603 : i32
        %and3A = arith.andi %ne3A, %ne3A_604 : i1
        %sub3A = arith.constant 1 : i32
        %sub3A_605 = arith.subi %div3A, %sub3A : i32
        %select_n3A = arith.select %and3A, %sub3A_605, %div3A : i32
        %max3A = arith.constant 1 : i32
        %max3A_606 = arith.maxsi %select_n3A, %max3A : i32
        %dma_start3A_607 = arith.constant 0 : i32
        %dma_start3A_608 = tpu.memref_slice %arg16[%dma_start3A_607] : memref<2016xi32, #tpu.memory_space<vmem>> -> memref<16xi32, #tpu.memory_space<vmem>>
        %dma_start3A_609 = arith.constant 0 : i32
        %dma_start3A_610 = arith.constant 0 : i32
        %dma_start3A_611 = tpu.memref_slice %arg2[%dma_start3A_609, %dma_start3A_610] : memref<10000x128xf32, #tpu.memory_space<hbm>> -> memref<10000x128xf32, #tpu.memory_space<hbm>>
        tpu.enqueue_indirect_dma source(%dma_start3A_611 : memref<10000x128xf32, #tpu.memory_space<hbm>>) target(%arg20 : memref<16x128xf32, #tpu.memory_space<vmem>>) offsets(%dma_start3A_608 : memref<16xi32, #tpu.memory_space<vmem>>) semaphore(%arg27 : memref<!tpu.dma_semaphore, #tpu.memory_space<semaphore_mem>>)
        %add3A_612 = arith.constant 1 : i32
        %add3A_613 = arith.addi %max3A_606, %add3A_612 : i32
        %jit3A_614 = arith.constant 2 : i32
        %div3A_615 = arith.divsi %add3A_613, %jit3A_614 : i32
        %sign3A_616 = arith.constant 0 : i32
        %sign3A_617 = arith.cmpi sgt, %add3A_613, %sign3A_616 : i32
        %sign3A_618 = arith.extui %sign3A_617 : i1 to i32
        %sign3A_619 = arith.constant 0 : i32
        %sign3A_620 = arith.cmpi slt, %add3A_613, %sign3A_619 : i32
        %sign3A_621 = arith.extui %sign3A_620 : i1 to i32
        %sign3A_622 = arith.subi %sign3A_618, %sign3A_621 : i32
        %sign3A_623 = arith.constant 0 : i32
        %sign3A_624 = arith.cmpi sgt, %jit3A_614, %sign3A_623 : i32
        %sign3A_625 = arith.extui %sign3A_624 : i1 to i32
        %sign3A_626 = arith.constant 0 : i32
        %sign3A_627 = arith.cmpi slt, %jit3A_614, %sign3A_626 : i32
        %sign3A_628 = arith.extui %sign3A_627 : i1 to i32
        %sign3A_629 = arith.subi %sign3A_625, %sign3A_628 : i32
        %ne3A_630 = arith.cmpi ne, %sign3A_622, %sign3A_629 : i32
        %rem3A_631 = arith.remsi %add3A_613, %jit3A_614 : i32
        %ne3A_632 = arith.constant 0 : i32
        %ne3A_633 = arith.cmpi ne, %rem3A_631, %ne3A_632 : i32
        %and3A_634 = arith.andi %ne3A_630, %ne3A_633 : i1
        %sub3A_635 = arith.constant 1 : i32
        %sub3A_636 = arith.subi %div3A_615, %sub3A_635 : i32
        %select_n3A_637 = arith.select %and3A_634, %sub3A_636, %div3A_615 : i32
        %while3A = arith.constant 0 : i32
        %while3A_638 = arith.constant 0 : i32
        %while3A_639 = arith.subi %select_n3A_637, %while3A_638 : i32
        %while3A_640 = arith.addi %while3A_638, %while3A_639 : i32
        %while3A_641 = arith.constant 1 : i32
        %while3A_642 = arith.divsi %while3A_639, %while3A_641 : i32
        %while3A_643 = arith.muli %while3A_642, %while3A_641 : i32
        %while3A_644 = arith.addi %while3A_638, %while3A_643 : i32
        %while3A_645 = arith.constant 1 : i32
        scf.for %while3A_653 = %while3A_638 to %while3A_644 step %while3A_645  : i32 {
          %mul3A_654 = arith.constant 2 : i32
          %mul3A_655 = arith.muli %while3A_653, %mul3A_654 : i32
          %add3A_656 = arith.constant 0 : i32
          %add3A_657 = arith.addi %mul3A_655, %add3A_656 : i32
          %lt3A_658 = arith.cmpi slt, %add3A_657, %max3A_606 : i32
          %convert_element_type3A_659 = arith.extui %lt3A_658 : i1 to i32
          %cond3A_660 = arith.constant 0 : i32
          %cond3A_661 = arith.cmpi ne, %convert_element_type3A_659, %cond3A_660 : i32
          scf.if %cond3A_661 {
            %mul3A_670 = arith.constant 16 : i32
            %mul3A_671 = arith.muli %add3A_657, %mul3A_670 : i32
            %dma_wait3A_672 = arith.constant 0 : i32
            %dma_wait3A_673 = tpu.memref_slice %arg16[%dma_wait3A_672] : memref<2016xi32, #tpu.memory_space<vmem>> -> memref<16xi32, #tpu.memory_space<vmem>>
            %dma_wait3A_674 = arith.constant 0 : i32
            %dma_wait3A_675 = arith.constant 0 : i32
            %dma_wait3A_676 = tpu.memref_slice %arg2[%dma_wait3A_674, %dma_wait3A_675] : memref<10000x128xf32, #tpu.memory_space<hbm>> -> memref<10000x128xf32, #tpu.memory_space<hbm>>
            tpu.wait_indirect_dma semaphore(%arg27 : memref<!tpu.dma_semaphore, #tpu.memory_space<semaphore_mem>>) src(%dma_wait3A_676 : memref<10000x128xf32, #tpu.memory_space<hbm>>) dst(%arg20 : memref<16x128xf32, #tpu.memory_space<vmem>>)
            %add3A_677 = arith.constant 1 : i32
            %add3A_678 = arith.addi %add3A_657, %add3A_677 : i32
            %lt3A_679 = arith.cmpi slt, %add3A_678, %max3A_606 : i32
            %convert_element_type3A_680 = arith.extui %lt3A_679 : i1 to i32
            %cond3A_681 = arith.constant 0 : i32
            %cond3A_682 = arith.cmpi ne, %convert_element_type3A_680, %cond3A_681 : i32
            scf.if %cond3A_682 {
              %add3A_716 = arith.constant 16 : i32
              %add3A_717 = arith.addi %mul3A_671, %add3A_716 : i32
              %dma_start3A_718 = tpu.memref_slice %arg16[%add3A_717] : memref<2016xi32, #tpu.memory_space<vmem>> -> memref<16xi32, #tpu.memory_space<vmem>>
              %dma_start3A_719 = arith.constant 0 : i32
              %dma_start3A_720 = arith.constant 0 : i32
              %dma_start3A_721 = tpu.memref_slice %arg2[%dma_start3A_719, %dma_start3A_720] : memref<10000x128xf32, #tpu.memory_space<hbm>> -> memref<10000x128xf32, #tpu.memory_space<hbm>>
              tpu.enqueue_indirect_dma source(%dma_start3A_721 : memref<10000x128xf32, #tpu.memory_space<hbm>>) target(%arg21 : memref<16x128xf32, #tpu.memory_space<vmem>>) offsets(%dma_start3A_718 : memref<16xi32, #tpu.memory_space<vmem>>) semaphore(%arg28 : memref<!tpu.dma_semaphore, #tpu.memory_space<semaphore_mem>>)
            } else {
            }
            %ge3A_683 = arith.constant 2 : i32
            %ge3A_684 = arith.cmpi sge, %add3A_657, %ge3A_683 : i32
            %convert_element_type3A_685 = arith.extui %ge3A_684 : i1 to i32
            %cond3A_686 = arith.constant 0 : i32
            %cond3A_687 = arith.cmpi ne, %convert_element_type3A_685, %cond3A_686 : i32
            scf.if %cond3A_687 {
              %dma_wait3A_716 = arith.constant 0 : i32
              %dma_wait3A_717 = tpu.memref_slice %arg26[%dma_wait3A_716] : memref<790528xf32, #tpu.memory_space<vmem_shared>> -> memref<790528xf32, #tpu.memory_space<vmem_shared>>
              tpu.wait_indirect_dma semaphore(%arg29 : memref<!tpu.dma_semaphore, #tpu.memory_space<semaphore_mem>>) src(%arg22 : memref<2064xf32, #tpu.memory_space<vmem>>) dst(%dma_wait3A_717 : memref<790528xf32, #tpu.memory_space<vmem_shared>>)
            } else {
            }
            %scan3A_688 = arith.constant 0 : i32
            %scan3A_689 = arith.constant 0 : i32
            %scan3A_690 = arith.constant 16 : i32
            %scan3A_691 = arith.addi %scan3A_689, %scan3A_690 : i32
            %scan3A_692 = arith.constant 1 : i32
            scf.for %scan3A_716 = %scan3A_689 to %scan3A_691 step %scan3A_692  : i32 {
              %add3A_717 = arith.addi %mul3A_671, %scan3A_716 : i32
              %broadcast_in_dim3A_718 = vector.broadcast %add3A_717 : i32 to vector<16xi32>
              %gather3A = tpu.vector_load_idx %arg17[%broadcast_in_dim3A_718] : memref<2016xf32, #tpu.memory_space<vmem>>[vector<16xi32>], vector<16xf32>,
              %gather3A_719 = tpu.vector_load_idx %arg19[%broadcast_in_dim3A_718] : memref<2016xi32, #tpu.memory_space<vmem>>[vector<16xi32>], vector<16xi32>,
              %lt3A_720 = arith.constant 3000 : i32
              %lt3A_721 = vector.broadcast %lt3A_720 : i32 to vector<16xi32>
              %lt3A_722 = arith.cmpi slt, %gather3A_719, %lt3A_721 : vector<16xi32>
              %gather3A_723 = tpu.vector_load_idx %arg18[%broadcast_in_dim3A_718] : memref<2016xi32, #tpu.memory_space<vmem>>[vector<16xi32>], vector<16xi32>,
              %mul3A_724 = arith.constant 256 : i32
              %mul3A_725 = vector.broadcast %mul3A_724 : i32 to vector<16xi32>
              %mul3A_726 = arith.muli %gather3A_723, %mul3A_725 : vector<16xi32>
              %add3A_727 = arith.addi %mul3A_726, %iota3A : vector<16xi32>
              %convert_element_type3A_728 = arith.extui %lt3A_722 : vector<16xi1> to vector<16xi32>
              %mul3A_729 = arith.constant 128 : i32
              %mul3A_730 = vector.broadcast %mul3A_729 : i32 to vector<16xi32>
              %mul3A_731 = arith.muli %convert_element_type3A_728, %mul3A_730 : vector<16xi32>
              %add3A_732 = arith.addi %add3A_727, %mul3A_731 : vector<16xi32>
              %mul3A_733 = arith.constant 128 : i32
              %mul3A_734 = arith.muli %scan3A_716, %mul3A_733 : i32
              %get3A_735 = arith.index_cast %scan3A_716 : i32 to index
              %get3A_736 = arith.constant 0 : index
              %get3A_737 = tpu.vector_load %arg20[%get3A_735, %get3A_736] {strides = array<i32>} : memref<16x128xf32, #tpu.memory_space<vmem>>, vector<16xf32>,
              %mul3A_738 = arith.mulf %get3A_737, %gather3A : vector<16xf32>
              %add3A_739 = arith.constant 0 : i32
              %add3A_740 = arith.addi %mul3A_734, %add3A_739 : i32
              %swap3A_741 = arith.index_cast %add3A_740 : i32 to index
              %swap3A_742 = tpu.vector_load %arg22[%swap3A_741] {strides = array<i32>} : memref<2064xf32, #tpu.memory_space<vmem>>, vector<16xf32>,
              tpu.vector_store %arg22[%swap3A_741], %mul3A_738 {strides = array<i32>} : memref<2064xf32, #tpu.memory_space<vmem>>, vector<16xf32>,
              %add3A_743 = arith.constant 0 : i32
              %add3A_744 = vector.broadcast %add3A_743 : i32 to vector<16xi32>
              %add3A_745 = arith.addi %add3A_732, %add3A_744 : vector<16xi32>
              %add3A_746 = arith.constant 0 : i32
              %add3A_747 = arith.addi %mul3A_734, %add3A_746 : i32
              %swap3A_748 = arith.index_cast %add3A_747 : i32 to index
              %swap3A_749 = tpu.vector_load %arg24[%swap3A_748] {strides = array<i32>} : memref<2064xi32, #tpu.memory_space<vmem>>, vector<16xi32>,
              tpu.vector_store %arg24[%swap3A_748], %add3A_745 {strides = array<i32>} : memref<2064xi32, #tpu.memory_space<vmem>>, vector<16xi32>,
              %get3A_750 = arith.index_cast %scan3A_716 : i32 to index
              %get3A_751 = arith.constant 16 : index
              %get3A_752 = tpu.vector_load %arg20[%get3A_750, %get3A_751] {strides = array<i32>} : memref<16x128xf32, #tpu.memory_space<vmem>>, vector<16xf32>,
              %mul3A_753 = arith.mulf %get3A_752, %gather3A : vector<16xf32>
              %add3A_754 = arith.constant 16 : i32
              %add3A_755 = arith.addi %mul3A_734, %add3A_754 : i32
              %swap3A_756 = arith.index_cast %add3A_755 : i32 to index
              %swap3A_757 = tpu.vector_load %arg22[%swap3A_756] {strides = array<i32>} : memref<2064xf32, #tpu.memory_space<vmem>>, vector<16xf32>,
              tpu.vector_store %arg22[%swap3A_756], %mul3A_753 {strides = array<i32>} : memref<2064xf32, #tpu.memory_space<vmem>>, vector<16xf32>,
              %add3A_758 = arith.constant 16 : i32
              %add3A_759 = vector.broadcast %add3A_758 : i32 to vector<16xi32>
              %add3A_760 = arith.addi %add3A_732, %add3A_759 : vector<16xi32>
              %add3A_761 = arith.constant 16 : i32
              %add3A_762 = arith.addi %mul3A_734, %add3A_761 : i32
              %swap3A_763 = arith.index_cast %add3A_762 : i32 to index
              %swap3A_764 = tpu.vector_load %arg24[%swap3A_763] {strides = array<i32>} : memref<2064xi32, #tpu.memory_space<vmem>>, vector<16xi32>,
              tpu.vector_store %arg24[%swap3A_763], %add3A_760 {strides = array<i32>} : memref<2064xi32, #tpu.memory_space<vmem>>, vector<16xi32>,
              %get3A_765 = arith.index_cast %scan3A_716 : i32 to index
              %get3A_766 = arith.constant 32 : index
              %get3A_767 = tpu.vector_load %arg20[%get3A_765, %get3A_766] {strides = array<i32>} : memref<16x128xf32, #tpu.memory_space<vmem>>, vector<16xf32>,
              %mul3A_768 = arith.mulf %get3A_767, %gather3A : vector<16xf32>
              %add3A_769 = arith.constant 32 : i32
              %add3A_770 = arith.addi %mul3A_734, %add3A_769 : i32
              %swap3A_771 = arith.index_cast %add3A_770 : i32 to index
              %swap3A_772 = tpu.vector_load %arg22[%swap3A_771] {strides = array<i32>} : memref<2064xf32, #tpu.memory_space<vmem>>, vector<16xf32>,
              tpu.vector_store %arg22[%swap3A_771], %mul3A_768 {strides = array<i32>} : memref<2064xf32, #tpu.memory_space<vmem>>, vector<16xf32>,
              %add3A_773 = arith.constant 32 : i32
              %add3A_774 = vector.broadcast %add3A_773 : i32 to vector<16xi32>
              %add3A_775 = arith.addi %add3A_732, %add3A_774 : vector<16xi32>
              %add3A_776 = arith.constant 32 : i32
              %add3A_777 = arith.addi %mul3A_734, %add3A_776 : i32
              %swap3A_778 = arith.index_cast %add3A_777 : i32 to index
              %swap3A_779 = tpu.vector_load %arg24[%swap3A_778] {strides = array<i32>} : memref<2064xi32, #tpu.memory_space<vmem>>, vector<16xi32>,
              tpu.vector_store %arg24[%swap3A_778], %add3A_775 {strides = array<i32>} : memref<2064xi32, #tpu.memory_space<vmem>>, vector<16xi32>,
              %get3A_780 = arith.index_cast %scan3A_716 : i32 to index
              %get3A_781 = arith.constant 48 : index
              %get3A_782 = tpu.vector_load %arg20[%get3A_780, %get3A_781] {strides = array<i32>} : memref<16x128xf32, #tpu.memory_space<vmem>>, vector<16xf32>,
              %mul3A_783 = arith.mulf %get3A_782, %gather3A : vector<16xf32>
              %add3A_784 = arith.constant 48 : i32
              %add3A_785 = arith.addi %mul3A_734, %add3A_784 : i32
              %swap3A_786 = arith.index_cast %add3A_785 : i32 to index
              %swap3A_787 = tpu.vector_load %arg22[%swap3A_786] {strides = array<i32>} : memref<2064xf32, #tpu.memory_space<vmem>>, vector<16xf32>,
              tpu.vector_store %arg22[%swap3A_786], %mul3A_783 {strides = array<i32>} : memref<2064xf32, #tpu.memory_space<vmem>>, vector<16xf32>,
              %add3A_788 = arith.constant 48 : i32
              %add3A_789 = vector.broadcast %add3A_788 : i32 to vector<16xi32>
              %add3A_790 = arith.addi %add3A_732, %add3A_789 : vector<16xi32>
              %add3A_791 = arith.constant 48 : i32
              %add3A_792 = arith.addi %mul3A_734, %add3A_791 : i32
              %swap3A_793 = arith.index_cast %add3A_792 : i32 to index
              %swap3A_794 = tpu.vector_load %arg24[%swap3A_793] {strides = array<i32>} : memref<2064xi32, #tpu.memory_space<vmem>>, vector<16xi32>,
              tpu.vector_store %arg24[%swap3A_793], %add3A_790 {strides = array<i32>} : memref<2064xi32, #tpu.memory_space<vmem>>, vector<16xi32>,
              %get3A_795 = arith.index_cast %scan3A_716 : i32 to index
              %get3A_796 = arith.constant 64 : index
              %get3A_797 = tpu.vector_load %arg20[%get3A_795, %get3A_796] {strides = array<i32>} : memref<16x128xf32, #tpu.memory_space<vmem>>, vector<16xf32>,
              %mul3A_798 = arith.mulf %get3A_797, %gather3A : vector<16xf32>
              %add3A_799 = arith.constant 64 : i32
              %add3A_800 = arith.addi %mul3A_734, %add3A_799 : i32
              %swap3A_801 = arith.index_cast %add3A_800 : i32 to index
              %swap3A_802 = tpu.vector_load %arg22[%swap3A_801] {strides = array<i32>} : memref<2064xf32, #tpu.memory_space<vmem>>, vector<16xf32>,
              tpu.vector_store %arg22[%swap3A_801], %mul3A_798 {strides = array<i32>} : memref<2064xf32, #tpu.memory_space<vmem>>, vector<16xf32>,
              %add3A_803 = arith.constant 64 : i32
              %add3A_804 = vector.broadcast %add3A_803 : i32 to vector<16xi32>
              %add3A_805 = arith.addi %add3A_732, %add3A_804 : vector<16xi32>
              %add3A_806 = arith.constant 64 : i32
              %add3A_807 = arith.addi %mul3A_734, %add3A_806 : i32
              %swap3A_808 = arith.index_cast %add3A_807 : i32 to index
              %swap3A_809 = tpu.vector_load %arg24[%swap3A_808] {strides = array<i32>} : memref<2064xi32, #tpu.memory_space<vmem>>, vector<16xi32>,
              tpu.vector_store %arg24[%swap3A_808], %add3A_805 {strides = array<i32>} : memref<2064xi32, #tpu.memory_space<vmem>>, vector<16xi32>,
              %get3A_810 = arith.index_cast %scan3A_716 : i32 to index
              %get3A_811 = arith.constant 80 : index
              %get3A_812 = tpu.vector_load %arg20[%get3A_810, %get3A_811] {strides = array<i32>} : memref<16x128xf32, #tpu.memory_space<vmem>>, vector<16xf32>,
              %mul3A_813 = arith.mulf %get3A_812, %gather3A : vector<16xf32>
              %add3A_814 = arith.constant 80 : i32
              %add3A_815 = arith.addi %mul3A_734, %add3A_814 : i32
              %swap3A_816 = arith.index_cast %add3A_815 : i32 to index
              %swap3A_817 = tpu.vector_load %arg22[%swap3A_816] {strides = array<i32>} : memref<2064xf32, #tpu.memory_space<vmem>>, vector<16xf32>,
              tpu.vector_store %arg22[%swap3A_816], %mul3A_813 {strides = array<i32>} : memref<2064xf32, #tpu.memory_space<vmem>>, vector<16xf32>,
              %add3A_818 = arith.constant 80 : i32
              %add3A_819 = vector.broadcast %add3A_818 : i32 to vector<16xi32>
              %add3A_820 = arith.addi %add3A_732, %add3A_819 : vector<16xi32>
              %add3A_821 = arith.constant 80 : i32
              %add3A_822 = arith.addi %mul3A_734, %add3A_821 : i32
              %swap3A_823 = arith.index_cast %add3A_822 : i32 to index
              %swap3A_824 = tpu.vector_load %arg24[%swap3A_823] {strides = array<i32>} : memref<2064xi32, #tpu.memory_space<vmem>>, vector<16xi32>,
              tpu.vector_store %arg24[%swap3A_823], %add3A_820 {strides = array<i32>} : memref<2064xi32, #tpu.memory_space<vmem>>, vector<16xi32>,
              %get3A_825 = arith.index_cast %scan3A_716 : i32 to index
              %get3A_826 = arith.constant 96 : index
              %get3A_827 = tpu.vector_load %arg20[%get3A_825, %get3A_826] {strides = array<i32>} : memref<16x128xf32, #tpu.memory_space<vmem>>, vector<16xf32>,
              %mul3A_828 = arith.mulf %get3A_827, %gather3A : vector<16xf32>
              %add3A_829 = arith.constant 96 : i32
              %add3A_830 = arith.addi %mul3A_734, %add3A_829 : i32
              %swap3A_831 = arith.index_cast %add3A_830 : i32 to index
              %swap3A_832 = tpu.vector_load %arg22[%swap3A_831] {strides = array<i32>} : memref<2064xf32, #tpu.memory_space<vmem>>, vector<16xf32>,
              tpu.vector_store %arg22[%swap3A_831], %mul3A_828 {strides = array<i32>} : memref<2064xf32, #tpu.memory_space<vmem>>, vector<16xf32>,
              %add3A_833 = arith.constant 96 : i32
              %add3A_834 = vector.broadcast %add3A_833 : i32 to vector<16xi32>
              %add3A_835 = arith.addi %add3A_732, %add3A_834 : vector<16xi32>
              %add3A_836 = arith.constant 96 : i32
              %add3A_837 = arith.addi %mul3A_734, %add3A_836 : i32
              %swap3A_838 = arith.index_cast %add3A_837 : i32 to index
              %swap3A_839 = tpu.vector_load %arg24[%swap3A_838] {strides = array<i32>} : memref<2064xi32, #tpu.memory_space<vmem>>, vector<16xi32>,
              tpu.vector_store %arg24[%swap3A_838], %add3A_835 {strides = array<i32>} : memref<2064xi32, #tpu.memory_space<vmem>>, vector<16xi32>,
              %get3A_840 = arith.index_cast %scan3A_716 : i32 to index
              %get3A_841 = arith.constant 112 : index
              %get3A_842 = tpu.vector_load %arg20[%get3A_840, %get3A_841] {strides = array<i32>} : memref<16x128xf32, #tpu.memory_space<vmem>>, vector<16xf32>,
              %mul3A_843 = arith.mulf %get3A_842, %gather3A : vector<16xf32>
              %add3A_844 = arith.constant 112 : i32
              %add3A_845 = arith.addi %mul3A_734, %add3A_844 : i32
              %swap3A_846 = arith.index_cast %add3A_845 : i32 to index
              %swap3A_847 = tpu.vector_load %arg22[%swap3A_846] {strides = array<i32>} : memref<2064xf32, #tpu.memory_space<vmem>>, vector<16xf32>,
              tpu.vector_store %arg22[%swap3A_846], %mul3A_843 {strides = array<i32>} : memref<2064xf32, #tpu.memory_space<vmem>>, vector<16xf32>,
              %add3A_848 = arith.constant 112 : i32
              %add3A_849 = vector.broadcast %add3A_848 : i32 to vector<16xi32>
              %add3A_850 = arith.addi %add3A_732, %add3A_849 : vector<16xi32>
              %add3A_851 = arith.constant 112 : i32
              %add3A_852 = arith.addi %mul3A_734, %add3A_851 : i32
              %swap3A_853 = arith.index_cast %add3A_852 : i32 to index
              %swap3A_854 = tpu.vector_load %arg24[%swap3A_853] {strides = array<i32>} : memref<2064xi32, #tpu.memory_space<vmem>>, vector<16xi32>,
              tpu.vector_store %arg24[%swap3A_853], %add3A_850 {strides = array<i32>} : memref<2064xi32, #tpu.memory_space<vmem>>, vector<16xi32>,
            }
            %scan3A_693 = arith.constant 16 : i32
            %add3A_694 = arith.constant 0 : i32
            %add3A_695 = arith.addi %mul3A_671, %add3A_694 : i32
            %get3A = arith.index_cast %add3A_695 : i32 to index
            %get3A_696 = tpu.vector_load %arg19[%get3A] {strides = array<i32>} : memref<2016xi32, #tpu.memory_space<vmem>>, vector<16xi32>,
            %lt3A_697 = arith.constant 3000 : i32
            %lt3A_698 = vector.broadcast %lt3A_697 : i32 to vector<16xi32>
            %lt3A_699 = arith.cmpi slt, %get3A_696, %lt3A_698 : vector<16xi32>
            %get3A_700 = arith.index_cast %add3A_695 : i32 to index
            %get3A_701 = tpu.vector_load %arg17[%get3A_700] {strides = array<i32>} : memref<2016xf32, #tpu.memory_space<vmem>>, vector<16xf32>,
            %broadcast_in_dim3A_702 = arith.constant 0.000000e+00 : f32
            %broadcast_in_dim3A_703 = vector.broadcast %broadcast_in_dim3A_702 : f32 to vector<16xf32>
            %select_n3A_704 = arith.select %lt3A_699, %get3A_701, %broadcast_in_dim3A_703 : vector<16xi1>, vector<16xf32>
            %swap3A_705 = arith.constant 2048 : index
            %swap3A_706 = tpu.vector_load %arg22[%swap3A_705] {strides = array<i32>} : memref<2064xf32, #tpu.memory_space<vmem>>, vector<16xf32>,
            tpu.vector_store %arg22[%swap3A_705], %select_n3A_704 {strides = array<i32>} : memref<2064xf32, #tpu.memory_space<vmem>>, vector<16xf32>,
            %get3A_707 = arith.index_cast %add3A_695 : i32 to index
            %get3A_708 = tpu.vector_load %arg18[%get3A_707] {strides = array<i32>} : memref<2016xi32, #tpu.memory_space<vmem>>, vector<16xi32>,
            %add3A_709 = arith.constant 786432 : i32
            %add3A_710 = vector.broadcast %add3A_709 : i32 to vector<16xi32>
            %add3A_711 = arith.addi %get3A_708, %add3A_710 : vector<16xi32>
            %swap3A_712 = arith.constant 2048 : index
            %swap3A_713 = tpu.vector_load %arg24[%swap3A_712] {strides = array<i32>} : memref<2064xi32, #tpu.memory_space<vmem>>, vector<16xi32>,
            tpu.vector_store %arg24[%swap3A_712], %add3A_711 {strides = array<i32>} : memref<2064xi32, #tpu.memory_space<vmem>>, vector<16xi32>,
            %dma_start3A_714 = arith.constant 0 : i32
            %dma_start3A_715 = tpu.memref_slice %arg26[%dma_start3A_714] : memref<790528xf32, #tpu.memory_space<vmem_shared>> -> memref<790528xf32, #tpu.memory_space<vmem_shared>>
            tpu.enqueue_indirect_dma source(%arg22 : memref<2064xf32, #tpu.memory_space<vmem>>) target(%dma_start3A_715 : memref<790528xf32, #tpu.memory_space<vmem_shared>>) offsets(%arg24 : memref<2064xi32, #tpu.memory_space<vmem>>) semaphore(%arg29 : memref<!tpu.dma_semaphore, #tpu.memory_space<semaphore_mem>>) {add = true}
          } else {
          }
          %mul3A_662 = arith.constant 2 : i32
          %mul3A_663 = arith.muli %while3A_653, %mul3A_662 : i32
          %add3A_664 = arith.constant 1 : i32
          %add3A_665 = arith.addi %mul3A_663, %add3A_664 : i32
          %lt3A_666 = arith.cmpi slt, %add3A_665, %max3A_606 : i32
          %convert_element_type3A_667 = arith.extui %lt3A_666 : i1 to i32
          %cond3A_668 = arith.constant 0 : i32
          %cond3A_669 = arith.cmpi ne, %convert_element_type3A_667, %cond3A_668 : i32
          scf.if %cond3A_669 {
            %mul3A_670 = arith.constant 16 : i32
            %mul3A_671 = arith.muli %add3A_665, %mul3A_670 : i32
            %dma_wait3A_672 = arith.constant 0 : i32
            %dma_wait3A_673 = tpu.memref_slice %arg16[%dma_wait3A_672] : memref<2016xi32, #tpu.memory_space<vmem>> -> memref<16xi32, #tpu.memory_space<vmem>>
            %dma_wait3A_674 = arith.constant 0 : i32
            %dma_wait3A_675 = arith.constant 0 : i32
            %dma_wait3A_676 = tpu.memref_slice %arg2[%dma_wait3A_674, %dma_wait3A_675] : memref<10000x128xf32, #tpu.memory_space<hbm>> -> memref<10000x128xf32, #tpu.memory_space<hbm>>
            tpu.wait_indirect_dma semaphore(%arg28 : memref<!tpu.dma_semaphore, #tpu.memory_space<semaphore_mem>>) src(%dma_wait3A_676 : memref<10000x128xf32, #tpu.memory_space<hbm>>) dst(%arg21 : memref<16x128xf32, #tpu.memory_space<vmem>>)
            %add3A_677 = arith.constant 1 : i32
            %add3A_678 = arith.addi %add3A_665, %add3A_677 : i32
            %lt3A_679 = arith.cmpi slt, %add3A_678, %max3A_606 : i32
            %convert_element_type3A_680 = arith.extui %lt3A_679 : i1 to i32
            %cond3A_681 = arith.constant 0 : i32
            %cond3A_682 = arith.cmpi ne, %convert_element_type3A_680, %cond3A_681 : i32
            scf.if %cond3A_682 {
              %add3A_716 = arith.constant 16 : i32
              %add3A_717 = arith.addi %mul3A_671, %add3A_716 : i32
              %dma_start3A_718 = tpu.memref_slice %arg16[%add3A_717] : memref<2016xi32, #tpu.memory_space<vmem>> -> memref<16xi32, #tpu.memory_space<vmem>>
              %dma_start3A_719 = arith.constant 0 : i32
              %dma_start3A_720 = arith.constant 0 : i32
              %dma_start3A_721 = tpu.memref_slice %arg2[%dma_start3A_719, %dma_start3A_720] : memref<10000x128xf32, #tpu.memory_space<hbm>> -> memref<10000x128xf32, #tpu.memory_space<hbm>>
              tpu.enqueue_indirect_dma source(%dma_start3A_721 : memref<10000x128xf32, #tpu.memory_space<hbm>>) target(%arg20 : memref<16x128xf32, #tpu.memory_space<vmem>>) offsets(%dma_start3A_718 : memref<16xi32, #tpu.memory_space<vmem>>) semaphore(%arg27 : memref<!tpu.dma_semaphore, #tpu.memory_space<semaphore_mem>>)
            } else {
            }
            %ge3A_683 = arith.constant 2 : i32
            %ge3A_684 = arith.cmpi sge, %add3A_665, %ge3A_683 : i32
            %convert_element_type3A_685 = arith.extui %ge3A_684 : i1 to i32
            %cond3A_686 = arith.constant 0 : i32
            %cond3A_687 = arith.cmpi ne, %convert_element_type3A_685, %cond3A_686 : i32
            scf.if %cond3A_687 {
              %dma_wait3A_716 = arith.constant 0 : i32
              %dma_wait3A_717 = tpu.memref_slice %arg26[%dma_wait3A_716] : memref<790528xf32, #tpu.memory_space<vmem_shared>> -> memref<790528xf32, #tpu.memory_space<vmem_shared>>
              tpu.wait_indirect_dma semaphore(%arg30 : memref<!tpu.dma_semaphore, #tpu.memory_space<semaphore_mem>>) src(%arg23 : memref<2064xf32, #tpu.memory_space<vmem>>) dst(%dma_wait3A_717 : memref<790528xf32, #tpu.memory_space<vmem_shared>>)
            } else {
            }
            %scan3A_688 = arith.constant 0 : i32
            %scan3A_689 = arith.constant 0 : i32
            %scan3A_690 = arith.constant 16 : i32
            %scan3A_691 = arith.addi %scan3A_689, %scan3A_690 : i32
            %scan3A_692 = arith.constant 1 : i32
            scf.for %scan3A_716 = %scan3A_689 to %scan3A_691 step %scan3A_692  : i32 {
              %add3A_717 = arith.addi %mul3A_671, %scan3A_716 : i32
              %broadcast_in_dim3A_718 = vector.broadcast %add3A_717 : i32 to vector<16xi32>
              %gather3A = tpu.vector_load_idx %arg17[%broadcast_in_dim3A_718] : memref<2016xf32, #tpu.memory_space<vmem>>[vector<16xi32>], vector<16xf32>,
              %gather3A_719 = tpu.vector_load_idx %arg19[%broadcast_in_dim3A_718] : memref<2016xi32, #tpu.memory_space<vmem>>[vector<16xi32>], vector<16xi32>,
              %lt3A_720 = arith.constant 3000 : i32
              %lt3A_721 = vector.broadcast %lt3A_720 : i32 to vector<16xi32>
              %lt3A_722 = arith.cmpi slt, %gather3A_719, %lt3A_721 : vector<16xi32>
              %gather3A_723 = tpu.vector_load_idx %arg18[%broadcast_in_dim3A_718] : memref<2016xi32, #tpu.memory_space<vmem>>[vector<16xi32>], vector<16xi32>,
              %mul3A_724 = arith.constant 256 : i32
              %mul3A_725 = vector.broadcast %mul3A_724 : i32 to vector<16xi32>
              %mul3A_726 = arith.muli %gather3A_723, %mul3A_725 : vector<16xi32>
              %add3A_727 = arith.addi %mul3A_726, %iota3A : vector<16xi32>
              %convert_element_type3A_728 = arith.extui %lt3A_722 : vector<16xi1> to vector<16xi32>
              %mul3A_729 = arith.constant 128 : i32
              %mul3A_730 = vector.broadcast %mul3A_729 : i32 to vector<16xi32>
              %mul3A_731 = arith.muli %convert_element_type3A_728, %mul3A_730 : vector<16xi32>
              %add3A_732 = arith.addi %add3A_727, %mul3A_731 : vector<16xi32>
              %mul3A_733 = arith.constant 128 : i32
              %mul3A_734 = arith.muli %scan3A_716, %mul3A_733 : i32
              %get3A_735 = arith.index_cast %scan3A_716 : i32 to index
              %get3A_736 = arith.constant 0 : index
              %get3A_737 = tpu.vector_load %arg21[%get3A_735, %get3A_736] {strides = array<i32>} : memref<16x128xf32, #tpu.memory_space<vmem>>, vector<16xf32>,
              %mul3A_738 = arith.mulf %get3A_737, %gather3A : vector<16xf32>
              %add3A_739 = arith.constant 0 : i32
              %add3A_740 = arith.addi %mul3A_734, %add3A_739 : i32
              %swap3A_741 = arith.index_cast %add3A_740 : i32 to index
              %swap3A_742 = tpu.vector_load %arg23[%swap3A_741] {strides = array<i32>} : memref<2064xf32, #tpu.memory_space<vmem>>, vector<16xf32>,
              tpu.vector_store %arg23[%swap3A_741], %mul3A_738 {strides = array<i32>} : memref<2064xf32, #tpu.memory_space<vmem>>, vector<16xf32>,
              %add3A_743 = arith.constant 0 : i32
              %add3A_744 = vector.broadcast %add3A_743 : i32 to vector<16xi32>
              %add3A_745 = arith.addi %add3A_732, %add3A_744 : vector<16xi32>
              %add3A_746 = arith.constant 0 : i32
              %add3A_747 = arith.addi %mul3A_734, %add3A_746 : i32
              %swap3A_748 = arith.index_cast %add3A_747 : i32 to index
              %swap3A_749 = tpu.vector_load %arg25[%swap3A_748] {strides = array<i32>} : memref<2064xi32, #tpu.memory_space<vmem>>, vector<16xi32>,
              tpu.vector_store %arg25[%swap3A_748], %add3A_745 {strides = array<i32>} : memref<2064xi32, #tpu.memory_space<vmem>>, vector<16xi32>,
              %get3A_750 = arith.index_cast %scan3A_716 : i32 to index
              %get3A_751 = arith.constant 16 : index
              %get3A_752 = tpu.vector_load %arg21[%get3A_750, %get3A_751] {strides = array<i32>} : memref<16x128xf32, #tpu.memory_space<vmem>>, vector<16xf32>,
              %mul3A_753 = arith.mulf %get3A_752, %gather3A : vector<16xf32>
              %add3A_754 = arith.constant 16 : i32
              %add3A_755 = arith.addi %mul3A_734, %add3A_754 : i32
              %swap3A_756 = arith.index_cast %add3A_755 : i32 to index
              %swap3A_757 = tpu.vector_load %arg23[%swap3A_756] {strides = array<i32>} : memref<2064xf32, #tpu.memory_space<vmem>>, vector<16xf32>,
              tpu.vector_store %arg23[%swap3A_756], %mul3A_753 {strides = array<i32>} : memref<2064xf32, #tpu.memory_space<vmem>>, vector<16xf32>,
              %add3A_758 = arith.constant 16 : i32
              %add3A_759 = vector.broadcast %add3A_758 : i32 to vector<16xi32>
              %add3A_760 = arith.addi %add3A_732, %add3A_759 : vector<16xi32>
              %add3A_761 = arith.constant 16 : i32
              %add3A_762 = arith.addi %mul3A_734, %add3A_761 : i32
              %swap3A_763 = arith.index_cast %add3A_762 : i32 to index
              %swap3A_764 = tpu.vector_load %arg25[%swap3A_763] {strides = array<i32>} : memref<2064xi32, #tpu.memory_space<vmem>>, vector<16xi32>,
              tpu.vector_store %arg25[%swap3A_763], %add3A_760 {strides = array<i32>} : memref<2064xi32, #tpu.memory_space<vmem>>, vector<16xi32>,
              %get3A_765 = arith.index_cast %scan3A_716 : i32 to index
              %get3A_766 = arith.constant 32 : index
              %get3A_767 = tpu.vector_load %arg21[%get3A_765, %get3A_766] {strides = array<i32>} : memref<16x128xf32, #tpu.memory_space<vmem>>, vector<16xf32>,
              %mul3A_768 = arith.mulf %get3A_767, %gather3A : vector<16xf32>
              %add3A_769 = arith.constant 32 : i32
              %add3A_770 = arith.addi %mul3A_734, %add3A_769 : i32
              %swap3A_771 = arith.index_cast %add3A_770 : i32 to index
              %swap3A_772 = tpu.vector_load %arg23[%swap3A_771] {strides = array<i32>} : memref<2064xf32, #tpu.memory_space<vmem>>, vector<16xf32>,
              tpu.vector_store %arg23[%swap3A_771], %mul3A_768 {strides = array<i32>} : memref<2064xf32, #tpu.memory_space<vmem>>, vector<16xf32>,
              %add3A_773 = arith.constant 32 : i32
              %add3A_774 = vector.broadcast %add3A_773 : i32 to vector<16xi32>
              %add3A_775 = arith.addi %add3A_732, %add3A_774 : vector<16xi32>
              %add3A_776 = arith.constant 32 : i32
              %add3A_777 = arith.addi %mul3A_734, %add3A_776 : i32
              %swap3A_778 = arith.index_cast %add3A_777 : i32 to index
              %swap3A_779 = tpu.vector_load %arg25[%swap3A_778] {strides = array<i32>} : memref<2064xi32, #tpu.memory_space<vmem>>, vector<16xi32>,
              tpu.vector_store %arg25[%swap3A_778], %add3A_775 {strides = array<i32>} : memref<2064xi32, #tpu.memory_space<vmem>>, vector<16xi32>,
              %get3A_780 = arith.index_cast %scan3A_716 : i32 to index
              %get3A_781 = arith.constant 48 : index
              %get3A_782 = tpu.vector_load %arg21[%get3A_780, %get3A_781] {strides = array<i32>} : memref<16x128xf32, #tpu.memory_space<vmem>>, vector<16xf32>,
              %mul3A_783 = arith.mulf %get3A_782, %gather3A : vector<16xf32>
              %add3A_784 = arith.constant 48 : i32
              %add3A_785 = arith.addi %mul3A_734, %add3A_784 : i32
              %swap3A_786 = arith.index_cast %add3A_785 : i32 to index
              %swap3A_787 = tpu.vector_load %arg23[%swap3A_786] {strides = array<i32>} : memref<2064xf32, #tpu.memory_space<vmem>>, vector<16xf32>,
              tpu.vector_store %arg23[%swap3A_786], %mul3A_783 {strides = array<i32>} : memref<2064xf32, #tpu.memory_space<vmem>>, vector<16xf32>,
              %add3A_788 = arith.constant 48 : i32
              %add3A_789 = vector.broadcast %add3A_788 : i32 to vector<16xi32>
              %add3A_790 = arith.addi %add3A_732, %add3A_789 : vector<16xi32>
              %add3A_791 = arith.constant 48 : i32
              %add3A_792 = arith.addi %mul3A_734, %add3A_791 : i32
              %swap3A_793 = arith.index_cast %add3A_792 : i32 to index
              %swap3A_794 = tpu.vector_load %arg25[%swap3A_793] {strides = array<i32>} : memref<2064xi32, #tpu.memory_space<vmem>>, vector<16xi32>,
              tpu.vector_store %arg25[%swap3A_793], %add3A_790 {strides = array<i32>} : memref<2064xi32, #tpu.memory_space<vmem>>, vector<16xi32>,
              %get3A_795 = arith.index_cast %scan3A_716 : i32 to index
              %get3A_796 = arith.constant 64 : index
              %get3A_797 = tpu.vector_load %arg21[%get3A_795, %get3A_796] {strides = array<i32>} : memref<16x128xf32, #tpu.memory_space<vmem>>, vector<16xf32>,
              %mul3A_798 = arith.mulf %get3A_797, %gather3A : vector<16xf32>
              %add3A_799 = arith.constant 64 : i32
              %add3A_800 = arith.addi %mul3A_734, %add3A_799 : i32
              %swap3A_801 = arith.index_cast %add3A_800 : i32 to index
              %swap3A_802 = tpu.vector_load %arg23[%swap3A_801] {strides = array<i32>} : memref<2064xf32, #tpu.memory_space<vmem>>, vector<16xf32>,
              tpu.vector_store %arg23[%swap3A_801], %mul3A_798 {strides = array<i32>} : memref<2064xf32, #tpu.memory_space<vmem>>, vector<16xf32>,
              %add3A_803 = arith.constant 64 : i32
              %add3A_804 = vector.broadcast %add3A_803 : i32 to vector<16xi32>
              %add3A_805 = arith.addi %add3A_732, %add3A_804 : vector<16xi32>
              %add3A_806 = arith.constant 64 : i32
              %add3A_807 = arith.addi %mul3A_734, %add3A_806 : i32
              %swap3A_808 = arith.index_cast %add3A_807 : i32 to index
              %swap3A_809 = tpu.vector_load %arg25[%swap3A_808] {strides = array<i32>} : memref<2064xi32, #tpu.memory_space<vmem>>, vector<16xi32>,
              tpu.vector_store %arg25[%swap3A_808], %add3A_805 {strides = array<i32>} : memref<2064xi32, #tpu.memory_space<vmem>>, vector<16xi32>,
              %get3A_810 = arith.index_cast %scan3A_716 : i32 to index
              %get3A_811 = arith.constant 80 : index
              %get3A_812 = tpu.vector_load %arg21[%get3A_810, %get3A_811] {strides = array<i32>} : memref<16x128xf32, #tpu.memory_space<vmem>>, vector<16xf32>,
              %mul3A_813 = arith.mulf %get3A_812, %gather3A : vector<16xf32>
              %add3A_814 = arith.constant 80 : i32
              %add3A_815 = arith.addi %mul3A_734, %add3A_814 : i32
              %swap3A_816 = arith.index_cast %add3A_815 : i32 to index
              %swap3A_817 = tpu.vector_load %arg23[%swap3A_816] {strides = array<i32>} : memref<2064xf32, #tpu.memory_space<vmem>>, vector<16xf32>,
              tpu.vector_store %arg23[%swap3A_816], %mul3A_813 {strides = array<i32>} : memref<2064xf32, #tpu.memory_space<vmem>>, vector<16xf32>,
              %add3A_818 = arith.constant 80 : i32
              %add3A_819 = vector.broadcast %add3A_818 : i32 to vector<16xi32>
              %add3A_820 = arith.addi %add3A_732, %add3A_819 : vector<16xi32>
              %add3A_821 = arith.constant 80 : i32
              %add3A_822 = arith.addi %mul3A_734, %add3A_821 : i32
              %swap3A_823 = arith.index_cast %add3A_822 : i32 to index
              %swap3A_824 = tpu.vector_load %arg25[%swap3A_823] {strides = array<i32>} : memref<2064xi32, #tpu.memory_space<vmem>>, vector<16xi32>,
              tpu.vector_store %arg25[%swap3A_823], %add3A_820 {strides = array<i32>} : memref<2064xi32, #tpu.memory_space<vmem>>, vector<16xi32>,
              %get3A_825 = arith.index_cast %scan3A_716 : i32 to index
              %get3A_826 = arith.constant 96 : index
              %get3A_827 = tpu.vector_load %arg21[%get3A_825, %get3A_826] {strides = array<i32>} : memref<16x128xf32, #tpu.memory_space<vmem>>, vector<16xf32>,
              %mul3A_828 = arith.mulf %get3A_827, %gather3A : vector<16xf32>
              %add3A_829 = arith.constant 96 : i32
              %add3A_830 = arith.addi %mul3A_734, %add3A_829 : i32
              %swap3A_831 = arith.index_cast %add3A_830 : i32 to index
              %swap3A_832 = tpu.vector_load %arg23[%swap3A_831] {strides = array<i32>} : memref<2064xf32, #tpu.memory_space<vmem>>, vector<16xf32>,
              tpu.vector_store %arg23[%swap3A_831], %mul3A_828 {strides = array<i32>} : memref<2064xf32, #tpu.memory_space<vmem>>, vector<16xf32>,
              %add3A_833 = arith.constant 96 : i32
              %add3A_834 = vector.broadcast %add3A_833 : i32 to vector<16xi32>
              %add3A_835 = arith.addi %add3A_732, %add3A_834 : vector<16xi32>
              %add3A_836 = arith.constant 96 : i32
              %add3A_837 = arith.addi %mul3A_734, %add3A_836 : i32
              %swap3A_838 = arith.index_cast %add3A_837 : i32 to index
              %swap3A_839 = tpu.vector_load %arg25[%swap3A_838] {strides = array<i32>} : memref<2064xi32, #tpu.memory_space<vmem>>, vector<16xi32>,
              tpu.vector_store %arg25[%swap3A_838], %add3A_835 {strides = array<i32>} : memref<2064xi32, #tpu.memory_space<vmem>>, vector<16xi32>,
              %get3A_840 = arith.index_cast %scan3A_716 : i32 to index
              %get3A_841 = arith.constant 112 : index
              %get3A_842 = tpu.vector_load %arg21[%get3A_840, %get3A_841] {strides = array<i32>} : memref<16x128xf32, #tpu.memory_space<vmem>>, vector<16xf32>,
              %mul3A_843 = arith.mulf %get3A_842, %gather3A : vector<16xf32>
              %add3A_844 = arith.constant 112 : i32
              %add3A_845 = arith.addi %mul3A_734, %add3A_844 : i32
              %swap3A_846 = arith.index_cast %add3A_845 : i32 to index
              %swap3A_847 = tpu.vector_load %arg23[%swap3A_846] {strides = array<i32>} : memref<2064xf32, #tpu.memory_space<vmem>>, vector<16xf32>,
              tpu.vector_store %arg23[%swap3A_846], %mul3A_843 {strides = array<i32>} : memref<2064xf32, #tpu.memory_space<vmem>>, vector<16xf32>,
              %add3A_848 = arith.constant 112 : i32
              %add3A_849 = vector.broadcast %add3A_848 : i32 to vector<16xi32>
              %add3A_850 = arith.addi %add3A_732, %add3A_849 : vector<16xi32>
              %add3A_851 = arith.constant 112 : i32
              %add3A_852 = arith.addi %mul3A_734, %add3A_851 : i32
              %swap3A_853 = arith.index_cast %add3A_852 : i32 to index
              %swap3A_854 = tpu.vector_load %arg25[%swap3A_853] {strides = array<i32>} : memref<2064xi32, #tpu.memory_space<vmem>>, vector<16xi32>,
              tpu.vector_store %arg25[%swap3A_853], %add3A_850 {strides = array<i32>} : memref<2064xi32, #tpu.memory_space<vmem>>, vector<16xi32>,
            }
            %scan3A_693 = arith.constant 16 : i32
            %add3A_694 = arith.constant 0 : i32
            %add3A_695 = arith.addi %mul3A_671, %add3A_694 : i32
            %get3A = arith.index_cast %add3A_695 : i32 to index
            %get3A_696 = tpu.vector_load %arg19[%get3A] {strides = array<i32>} : memref<2016xi32, #tpu.memory_space<vmem>>, vector<16xi32>,
            %lt3A_697 = arith.constant 3000 : i32
            %lt3A_698 = vector.broadcast %lt3A_697 : i32 to vector<16xi32>
            %lt3A_699 = arith.cmpi slt, %get3A_696, %lt3A_698 : vector<16xi32>
            %get3A_700 = arith.index_cast %add3A_695 : i32 to index
            %get3A_701 = tpu.vector_load %arg17[%get3A_700] {strides = array<i32>} : memref<2016xf32, #tpu.memory_space<vmem>>, vector<16xf32>,
            %broadcast_in_dim3A_702 = arith.constant 0.000000e+00 : f32
            %broadcast_in_dim3A_703 = vector.broadcast %broadcast_in_dim3A_702 : f32 to vector<16xf32>
            %select_n3A_704 = arith.select %lt3A_699, %get3A_701, %broadcast_in_dim3A_703 : vector<16xi1>, vector<16xf32>
            %swap3A_705 = arith.constant 2048 : index
            %swap3A_706 = tpu.vector_load %arg23[%swap3A_705] {strides = array<i32>} : memref<2064xf32, #tpu.memory_space<vmem>>, vector<16xf32>,
            tpu.vector_store %arg23[%swap3A_705], %select_n3A_704 {strides = array<i32>} : memref<2064xf32, #tpu.memory_space<vmem>>, vector<16xf32>,
            %get3A_707 = arith.index_cast %add3A_695 : i32 to index
            %get3A_708 = tpu.vector_load %arg18[%get3A_707] {strides = array<i32>} : memref<2016xi32, #tpu.memory_space<vmem>>, vector<16xi32>,
            %add3A_709 = arith.constant 786432 : i32
            %add3A_710 = vector.broadcast %add3A_709 : i32 to vector<16xi32>
            %add3A_711 = arith.addi %get3A_708, %add3A_710 : vector<16xi32>
            %swap3A_712 = arith.constant 2048 : index
            %swap3A_713 = tpu.vector_load %arg25[%swap3A_712] {strides = array<i32>} : memref<2064xi32, #tpu.memory_space<vmem>>, vector<16xi32>,
            tpu.vector_store %arg25[%swap3A_712], %add3A_711 {strides = array<i32>} : memref<2064xi32, #tpu.memory_space<vmem>>, vector<16xi32>,
            %dma_start3A_714 = arith.constant 0 : i32
            %dma_start3A_715 = tpu.memref_slice %arg26[%dma_start3A_714] : memref<790528xf32, #tpu.memory_space<vmem_shared>> -> memref<790528xf32, #tpu.memory_space<vmem_shared>>
            tpu.enqueue_indirect_dma source(%arg23 : memref<2064xf32, #tpu.memory_space<vmem>>) target(%dma_start3A_715 : memref<790528xf32, #tpu.memory_space<vmem_shared>>) offsets(%arg25 : memref<2064xi32, #tpu.memory_space<vmem>>) semaphore(%arg30 : memref<!tpu.dma_semaphore, #tpu.memory_space<semaphore_mem>>) {add = true}
          } else {
          }
        }
        %while3A_646 = arith.constant 1 : i32
        scf.for %while3A_653 = %while3A_644 to %while3A_640 step %while3A_646  : i32 {
          %mul3A_654 = arith.constant 2 : i32
          %mul3A_655 = arith.muli %while3A_653, %mul3A_654 : i32
          %add3A_656 = arith.constant 0 : i32
          %add3A_657 = arith.addi %mul3A_655, %add3A_656 : i32
          %lt3A_658 = arith.cmpi slt, %add3A_657, %max3A_606 : i32
          %convert_element_type3A_659 = arith.extui %lt3A_658 : i1 to i32
          %cond3A_660 = arith.constant 0 : i32
          %cond3A_661 = arith.cmpi ne, %convert_element_type3A_659, %cond3A_660 : i32
          scf.if %cond3A_661 {
            %mul3A_670 = arith.constant 16 : i32
            %mul3A_671 = arith.muli %add3A_657, %mul3A_670 : i32
            %dma_wait3A_672 = arith.constant 0 : i32
            %dma_wait3A_673 = tpu.memref_slice %arg16[%dma_wait3A_672] : memref<2016xi32, #tpu.memory_space<vmem>> -> memref<16xi32, #tpu.memory_space<vmem>>
            %dma_wait3A_674 = arith.constant 0 : i32
            %dma_wait3A_675 = arith.constant 0 : i32
            %dma_wait3A_676 = tpu.memref_slice %arg2[%dma_wait3A_674, %dma_wait3A_675] : memref<10000x128xf32, #tpu.memory_space<hbm>> -> memref<10000x128xf32, #tpu.memory_space<hbm>>
            tpu.wait_indirect_dma semaphore(%arg27 : memref<!tpu.dma_semaphore, #tpu.memory_space<semaphore_mem>>) src(%dma_wait3A_676 : memref<10000x128xf32, #tpu.memory_space<hbm>>) dst(%arg20 : memref<16x128xf32, #tpu.memory_space<vmem>>)
            %add3A_677 = arith.constant 1 : i32
            %add3A_678 = arith.addi %add3A_657, %add3A_677 : i32
            %lt3A_679 = arith.cmpi slt, %add3A_678, %max3A_606 : i32
            %convert_element_type3A_680 = arith.extui %lt3A_679 : i1 to i32
            %cond3A_681 = arith.constant 0 : i32
            %cond3A_682 = arith.cmpi ne, %convert_element_type3A_680, %cond3A_681 : i32
            scf.if %cond3A_682 {
              %add3A_716 = arith.constant 16 : i32
              %add3A_717 = arith.addi %mul3A_671, %add3A_716 : i32
              %dma_start3A_718 = tpu.memref_slice %arg16[%add3A_717] : memref<2016xi32, #tpu.memory_space<vmem>> -> memref<16xi32, #tpu.memory_space<vmem>>
              %dma_start3A_719 = arith.constant 0 : i32
              %dma_start3A_720 = arith.constant 0 : i32
              %dma_start3A_721 = tpu.memref_slice %arg2[%dma_start3A_719, %dma_start3A_720] : memref<10000x128xf32, #tpu.memory_space<hbm>> -> memref<10000x128xf32, #tpu.memory_space<hbm>>
              tpu.enqueue_indirect_dma source(%dma_start3A_721 : memref<10000x128xf32, #tpu.memory_space<hbm>>) target(%arg21 : memref<16x128xf32, #tpu.memory_space<vmem>>) offsets(%dma_start3A_718 : memref<16xi32, #tpu.memory_space<vmem>>) semaphore(%arg28 : memref<!tpu.dma_semaphore, #tpu.memory_space<semaphore_mem>>)
            } else {
            }
            %ge3A_683 = arith.constant 2 : i32
            %ge3A_684 = arith.cmpi sge, %add3A_657, %ge3A_683 : i32
            %convert_element_type3A_685 = arith.extui %ge3A_684 : i1 to i32
            %cond3A_686 = arith.constant 0 : i32
            %cond3A_687 = arith.cmpi ne, %convert_element_type3A_685, %cond3A_686 : i32
            scf.if %cond3A_687 {
              %dma_wait3A_716 = arith.constant 0 : i32
              %dma_wait3A_717 = tpu.memref_slice %arg26[%dma_wait3A_716] : memref<790528xf32, #tpu.memory_space<vmem_shared>> -> memref<790528xf32, #tpu.memory_space<vmem_shared>>
              tpu.wait_indirect_dma semaphore(%arg29 : memref<!tpu.dma_semaphore, #tpu.memory_space<semaphore_mem>>) src(%arg22 : memref<2064xf32, #tpu.memory_space<vmem>>) dst(%dma_wait3A_717 : memref<790528xf32, #tpu.memory_space<vmem_shared>>)
            } else {
            }
            %scan3A_688 = arith.constant 0 : i32
            %scan3A_689 = arith.constant 0 : i32
            %scan3A_690 = arith.constant 16 : i32
            %scan3A_691 = arith.addi %scan3A_689, %scan3A_690 : i32
            %scan3A_692 = arith.constant 1 : i32
            scf.for %scan3A_716 = %scan3A_689 to %scan3A_691 step %scan3A_692  : i32 {
              %add3A_717 = arith.addi %mul3A_671, %scan3A_716 : i32
              %broadcast_in_dim3A_718 = vector.broadcast %add3A_717 : i32 to vector<16xi32>
              %gather3A = tpu.vector_load_idx %arg17[%broadcast_in_dim3A_718] : memref<2016xf32, #tpu.memory_space<vmem>>[vector<16xi32>], vector<16xf32>,
              %gather3A_719 = tpu.vector_load_idx %arg19[%broadcast_in_dim3A_718] : memref<2016xi32, #tpu.memory_space<vmem>>[vector<16xi32>], vector<16xi32>,
              %lt3A_720 = arith.constant 3000 : i32
              %lt3A_721 = vector.broadcast %lt3A_720 : i32 to vector<16xi32>
              %lt3A_722 = arith.cmpi slt, %gather3A_719, %lt3A_721 : vector<16xi32>
              %gather3A_723 = tpu.vector_load_idx %arg18[%broadcast_in_dim3A_718] : memref<2016xi32, #tpu.memory_space<vmem>>[vector<16xi32>], vector<16xi32>,
              %mul3A_724 = arith.constant 256 : i32
              %mul3A_725 = vector.broadcast %mul3A_724 : i32 to vector<16xi32>
              %mul3A_726 = arith.muli %gather3A_723, %mul3A_725 : vector<16xi32>
              %add3A_727 = arith.addi %mul3A_726, %iota3A : vector<16xi32>
              %convert_element_type3A_728 = arith.extui %lt3A_722 : vector<16xi1> to vector<16xi32>
              %mul3A_729 = arith.constant 128 : i32
              %mul3A_730 = vector.broadcast %mul3A_729 : i32 to vector<16xi32>
              %mul3A_731 = arith.muli %convert_element_type3A_728, %mul3A_730 : vector<16xi32>
              %add3A_732 = arith.addi %add3A_727, %mul3A_731 : vector<16xi32>
              %mul3A_733 = arith.constant 128 : i32
              %mul3A_734 = arith.muli %scan3A_716, %mul3A_733 : i32
              %get3A_735 = arith.index_cast %scan3A_716 : i32 to index
              %get3A_736 = arith.constant 0 : index
              %get3A_737 = tpu.vector_load %arg20[%get3A_735, %get3A_736] {strides = array<i32>} : memref<16x128xf32, #tpu.memory_space<vmem>>, vector<16xf32>,
              %mul3A_738 = arith.mulf %get3A_737, %gather3A : vector<16xf32>
              %add3A_739 = arith.constant 0 : i32
              %add3A_740 = arith.addi %mul3A_734, %add3A_739 : i32
              %swap3A_741 = arith.index_cast %add3A_740 : i32 to index
              %swap3A_742 = tpu.vector_load %arg22[%swap3A_741] {strides = array<i32>} : memref<2064xf32, #tpu.memory_space<vmem>>, vector<16xf32>,
              tpu.vector_store %arg22[%swap3A_741], %mul3A_738 {strides = array<i32>} : memref<2064xf32, #tpu.memory_space<vmem>>, vector<16xf32>,
              %add3A_743 = arith.constant 0 : i32
              %add3A_744 = vector.broadcast %add3A_743 : i32 to vector<16xi32>
              %add3A_745 = arith.addi %add3A_732, %add3A_744 : vector<16xi32>
              %add3A_746 = arith.constant 0 : i32
              %add3A_747 = arith.addi %mul3A_734, %add3A_746 : i32
              %swap3A_748 = arith.index_cast %add3A_747 : i32 to index
              %swap3A_749 = tpu.vector_load %arg24[%swap3A_748] {strides = array<i32>} : memref<2064xi32, #tpu.memory_space<vmem>>, vector<16xi32>,
              tpu.vector_store %arg24[%swap3A_748], %add3A_745 {strides = array<i32>} : memref<2064xi32, #tpu.memory_space<vmem>>, vector<16xi32>,
              %get3A_750 = arith.index_cast %scan3A_716 : i32 to index
              %get3A_751 = arith.constant 16 : index
              %get3A_752 = tpu.vector_load %arg20[%get3A_750, %get3A_751] {strides = array<i32>} : memref<16x128xf32, #tpu.memory_space<vmem>>, vector<16xf32>,
              %mul3A_753 = arith.mulf %get3A_752, %gather3A : vector<16xf32>
              %add3A_754 = arith.constant 16 : i32
              %add3A_755 = arith.addi %mul3A_734, %add3A_754 : i32
              %swap3A_756 = arith.index_cast %add3A_755 : i32 to index
              %swap3A_757 = tpu.vector_load %arg22[%swap3A_756] {strides = array<i32>} : memref<2064xf32, #tpu.memory_space<vmem>>, vector<16xf32>,
              tpu.vector_store %arg22[%swap3A_756], %mul3A_753 {strides = array<i32>} : memref<2064xf32, #tpu.memory_space<vmem>>, vector<16xf32>,
              %add3A_758 = arith.constant 16 : i32
              %add3A_759 = vector.broadcast %add3A_758 : i32 to vector<16xi32>
              %add3A_760 = arith.addi %add3A_732, %add3A_759 : vector<16xi32>
              %add3A_761 = arith.constant 16 : i32
              %add3A_762 = arith.addi %mul3A_734, %add3A_761 : i32
              %swap3A_763 = arith.index_cast %add3A_762 : i32 to index
              %swap3A_764 = tpu.vector_load %arg24[%swap3A_763] {strides = array<i32>} : memref<2064xi32, #tpu.memory_space<vmem>>, vector<16xi32>,
              tpu.vector_store %arg24[%swap3A_763], %add3A_760 {strides = array<i32>} : memref<2064xi32, #tpu.memory_space<vmem>>, vector<16xi32>,
              %get3A_765 = arith.index_cast %scan3A_716 : i32 to index
              %get3A_766 = arith.constant 32 : index
              %get3A_767 = tpu.vector_load %arg20[%get3A_765, %get3A_766] {strides = array<i32>} : memref<16x128xf32, #tpu.memory_space<vmem>>, vector<16xf32>,
              %mul3A_768 = arith.mulf %get3A_767, %gather3A : vector<16xf32>
              %add3A_769 = arith.constant 32 : i32
              %add3A_770 = arith.addi %mul3A_734, %add3A_769 : i32
              %swap3A_771 = arith.index_cast %add3A_770 : i32 to index
              %swap3A_772 = tpu.vector_load %arg22[%swap3A_771] {strides = array<i32>} : memref<2064xf32, #tpu.memory_space<vmem>>, vector<16xf32>,
              tpu.vector_store %arg22[%swap3A_771], %mul3A_768 {strides = array<i32>} : memref<2064xf32, #tpu.memory_space<vmem>>, vector<16xf32>,
              %add3A_773 = arith.constant 32 : i32
              %add3A_774 = vector.broadcast %add3A_773 : i32 to vector<16xi32>
              %add3A_775 = arith.addi %add3A_732, %add3A_774 : vector<16xi32>
              %add3A_776 = arith.constant 32 : i32
              %add3A_777 = arith.addi %mul3A_734, %add3A_776 : i32
              %swap3A_778 = arith.index_cast %add3A_777 : i32 to index
              %swap3A_779 = tpu.vector_load %arg24[%swap3A_778] {strides = array<i32>} : memref<2064xi32, #tpu.memory_space<vmem>>, vector<16xi32>,
              tpu.vector_store %arg24[%swap3A_778], %add3A_775 {strides = array<i32>} : memref<2064xi32, #tpu.memory_space<vmem>>, vector<16xi32>,
              %get3A_780 = arith.index_cast %scan3A_716 : i32 to index
              %get3A_781 = arith.constant 48 : index
              %get3A_782 = tpu.vector_load %arg20[%get3A_780, %get3A_781] {strides = array<i32>} : memref<16x128xf32, #tpu.memory_space<vmem>>, vector<16xf32>,
              %mul3A_783 = arith.mulf %get3A_782, %gather3A : vector<16xf32>
              %add3A_784 = arith.constant 48 : i32
              %add3A_785 = arith.addi %mul3A_734, %add3A_784 : i32
              %swap3A_786 = arith.index_cast %add3A_785 : i32 to index
              %swap3A_787 = tpu.vector_load %arg22[%swap3A_786] {strides = array<i32>} : memref<2064xf32, #tpu.memory_space<vmem>>, vector<16xf32>,
              tpu.vector_store %arg22[%swap3A_786], %mul3A_783 {strides = array<i32>} : memref<2064xf32, #tpu.memory_space<vmem>>, vector<16xf32>,
              %add3A_788 = arith.constant 48 : i32
              %add3A_789 = vector.broadcast %add3A_788 : i32 to vector<16xi32>
              %add3A_790 = arith.addi %add3A_732, %add3A_789 : vector<16xi32>
              %add3A_791 = arith.constant 48 : i32
              %add3A_792 = arith.addi %mul3A_734, %add3A_791 : i32
              %swap3A_793 = arith.index_cast %add3A_792 : i32 to index
              %swap3A_794 = tpu.vector_load %arg24[%swap3A_793] {strides = array<i32>} : memref<2064xi32, #tpu.memory_space<vmem>>, vector<16xi32>,
              tpu.vector_store %arg24[%swap3A_793], %add3A_790 {strides = array<i32>} : memref<2064xi32, #tpu.memory_space<vmem>>, vector<16xi32>,
              %get3A_795 = arith.index_cast %scan3A_716 : i32 to index
              %get3A_796 = arith.constant 64 : index
              %get3A_797 = tpu.vector_load %arg20[%get3A_795, %get3A_796] {strides = array<i32>} : memref<16x128xf32, #tpu.memory_space<vmem>>, vector<16xf32>,
              %mul3A_798 = arith.mulf %get3A_797, %gather3A : vector<16xf32>
              %add3A_799 = arith.constant 64 : i32
              %add3A_800 = arith.addi %mul3A_734, %add3A_799 : i32
              %swap3A_801 = arith.index_cast %add3A_800 : i32 to index
              %swap3A_802 = tpu.vector_load %arg22[%swap3A_801] {strides = array<i32>} : memref<2064xf32, #tpu.memory_space<vmem>>, vector<16xf32>,
              tpu.vector_store %arg22[%swap3A_801], %mul3A_798 {strides = array<i32>} : memref<2064xf32, #tpu.memory_space<vmem>>, vector<16xf32>,
              %add3A_803 = arith.constant 64 : i32
              %add3A_804 = vector.broadcast %add3A_803 : i32 to vector<16xi32>
              %add3A_805 = arith.addi %add3A_732, %add3A_804 : vector<16xi32>
              %add3A_806 = arith.constant 64 : i32
              %add3A_807 = arith.addi %mul3A_734, %add3A_806 : i32
              %swap3A_808 = arith.index_cast %add3A_807 : i32 to index
              %swap3A_809 = tpu.vector_load %arg24[%swap3A_808] {strides = array<i32>} : memref<2064xi32, #tpu.memory_space<vmem>>, vector<16xi32>,
              tpu.vector_store %arg24[%swap3A_808], %add3A_805 {strides = array<i32>} : memref<2064xi32, #tpu.memory_space<vmem>>, vector<16xi32>,
              %get3A_810 = arith.index_cast %scan3A_716 : i32 to index
              %get3A_811 = arith.constant 80 : index
              %get3A_812 = tpu.vector_load %arg20[%get3A_810, %get3A_811] {strides = array<i32>} : memref<16x128xf32, #tpu.memory_space<vmem>>, vector<16xf32>,
              %mul3A_813 = arith.mulf %get3A_812, %gather3A : vector<16xf32>
              %add3A_814 = arith.constant 80 : i32
              %add3A_815 = arith.addi %mul3A_734, %add3A_814 : i32
              %swap3A_816 = arith.index_cast %add3A_815 : i32 to index
              %swap3A_817 = tpu.vector_load %arg22[%swap3A_816] {strides = array<i32>} : memref<2064xf32, #tpu.memory_space<vmem>>, vector<16xf32>,
              tpu.vector_store %arg22[%swap3A_816], %mul3A_813 {strides = array<i32>} : memref<2064xf32, #tpu.memory_space<vmem>>, vector<16xf32>,
              %add3A_818 = arith.constant 80 : i32
              %add3A_819 = vector.broadcast %add3A_818 : i32 to vector<16xi32>
              %add3A_820 = arith.addi %add3A_732, %add3A_819 : vector<16xi32>
              %add3A_821 = arith.constant 80 : i32
              %add3A_822 = arith.addi %mul3A_734, %add3A_821 : i32
              %swap3A_823 = arith.index_cast %add3A_822 : i32 to index
              %swap3A_824 = tpu.vector_load %arg24[%swap3A_823] {strides = array<i32>} : memref<2064xi32, #tpu.memory_space<vmem>>, vector<16xi32>,
              tpu.vector_store %arg24[%swap3A_823], %add3A_820 {strides = array<i32>} : memref<2064xi32, #tpu.memory_space<vmem>>, vector<16xi32>,
              %get3A_825 = arith.index_cast %scan3A_716 : i32 to index
              %get3A_826 = arith.constant 96 : index
              %get3A_827 = tpu.vector_load %arg20[%get3A_825, %get3A_826] {strides = array<i32>} : memref<16x128xf32, #tpu.memory_space<vmem>>, vector<16xf32>,
              %mul3A_828 = arith.mulf %get3A_827, %gather3A : vector<16xf32>
              %add3A_829 = arith.constant 96 : i32
              %add3A_830 = arith.addi %mul3A_734, %add3A_829 : i32
              %swap3A_831 = arith.index_cast %add3A_830 : i32 to index
              %swap3A_832 = tpu.vector_load %arg22[%swap3A_831] {strides = array<i32>} : memref<2064xf32, #tpu.memory_space<vmem>>, vector<16xf32>,
              tpu.vector_store %arg22[%swap3A_831], %mul3A_828 {strides = array<i32>} : memref<2064xf32, #tpu.memory_space<vmem>>, vector<16xf32>,
              %add3A_833 = arith.constant 96 : i32
              %add3A_834 = vector.broadcast %add3A_833 : i32 to vector<16xi32>
              %add3A_835 = arith.addi %add3A_732, %add3A_834 : vector<16xi32>
              %add3A_836 = arith.constant 96 : i32
              %add3A_837 = arith.addi %mul3A_734, %add3A_836 : i32
              %swap3A_838 = arith.index_cast %add3A_837 : i32 to index
              %swap3A_839 = tpu.vector_load %arg24[%swap3A_838] {strides = array<i32>} : memref<2064xi32, #tpu.memory_space<vmem>>, vector<16xi32>,
              tpu.vector_store %arg24[%swap3A_838], %add3A_835 {strides = array<i32>} : memref<2064xi32, #tpu.memory_space<vmem>>, vector<16xi32>,
              %get3A_840 = arith.index_cast %scan3A_716 : i32 to index
              %get3A_841 = arith.constant 112 : index
              %get3A_842 = tpu.vector_load %arg20[%get3A_840, %get3A_841] {strides = array<i32>} : memref<16x128xf32, #tpu.memory_space<vmem>>, vector<16xf32>,
              %mul3A_843 = arith.mulf %get3A_842, %gather3A : vector<16xf32>
              %add3A_844 = arith.constant 112 : i32
              %add3A_845 = arith.addi %mul3A_734, %add3A_844 : i32
              %swap3A_846 = arith.index_cast %add3A_845 : i32 to index
              %swap3A_847 = tpu.vector_load %arg22[%swap3A_846] {strides = array<i32>} : memref<2064xf32, #tpu.memory_space<vmem>>, vector<16xf32>,
              tpu.vector_store %arg22[%swap3A_846], %mul3A_843 {strides = array<i32>} : memref<2064xf32, #tpu.memory_space<vmem>>, vector<16xf32>,
              %add3A_848 = arith.constant 112 : i32
              %add3A_849 = vector.broadcast %add3A_848 : i32 to vector<16xi32>
              %add3A_850 = arith.addi %add3A_732, %add3A_849 : vector<16xi32>
              %add3A_851 = arith.constant 112 : i32
              %add3A_852 = arith.addi %mul3A_734, %add3A_851 : i32
              %swap3A_853 = arith.index_cast %add3A_852 : i32 to index
              %swap3A_854 = tpu.vector_load %arg24[%swap3A_853] {strides = array<i32>} : memref<2064xi32, #tpu.memory_space<vmem>>, vector<16xi32>,
              tpu.vector_store %arg24[%swap3A_853], %add3A_850 {strides = array<i32>} : memref<2064xi32, #tpu.memory_space<vmem>>, vector<16xi32>,
            }
            %scan3A_693 = arith.constant 16 : i32
            %add3A_694 = arith.constant 0 : i32
            %add3A_695 = arith.addi %mul3A_671, %add3A_694 : i32
            %get3A = arith.index_cast %add3A_695 : i32 to index
            %get3A_696 = tpu.vector_load %arg19[%get3A] {strides = array<i32>} : memref<2016xi32, #tpu.memory_space<vmem>>, vector<16xi32>,
            %lt3A_697 = arith.constant 3000 : i32
            %lt3A_698 = vector.broadcast %lt3A_697 : i32 to vector<16xi32>
            %lt3A_699 = arith.cmpi slt, %get3A_696, %lt3A_698 : vector<16xi32>
            %get3A_700 = arith.index_cast %add3A_695 : i32 to index
            %get3A_701 = tpu.vector_load %arg17[%get3A_700] {strides = array<i32>} : memref<2016xf32, #tpu.memory_space<vmem>>, vector<16xf32>,
            %broadcast_in_dim3A_702 = arith.constant 0.000000e+00 : f32
            %broadcast_in_dim3A_703 = vector.broadcast %broadcast_in_dim3A_702 : f32 to vector<16xf32>
            %select_n3A_704 = arith.select %lt3A_699, %get3A_701, %broadcast_in_dim3A_703 : vector<16xi1>, vector<16xf32>
            %swap3A_705 = arith.constant 2048 : index
            %swap3A_706 = tpu.vector_load %arg22[%swap3A_705] {strides = array<i32>} : memref<2064xf32, #tpu.memory_space<vmem>>, vector<16xf32>,
            tpu.vector_store %arg22[%swap3A_705], %select_n3A_704 {strides = array<i32>} : memref<2064xf32, #tpu.memory_space<vmem>>, vector<16xf32>,
            %get3A_707 = arith.index_cast %add3A_695 : i32 to index
            %get3A_708 = tpu.vector_load %arg18[%get3A_707] {strides = array<i32>} : memref<2016xi32, #tpu.memory_space<vmem>>, vector<16xi32>,
            %add3A_709 = arith.constant 786432 : i32
            %add3A_710 = vector.broadcast %add3A_709 : i32 to vector<16xi32>
            %add3A_711 = arith.addi %get3A_708, %add3A_710 : vector<16xi32>
            %swap3A_712 = arith.constant 2048 : index
            %swap3A_713 = tpu.vector_load %arg24[%swap3A_712] {strides = array<i32>} : memref<2064xi32, #tpu.memory_space<vmem>>, vector<16xi32>,
            tpu.vector_store %arg24[%swap3A_712], %add3A_711 {strides = array<i32>} : memref<2064xi32, #tpu.memory_space<vmem>>, vector<16xi32>,
            %dma_start3A_714 = arith.constant 0 : i32
            %dma_start3A_715 = tpu.memref_slice %arg26[%dma_start3A_714] : memref<790528xf32, #tpu.memory_space<vmem_shared>> -> memref<790528xf32, #tpu.memory_space<vmem_shared>>
            tpu.enqueue_indirect_dma source(%arg22 : memref<2064xf32, #tpu.memory_space<vmem>>) target(%dma_start3A_715 : memref<790528xf32, #tpu.memory_space<vmem_shared>>) offsets(%arg24 : memref<2064xi32, #tpu.memory_space<vmem>>) semaphore(%arg29 : memref<!tpu.dma_semaphore, #tpu.memory_space<semaphore_mem>>) {add = true}
          } else {
          }
          %mul3A_662 = arith.constant 2 : i32
          %mul3A_663 = arith.muli %while3A_653, %mul3A_662 : i32
          %add3A_664 = arith.constant 1 : i32
          %add3A_665 = arith.addi %mul3A_663, %add3A_664 : i32
          %lt3A_666 = arith.cmpi slt, %add3A_665, %max3A_606 : i32
          %convert_element_type3A_667 = arith.extui %lt3A_666 : i1 to i32
          %cond3A_668 = arith.constant 0 : i32
          %cond3A_669 = arith.cmpi ne, %convert_element_type3A_667, %cond3A_668 : i32
          scf.if %cond3A_669 {
            %mul3A_670 = arith.constant 16 : i32
            %mul3A_671 = arith.muli %add3A_665, %mul3A_670 : i32
            %dma_wait3A_672 = arith.constant 0 : i32
            %dma_wait3A_673 = tpu.memref_slice %arg16[%dma_wait3A_672] : memref<2016xi32, #tpu.memory_space<vmem>> -> memref<16xi32, #tpu.memory_space<vmem>>
            %dma_wait3A_674 = arith.constant 0 : i32
            %dma_wait3A_675 = arith.constant 0 : i32
            %dma_wait3A_676 = tpu.memref_slice %arg2[%dma_wait3A_674, %dma_wait3A_675] : memref<10000x128xf32, #tpu.memory_space<hbm>> -> memref<10000x128xf32, #tpu.memory_space<hbm>>
            tpu.wait_indirect_dma semaphore(%arg28 : memref<!tpu.dma_semaphore, #tpu.memory_space<semaphore_mem>>) src(%dma_wait3A_676 : memref<10000x128xf32, #tpu.memory_space<hbm>>) dst(%arg21 : memref<16x128xf32, #tpu.memory_space<vmem>>)
            %add3A_677 = arith.constant 1 : i32
            %add3A_678 = arith.addi %add3A_665, %add3A_677 : i32
            %lt3A_679 = arith.cmpi slt, %add3A_678, %max3A_606 : i32
            %convert_element_type3A_680 = arith.extui %lt3A_679 : i1 to i32
            %cond3A_681 = arith.constant 0 : i32
            %cond3A_682 = arith.cmpi ne, %convert_element_type3A_680, %cond3A_681 : i32
            scf.if %cond3A_682 {
              %add3A_716 = arith.constant 16 : i32
              %add3A_717 = arith.addi %mul3A_671, %add3A_716 : i32
              %dma_start3A_718 = tpu.memref_slice %arg16[%add3A_717] : memref<2016xi32, #tpu.memory_space<vmem>> -> memref<16xi32, #tpu.memory_space<vmem>>
              %dma_start3A_719 = arith.constant 0 : i32
              %dma_start3A_720 = arith.constant 0 : i32
              %dma_start3A_721 = tpu.memref_slice %arg2[%dma_start3A_719, %dma_start3A_720] : memref<10000x128xf32, #tpu.memory_space<hbm>> -> memref<10000x128xf32, #tpu.memory_space<hbm>>
              tpu.enqueue_indirect_dma source(%dma_start3A_721 : memref<10000x128xf32, #tpu.memory_space<hbm>>) target(%arg20 : memref<16x128xf32, #tpu.memory_space<vmem>>) offsets(%dma_start3A_718 : memref<16xi32, #tpu.memory_space<vmem>>) semaphore(%arg27 : memref<!tpu.dma_semaphore, #tpu.memory_space<semaphore_mem>>)
            } else {
            }
            %ge3A_683 = arith.constant 2 : i32
            %ge3A_684 = arith.cmpi sge, %add3A_665, %ge3A_683 : i32
            %convert_element_type3A_685 = arith.extui %ge3A_684 : i1 to i32
            %cond3A_686 = arith.constant 0 : i32
            %cond3A_687 = arith.cmpi ne, %convert_element_type3A_685, %cond3A_686 : i32
            scf.if %cond3A_687 {
              %dma_wait3A_716 = arith.constant 0 : i32
              %dma_wait3A_717 = tpu.memref_slice %arg26[%dma_wait3A_716] : memref<790528xf32, #tpu.memory_space<vmem_shared>> -> memref<790528xf32, #tpu.memory_space<vmem_shared>>
              tpu.wait_indirect_dma semaphore(%arg30 : memref<!tpu.dma_semaphore, #tpu.memory_space<semaphore_mem>>) src(%arg23 : memref<2064xf32, #tpu.memory_space<vmem>>) dst(%dma_wait3A_717 : memref<790528xf32, #tpu.memory_space<vmem_shared>>)
            } else {
            }
            %scan3A_688 = arith.constant 0 : i32
            %scan3A_689 = arith.constant 0 : i32
            %scan3A_690 = arith.constant 16 : i32
            %scan3A_691 = arith.addi %scan3A_689, %scan3A_690 : i32
            %scan3A_692 = arith.constant 1 : i32
            scf.for %scan3A_716 = %scan3A_689 to %scan3A_691 step %scan3A_692  : i32 {
              %add3A_717 = arith.addi %mul3A_671, %scan3A_716 : i32
              %broadcast_in_dim3A_718 = vector.broadcast %add3A_717 : i32 to vector<16xi32>
              %gather3A = tpu.vector_load_idx %arg17[%broadcast_in_dim3A_718] : memref<2016xf32, #tpu.memory_space<vmem>>[vector<16xi32>], vector<16xf32>,
              %gather3A_719 = tpu.vector_load_idx %arg19[%broadcast_in_dim3A_718] : memref<2016xi32, #tpu.memory_space<vmem>>[vector<16xi32>], vector<16xi32>,
              %lt3A_720 = arith.constant 3000 : i32
              %lt3A_721 = vector.broadcast %lt3A_720 : i32 to vector<16xi32>
              %lt3A_722 = arith.cmpi slt, %gather3A_719, %lt3A_721 : vector<16xi32>
              %gather3A_723 = tpu.vector_load_idx %arg18[%broadcast_in_dim3A_718] : memref<2016xi32, #tpu.memory_space<vmem>>[vector<16xi32>], vector<16xi32>,
              %mul3A_724 = arith.constant 256 : i32
              %mul3A_725 = vector.broadcast %mul3A_724 : i32 to vector<16xi32>
              %mul3A_726 = arith.muli %gather3A_723, %mul3A_725 : vector<16xi32>
              %add3A_727 = arith.addi %mul3A_726, %iota3A : vector<16xi32>
              %convert_element_type3A_728 = arith.extui %lt3A_722 : vector<16xi1> to vector<16xi32>
              %mul3A_729 = arith.constant 128 : i32
              %mul3A_730 = vector.broadcast %mul3A_729 : i32 to vector<16xi32>
              %mul3A_731 = arith.muli %convert_element_type3A_728, %mul3A_730 : vector<16xi32>
              %add3A_732 = arith.addi %add3A_727, %mul3A_731 : vector<16xi32>
              %mul3A_733 = arith.constant 128 : i32
              %mul3A_734 = arith.muli %scan3A_716, %mul3A_733 : i32
              %get3A_735 = arith.index_cast %scan3A_716 : i32 to index
              %get3A_736 = arith.constant 0 : index
              %get3A_737 = tpu.vector_load %arg21[%get3A_735, %get3A_736] {strides = array<i32>} : memref<16x128xf32, #tpu.memory_space<vmem>>, vector<16xf32>,
              %mul3A_738 = arith.mulf %get3A_737, %gather3A : vector<16xf32>
              %add3A_739 = arith.constant 0 : i32
              %add3A_740 = arith.addi %mul3A_734, %add3A_739 : i32
              %swap3A_741 = arith.index_cast %add3A_740 : i32 to index
              %swap3A_742 = tpu.vector_load %arg23[%swap3A_741] {strides = array<i32>} : memref<2064xf32, #tpu.memory_space<vmem>>, vector<16xf32>,
              tpu.vector_store %arg23[%swap3A_741], %mul3A_738 {strides = array<i32>} : memref<2064xf32, #tpu.memory_space<vmem>>, vector<16xf32>,
              %add3A_743 = arith.constant 0 : i32
              %add3A_744 = vector.broadcast %add3A_743 : i32 to vector<16xi32>
              %add3A_745 = arith.addi %add3A_732, %add3A_744 : vector<16xi32>
              %add3A_746 = arith.constant 0 : i32
              %add3A_747 = arith.addi %mul3A_734, %add3A_746 : i32
              %swap3A_748 = arith.index_cast %add3A_747 : i32 to index
              %swap3A_749 = tpu.vector_load %arg25[%swap3A_748] {strides = array<i32>} : memref<2064xi32, #tpu.memory_space<vmem>>, vector<16xi32>,
              tpu.vector_store %arg25[%swap3A_748], %add3A_745 {strides = array<i32>} : memref<2064xi32, #tpu.memory_space<vmem>>, vector<16xi32>,
              %get3A_750 = arith.index_cast %scan3A_716 : i32 to index
              %get3A_751 = arith.constant 16 : index
              %get3A_752 = tpu.vector_load %arg21[%get3A_750, %get3A_751] {strides = array<i32>} : memref<16x128xf32, #tpu.memory_space<vmem>>, vector<16xf32>,
              %mul3A_753 = arith.mulf %get3A_752, %gather3A : vector<16xf32>
              %add3A_754 = arith.constant 16 : i32
              %add3A_755 = arith.addi %mul3A_734, %add3A_754 : i32
              %swap3A_756 = arith.index_cast %add3A_755 : i32 to index
              %swap3A_757 = tpu.vector_load %arg23[%swap3A_756] {strides = array<i32>} : memref<2064xf32, #tpu.memory_space<vmem>>, vector<16xf32>,
              tpu.vector_store %arg23[%swap3A_756], %mul3A_753 {strides = array<i32>} : memref<2064xf32, #tpu.memory_space<vmem>>, vector<16xf32>,
              %add3A_758 = arith.constant 16 : i32
              %add3A_759 = vector.broadcast %add3A_758 : i32 to vector<16xi32>
              %add3A_760 = arith.addi %add3A_732, %add3A_759 : vector<16xi32>
              %add3A_761 = arith.constant 16 : i32
              %add3A_762 = arith.addi %mul3A_734, %add3A_761 : i32
              %swap3A_763 = arith.index_cast %add3A_762 : i32 to index
              %swap3A_764 = tpu.vector_load %arg25[%swap3A_763] {strides = array<i32>} : memref<2064xi32, #tpu.memory_space<vmem>>, vector<16xi32>,
              tpu.vector_store %arg25[%swap3A_763], %add3A_760 {strides = array<i32>} : memref<2064xi32, #tpu.memory_space<vmem>>, vector<16xi32>,
              %get3A_765 = arith.index_cast %scan3A_716 : i32 to index
              %get3A_766 = arith.constant 32 : index
              %get3A_767 = tpu.vector_load %arg21[%get3A_765, %get3A_766] {strides = array<i32>} : memref<16x128xf32, #tpu.memory_space<vmem>>, vector<16xf32>,
              %mul3A_768 = arith.mulf %get3A_767, %gather3A : vector<16xf32>
              %add3A_769 = arith.constant 32 : i32
              %add3A_770 = arith.addi %mul3A_734, %add3A_769 : i32
              %swap3A_771 = arith.index_cast %add3A_770 : i32 to index
              %swap3A_772 = tpu.vector_load %arg23[%swap3A_771] {strides = array<i32>} : memref<2064xf32, #tpu.memory_space<vmem>>, vector<16xf32>,
              tpu.vector_store %arg23[%swap3A_771], %mul3A_768 {strides = array<i32>} : memref<2064xf32, #tpu.memory_space<vmem>>, vector<16xf32>,
              %add3A_773 = arith.constant 32 : i32
              %add3A_774 = vector.broadcast %add3A_773 : i32 to vector<16xi32>
              %add3A_775 = arith.addi %add3A_732, %add3A_774 : vector<16xi32>
              %add3A_776 = arith.constant 32 : i32
              %add3A_777 = arith.addi %mul3A_734, %add3A_776 : i32
              %swap3A_778 = arith.index_cast %add3A_777 : i32 to index
              %swap3A_779 = tpu.vector_load %arg25[%swap3A_778] {strides = array<i32>} : memref<2064xi32, #tpu.memory_space<vmem>>, vector<16xi32>,
              tpu.vector_store %arg25[%swap3A_778], %add3A_775 {strides = array<i32>} : memref<2064xi32, #tpu.memory_space<vmem>>, vector<16xi32>,
              %get3A_780 = arith.index_cast %scan3A_716 : i32 to index
              %get3A_781 = arith.constant 48 : index
              %get3A_782 = tpu.vector_load %arg21[%get3A_780, %get3A_781] {strides = array<i32>} : memref<16x128xf32, #tpu.memory_space<vmem>>, vector<16xf32>,
              %mul3A_783 = arith.mulf %get3A_782, %gather3A : vector<16xf32>
              %add3A_784 = arith.constant 48 : i32
              %add3A_785 = arith.addi %mul3A_734, %add3A_784 : i32
              %swap3A_786 = arith.index_cast %add3A_785 : i32 to index
              %swap3A_787 = tpu.vector_load %arg23[%swap3A_786] {strides = array<i32>} : memref<2064xf32, #tpu.memory_space<vmem>>, vector<16xf32>,
              tpu.vector_store %arg23[%swap3A_786], %mul3A_783 {strides = array<i32>} : memref<2064xf32, #tpu.memory_space<vmem>>, vector<16xf32>,
              %add3A_788 = arith.constant 48 : i32
              %add3A_789 = vector.broadcast %add3A_788 : i32 to vector<16xi32>
              %add3A_790 = arith.addi %add3A_732, %add3A_789 : vector<16xi32>
              %add3A_791 = arith.constant 48 : i32
              %add3A_792 = arith.addi %mul3A_734, %add3A_791 : i32
              %swap3A_793 = arith.index_cast %add3A_792 : i32 to index
              %swap3A_794 = tpu.vector_load %arg25[%swap3A_793] {strides = array<i32>} : memref<2064xi32, #tpu.memory_space<vmem>>, vector<16xi32>,
              tpu.vector_store %arg25[%swap3A_793], %add3A_790 {strides = array<i32>} : memref<2064xi32, #tpu.memory_space<vmem>>, vector<16xi32>,
              %get3A_795 = arith.index_cast %scan3A_716 : i32 to index
              %get3A_796 = arith.constant 64 : index
              %get3A_797 = tpu.vector_load %arg21[%get3A_795, %get3A_796] {strides = array<i32>} : memref<16x128xf32, #tpu.memory_space<vmem>>, vector<16xf32>,
              %mul3A_798 = arith.mulf %get3A_797, %gather3A : vector<16xf32>
              %add3A_799 = arith.constant 64 : i32
              %add3A_800 = arith.addi %mul3A_734, %add3A_799 : i32
              %swap3A_801 = arith.index_cast %add3A_800 : i32 to index
              %swap3A_802 = tpu.vector_load %arg23[%swap3A_801] {strides = array<i32>} : memref<2064xf32, #tpu.memory_space<vmem>>, vector<16xf32>,
              tpu.vector_store %arg23[%swap3A_801], %mul3A_798 {strides = array<i32>} : memref<2064xf32, #tpu.memory_space<vmem>>, vector<16xf32>,
              %add3A_803 = arith.constant 64 : i32
              %add3A_804 = vector.broadcast %add3A_803 : i32 to vector<16xi32>
              %add3A_805 = arith.addi %add3A_732, %add3A_804 : vector<16xi32>
              %add3A_806 = arith.constant 64 : i32
              %add3A_807 = arith.addi %mul3A_734, %add3A_806 : i32
              %swap3A_808 = arith.index_cast %add3A_807 : i32 to index
              %swap3A_809 = tpu.vector_load %arg25[%swap3A_808] {strides = array<i32>} : memref<2064xi32, #tpu.memory_space<vmem>>, vector<16xi32>,
              tpu.vector_store %arg25[%swap3A_808], %add3A_805 {strides = array<i32>} : memref<2064xi32, #tpu.memory_space<vmem>>, vector<16xi32>,
              %get3A_810 = arith.index_cast %scan3A_716 : i32 to index
              %get3A_811 = arith.constant 80 : index
              %get3A_812 = tpu.vector_load %arg21[%get3A_810, %get3A_811] {strides = array<i32>} : memref<16x128xf32, #tpu.memory_space<vmem>>, vector<16xf32>,
              %mul3A_813 = arith.mulf %get3A_812, %gather3A : vector<16xf32>
              %add3A_814 = arith.constant 80 : i32
              %add3A_815 = arith.addi %mul3A_734, %add3A_814 : i32
              %swap3A_816 = arith.index_cast %add3A_815 : i32 to index
              %swap3A_817 = tpu.vector_load %arg23[%swap3A_816] {strides = array<i32>} : memref<2064xf32, #tpu.memory_space<vmem>>, vector<16xf32>,
              tpu.vector_store %arg23[%swap3A_816], %mul3A_813 {strides = array<i32>} : memref<2064xf32, #tpu.memory_space<vmem>>, vector<16xf32>,
              %add3A_818 = arith.constant 80 : i32
              %add3A_819 = vector.broadcast %add3A_818 : i32 to vector<16xi32>
              %add3A_820 = arith.addi %add3A_732, %add3A_819 : vector<16xi32>
              %add3A_821 = arith.constant 80 : i32
              %add3A_822 = arith.addi %mul3A_734, %add3A_821 : i32
              %swap3A_823 = arith.index_cast %add3A_822 : i32 to index
              %swap3A_824 = tpu.vector_load %arg25[%swap3A_823] {strides = array<i32>} : memref<2064xi32, #tpu.memory_space<vmem>>, vector<16xi32>,
              tpu.vector_store %arg25[%swap3A_823], %add3A_820 {strides = array<i32>} : memref<2064xi32, #tpu.memory_space<vmem>>, vector<16xi32>,
              %get3A_825 = arith.index_cast %scan3A_716 : i32 to index
              %get3A_826 = arith.constant 96 : index
              %get3A_827 = tpu.vector_load %arg21[%get3A_825, %get3A_826] {strides = array<i32>} : memref<16x128xf32, #tpu.memory_space<vmem>>, vector<16xf32>,
              %mul3A_828 = arith.mulf %get3A_827, %gather3A : vector<16xf32>
              %add3A_829 = arith.constant 96 : i32
              %add3A_830 = arith.addi %mul3A_734, %add3A_829 : i32
              %swap3A_831 = arith.index_cast %add3A_830 : i32 to index
              %swap3A_832 = tpu.vector_load %arg23[%swap3A_831] {strides = array<i32>} : memref<2064xf32, #tpu.memory_space<vmem>>, vector<16xf32>,
              tpu.vector_store %arg23[%swap3A_831], %mul3A_828 {strides = array<i32>} : memref<2064xf32, #tpu.memory_space<vmem>>, vector<16xf32>,
              %add3A_833 = arith.constant 96 : i32
              %add3A_834 = vector.broadcast %add3A_833 : i32 to vector<16xi32>
              %add3A_835 = arith.addi %add3A_732, %add3A_834 : vector<16xi32>
              %add3A_836 = arith.constant 96 : i32
              %add3A_837 = arith.addi %mul3A_734, %add3A_836 : i32
              %swap3A_838 = arith.index_cast %add3A_837 : i32 to index
              %swap3A_839 = tpu.vector_load %arg25[%swap3A_838] {strides = array<i32>} : memref<2064xi32, #tpu.memory_space<vmem>>, vector<16xi32>,
              tpu.vector_store %arg25[%swap3A_838], %add3A_835 {strides = array<i32>} : memref<2064xi32, #tpu.memory_space<vmem>>, vector<16xi32>,
              %get3A_840 = arith.index_cast %scan3A_716 : i32 to index
              %get3A_841 = arith.constant 112 : index
              %get3A_842 = tpu.vector_load %arg21[%get3A_840, %get3A_841] {strides = array<i32>} : memref<16x128xf32, #tpu.memory_space<vmem>>, vector<16xf32>,
              %mul3A_843 = arith.mulf %get3A_842, %gather3A : vector<16xf32>
              %add3A_844 = arith.constant 112 : i32
              %add3A_845 = arith.addi %mul3A_734, %add3A_844 : i32
              %swap3A_846 = arith.index_cast %add3A_845 : i32 to index
              %swap3A_847 = tpu.vector_load %arg23[%swap3A_846] {strides = array<i32>} : memref<2064xf32, #tpu.memory_space<vmem>>, vector<16xf32>,
              tpu.vector_store %arg23[%swap3A_846], %mul3A_843 {strides = array<i32>} : memref<2064xf32, #tpu.memory_space<vmem>>, vector<16xf32>,
              %add3A_848 = arith.constant 112 : i32
              %add3A_849 = vector.broadcast %add3A_848 : i32 to vector<16xi32>
              %add3A_850 = arith.addi %add3A_732, %add3A_849 : vector<16xi32>
              %add3A_851 = arith.constant 112 : i32
              %add3A_852 = arith.addi %mul3A_734, %add3A_851 : i32
              %swap3A_853 = arith.index_cast %add3A_852 : i32 to index
              %swap3A_854 = tpu.vector_load %arg25[%swap3A_853] {strides = array<i32>} : memref<2064xi32, #tpu.memory_space<vmem>>, vector<16xi32>,
              tpu.vector_store %arg25[%swap3A_853], %add3A_850 {strides = array<i32>} : memref<2064xi32, #tpu.memory_space<vmem>>, vector<16xi32>,
            }
            %scan3A_693 = arith.constant 16 : i32
            %add3A_694 = arith.constant 0 : i32
            %add3A_695 = arith.addi %mul3A_671, %add3A_694 : i32
            %get3A = arith.index_cast %add3A_695 : i32 to index
            %get3A_696 = tpu.vector_load %arg19[%get3A] {strides = array<i32>} : memref<2016xi32, #tpu.memory_space<vmem>>, vector<16xi32>,
            %lt3A_697 = arith.constant 3000 : i32
            %lt3A_698 = vector.broadcast %lt3A_697 : i32 to vector<16xi32>
            %lt3A_699 = arith.cmpi slt, %get3A_696, %lt3A_698 : vector<16xi32>
            %get3A_700 = arith.index_cast %add3A_695 : i32 to index
            %get3A_701 = tpu.vector_load %arg17[%get3A_700] {strides = array<i32>} : memref<2016xf32, #tpu.memory_space<vmem>>, vector<16xf32>,
            %broadcast_in_dim3A_702 = arith.constant 0.000000e+00 : f32
            %broadcast_in_dim3A_703 = vector.broadcast %broadcast_in_dim3A_702 : f32 to vector<16xf32>
            %select_n3A_704 = arith.select %lt3A_699, %get3A_701, %broadcast_in_dim3A_703 : vector<16xi1>, vector<16xf32>
            %swap3A_705 = arith.constant 2048 : index
            %swap3A_706 = tpu.vector_load %arg23[%swap3A_705] {strides = array<i32>} : memref<2064xf32, #tpu.memory_space<vmem>>, vector<16xf32>,
            tpu.vector_store %arg23[%swap3A_705], %select_n3A_704 {strides = array<i32>} : memref<2064xf32, #tpu.memory_space<vmem>>, vector<16xf32>,
            %get3A_707 = arith.index_cast %add3A_695 : i32 to index
            %get3A_708 = tpu.vector_load %arg18[%get3A_707] {strides = array<i32>} : memref<2016xi32, #tpu.memory_space<vmem>>, vector<16xi32>,
            %add3A_709 = arith.constant 786432 : i32
            %add3A_710 = vector.broadcast %add3A_709 : i32 to vector<16xi32>
            %add3A_711 = arith.addi %get3A_708, %add3A_710 : vector<16xi32>
            %swap3A_712 = arith.constant 2048 : index
            %swap3A_713 = tpu.vector_load %arg25[%swap3A_712] {strides = array<i32>} : memref<2064xi32, #tpu.memory_space<vmem>>, vector<16xi32>,
            tpu.vector_store %arg25[%swap3A_712], %add3A_711 {strides = array<i32>} : memref<2064xi32, #tpu.memory_space<vmem>>, vector<16xi32>,
            %dma_start3A_714 = arith.constant 0 : i32
            %dma_start3A_715 = tpu.memref_slice %arg26[%dma_start3A_714] : memref<790528xf32, #tpu.memory_space<vmem_shared>> -> memref<790528xf32, #tpu.memory_space<vmem_shared>>
            tpu.enqueue_indirect_dma source(%arg23 : memref<2064xf32, #tpu.memory_space<vmem>>) target(%dma_start3A_715 : memref<790528xf32, #tpu.memory_space<vmem_shared>>) offsets(%arg25 : memref<2064xi32, #tpu.memory_space<vmem>>) semaphore(%arg30 : memref<!tpu.dma_semaphore, #tpu.memory_space<semaphore_mem>>) {add = true}
          } else {
          }
        }
        %dma_wait3A_647 = arith.constant 0 : i32
        %dma_wait3A_648 = tpu.memref_slice %arg26[%dma_wait3A_647] : memref<790528xf32, #tpu.memory_space<vmem_shared>> -> memref<790528xf32, #tpu.memory_space<vmem_shared>>
        tpu.wait_indirect_dma semaphore(%arg29 : memref<!tpu.dma_semaphore, #tpu.memory_space<semaphore_mem>>) src(%arg22 : memref<2064xf32, #tpu.memory_space<vmem>>) dst(%dma_wait3A_648 : memref<790528xf32, #tpu.memory_space<vmem_shared>>)
        %ge3A = arith.constant 2 : i32
        %ge3A_649 = arith.cmpi sge, %max3A_606, %ge3A : i32
        %convert_element_type3A_650 = arith.extui %ge3A_649 : i1 to i32
        %cond3A_651 = arith.constant 0 : i32
        %cond3A_652 = arith.cmpi ne, %convert_element_type3A_650, %cond3A_651 : i32
        scf.if %cond3A_652 {
          %dma_wait3A_653 = arith.constant 0 : i32
          %dma_wait3A_654 = tpu.memref_slice %arg26[%dma_wait3A_653] : memref<790528xf32, #tpu.memory_space<vmem_shared>> -> memref<790528xf32, #tpu.memory_space<vmem_shared>>
          tpu.wait_indirect_dma semaphore(%arg30 : memref<!tpu.dma_semaphore, #tpu.memory_space<semaphore_mem>>) src(%arg23 : memref<2064xf32, #tpu.memory_space<vmem>>) dst(%dma_wait3A_654 : memref<790528xf32, #tpu.memory_space<vmem_shared>>)
        } else {
        }
      } else {
      }
      %mul3A_537 = arith.constant 2 : i32
      %mul3A_538 = arith.muli %scan3A_527, %mul3A_537 : i32
      %add3A_539 = arith.constant 1 : i32
      %add3A_540 = arith.addi %mul3A_538, %add3A_539 : i32
      %lt3A_541 = arith.constant 5 : i32
      %lt3A_542 = arith.cmpi slt, %add3A_540, %lt3A_541 : i32
      %convert_element_type3A_543 = arith.extui %lt3A_542 : i1 to i32
      %cond3A_544 = arith.constant 0 : i32
      %cond3A_545 = arith.cmpi ne, %convert_element_type3A_543, %cond3A_544 : i32
      scf.if %cond3A_545 {
        %dma_wait3A_546 = arith.constant 0 : i32
        %dma_wait3A_547 = tpu.memref_slice %arg3[%dma_wait3A_546] : memref<320000xi32, #tpu.memory_space<hbm>> -> memref<2000xi32, #tpu.memory_space<hbm>>
        %dma_wait3A_548 = arith.constant 0 : i32
        %dma_wait3A_549 = tpu.memref_slice %arg3[%dma_wait3A_548] : memref<320000xi32, #tpu.memory_space<hbm>> -> memref<2000xi32, #tpu.memory_space<hbm>>
        tpu.wait_dma2 semaphore(%arg32 : memref<!tpu.dma_semaphore, #tpu.memory_space<semaphore_mem>>) src(%dma_wait3A_549 : memref<2000xi32, #tpu.memory_space<hbm>>) dst(%arg11 : memref<2000xi32, #tpu.memory_space<vmem>>)
        %dma_wait3A_550 = arith.constant 0 : i32
        %dma_wait3A_551 = tpu.memref_slice %arg4[%dma_wait3A_550] : memref<320000xi32, #tpu.memory_space<hbm>> -> memref<2000xi32, #tpu.memory_space<hbm>>
        %dma_wait3A_552 = arith.constant 0 : i32
        %dma_wait3A_553 = tpu.memref_slice %arg4[%dma_wait3A_552] : memref<320000xi32, #tpu.memory_space<hbm>> -> memref<2000xi32, #tpu.memory_space<hbm>>
        tpu.wait_dma2 semaphore(%arg32 : memref<!tpu.dma_semaphore, #tpu.memory_space<semaphore_mem>>) src(%dma_wait3A_553 : memref<2000xi32, #tpu.memory_space<hbm>>) dst(%arg13 : memref<2000xi32, #tpu.memory_space<vmem>>)
        %dma_wait3A_554 = arith.constant 0 : i32
        %dma_wait3A_555 = tpu.memref_slice %arg5[%dma_wait3A_554] : memref<320000xf32, #tpu.memory_space<hbm>> -> memref<2000xf32, #tpu.memory_space<hbm>>
        %dma_wait3A_556 = arith.constant 0 : i32
        %dma_wait3A_557 = tpu.memref_slice %arg5[%dma_wait3A_556] : memref<320000xf32, #tpu.memory_space<hbm>> -> memref<2000xf32, #tpu.memory_space<hbm>>
        tpu.wait_dma2 semaphore(%arg32 : memref<!tpu.dma_semaphore, #tpu.memory_space<semaphore_mem>>) src(%dma_wait3A_557 : memref<2000xf32, #tpu.memory_space<hbm>>) dst(%arg15 : memref<2000xf32, #tpu.memory_space<vmem>>)
        %add3A_558 = arith.constant 1 : i32
        %add3A_559 = arith.addi %add3A_540, %add3A_558 : i32
        %lt3A_560 = arith.constant 5 : i32
        %lt3A_561 = arith.cmpi slt, %add3A_559, %lt3A_560 : i32
        %convert_element_type3A_562 = arith.extui %lt3A_561 : i1 to i32
        %cond3A_563 = arith.constant 0 : i32
        %cond3A_564 = arith.cmpi ne, %convert_element_type3A_562, %cond3A_563 : i32
        scf.if %cond3A_564 {
          %add3A_653 = arith.constant 1 : i32
          %add3A_654 = arith.addi %add3A_540, %add3A_653 : i32
          %mul3A_655 = arith.constant 10000 : i32
          %mul3A_656 = arith.muli %add3A, %mul3A_655 : i32
          %mul3A_657 = arith.constant 2000 : i32
          %mul3A_658 = arith.muli %add3A_654, %mul3A_657 : i32
          %add3A_659 = arith.addi %mul3A_656, %mul3A_658 : i32
          %dma_start3A_660 = tpu.memref_slice %arg3[%add3A_659] : memref<320000xi32, #tpu.memory_space<hbm>> -> memref<2000xi32, #tpu.memory_space<hbm>>
          %dma_start3A_661 = tpu.memref_slice %arg3[%add3A_659] : memref<320000xi32, #tpu.memory_space<hbm>> -> memref<2000xi32, #tpu.memory_space<hbm>>
          tpu.enqueue_dma source(%dma_start3A_661 : memref<2000xi32, #tpu.memory_space<hbm>>) target(%arg10 : memref<2000xi32, #tpu.memory_space<vmem>>) target_semaphore(%arg31 : memref<!tpu.dma_semaphore, #tpu.memory_space<semaphore_mem>>)
          %dma_start3A_662 = tpu.memref_slice %arg4[%add3A_659] : memref<320000xi32, #tpu.memory_space<hbm>> -> memref<2000xi32, #tpu.memory_space<hbm>>
          %dma_start3A_663 = tpu.memref_slice %arg4[%add3A_659] : memref<320000xi32, #tpu.memory_space<hbm>> -> memref<2000xi32, #tpu.memory_space<hbm>>
          tpu.enqueue_dma source(%dma_start3A_663 : memref<2000xi32, #tpu.memory_space<hbm>>) target(%arg12 : memref<2000xi32, #tpu.memory_space<vmem>>) target_semaphore(%arg31 : memref<!tpu.dma_semaphore, #tpu.memory_space<semaphore_mem>>)
          %dma_start3A_664 = tpu.memref_slice %arg5[%add3A_659] : memref<320000xf32, #tpu.memory_space<hbm>> -> memref<2000xf32, #tpu.memory_space<hbm>>
          %dma_start3A_665 = tpu.memref_slice %arg5[%add3A_659] : memref<320000xf32, #tpu.memory_space<hbm>> -> memref<2000xf32, #tpu.memory_space<hbm>>
          tpu.enqueue_dma source(%dma_start3A_665 : memref<2000xf32, #tpu.memory_space<hbm>>) target(%arg14 : memref<2000xf32, #tpu.memory_space<vmem>>) target_semaphore(%arg31 : memref<!tpu.dma_semaphore, #tpu.memory_space<semaphore_mem>>)
        } else {
        }
        %scan3A_565 = arith.constant 0 : i32
        %scan3A_566 = arith.constant 0 : i32
        %scan3A_567 = arith.constant 125 : i32
        %scan3A_568 = arith.addi %scan3A_566, %scan3A_567 : i32
        %scan3A_569 = arith.constant 1 : i32
        %scan3A_570 = scf.for %scan3A_653 = %scan3A_566 to %scan3A_568 step %scan3A_569 iter_args(%scan3A_654 = %scan3A_565) -> (i32)  : i32 {
          %mul3A_655 = arith.constant 16 : i32
          %mul3A_656 = arith.muli %scan3A_653, %mul3A_655 : i32
          %get3A = arith.index_cast %mul3A_656 : i32 to index
          %get3A_657 = tpu.vector_load %arg11[%get3A] {strides = array<i32>} : memref<2000xi32, #tpu.memory_space<vmem>>, vector<16xi32>,
          %get3A_658 = arith.index_cast %mul3A_656 : i32 to index
          %get3A_659 = tpu.vector_load %arg13[%get3A_658] {strides = array<i32>} : memref<2000xi32, #tpu.memory_space<vmem>>, vector<16xi32>,
          %gather3A = tpu.vector_load_idx %arg9[%get3A_659] : memref<10000xi32, #tpu.memory_space<vmem>>[vector<16xi32>], vector<16xi32>,
          %lt3A_660 = arith.constant 3000 : i32
          %lt3A_661 = vector.broadcast %lt3A_660 : i32 to vector<16xi32>
          %lt3A_662 = arith.cmpi slt, %gather3A, %lt3A_661 : vector<16xi32>
          %convert_element_type3A_663 = arith.extui %lt3A_662 : vector<16xi1> to vector<16xi32>
          %broadcast_in_dim3A_664 = arith.constant true
          %broadcast_in_dim3A_665 = vector.broadcast %broadcast_in_dim3A_664 : i1 to vector<16xi1>
          %masked_cumsum3A = tpu.scan <sum>, %convert_element_type3A_663 masked %broadcast_in_dim3A_665 : vector<16xi32>, vector<16xi1> -> vector<16xi32>
          %broadcast_in_dim3A_666 = vector.broadcast %scan3A_654 : i32 to vector<16xi32>
          %add3A_667 = arith.addi %broadcast_in_dim3A_666, %masked_cumsum3A : vector<16xi32>
          %sub3A_668 = arith.subi %add3A_667, %convert_element_type3A_663 : vector<16xi32>
          tpu.vector_store_idx %arg16[%sub3A_668], %get3A_657 masked %lt3A_662 : memref<2016xi32, #tpu.memory_space<vmem>>[vector<16xi32>], vector<16xi32>, vector<16xi1>
          %get3A_669 = arith.index_cast %mul3A_656 : i32 to index
          %get3A_670 = tpu.vector_load %arg15[%get3A_669] {strides = array<i32>} : memref<2000xf32, #tpu.memory_space<vmem>>, vector<16xf32>,
          tpu.vector_store_idx %arg17[%sub3A_668], %get3A_670 masked %lt3A_662 : memref<2016xf32, #tpu.memory_space<vmem>>[vector<16xi32>], vector<16xf32>, vector<16xi1>
          tpu.vector_store_idx %arg18[%sub3A_668], %gather3A masked %lt3A_662 : memref<2016xi32, #tpu.memory_space<vmem>>[vector<16xi32>], vector<16xi32>, vector<16xi1>
          %gather3A_671 = tpu.vector_load_idx %arg9[%get3A_657] : memref<10000xi32, #tpu.memory_space<vmem>>[vector<16xi32>], vector<16xi32>,
          tpu.vector_store_idx %arg19[%sub3A_668], %gather3A_671 masked %lt3A_662 : memref<2016xi32, #tpu.memory_space<vmem>>[vector<16xi32>], vector<16xi32>, vector<16xi1>
          %reduce_max3A = arith.constant true
          %reduce_max3A_672 = vector.broadcast %reduce_max3A : i1 to vector<16xi1>
          %reduce_max3A_673 = arith.constant -2147483648 : i32
          %reduce_max3A_674 = vector.broadcast %reduce_max3A_673 : i32 to vector<16xi32>
          %reduce_max3A_675 = arith.xori %masked_cumsum3A, %reduce_max3A_674 : vector<16xi32>
          %reduce_max3A_676 = tpu.scan <max>, %reduce_max3A_675 masked %reduce_max3A_672 : vector<16xi32>, vector<16xi1> -> vector<16xi32>
          %reduce_max3A_677 = arith.xori %reduce_max3A_676, %reduce_max3A_674 : vector<16xi32>
          %reduce_max3A_678 = vector.extract %reduce_max3A_677[15] : i32 from vector<16xi32>
          %add3A_679 = arith.addi %scan3A_654, %reduce_max3A_678 : i32
          scf.yield %add3A_679 : i32
        }
        %scan3A_571 = arith.constant 125 : i32
        %add3A_572 = arith.constant 0 : i32
        %add3A_573 = arith.addi %scan3A_570, %add3A_572 : i32
        %broadcast_in_dim3A = arith.constant 0 : i32
        %broadcast_in_dim3A_574 = vector.broadcast %broadcast_in_dim3A : i32 to vector<16xi32>
        %swap3A = arith.index_cast %add3A_573 : i32 to index
        %swap3A_575 = tpu.vector_load %arg16[%swap3A] {strides = array<i32>} : memref<2016xi32, #tpu.memory_space<vmem>>, vector<16xi32>,
        tpu.vector_store %arg16[%swap3A], %broadcast_in_dim3A_574 {strides = array<i32>} : memref<2016xi32, #tpu.memory_space<vmem>>, vector<16xi32>,
        %broadcast_in_dim3A_576 = arith.constant 0.000000e+00 : f32
        %broadcast_in_dim3A_577 = vector.broadcast %broadcast_in_dim3A_576 : f32 to vector<16xf32>
        %swap3A_578 = arith.index_cast %add3A_573 : i32 to index
        %swap3A_579 = tpu.vector_load %arg17[%swap3A_578] {strides = array<i32>} : memref<2016xf32, #tpu.memory_space<vmem>>, vector<16xf32>,
        tpu.vector_store %arg17[%swap3A_578], %broadcast_in_dim3A_577 {strides = array<i32>} : memref<2016xf32, #tpu.memory_space<vmem>>, vector<16xf32>,
        %broadcast_in_dim3A_580 = arith.constant 3000 : i32
        %broadcast_in_dim3A_581 = vector.broadcast %broadcast_in_dim3A_580 : i32 to vector<16xi32>
        %swap3A_582 = arith.index_cast %add3A_573 : i32 to index
        %swap3A_583 = tpu.vector_load %arg18[%swap3A_582] {strides = array<i32>} : memref<2016xi32, #tpu.memory_space<vmem>>, vector<16xi32>,
        tpu.vector_store %arg18[%swap3A_582], %broadcast_in_dim3A_581 {strides = array<i32>} : memref<2016xi32, #tpu.memory_space<vmem>>, vector<16xi32>,
        %broadcast_in_dim3A_584 = arith.constant 3000 : i32
        %broadcast_in_dim3A_585 = vector.broadcast %broadcast_in_dim3A_584 : i32 to vector<16xi32>
        %swap3A_586 = arith.index_cast %add3A_573 : i32 to index
        %swap3A_587 = tpu.vector_load %arg19[%swap3A_586] {strides = array<i32>} : memref<2016xi32, #tpu.memory_space<vmem>>, vector<16xi32>,
        tpu.vector_store %arg19[%swap3A_586], %broadcast_in_dim3A_585 {strides = array<i32>} : memref<2016xi32, #tpu.memory_space<vmem>>, vector<16xi32>,
        %add3A_588 = arith.constant 15 : i32
        %add3A_589 = arith.addi %scan3A_570, %add3A_588 : i32
        %jit3A = arith.constant 16 : i32
        %div3A = arith.divsi %add3A_589, %jit3A : i32
        %sign3A = arith.constant 0 : i32
        %sign3A_590 = arith.cmpi sgt, %add3A_589, %sign3A : i32
        %sign3A_591 = arith.extui %sign3A_590 : i1 to i32
        %sign3A_592 = arith.constant 0 : i32
        %sign3A_593 = arith.cmpi slt, %add3A_589, %sign3A_592 : i32
        %sign3A_594 = arith.extui %sign3A_593 : i1 to i32
        %sign3A_595 = arith.subi %sign3A_591, %sign3A_594 : i32
        %sign3A_596 = arith.constant 0 : i32
        %sign3A_597 = arith.cmpi sgt, %jit3A, %sign3A_596 : i32
        %sign3A_598 = arith.extui %sign3A_597 : i1 to i32
        %sign3A_599 = arith.constant 0 : i32
        %sign3A_600 = arith.cmpi slt, %jit3A, %sign3A_599 : i32
        %sign3A_601 = arith.extui %sign3A_600 : i1 to i32
        %sign3A_602 = arith.subi %sign3A_598, %sign3A_601 : i32
        %ne3A = arith.cmpi ne, %sign3A_595, %sign3A_602 : i32
        %rem3A = arith.remsi %add3A_589, %jit3A : i32
        %ne3A_603 = arith.constant 0 : i32
        %ne3A_604 = arith.cmpi ne, %rem3A, %ne3A_603 : i32
        %and3A = arith.andi %ne3A, %ne3A_604 : i1
        %sub3A = arith.constant 1 : i32
        %sub3A_605 = arith.subi %div3A, %sub3A : i32
        %select_n3A = arith.select %and3A, %sub3A_605, %div3A : i32
        %max3A = arith.constant 1 : i32
        %max3A_606 = arith.maxsi %select_n3A, %max3A : i32
        %dma_start3A_607 = arith.constant 0 : i32
        %dma_start3A_608 = tpu.memref_slice %arg16[%dma_start3A_607] : memref<2016xi32, #tpu.memory_space<vmem>> -> memref<16xi32, #tpu.memory_space<vmem>>
        %dma_start3A_609 = arith.constant 0 : i32
        %dma_start3A_610 = arith.constant 0 : i32
        %dma_start3A_611 = tpu.memref_slice %arg2[%dma_start3A_609, %dma_start3A_610] : memref<10000x128xf32, #tpu.memory_space<hbm>> -> memref<10000x128xf32, #tpu.memory_space<hbm>>
        tpu.enqueue_indirect_dma source(%dma_start3A_611 : memref<10000x128xf32, #tpu.memory_space<hbm>>) target(%arg20 : memref<16x128xf32, #tpu.memory_space<vmem>>) offsets(%dma_start3A_608 : memref<16xi32, #tpu.memory_space<vmem>>) semaphore(%arg27 : memref<!tpu.dma_semaphore, #tpu.memory_space<semaphore_mem>>)
        %add3A_612 = arith.constant 1 : i32
        %add3A_613 = arith.addi %max3A_606, %add3A_612 : i32
        %jit3A_614 = arith.constant 2 : i32
        %div3A_615 = arith.divsi %add3A_613, %jit3A_614 : i32
        %sign3A_616 = arith.constant 0 : i32
        %sign3A_617 = arith.cmpi sgt, %add3A_613, %sign3A_616 : i32
        %sign3A_618 = arith.extui %sign3A_617 : i1 to i32
        %sign3A_619 = arith.constant 0 : i32
        %sign3A_620 = arith.cmpi slt, %add3A_613, %sign3A_619 : i32
        %sign3A_621 = arith.extui %sign3A_620 : i1 to i32
        %sign3A_622 = arith.subi %sign3A_618, %sign3A_621 : i32
        %sign3A_623 = arith.constant 0 : i32
        %sign3A_624 = arith.cmpi sgt, %jit3A_614, %sign3A_623 : i32
        %sign3A_625 = arith.extui %sign3A_624 : i1 to i32
        %sign3A_626 = arith.constant 0 : i32
        %sign3A_627 = arith.cmpi slt, %jit3A_614, %sign3A_626 : i32
        %sign3A_628 = arith.extui %sign3A_627 : i1 to i32
        %sign3A_629 = arith.subi %sign3A_625, %sign3A_628 : i32
        %ne3A_630 = arith.cmpi ne, %sign3A_622, %sign3A_629 : i32
        %rem3A_631 = arith.remsi %add3A_613, %jit3A_614 : i32
        %ne3A_632 = arith.constant 0 : i32
        %ne3A_633 = arith.cmpi ne, %rem3A_631, %ne3A_632 : i32
        %and3A_634 = arith.andi %ne3A_630, %ne3A_633 : i1
        %sub3A_635 = arith.constant 1 : i32
        %sub3A_636 = arith.subi %div3A_615, %sub3A_635 : i32
        %select_n3A_637 = arith.select %and3A_634, %sub3A_636, %div3A_615 : i32
        %while3A = arith.constant 0 : i32
        %while3A_638 = arith.constant 0 : i32
        %while3A_639 = arith.subi %select_n3A_637, %while3A_638 : i32
        %while3A_640 = arith.addi %while3A_638, %while3A_639 : i32
        %while3A_641 = arith.constant 1 : i32
        %while3A_642 = arith.divsi %while3A_639, %while3A_641 : i32
        %while3A_643 = arith.muli %while3A_642, %while3A_641 : i32
        %while3A_644 = arith.addi %while3A_638, %while3A_643 : i32
        %while3A_645 = arith.constant 1 : i32
        scf.for %while3A_653 = %while3A_638 to %while3A_644 step %while3A_645  : i32 {
          %mul3A_654 = arith.constant 2 : i32
          %mul3A_655 = arith.muli %while3A_653, %mul3A_654 : i32
          %add3A_656 = arith.constant 0 : i32
          %add3A_657 = arith.addi %mul3A_655, %add3A_656 : i32
          %lt3A_658 = arith.cmpi slt, %add3A_657, %max3A_606 : i32
          %convert_element_type3A_659 = arith.extui %lt3A_658 : i1 to i32
          %cond3A_660 = arith.constant 0 : i32
          %cond3A_661 = arith.cmpi ne, %convert_element_type3A_659, %cond3A_660 : i32
          scf.if %cond3A_661 {
            %mul3A_670 = arith.constant 16 : i32
            %mul3A_671 = arith.muli %add3A_657, %mul3A_670 : i32
            %dma_wait3A_672 = arith.constant 0 : i32
            %dma_wait3A_673 = tpu.memref_slice %arg16[%dma_wait3A_672] : memref<2016xi32, #tpu.memory_space<vmem>> -> memref<16xi32, #tpu.memory_space<vmem>>
            %dma_wait3A_674 = arith.constant 0 : i32
            %dma_wait3A_675 = arith.constant 0 : i32
            %dma_wait3A_676 = tpu.memref_slice %arg2[%dma_wait3A_674, %dma_wait3A_675] : memref<10000x128xf32, #tpu.memory_space<hbm>> -> memref<10000x128xf32, #tpu.memory_space<hbm>>
            tpu.wait_indirect_dma semaphore(%arg27 : memref<!tpu.dma_semaphore, #tpu.memory_space<semaphore_mem>>) src(%dma_wait3A_676 : memref<10000x128xf32, #tpu.memory_space<hbm>>) dst(%arg20 : memref<16x128xf32, #tpu.memory_space<vmem>>)
            %add3A_677 = arith.constant 1 : i32
            %add3A_678 = arith.addi %add3A_657, %add3A_677 : i32
            %lt3A_679 = arith.cmpi slt, %add3A_678, %max3A_606 : i32
            %convert_element_type3A_680 = arith.extui %lt3A_679 : i1 to i32
            %cond3A_681 = arith.constant 0 : i32
            %cond3A_682 = arith.cmpi ne, %convert_element_type3A_680, %cond3A_681 : i32
            scf.if %cond3A_682 {
              %add3A_716 = arith.constant 16 : i32
              %add3A_717 = arith.addi %mul3A_671, %add3A_716 : i32
              %dma_start3A_718 = tpu.memref_slice %arg16[%add3A_717] : memref<2016xi32, #tpu.memory_space<vmem>> -> memref<16xi32, #tpu.memory_space<vmem>>
              %dma_start3A_719 = arith.constant 0 : i32
              %dma_start3A_720 = arith.constant 0 : i32
              %dma_start3A_721 = tpu.memref_slice %arg2[%dma_start3A_719, %dma_start3A_720] : memref<10000x128xf32, #tpu.memory_space<hbm>> -> memref<10000x128xf32, #tpu.memory_space<hbm>>
              tpu.enqueue_indirect_dma source(%dma_start3A_721 : memref<10000x128xf32, #tpu.memory_space<hbm>>) target(%arg21 : memref<16x128xf32, #tpu.memory_space<vmem>>) offsets(%dma_start3A_718 : memref<16xi32, #tpu.memory_space<vmem>>) semaphore(%arg28 : memref<!tpu.dma_semaphore, #tpu.memory_space<semaphore_mem>>)
            } else {
            }
            %ge3A_683 = arith.constant 2 : i32
            %ge3A_684 = arith.cmpi sge, %add3A_657, %ge3A_683 : i32
            %convert_element_type3A_685 = arith.extui %ge3A_684 : i1 to i32
            %cond3A_686 = arith.constant 0 : i32
            %cond3A_687 = arith.cmpi ne, %convert_element_type3A_685, %cond3A_686 : i32
            scf.if %cond3A_687 {
              %dma_wait3A_716 = arith.constant 0 : i32
              %dma_wait3A_717 = tpu.memref_slice %arg26[%dma_wait3A_716] : memref<790528xf32, #tpu.memory_space<vmem_shared>> -> memref<790528xf32, #tpu.memory_space<vmem_shared>>
              tpu.wait_indirect_dma semaphore(%arg29 : memref<!tpu.dma_semaphore, #tpu.memory_space<semaphore_mem>>) src(%arg22 : memref<2064xf32, #tpu.memory_space<vmem>>) dst(%dma_wait3A_717 : memref<790528xf32, #tpu.memory_space<vmem_shared>>)
            } else {
            }
            %scan3A_688 = arith.constant 0 : i32
            %scan3A_689 = arith.constant 0 : i32
            %scan3A_690 = arith.constant 16 : i32
            %scan3A_691 = arith.addi %scan3A_689, %scan3A_690 : i32
            %scan3A_692 = arith.constant 1 : i32
            scf.for %scan3A_716 = %scan3A_689 to %scan3A_691 step %scan3A_692  : i32 {
              %add3A_717 = arith.addi %mul3A_671, %scan3A_716 : i32
              %broadcast_in_dim3A_718 = vector.broadcast %add3A_717 : i32 to vector<16xi32>
              %gather3A = tpu.vector_load_idx %arg17[%broadcast_in_dim3A_718] : memref<2016xf32, #tpu.memory_space<vmem>>[vector<16xi32>], vector<16xf32>,
              %gather3A_719 = tpu.vector_load_idx %arg19[%broadcast_in_dim3A_718] : memref<2016xi32, #tpu.memory_space<vmem>>[vector<16xi32>], vector<16xi32>,
              %lt3A_720 = arith.constant 3000 : i32
              %lt3A_721 = vector.broadcast %lt3A_720 : i32 to vector<16xi32>
              %lt3A_722 = arith.cmpi slt, %gather3A_719, %lt3A_721 : vector<16xi32>
              %gather3A_723 = tpu.vector_load_idx %arg18[%broadcast_in_dim3A_718] : memref<2016xi32, #tpu.memory_space<vmem>>[vector<16xi32>], vector<16xi32>,
              %mul3A_724 = arith.constant 256 : i32
              %mul3A_725 = vector.broadcast %mul3A_724 : i32 to vector<16xi32>
              %mul3A_726 = arith.muli %gather3A_723, %mul3A_725 : vector<16xi32>
              %add3A_727 = arith.addi %mul3A_726, %iota3A : vector<16xi32>
              %convert_element_type3A_728 = arith.extui %lt3A_722 : vector<16xi1> to vector<16xi32>
              %mul3A_729 = arith.constant 128 : i32
              %mul3A_730 = vector.broadcast %mul3A_729 : i32 to vector<16xi32>
              %mul3A_731 = arith.muli %convert_element_type3A_728, %mul3A_730 : vector<16xi32>
              %add3A_732 = arith.addi %add3A_727, %mul3A_731 : vector<16xi32>
              %mul3A_733 = arith.constant 128 : i32
              %mul3A_734 = arith.muli %scan3A_716, %mul3A_733 : i32
              %get3A_735 = arith.index_cast %scan3A_716 : i32 to index
              %get3A_736 = arith.constant 0 : index
              %get3A_737 = tpu.vector_load %arg20[%get3A_735, %get3A_736] {strides = array<i32>} : memref<16x128xf32, #tpu.memory_space<vmem>>, vector<16xf32>,
              %mul3A_738 = arith.mulf %get3A_737, %gather3A : vector<16xf32>
              %add3A_739 = arith.constant 0 : i32
              %add3A_740 = arith.addi %mul3A_734, %add3A_739 : i32
              %swap3A_741 = arith.index_cast %add3A_740 : i32 to index
              %swap3A_742 = tpu.vector_load %arg22[%swap3A_741] {strides = array<i32>} : memref<2064xf32, #tpu.memory_space<vmem>>, vector<16xf32>,
              tpu.vector_store %arg22[%swap3A_741], %mul3A_738 {strides = array<i32>} : memref<2064xf32, #tpu.memory_space<vmem>>, vector<16xf32>,
              %add3A_743 = arith.constant 0 : i32
              %add3A_744 = vector.broadcast %add3A_743 : i32 to vector<16xi32>
              %add3A_745 = arith.addi %add3A_732, %add3A_744 : vector<16xi32>
              %add3A_746 = arith.constant 0 : i32
              %add3A_747 = arith.addi %mul3A_734, %add3A_746 : i32
              %swap3A_748 = arith.index_cast %add3A_747 : i32 to index
              %swap3A_749 = tpu.vector_load %arg24[%swap3A_748] {strides = array<i32>} : memref<2064xi32, #tpu.memory_space<vmem>>, vector<16xi32>,
              tpu.vector_store %arg24[%swap3A_748], %add3A_745 {strides = array<i32>} : memref<2064xi32, #tpu.memory_space<vmem>>, vector<16xi32>,
              %get3A_750 = arith.index_cast %scan3A_716 : i32 to index
              %get3A_751 = arith.constant 16 : index
              %get3A_752 = tpu.vector_load %arg20[%get3A_750, %get3A_751] {strides = array<i32>} : memref<16x128xf32, #tpu.memory_space<vmem>>, vector<16xf32>,
              %mul3A_753 = arith.mulf %get3A_752, %gather3A : vector<16xf32>
              %add3A_754 = arith.constant 16 : i32
              %add3A_755 = arith.addi %mul3A_734, %add3A_754 : i32
              %swap3A_756 = arith.index_cast %add3A_755 : i32 to index
              %swap3A_757 = tpu.vector_load %arg22[%swap3A_756] {strides = array<i32>} : memref<2064xf32, #tpu.memory_space<vmem>>, vector<16xf32>,
              tpu.vector_store %arg22[%swap3A_756], %mul3A_753 {strides = array<i32>} : memref<2064xf32, #tpu.memory_space<vmem>>, vector<16xf32>,
              %add3A_758 = arith.constant 16 : i32
              %add3A_759 = vector.broadcast %add3A_758 : i32 to vector<16xi32>
              %add3A_760 = arith.addi %add3A_732, %add3A_759 : vector<16xi32>
              %add3A_761 = arith.constant 16 : i32
              %add3A_762 = arith.addi %mul3A_734, %add3A_761 : i32
              %swap3A_763 = arith.index_cast %add3A_762 : i32 to index
              %swap3A_764 = tpu.vector_load %arg24[%swap3A_763] {strides = array<i32>} : memref<2064xi32, #tpu.memory_space<vmem>>, vector<16xi32>,
              tpu.vector_store %arg24[%swap3A_763], %add3A_760 {strides = array<i32>} : memref<2064xi32, #tpu.memory_space<vmem>>, vector<16xi32>,
              %get3A_765 = arith.index_cast %scan3A_716 : i32 to index
              %get3A_766 = arith.constant 32 : index
              %get3A_767 = tpu.vector_load %arg20[%get3A_765, %get3A_766] {strides = array<i32>} : memref<16x128xf32, #tpu.memory_space<vmem>>, vector<16xf32>,
              %mul3A_768 = arith.mulf %get3A_767, %gather3A : vector<16xf32>
              %add3A_769 = arith.constant 32 : i32
              %add3A_770 = arith.addi %mul3A_734, %add3A_769 : i32
              %swap3A_771 = arith.index_cast %add3A_770 : i32 to index
              %swap3A_772 = tpu.vector_load %arg22[%swap3A_771] {strides = array<i32>} : memref<2064xf32, #tpu.memory_space<vmem>>, vector<16xf32>,
              tpu.vector_store %arg22[%swap3A_771], %mul3A_768 {strides = array<i32>} : memref<2064xf32, #tpu.memory_space<vmem>>, vector<16xf32>,
              %add3A_773 = arith.constant 32 : i32
              %add3A_774 = vector.broadcast %add3A_773 : i32 to vector<16xi32>
              %add3A_775 = arith.addi %add3A_732, %add3A_774 : vector<16xi32>
              %add3A_776 = arith.constant 32 : i32
              %add3A_777 = arith.addi %mul3A_734, %add3A_776 : i32
              %swap3A_778 = arith.index_cast %add3A_777 : i32 to index
              %swap3A_779 = tpu.vector_load %arg24[%swap3A_778] {strides = array<i32>} : memref<2064xi32, #tpu.memory_space<vmem>>, vector<16xi32>,
              tpu.vector_store %arg24[%swap3A_778], %add3A_775 {strides = array<i32>} : memref<2064xi32, #tpu.memory_space<vmem>>, vector<16xi32>,
              %get3A_780 = arith.index_cast %scan3A_716 : i32 to index
              %get3A_781 = arith.constant 48 : index
              %get3A_782 = tpu.vector_load %arg20[%get3A_780, %get3A_781] {strides = array<i32>} : memref<16x128xf32, #tpu.memory_space<vmem>>, vector<16xf32>,
              %mul3A_783 = arith.mulf %get3A_782, %gather3A : vector<16xf32>
              %add3A_784 = arith.constant 48 : i32
              %add3A_785 = arith.addi %mul3A_734, %add3A_784 : i32
              %swap3A_786 = arith.index_cast %add3A_785 : i32 to index
              %swap3A_787 = tpu.vector_load %arg22[%swap3A_786] {strides = array<i32>} : memref<2064xf32, #tpu.memory_space<vmem>>, vector<16xf32>,
              tpu.vector_store %arg22[%swap3A_786], %mul3A_783 {strides = array<i32>} : memref<2064xf32, #tpu.memory_space<vmem>>, vector<16xf32>,
              %add3A_788 = arith.constant 48 : i32
              %add3A_789 = vector.broadcast %add3A_788 : i32 to vector<16xi32>
              %add3A_790 = arith.addi %add3A_732, %add3A_789 : vector<16xi32>
              %add3A_791 = arith.constant 48 : i32
              %add3A_792 = arith.addi %mul3A_734, %add3A_791 : i32
              %swap3A_793 = arith.index_cast %add3A_792 : i32 to index
              %swap3A_794 = tpu.vector_load %arg24[%swap3A_793] {strides = array<i32>} : memref<2064xi32, #tpu.memory_space<vmem>>, vector<16xi32>,
              tpu.vector_store %arg24[%swap3A_793], %add3A_790 {strides = array<i32>} : memref<2064xi32, #tpu.memory_space<vmem>>, vector<16xi32>,
              %get3A_795 = arith.index_cast %scan3A_716 : i32 to index
              %get3A_796 = arith.constant 64 : index
              %get3A_797 = tpu.vector_load %arg20[%get3A_795, %get3A_796] {strides = array<i32>} : memref<16x128xf32, #tpu.memory_space<vmem>>, vector<16xf32>,
              %mul3A_798 = arith.mulf %get3A_797, %gather3A : vector<16xf32>
              %add3A_799 = arith.constant 64 : i32
              %add3A_800 = arith.addi %mul3A_734, %add3A_799 : i32
              %swap3A_801 = arith.index_cast %add3A_800 : i32 to index
              %swap3A_802 = tpu.vector_load %arg22[%swap3A_801] {strides = array<i32>} : memref<2064xf32, #tpu.memory_space<vmem>>, vector<16xf32>,
              tpu.vector_store %arg22[%swap3A_801], %mul3A_798 {strides = array<i32>} : memref<2064xf32, #tpu.memory_space<vmem>>, vector<16xf32>,
              %add3A_803 = arith.constant 64 : i32
              %add3A_804 = vector.broadcast %add3A_803 : i32 to vector<16xi32>
              %add3A_805 = arith.addi %add3A_732, %add3A_804 : vector<16xi32>
              %add3A_806 = arith.constant 64 : i32
              %add3A_807 = arith.addi %mul3A_734, %add3A_806 : i32
              %swap3A_808 = arith.index_cast %add3A_807 : i32 to index
              %swap3A_809 = tpu.vector_load %arg24[%swap3A_808] {strides = array<i32>} : memref<2064xi32, #tpu.memory_space<vmem>>, vector<16xi32>,
              tpu.vector_store %arg24[%swap3A_808], %add3A_805 {strides = array<i32>} : memref<2064xi32, #tpu.memory_space<vmem>>, vector<16xi32>,
              %get3A_810 = arith.index_cast %scan3A_716 : i32 to index
              %get3A_811 = arith.constant 80 : index
              %get3A_812 = tpu.vector_load %arg20[%get3A_810, %get3A_811] {strides = array<i32>} : memref<16x128xf32, #tpu.memory_space<vmem>>, vector<16xf32>,
              %mul3A_813 = arith.mulf %get3A_812, %gather3A : vector<16xf32>
              %add3A_814 = arith.constant 80 : i32
              %add3A_815 = arith.addi %mul3A_734, %add3A_814 : i32
              %swap3A_816 = arith.index_cast %add3A_815 : i32 to index
              %swap3A_817 = tpu.vector_load %arg22[%swap3A_816] {strides = array<i32>} : memref<2064xf32, #tpu.memory_space<vmem>>, vector<16xf32>,
              tpu.vector_store %arg22[%swap3A_816], %mul3A_813 {strides = array<i32>} : memref<2064xf32, #tpu.memory_space<vmem>>, vector<16xf32>,
              %add3A_818 = arith.constant 80 : i32
              %add3A_819 = vector.broadcast %add3A_818 : i32 to vector<16xi32>
              %add3A_820 = arith.addi %add3A_732, %add3A_819 : vector<16xi32>
              %add3A_821 = arith.constant 80 : i32
              %add3A_822 = arith.addi %mul3A_734, %add3A_821 : i32
              %swap3A_823 = arith.index_cast %add3A_822 : i32 to index
              %swap3A_824 = tpu.vector_load %arg24[%swap3A_823] {strides = array<i32>} : memref<2064xi32, #tpu.memory_space<vmem>>, vector<16xi32>,
              tpu.vector_store %arg24[%swap3A_823], %add3A_820 {strides = array<i32>} : memref<2064xi32, #tpu.memory_space<vmem>>, vector<16xi32>,
              %get3A_825 = arith.index_cast %scan3A_716 : i32 to index
              %get3A_826 = arith.constant 96 : index
              %get3A_827 = tpu.vector_load %arg20[%get3A_825, %get3A_826] {strides = array<i32>} : memref<16x128xf32, #tpu.memory_space<vmem>>, vector<16xf32>,
              %mul3A_828 = arith.mulf %get3A_827, %gather3A : vector<16xf32>
              %add3A_829 = arith.constant 96 : i32
              %add3A_830 = arith.addi %mul3A_734, %add3A_829 : i32
              %swap3A_831 = arith.index_cast %add3A_830 : i32 to index
              %swap3A_832 = tpu.vector_load %arg22[%swap3A_831] {strides = array<i32>} : memref<2064xf32, #tpu.memory_space<vmem>>, vector<16xf32>,
              tpu.vector_store %arg22[%swap3A_831], %mul3A_828 {strides = array<i32>} : memref<2064xf32, #tpu.memory_space<vmem>>, vector<16xf32>,
              %add3A_833 = arith.constant 96 : i32
              %add3A_834 = vector.broadcast %add3A_833 : i32 to vector<16xi32>
              %add3A_835 = arith.addi %add3A_732, %add3A_834 : vector<16xi32>
              %add3A_836 = arith.constant 96 : i32
              %add3A_837 = arith.addi %mul3A_734, %add3A_836 : i32
              %swap3A_838 = arith.index_cast %add3A_837 : i32 to index
              %swap3A_839 = tpu.vector_load %arg24[%swap3A_838] {strides = array<i32>} : memref<2064xi32, #tpu.memory_space<vmem>>, vector<16xi32>,
              tpu.vector_store %arg24[%swap3A_838], %add3A_835 {strides = array<i32>} : memref<2064xi32, #tpu.memory_space<vmem>>, vector<16xi32>,
              %get3A_840 = arith.index_cast %scan3A_716 : i32 to index
              %get3A_841 = arith.constant 112 : index
              %get3A_842 = tpu.vector_load %arg20[%get3A_840, %get3A_841] {strides = array<i32>} : memref<16x128xf32, #tpu.memory_space<vmem>>, vector<16xf32>,
              %mul3A_843 = arith.mulf %get3A_842, %gather3A : vector<16xf32>
              %add3A_844 = arith.constant 112 : i32
              %add3A_845 = arith.addi %mul3A_734, %add3A_844 : i32
              %swap3A_846 = arith.index_cast %add3A_845 : i32 to index
              %swap3A_847 = tpu.vector_load %arg22[%swap3A_846] {strides = array<i32>} : memref<2064xf32, #tpu.memory_space<vmem>>, vector<16xf32>,
              tpu.vector_store %arg22[%swap3A_846], %mul3A_843 {strides = array<i32>} : memref<2064xf32, #tpu.memory_space<vmem>>, vector<16xf32>,
              %add3A_848 = arith.constant 112 : i32
              %add3A_849 = vector.broadcast %add3A_848 : i32 to vector<16xi32>
              %add3A_850 = arith.addi %add3A_732, %add3A_849 : vector<16xi32>
              %add3A_851 = arith.constant 112 : i32
              %add3A_852 = arith.addi %mul3A_734, %add3A_851 : i32
              %swap3A_853 = arith.index_cast %add3A_852 : i32 to index
              %swap3A_854 = tpu.vector_load %arg24[%swap3A_853] {strides = array<i32>} : memref<2064xi32, #tpu.memory_space<vmem>>, vector<16xi32>,
              tpu.vector_store %arg24[%swap3A_853], %add3A_850 {strides = array<i32>} : memref<2064xi32, #tpu.memory_space<vmem>>, vector<16xi32>,
            }
            %scan3A_693 = arith.constant 16 : i32
            %add3A_694 = arith.constant 0 : i32
            %add3A_695 = arith.addi %mul3A_671, %add3A_694 : i32
            %get3A = arith.index_cast %add3A_695 : i32 to index
            %get3A_696 = tpu.vector_load %arg19[%get3A] {strides = array<i32>} : memref<2016xi32, #tpu.memory_space<vmem>>, vector<16xi32>,
            %lt3A_697 = arith.constant 3000 : i32
            %lt3A_698 = vector.broadcast %lt3A_697 : i32 to vector<16xi32>
            %lt3A_699 = arith.cmpi slt, %get3A_696, %lt3A_698 : vector<16xi32>
            %get3A_700 = arith.index_cast %add3A_695 : i32 to index
            %get3A_701 = tpu.vector_load %arg17[%get3A_700] {strides = array<i32>} : memref<2016xf32, #tpu.memory_space<vmem>>, vector<16xf32>,
            %broadcast_in_dim3A_702 = arith.constant 0.000000e+00 : f32
            %broadcast_in_dim3A_703 = vector.broadcast %broadcast_in_dim3A_702 : f32 to vector<16xf32>
            %select_n3A_704 = arith.select %lt3A_699, %get3A_701, %broadcast_in_dim3A_703 : vector<16xi1>, vector<16xf32>
            %swap3A_705 = arith.constant 2048 : index
            %swap3A_706 = tpu.vector_load %arg22[%swap3A_705] {strides = array<i32>} : memref<2064xf32, #tpu.memory_space<vmem>>, vector<16xf32>,
            tpu.vector_store %arg22[%swap3A_705], %select_n3A_704 {strides = array<i32>} : memref<2064xf32, #tpu.memory_space<vmem>>, vector<16xf32>,
            %get3A_707 = arith.index_cast %add3A_695 : i32 to index
            %get3A_708 = tpu.vector_load %arg18[%get3A_707] {strides = array<i32>} : memref<2016xi32, #tpu.memory_space<vmem>>, vector<16xi32>,
            %add3A_709 = arith.constant 786432 : i32
            %add3A_710 = vector.broadcast %add3A_709 : i32 to vector<16xi32>
            %add3A_711 = arith.addi %get3A_708, %add3A_710 : vector<16xi32>
            %swap3A_712 = arith.constant 2048 : index
            %swap3A_713 = tpu.vector_load %arg24[%swap3A_712] {strides = array<i32>} : memref<2064xi32, #tpu.memory_space<vmem>>, vector<16xi32>,
            tpu.vector_store %arg24[%swap3A_712], %add3A_711 {strides = array<i32>} : memref<2064xi32, #tpu.memory_space<vmem>>, vector<16xi32>,
            %dma_start3A_714 = arith.constant 0 : i32
            %dma_start3A_715 = tpu.memref_slice %arg26[%dma_start3A_714] : memref<790528xf32, #tpu.memory_space<vmem_shared>> -> memref<790528xf32, #tpu.memory_space<vmem_shared>>
            tpu.enqueue_indirect_dma source(%arg22 : memref<2064xf32, #tpu.memory_space<vmem>>) target(%dma_start3A_715 : memref<790528xf32, #tpu.memory_space<vmem_shared>>) offsets(%arg24 : memref<2064xi32, #tpu.memory_space<vmem>>) semaphore(%arg29 : memref<!tpu.dma_semaphore, #tpu.memory_space<semaphore_mem>>) {add = true}
          } else {
          }
          %mul3A_662 = arith.constant 2 : i32
          %mul3A_663 = arith.muli %while3A_653, %mul3A_662 : i32
          %add3A_664 = arith.constant 1 : i32
          %add3A_665 = arith.addi %mul3A_663, %add3A_664 : i32
          %lt3A_666 = arith.cmpi slt, %add3A_665, %max3A_606 : i32
          %convert_element_type3A_667 = arith.extui %lt3A_666 : i1 to i32
          %cond3A_668 = arith.constant 0 : i32
          %cond3A_669 = arith.cmpi ne, %convert_element_type3A_667, %cond3A_668 : i32
          scf.if %cond3A_669 {
            %mul3A_670 = arith.constant 16 : i32
            %mul3A_671 = arith.muli %add3A_665, %mul3A_670 : i32
            %dma_wait3A_672 = arith.constant 0 : i32
            %dma_wait3A_673 = tpu.memref_slice %arg16[%dma_wait3A_672] : memref<2016xi32, #tpu.memory_space<vmem>> -> memref<16xi32, #tpu.memory_space<vmem>>
            %dma_wait3A_674 = arith.constant 0 : i32
            %dma_wait3A_675 = arith.constant 0 : i32
            %dma_wait3A_676 = tpu.memref_slice %arg2[%dma_wait3A_674, %dma_wait3A_675] : memref<10000x128xf32, #tpu.memory_space<hbm>> -> memref<10000x128xf32, #tpu.memory_space<hbm>>
            tpu.wait_indirect_dma semaphore(%arg28 : memref<!tpu.dma_semaphore, #tpu.memory_space<semaphore_mem>>) src(%dma_wait3A_676 : memref<10000x128xf32, #tpu.memory_space<hbm>>) dst(%arg21 : memref<16x128xf32, #tpu.memory_space<vmem>>)
            %add3A_677 = arith.constant 1 : i32
            %add3A_678 = arith.addi %add3A_665, %add3A_677 : i32
            %lt3A_679 = arith.cmpi slt, %add3A_678, %max3A_606 : i32
            %convert_element_type3A_680 = arith.extui %lt3A_679 : i1 to i32
            %cond3A_681 = arith.constant 0 : i32
            %cond3A_682 = arith.cmpi ne, %convert_element_type3A_680, %cond3A_681 : i32
            scf.if %cond3A_682 {
              %add3A_716 = arith.constant 16 : i32
              %add3A_717 = arith.addi %mul3A_671, %add3A_716 : i32
              %dma_start3A_718 = tpu.memref_slice %arg16[%add3A_717] : memref<2016xi32, #tpu.memory_space<vmem>> -> memref<16xi32, #tpu.memory_space<vmem>>
              %dma_start3A_719 = arith.constant 0 : i32
              %dma_start3A_720 = arith.constant 0 : i32
              %dma_start3A_721 = tpu.memref_slice %arg2[%dma_start3A_719, %dma_start3A_720] : memref<10000x128xf32, #tpu.memory_space<hbm>> -> memref<10000x128xf32, #tpu.memory_space<hbm>>
              tpu.enqueue_indirect_dma source(%dma_start3A_721 : memref<10000x128xf32, #tpu.memory_space<hbm>>) target(%arg20 : memref<16x128xf32, #tpu.memory_space<vmem>>) offsets(%dma_start3A_718 : memref<16xi32, #tpu.memory_space<vmem>>) semaphore(%arg27 : memref<!tpu.dma_semaphore, #tpu.memory_space<semaphore_mem>>)
            } else {
            }
            %ge3A_683 = arith.constant 2 : i32
            %ge3A_684 = arith.cmpi sge, %add3A_665, %ge3A_683 : i32
            %convert_element_type3A_685 = arith.extui %ge3A_684 : i1 to i32
            %cond3A_686 = arith.constant 0 : i32
            %cond3A_687 = arith.cmpi ne, %convert_element_type3A_685, %cond3A_686 : i32
            scf.if %cond3A_687 {
              %dma_wait3A_716 = arith.constant 0 : i32
              %dma_wait3A_717 = tpu.memref_slice %arg26[%dma_wait3A_716] : memref<790528xf32, #tpu.memory_space<vmem_shared>> -> memref<790528xf32, #tpu.memory_space<vmem_shared>>
              tpu.wait_indirect_dma semaphore(%arg30 : memref<!tpu.dma_semaphore, #tpu.memory_space<semaphore_mem>>) src(%arg23 : memref<2064xf32, #tpu.memory_space<vmem>>) dst(%dma_wait3A_717 : memref<790528xf32, #tpu.memory_space<vmem_shared>>)
            } else {
            }
            %scan3A_688 = arith.constant 0 : i32
            %scan3A_689 = arith.constant 0 : i32
            %scan3A_690 = arith.constant 16 : i32
            %scan3A_691 = arith.addi %scan3A_689, %scan3A_690 : i32
            %scan3A_692 = arith.constant 1 : i32
            scf.for %scan3A_716 = %scan3A_689 to %scan3A_691 step %scan3A_692  : i32 {
              %add3A_717 = arith.addi %mul3A_671, %scan3A_716 : i32
              %broadcast_in_dim3A_718 = vector.broadcast %add3A_717 : i32 to vector<16xi32>
              %gather3A = tpu.vector_load_idx %arg17[%broadcast_in_dim3A_718] : memref<2016xf32, #tpu.memory_space<vmem>>[vector<16xi32>], vector<16xf32>,
              %gather3A_719 = tpu.vector_load_idx %arg19[%broadcast_in_dim3A_718] : memref<2016xi32, #tpu.memory_space<vmem>>[vector<16xi32>], vector<16xi32>,
              %lt3A_720 = arith.constant 3000 : i32
              %lt3A_721 = vector.broadcast %lt3A_720 : i32 to vector<16xi32>
              %lt3A_722 = arith.cmpi slt, %gather3A_719, %lt3A_721 : vector<16xi32>
              %gather3A_723 = tpu.vector_load_idx %arg18[%broadcast_in_dim3A_718] : memref<2016xi32, #tpu.memory_space<vmem>>[vector<16xi32>], vector<16xi32>,
              %mul3A_724 = arith.constant 256 : i32
              %mul3A_725 = vector.broadcast %mul3A_724 : i32 to vector<16xi32>
              %mul3A_726 = arith.muli %gather3A_723, %mul3A_725 : vector<16xi32>
              %add3A_727 = arith.addi %mul3A_726, %iota3A : vector<16xi32>
              %convert_element_type3A_728 = arith.extui %lt3A_722 : vector<16xi1> to vector<16xi32>
              %mul3A_729 = arith.constant 128 : i32
              %mul3A_730 = vector.broadcast %mul3A_729 : i32 to vector<16xi32>
              %mul3A_731 = arith.muli %convert_element_type3A_728, %mul3A_730 : vector<16xi32>
              %add3A_732 = arith.addi %add3A_727, %mul3A_731 : vector<16xi32>
              %mul3A_733 = arith.constant 128 : i32
              %mul3A_734 = arith.muli %scan3A_716, %mul3A_733 : i32
              %get3A_735 = arith.index_cast %scan3A_716 : i32 to index
              %get3A_736 = arith.constant 0 : index
              %get3A_737 = tpu.vector_load %arg21[%get3A_735, %get3A_736] {strides = array<i32>} : memref<16x128xf32, #tpu.memory_space<vmem>>, vector<16xf32>,
              %mul3A_738 = arith.mulf %get3A_737, %gather3A : vector<16xf32>
              %add3A_739 = arith.constant 0 : i32
              %add3A_740 = arith.addi %mul3A_734, %add3A_739 : i32
              %swap3A_741 = arith.index_cast %add3A_740 : i32 to index
              %swap3A_742 = tpu.vector_load %arg23[%swap3A_741] {strides = array<i32>} : memref<2064xf32, #tpu.memory_space<vmem>>, vector<16xf32>,
              tpu.vector_store %arg23[%swap3A_741], %mul3A_738 {strides = array<i32>} : memref<2064xf32, #tpu.memory_space<vmem>>, vector<16xf32>,
              %add3A_743 = arith.constant 0 : i32
              %add3A_744 = vector.broadcast %add3A_743 : i32 to vector<16xi32>
              %add3A_745 = arith.addi %add3A_732, %add3A_744 : vector<16xi32>
              %add3A_746 = arith.constant 0 : i32
              %add3A_747 = arith.addi %mul3A_734, %add3A_746 : i32
              %swap3A_748 = arith.index_cast %add3A_747 : i32 to index
              %swap3A_749 = tpu.vector_load %arg25[%swap3A_748] {strides = array<i32>} : memref<2064xi32, #tpu.memory_space<vmem>>, vector<16xi32>,
              tpu.vector_store %arg25[%swap3A_748], %add3A_745 {strides = array<i32>} : memref<2064xi32, #tpu.memory_space<vmem>>, vector<16xi32>,
              %get3A_750 = arith.index_cast %scan3A_716 : i32 to index
              %get3A_751 = arith.constant 16 : index
              %get3A_752 = tpu.vector_load %arg21[%get3A_750, %get3A_751] {strides = array<i32>} : memref<16x128xf32, #tpu.memory_space<vmem>>, vector<16xf32>,
              %mul3A_753 = arith.mulf %get3A_752, %gather3A : vector<16xf32>
              %add3A_754 = arith.constant 16 : i32
              %add3A_755 = arith.addi %mul3A_734, %add3A_754 : i32
              %swap3A_756 = arith.index_cast %add3A_755 : i32 to index
              %swap3A_757 = tpu.vector_load %arg23[%swap3A_756] {strides = array<i32>} : memref<2064xf32, #tpu.memory_space<vmem>>, vector<16xf32>,
              tpu.vector_store %arg23[%swap3A_756], %mul3A_753 {strides = array<i32>} : memref<2064xf32, #tpu.memory_space<vmem>>, vector<16xf32>,
              %add3A_758 = arith.constant 16 : i32
              %add3A_759 = vector.broadcast %add3A_758 : i32 to vector<16xi32>
              %add3A_760 = arith.addi %add3A_732, %add3A_759 : vector<16xi32>
              %add3A_761 = arith.constant 16 : i32
              %add3A_762 = arith.addi %mul3A_734, %add3A_761 : i32
              %swap3A_763 = arith.index_cast %add3A_762 : i32 to index
              %swap3A_764 = tpu.vector_load %arg25[%swap3A_763] {strides = array<i32>} : memref<2064xi32, #tpu.memory_space<vmem>>, vector<16xi32>,
              tpu.vector_store %arg25[%swap3A_763], %add3A_760 {strides = array<i32>} : memref<2064xi32, #tpu.memory_space<vmem>>, vector<16xi32>,
              %get3A_765 = arith.index_cast %scan3A_716 : i32 to index
              %get3A_766 = arith.constant 32 : index
              %get3A_767 = tpu.vector_load %arg21[%get3A_765, %get3A_766] {strides = array<i32>} : memref<16x128xf32, #tpu.memory_space<vmem>>, vector<16xf32>,
              %mul3A_768 = arith.mulf %get3A_767, %gather3A : vector<16xf32>
              %add3A_769 = arith.constant 32 : i32
              %add3A_770 = arith.addi %mul3A_734, %add3A_769 : i32
              %swap3A_771 = arith.index_cast %add3A_770 : i32 to index
              %swap3A_772 = tpu.vector_load %arg23[%swap3A_771] {strides = array<i32>} : memref<2064xf32, #tpu.memory_space<vmem>>, vector<16xf32>,
              tpu.vector_store %arg23[%swap3A_771], %mul3A_768 {strides = array<i32>} : memref<2064xf32, #tpu.memory_space<vmem>>, vector<16xf32>,
              %add3A_773 = arith.constant 32 : i32
              %add3A_774 = vector.broadcast %add3A_773 : i32 to vector<16xi32>
              %add3A_775 = arith.addi %add3A_732, %add3A_774 : vector<16xi32>
              %add3A_776 = arith.constant 32 : i32
              %add3A_777 = arith.addi %mul3A_734, %add3A_776 : i32
              %swap3A_778 = arith.index_cast %add3A_777 : i32 to index
              %swap3A_779 = tpu.vector_load %arg25[%swap3A_778] {strides = array<i32>} : memref<2064xi32, #tpu.memory_space<vmem>>, vector<16xi32>,
              tpu.vector_store %arg25[%swap3A_778], %add3A_775 {strides = array<i32>} : memref<2064xi32, #tpu.memory_space<vmem>>, vector<16xi32>,
              %get3A_780 = arith.index_cast %scan3A_716 : i32 to index
              %get3A_781 = arith.constant 48 : index
              %get3A_782 = tpu.vector_load %arg21[%get3A_780, %get3A_781] {strides = array<i32>} : memref<16x128xf32, #tpu.memory_space<vmem>>, vector<16xf32>,
              %mul3A_783 = arith.mulf %get3A_782, %gather3A : vector<16xf32>
              %add3A_784 = arith.constant 48 : i32
              %add3A_785 = arith.addi %mul3A_734, %add3A_784 : i32
              %swap3A_786 = arith.index_cast %add3A_785 : i32 to index
              %swap3A_787 = tpu.vector_load %arg23[%swap3A_786] {strides = array<i32>} : memref<2064xf32, #tpu.memory_space<vmem>>, vector<16xf32>,
              tpu.vector_store %arg23[%swap3A_786], %mul3A_783 {strides = array<i32>} : memref<2064xf32, #tpu.memory_space<vmem>>, vector<16xf32>,
              %add3A_788 = arith.constant 48 : i32
              %add3A_789 = vector.broadcast %add3A_788 : i32 to vector<16xi32>
              %add3A_790 = arith.addi %add3A_732, %add3A_789 : vector<16xi32>
              %add3A_791 = arith.constant 48 : i32
              %add3A_792 = arith.addi %mul3A_734, %add3A_791 : i32
              %swap3A_793 = arith.index_cast %add3A_792 : i32 to index
              %swap3A_794 = tpu.vector_load %arg25[%swap3A_793] {strides = array<i32>} : memref<2064xi32, #tpu.memory_space<vmem>>, vector<16xi32>,
              tpu.vector_store %arg25[%swap3A_793], %add3A_790 {strides = array<i32>} : memref<2064xi32, #tpu.memory_space<vmem>>, vector<16xi32>,
              %get3A_795 = arith.index_cast %scan3A_716 : i32 to index
              %get3A_796 = arith.constant 64 : index
              %get3A_797 = tpu.vector_load %arg21[%get3A_795, %get3A_796] {strides = array<i32>} : memref<16x128xf32, #tpu.memory_space<vmem>>, vector<16xf32>,
              %mul3A_798 = arith.mulf %get3A_797, %gather3A : vector<16xf32>
              %add3A_799 = arith.constant 64 : i32
              %add3A_800 = arith.addi %mul3A_734, %add3A_799 : i32
              %swap3A_801 = arith.index_cast %add3A_800 : i32 to index
              %swap3A_802 = tpu.vector_load %arg23[%swap3A_801] {strides = array<i32>} : memref<2064xf32, #tpu.memory_space<vmem>>, vector<16xf32>,
              tpu.vector_store %arg23[%swap3A_801], %mul3A_798 {strides = array<i32>} : memref<2064xf32, #tpu.memory_space<vmem>>, vector<16xf32>,
              %add3A_803 = arith.constant 64 : i32
              %add3A_804 = vector.broadcast %add3A_803 : i32 to vector<16xi32>
              %add3A_805 = arith.addi %add3A_732, %add3A_804 : vector<16xi32>
              %add3A_806 = arith.constant 64 : i32
              %add3A_807 = arith.addi %mul3A_734, %add3A_806 : i32
              %swap3A_808 = arith.index_cast %add3A_807 : i32 to index
              %swap3A_809 = tpu.vector_load %arg25[%swap3A_808] {strides = array<i32>} : memref<2064xi32, #tpu.memory_space<vmem>>, vector<16xi32>,
              tpu.vector_store %arg25[%swap3A_808], %add3A_805 {strides = array<i32>} : memref<2064xi32, #tpu.memory_space<vmem>>, vector<16xi32>,
              %get3A_810 = arith.index_cast %scan3A_716 : i32 to index
              %get3A_811 = arith.constant 80 : index
              %get3A_812 = tpu.vector_load %arg21[%get3A_810, %get3A_811] {strides = array<i32>} : memref<16x128xf32, #tpu.memory_space<vmem>>, vector<16xf32>,
              %mul3A_813 = arith.mulf %get3A_812, %gather3A : vector<16xf32>
              %add3A_814 = arith.constant 80 : i32
              %add3A_815 = arith.addi %mul3A_734, %add3A_814 : i32
              %swap3A_816 = arith.index_cast %add3A_815 : i32 to index
              %swap3A_817 = tpu.vector_load %arg23[%swap3A_816] {strides = array<i32>} : memref<2064xf32, #tpu.memory_space<vmem>>, vector<16xf32>,
              tpu.vector_store %arg23[%swap3A_816], %mul3A_813 {strides = array<i32>} : memref<2064xf32, #tpu.memory_space<vmem>>, vector<16xf32>,
              %add3A_818 = arith.constant 80 : i32
              %add3A_819 = vector.broadcast %add3A_818 : i32 to vector<16xi32>
              %add3A_820 = arith.addi %add3A_732, %add3A_819 : vector<16xi32>
              %add3A_821 = arith.constant 80 : i32
              %add3A_822 = arith.addi %mul3A_734, %add3A_821 : i32
              %swap3A_823 = arith.index_cast %add3A_822 : i32 to index
              %swap3A_824 = tpu.vector_load %arg25[%swap3A_823] {strides = array<i32>} : memref<2064xi32, #tpu.memory_space<vmem>>, vector<16xi32>,
              tpu.vector_store %arg25[%swap3A_823], %add3A_820 {strides = array<i32>} : memref<2064xi32, #tpu.memory_space<vmem>>, vector<16xi32>,
              %get3A_825 = arith.index_cast %scan3A_716 : i32 to index
              %get3A_826 = arith.constant 96 : index
              %get3A_827 = tpu.vector_load %arg21[%get3A_825, %get3A_826] {strides = array<i32>} : memref<16x128xf32, #tpu.memory_space<vmem>>, vector<16xf32>,
              %mul3A_828 = arith.mulf %get3A_827, %gather3A : vector<16xf32>
              %add3A_829 = arith.constant 96 : i32
              %add3A_830 = arith.addi %mul3A_734, %add3A_829 : i32
              %swap3A_831 = arith.index_cast %add3A_830 : i32 to index
              %swap3A_832 = tpu.vector_load %arg23[%swap3A_831] {strides = array<i32>} : memref<2064xf32, #tpu.memory_space<vmem>>, vector<16xf32>,
              tpu.vector_store %arg23[%swap3A_831], %mul3A_828 {strides = array<i32>} : memref<2064xf32, #tpu.memory_space<vmem>>, vector<16xf32>,
              %add3A_833 = arith.constant 96 : i32
              %add3A_834 = vector.broadcast %add3A_833 : i32 to vector<16xi32>
              %add3A_835 = arith.addi %add3A_732, %add3A_834 : vector<16xi32>
              %add3A_836 = arith.constant 96 : i32
              %add3A_837 = arith.addi %mul3A_734, %add3A_836 : i32
              %swap3A_838 = arith.index_cast %add3A_837 : i32 to index
              %swap3A_839 = tpu.vector_load %arg25[%swap3A_838] {strides = array<i32>} : memref<2064xi32, #tpu.memory_space<vmem>>, vector<16xi32>,
              tpu.vector_store %arg25[%swap3A_838], %add3A_835 {strides = array<i32>} : memref<2064xi32, #tpu.memory_space<vmem>>, vector<16xi32>,
              %get3A_840 = arith.index_cast %scan3A_716 : i32 to index
              %get3A_841 = arith.constant 112 : index
              %get3A_842 = tpu.vector_load %arg21[%get3A_840, %get3A_841] {strides = array<i32>} : memref<16x128xf32, #tpu.memory_space<vmem>>, vector<16xf32>,
              %mul3A_843 = arith.mulf %get3A_842, %gather3A : vector<16xf32>
              %add3A_844 = arith.constant 112 : i32
              %add3A_845 = arith.addi %mul3A_734, %add3A_844 : i32
              %swap3A_846 = arith.index_cast %add3A_845 : i32 to index
              %swap3A_847 = tpu.vector_load %arg23[%swap3A_846] {strides = array<i32>} : memref<2064xf32, #tpu.memory_space<vmem>>, vector<16xf32>,
              tpu.vector_store %arg23[%swap3A_846], %mul3A_843 {strides = array<i32>} : memref<2064xf32, #tpu.memory_space<vmem>>, vector<16xf32>,
              %add3A_848 = arith.constant 112 : i32
              %add3A_849 = vector.broadcast %add3A_848 : i32 to vector<16xi32>
              %add3A_850 = arith.addi %add3A_732, %add3A_849 : vector<16xi32>
              %add3A_851 = arith.constant 112 : i32
              %add3A_852 = arith.addi %mul3A_734, %add3A_851 : i32
              %swap3A_853 = arith.index_cast %add3A_852 : i32 to index
              %swap3A_854 = tpu.vector_load %arg25[%swap3A_853] {strides = array<i32>} : memref<2064xi32, #tpu.memory_space<vmem>>, vector<16xi32>,
              tpu.vector_store %arg25[%swap3A_853], %add3A_850 {strides = array<i32>} : memref<2064xi32, #tpu.memory_space<vmem>>, vector<16xi32>,
            }
            %scan3A_693 = arith.constant 16 : i32
            %add3A_694 = arith.constant 0 : i32
            %add3A_695 = arith.addi %mul3A_671, %add3A_694 : i32
            %get3A = arith.index_cast %add3A_695 : i32 to index
            %get3A_696 = tpu.vector_load %arg19[%get3A] {strides = array<i32>} : memref<2016xi32, #tpu.memory_space<vmem>>, vector<16xi32>,
            %lt3A_697 = arith.constant 3000 : i32
            %lt3A_698 = vector.broadcast %lt3A_697 : i32 to vector<16xi32>
            %lt3A_699 = arith.cmpi slt, %get3A_696, %lt3A_698 : vector<16xi32>
            %get3A_700 = arith.index_cast %add3A_695 : i32 to index
            %get3A_701 = tpu.vector_load %arg17[%get3A_700] {strides = array<i32>} : memref<2016xf32, #tpu.memory_space<vmem>>, vector<16xf32>,
            %broadcast_in_dim3A_702 = arith.constant 0.000000e+00 : f32
            %broadcast_in_dim3A_703 = vector.broadcast %broadcast_in_dim3A_702 : f32 to vector<16xf32>
            %select_n3A_704 = arith.select %lt3A_699, %get3A_701, %broadcast_in_dim3A_703 : vector<16xi1>, vector<16xf32>
            %swap3A_705 = arith.constant 2048 : index
            %swap3A_706 = tpu.vector_load %arg23[%swap3A_705] {strides = array<i32>} : memref<2064xf32, #tpu.memory_space<vmem>>, vector<16xf32>,
            tpu.vector_store %arg23[%swap3A_705], %select_n3A_704 {strides = array<i32>} : memref<2064xf32, #tpu.memory_space<vmem>>, vector<16xf32>,
            %get3A_707 = arith.index_cast %add3A_695 : i32 to index
            %get3A_708 = tpu.vector_load %arg18[%get3A_707] {strides = array<i32>} : memref<2016xi32, #tpu.memory_space<vmem>>, vector<16xi32>,
            %add3A_709 = arith.constant 786432 : i32
            %add3A_710 = vector.broadcast %add3A_709 : i32 to vector<16xi32>
            %add3A_711 = arith.addi %get3A_708, %add3A_710 : vector<16xi32>
            %swap3A_712 = arith.constant 2048 : index
            %swap3A_713 = tpu.vector_load %arg25[%swap3A_712] {strides = array<i32>} : memref<2064xi32, #tpu.memory_space<vmem>>, vector<16xi32>,
            tpu.vector_store %arg25[%swap3A_712], %add3A_711 {strides = array<i32>} : memref<2064xi32, #tpu.memory_space<vmem>>, vector<16xi32>,
            %dma_start3A_714 = arith.constant 0 : i32
            %dma_start3A_715 = tpu.memref_slice %arg26[%dma_start3A_714] : memref<790528xf32, #tpu.memory_space<vmem_shared>> -> memref<790528xf32, #tpu.memory_space<vmem_shared>>
            tpu.enqueue_indirect_dma source(%arg23 : memref<2064xf32, #tpu.memory_space<vmem>>) target(%dma_start3A_715 : memref<790528xf32, #tpu.memory_space<vmem_shared>>) offsets(%arg25 : memref<2064xi32, #tpu.memory_space<vmem>>) semaphore(%arg30 : memref<!tpu.dma_semaphore, #tpu.memory_space<semaphore_mem>>) {add = true}
          } else {
          }
        }
        %while3A_646 = arith.constant 1 : i32
        scf.for %while3A_653 = %while3A_644 to %while3A_640 step %while3A_646  : i32 {
          %mul3A_654 = arith.constant 2 : i32
          %mul3A_655 = arith.muli %while3A_653, %mul3A_654 : i32
          %add3A_656 = arith.constant 0 : i32
          %add3A_657 = arith.addi %mul3A_655, %add3A_656 : i32
          %lt3A_658 = arith.cmpi slt, %add3A_657, %max3A_606 : i32
          %convert_element_type3A_659 = arith.extui %lt3A_658 : i1 to i32
          %cond3A_660 = arith.constant 0 : i32
          %cond3A_661 = arith.cmpi ne, %convert_element_type3A_659, %cond3A_660 : i32
          scf.if %cond3A_661 {
            %mul3A_670 = arith.constant 16 : i32
            %mul3A_671 = arith.muli %add3A_657, %mul3A_670 : i32
            %dma_wait3A_672 = arith.constant 0 : i32
            %dma_wait3A_673 = tpu.memref_slice %arg16[%dma_wait3A_672] : memref<2016xi32, #tpu.memory_space<vmem>> -> memref<16xi32, #tpu.memory_space<vmem>>
            %dma_wait3A_674 = arith.constant 0 : i32
            %dma_wait3A_675 = arith.constant 0 : i32
            %dma_wait3A_676 = tpu.memref_slice %arg2[%dma_wait3A_674, %dma_wait3A_675] : memref<10000x128xf32, #tpu.memory_space<hbm>> -> memref<10000x128xf32, #tpu.memory_space<hbm>>
            tpu.wait_indirect_dma semaphore(%arg27 : memref<!tpu.dma_semaphore, #tpu.memory_space<semaphore_mem>>) src(%dma_wait3A_676 : memref<10000x128xf32, #tpu.memory_space<hbm>>) dst(%arg20 : memref<16x128xf32, #tpu.memory_space<vmem>>)
            %add3A_677 = arith.constant 1 : i32
            %add3A_678 = arith.addi %add3A_657, %add3A_677 : i32
            %lt3A_679 = arith.cmpi slt, %add3A_678, %max3A_606 : i32
            %convert_element_type3A_680 = arith.extui %lt3A_679 : i1 to i32
            %cond3A_681 = arith.constant 0 : i32
            %cond3A_682 = arith.cmpi ne, %convert_element_type3A_680, %cond3A_681 : i32
            scf.if %cond3A_682 {
              %add3A_716 = arith.constant 16 : i32
              %add3A_717 = arith.addi %mul3A_671, %add3A_716 : i32
              %dma_start3A_718 = tpu.memref_slice %arg16[%add3A_717] : memref<2016xi32, #tpu.memory_space<vmem>> -> memref<16xi32, #tpu.memory_space<vmem>>
              %dma_start3A_719 = arith.constant 0 : i32
              %dma_start3A_720 = arith.constant 0 : i32
              %dma_start3A_721 = tpu.memref_slice %arg2[%dma_start3A_719, %dma_start3A_720] : memref<10000x128xf32, #tpu.memory_space<hbm>> -> memref<10000x128xf32, #tpu.memory_space<hbm>>
              tpu.enqueue_indirect_dma source(%dma_start3A_721 : memref<10000x128xf32, #tpu.memory_space<hbm>>) target(%arg21 : memref<16x128xf32, #tpu.memory_space<vmem>>) offsets(%dma_start3A_718 : memref<16xi32, #tpu.memory_space<vmem>>) semaphore(%arg28 : memref<!tpu.dma_semaphore, #tpu.memory_space<semaphore_mem>>)
            } else {
            }
            %ge3A_683 = arith.constant 2 : i32
            %ge3A_684 = arith.cmpi sge, %add3A_657, %ge3A_683 : i32
            %convert_element_type3A_685 = arith.extui %ge3A_684 : i1 to i32
            %cond3A_686 = arith.constant 0 : i32
            %cond3A_687 = arith.cmpi ne, %convert_element_type3A_685, %cond3A_686 : i32
            scf.if %cond3A_687 {
              %dma_wait3A_716 = arith.constant 0 : i32
              %dma_wait3A_717 = tpu.memref_slice %arg26[%dma_wait3A_716] : memref<790528xf32, #tpu.memory_space<vmem_shared>> -> memref<790528xf32, #tpu.memory_space<vmem_shared>>
              tpu.wait_indirect_dma semaphore(%arg29 : memref<!tpu.dma_semaphore, #tpu.memory_space<semaphore_mem>>) src(%arg22 : memref<2064xf32, #tpu.memory_space<vmem>>) dst(%dma_wait3A_717 : memref<790528xf32, #tpu.memory_space<vmem_shared>>)
            } else {
            }
            %scan3A_688 = arith.constant 0 : i32
            %scan3A_689 = arith.constant 0 : i32
            %scan3A_690 = arith.constant 16 : i32
            %scan3A_691 = arith.addi %scan3A_689, %scan3A_690 : i32
            %scan3A_692 = arith.constant 1 : i32
            scf.for %scan3A_716 = %scan3A_689 to %scan3A_691 step %scan3A_692  : i32 {
              %add3A_717 = arith.addi %mul3A_671, %scan3A_716 : i32
              %broadcast_in_dim3A_718 = vector.broadcast %add3A_717 : i32 to vector<16xi32>
              %gather3A = tpu.vector_load_idx %arg17[%broadcast_in_dim3A_718] : memref<2016xf32, #tpu.memory_space<vmem>>[vector<16xi32>], vector<16xf32>,
              %gather3A_719 = tpu.vector_load_idx %arg19[%broadcast_in_dim3A_718] : memref<2016xi32, #tpu.memory_space<vmem>>[vector<16xi32>], vector<16xi32>,
              %lt3A_720 = arith.constant 3000 : i32
              %lt3A_721 = vector.broadcast %lt3A_720 : i32 to vector<16xi32>
              %lt3A_722 = arith.cmpi slt, %gather3A_719, %lt3A_721 : vector<16xi32>
              %gather3A_723 = tpu.vector_load_idx %arg18[%broadcast_in_dim3A_718] : memref<2016xi32, #tpu.memory_space<vmem>>[vector<16xi32>], vector<16xi32>,
              %mul3A_724 = arith.constant 256 : i32
              %mul3A_725 = vector.broadcast %mul3A_724 : i32 to vector<16xi32>
              %mul3A_726 = arith.muli %gather3A_723, %mul3A_725 : vector<16xi32>
              %add3A_727 = arith.addi %mul3A_726, %iota3A : vector<16xi32>
              %convert_element_type3A_728 = arith.extui %lt3A_722 : vector<16xi1> to vector<16xi32>
              %mul3A_729 = arith.constant 128 : i32
              %mul3A_730 = vector.broadcast %mul3A_729 : i32 to vector<16xi32>
              %mul3A_731 = arith.muli %convert_element_type3A_728, %mul3A_730 : vector<16xi32>
              %add3A_732 = arith.addi %add3A_727, %mul3A_731 : vector<16xi32>
              %mul3A_733 = arith.constant 128 : i32
              %mul3A_734 = arith.muli %scan3A_716, %mul3A_733 : i32
              %get3A_735 = arith.index_cast %scan3A_716 : i32 to index
              %get3A_736 = arith.constant 0 : index
              %get3A_737 = tpu.vector_load %arg20[%get3A_735, %get3A_736] {strides = array<i32>} : memref<16x128xf32, #tpu.memory_space<vmem>>, vector<16xf32>,
              %mul3A_738 = arith.mulf %get3A_737, %gather3A : vector<16xf32>
              %add3A_739 = arith.constant 0 : i32
              %add3A_740 = arith.addi %mul3A_734, %add3A_739 : i32
              %swap3A_741 = arith.index_cast %add3A_740 : i32 to index
              %swap3A_742 = tpu.vector_load %arg22[%swap3A_741] {strides = array<i32>} : memref<2064xf32, #tpu.memory_space<vmem>>, vector<16xf32>,
              tpu.vector_store %arg22[%swap3A_741], %mul3A_738 {strides = array<i32>} : memref<2064xf32, #tpu.memory_space<vmem>>, vector<16xf32>,
              %add3A_743 = arith.constant 0 : i32
              %add3A_744 = vector.broadcast %add3A_743 : i32 to vector<16xi32>
              %add3A_745 = arith.addi %add3A_732, %add3A_744 : vector<16xi32>
              %add3A_746 = arith.constant 0 : i32
              %add3A_747 = arith.addi %mul3A_734, %add3A_746 : i32
              %swap3A_748 = arith.index_cast %add3A_747 : i32 to index
              %swap3A_749 = tpu.vector_load %arg24[%swap3A_748] {strides = array<i32>} : memref<2064xi32, #tpu.memory_space<vmem>>, vector<16xi32>,
              tpu.vector_store %arg24[%swap3A_748], %add3A_745 {strides = array<i32>} : memref<2064xi32, #tpu.memory_space<vmem>>, vector<16xi32>,
              %get3A_750 = arith.index_cast %scan3A_716 : i32 to index
              %get3A_751 = arith.constant 16 : index
              %get3A_752 = tpu.vector_load %arg20[%get3A_750, %get3A_751] {strides = array<i32>} : memref<16x128xf32, #tpu.memory_space<vmem>>, vector<16xf32>,
              %mul3A_753 = arith.mulf %get3A_752, %gather3A : vector<16xf32>
              %add3A_754 = arith.constant 16 : i32
              %add3A_755 = arith.addi %mul3A_734, %add3A_754 : i32
              %swap3A_756 = arith.index_cast %add3A_755 : i32 to index
              %swap3A_757 = tpu.vector_load %arg22[%swap3A_756] {strides = array<i32>} : memref<2064xf32, #tpu.memory_space<vmem>>, vector<16xf32>,
              tpu.vector_store %arg22[%swap3A_756], %mul3A_753 {strides = array<i32>} : memref<2064xf32, #tpu.memory_space<vmem>>, vector<16xf32>,
              %add3A_758 = arith.constant 16 : i32
              %add3A_759 = vector.broadcast %add3A_758 : i32 to vector<16xi32>
              %add3A_760 = arith.addi %add3A_732, %add3A_759 : vector<16xi32>
              %add3A_761 = arith.constant 16 : i32
              %add3A_762 = arith.addi %mul3A_734, %add3A_761 : i32
              %swap3A_763 = arith.index_cast %add3A_762 : i32 to index
              %swap3A_764 = tpu.vector_load %arg24[%swap3A_763] {strides = array<i32>} : memref<2064xi32, #tpu.memory_space<vmem>>, vector<16xi32>,
              tpu.vector_store %arg24[%swap3A_763], %add3A_760 {strides = array<i32>} : memref<2064xi32, #tpu.memory_space<vmem>>, vector<16xi32>,
              %get3A_765 = arith.index_cast %scan3A_716 : i32 to index
              %get3A_766 = arith.constant 32 : index
              %get3A_767 = tpu.vector_load %arg20[%get3A_765, %get3A_766] {strides = array<i32>} : memref<16x128xf32, #tpu.memory_space<vmem>>, vector<16xf32>,
              %mul3A_768 = arith.mulf %get3A_767, %gather3A : vector<16xf32>
              %add3A_769 = arith.constant 32 : i32
              %add3A_770 = arith.addi %mul3A_734, %add3A_769 : i32
              %swap3A_771 = arith.index_cast %add3A_770 : i32 to index
              %swap3A_772 = tpu.vector_load %arg22[%swap3A_771] {strides = array<i32>} : memref<2064xf32, #tpu.memory_space<vmem>>, vector<16xf32>,
              tpu.vector_store %arg22[%swap3A_771], %mul3A_768 {strides = array<i32>} : memref<2064xf32, #tpu.memory_space<vmem>>, vector<16xf32>,
              %add3A_773 = arith.constant 32 : i32
              %add3A_774 = vector.broadcast %add3A_773 : i32 to vector<16xi32>
              %add3A_775 = arith.addi %add3A_732, %add3A_774 : vector<16xi32>
              %add3A_776 = arith.constant 32 : i32
              %add3A_777 = arith.addi %mul3A_734, %add3A_776 : i32
              %swap3A_778 = arith.index_cast %add3A_777 : i32 to index
              %swap3A_779 = tpu.vector_load %arg24[%swap3A_778] {strides = array<i32>} : memref<2064xi32, #tpu.memory_space<vmem>>, vector<16xi32>,
              tpu.vector_store %arg24[%swap3A_778], %add3A_775 {strides = array<i32>} : memref<2064xi32, #tpu.memory_space<vmem>>, vector<16xi32>,
              %get3A_780 = arith.index_cast %scan3A_716 : i32 to index
              %get3A_781 = arith.constant 48 : index
              %get3A_782 = tpu.vector_load %arg20[%get3A_780, %get3A_781] {strides = array<i32>} : memref<16x128xf32, #tpu.memory_space<vmem>>, vector<16xf32>,
              %mul3A_783 = arith.mulf %get3A_782, %gather3A : vector<16xf32>
              %add3A_784 = arith.constant 48 : i32
              %add3A_785 = arith.addi %mul3A_734, %add3A_784 : i32
              %swap3A_786 = arith.index_cast %add3A_785 : i32 to index
              %swap3A_787 = tpu.vector_load %arg22[%swap3A_786] {strides = array<i32>} : memref<2064xf32, #tpu.memory_space<vmem>>, vector<16xf32>,
              tpu.vector_store %arg22[%swap3A_786], %mul3A_783 {strides = array<i32>} : memref<2064xf32, #tpu.memory_space<vmem>>, vector<16xf32>,
              %add3A_788 = arith.constant 48 : i32
              %add3A_789 = vector.broadcast %add3A_788 : i32 to vector<16xi32>
              %add3A_790 = arith.addi %add3A_732, %add3A_789 : vector<16xi32>
              %add3A_791 = arith.constant 48 : i32
              %add3A_792 = arith.addi %mul3A_734, %add3A_791 : i32
              %swap3A_793 = arith.index_cast %add3A_792 : i32 to index
              %swap3A_794 = tpu.vector_load %arg24[%swap3A_793] {strides = array<i32>} : memref<2064xi32, #tpu.memory_space<vmem>>, vector<16xi32>,
              tpu.vector_store %arg24[%swap3A_793], %add3A_790 {strides = array<i32>} : memref<2064xi32, #tpu.memory_space<vmem>>, vector<16xi32>,
              %get3A_795 = arith.index_cast %scan3A_716 : i32 to index
              %get3A_796 = arith.constant 64 : index
              %get3A_797 = tpu.vector_load %arg20[%get3A_795, %get3A_796] {strides = array<i32>} : memref<16x128xf32, #tpu.memory_space<vmem>>, vector<16xf32>,
              %mul3A_798 = arith.mulf %get3A_797, %gather3A : vector<16xf32>
              %add3A_799 = arith.constant 64 : i32
              %add3A_800 = arith.addi %mul3A_734, %add3A_799 : i32
              %swap3A_801 = arith.index_cast %add3A_800 : i32 to index
              %swap3A_802 = tpu.vector_load %arg22[%swap3A_801] {strides = array<i32>} : memref<2064xf32, #tpu.memory_space<vmem>>, vector<16xf32>,
              tpu.vector_store %arg22[%swap3A_801], %mul3A_798 {strides = array<i32>} : memref<2064xf32, #tpu.memory_space<vmem>>, vector<16xf32>,
              %add3A_803 = arith.constant 64 : i32
              %add3A_804 = vector.broadcast %add3A_803 : i32 to vector<16xi32>
              %add3A_805 = arith.addi %add3A_732, %add3A_804 : vector<16xi32>
              %add3A_806 = arith.constant 64 : i32
              %add3A_807 = arith.addi %mul3A_734, %add3A_806 : i32
              %swap3A_808 = arith.index_cast %add3A_807 : i32 to index
              %swap3A_809 = tpu.vector_load %arg24[%swap3A_808] {strides = array<i32>} : memref<2064xi32, #tpu.memory_space<vmem>>, vector<16xi32>,
              tpu.vector_store %arg24[%swap3A_808], %add3A_805 {strides = array<i32>} : memref<2064xi32, #tpu.memory_space<vmem>>, vector<16xi32>,
              %get3A_810 = arith.index_cast %scan3A_716 : i32 to index
              %get3A_811 = arith.constant 80 : index
              %get3A_812 = tpu.vector_load %arg20[%get3A_810, %get3A_811] {strides = array<i32>} : memref<16x128xf32, #tpu.memory_space<vmem>>, vector<16xf32>,
              %mul3A_813 = arith.mulf %get3A_812, %gather3A : vector<16xf32>
              %add3A_814 = arith.constant 80 : i32
              %add3A_815 = arith.addi %mul3A_734, %add3A_814 : i32
              %swap3A_816 = arith.index_cast %add3A_815 : i32 to index
              %swap3A_817 = tpu.vector_load %arg22[%swap3A_816] {strides = array<i32>} : memref<2064xf32, #tpu.memory_space<vmem>>, vector<16xf32>,
              tpu.vector_store %arg22[%swap3A_816], %mul3A_813 {strides = array<i32>} : memref<2064xf32, #tpu.memory_space<vmem>>, vector<16xf32>,
              %add3A_818 = arith.constant 80 : i32
              %add3A_819 = vector.broadcast %add3A_818 : i32 to vector<16xi32>
              %add3A_820 = arith.addi %add3A_732, %add3A_819 : vector<16xi32>
              %add3A_821 = arith.constant 80 : i32
              %add3A_822 = arith.addi %mul3A_734, %add3A_821 : i32
              %swap3A_823 = arith.index_cast %add3A_822 : i32 to index
              %swap3A_824 = tpu.vector_load %arg24[%swap3A_823] {strides = array<i32>} : memref<2064xi32, #tpu.memory_space<vmem>>, vector<16xi32>,
              tpu.vector_store %arg24[%swap3A_823], %add3A_820 {strides = array<i32>} : memref<2064xi32, #tpu.memory_space<vmem>>, vector<16xi32>,
              %get3A_825 = arith.index_cast %scan3A_716 : i32 to index
              %get3A_826 = arith.constant 96 : index
              %get3A_827 = tpu.vector_load %arg20[%get3A_825, %get3A_826] {strides = array<i32>} : memref<16x128xf32, #tpu.memory_space<vmem>>, vector<16xf32>,
              %mul3A_828 = arith.mulf %get3A_827, %gather3A : vector<16xf32>
              %add3A_829 = arith.constant 96 : i32
              %add3A_830 = arith.addi %mul3A_734, %add3A_829 : i32
              %swap3A_831 = arith.index_cast %add3A_830 : i32 to index
              %swap3A_832 = tpu.vector_load %arg22[%swap3A_831] {strides = array<i32>} : memref<2064xf32, #tpu.memory_space<vmem>>, vector<16xf32>,
              tpu.vector_store %arg22[%swap3A_831], %mul3A_828 {strides = array<i32>} : memref<2064xf32, #tpu.memory_space<vmem>>, vector<16xf32>,
              %add3A_833 = arith.constant 96 : i32
              %add3A_834 = vector.broadcast %add3A_833 : i32 to vector<16xi32>
              %add3A_835 = arith.addi %add3A_732, %add3A_834 : vector<16xi32>
              %add3A_836 = arith.constant 96 : i32
              %add3A_837 = arith.addi %mul3A_734, %add3A_836 : i32
              %swap3A_838 = arith.index_cast %add3A_837 : i32 to index
              %swap3A_839 = tpu.vector_load %arg24[%swap3A_838] {strides = array<i32>} : memref<2064xi32, #tpu.memory_space<vmem>>, vector<16xi32>,
              tpu.vector_store %arg24[%swap3A_838], %add3A_835 {strides = array<i32>} : memref<2064xi32, #tpu.memory_space<vmem>>, vector<16xi32>,
              %get3A_840 = arith.index_cast %scan3A_716 : i32 to index
              %get3A_841 = arith.constant 112 : index
              %get3A_842 = tpu.vector_load %arg20[%get3A_840, %get3A_841] {strides = array<i32>} : memref<16x128xf32, #tpu.memory_space<vmem>>, vector<16xf32>,
              %mul3A_843 = arith.mulf %get3A_842, %gather3A : vector<16xf32>
              %add3A_844 = arith.constant 112 : i32
              %add3A_845 = arith.addi %mul3A_734, %add3A_844 : i32
              %swap3A_846 = arith.index_cast %add3A_845 : i32 to index
              %swap3A_847 = tpu.vector_load %arg22[%swap3A_846] {strides = array<i32>} : memref<2064xf32, #tpu.memory_space<vmem>>, vector<16xf32>,
              tpu.vector_store %arg22[%swap3A_846], %mul3A_843 {strides = array<i32>} : memref<2064xf32, #tpu.memory_space<vmem>>, vector<16xf32>,
              %add3A_848 = arith.constant 112 : i32
              %add3A_849 = vector.broadcast %add3A_848 : i32 to vector<16xi32>
              %add3A_850 = arith.addi %add3A_732, %add3A_849 : vector<16xi32>
              %add3A_851 = arith.constant 112 : i32
              %add3A_852 = arith.addi %mul3A_734, %add3A_851 : i32
              %swap3A_853 = arith.index_cast %add3A_852 : i32 to index
              %swap3A_854 = tpu.vector_load %arg24[%swap3A_853] {strides = array<i32>} : memref<2064xi32, #tpu.memory_space<vmem>>, vector<16xi32>,
              tpu.vector_store %arg24[%swap3A_853], %add3A_850 {strides = array<i32>} : memref<2064xi32, #tpu.memory_space<vmem>>, vector<16xi32>,
            }
            %scan3A_693 = arith.constant 16 : i32
            %add3A_694 = arith.constant 0 : i32
            %add3A_695 = arith.addi %mul3A_671, %add3A_694 : i32
            %get3A = arith.index_cast %add3A_695 : i32 to index
            %get3A_696 = tpu.vector_load %arg19[%get3A] {strides = array<i32>} : memref<2016xi32, #tpu.memory_space<vmem>>, vector<16xi32>,
            %lt3A_697 = arith.constant 3000 : i32
            %lt3A_698 = vector.broadcast %lt3A_697 : i32 to vector<16xi32>
            %lt3A_699 = arith.cmpi slt, %get3A_696, %lt3A_698 : vector<16xi32>
            %get3A_700 = arith.index_cast %add3A_695 : i32 to index
            %get3A_701 = tpu.vector_load %arg17[%get3A_700] {strides = array<i32>} : memref<2016xf32, #tpu.memory_space<vmem>>, vector<16xf32>,
            %broadcast_in_dim3A_702 = arith.constant 0.000000e+00 : f32
            %broadcast_in_dim3A_703 = vector.broadcast %broadcast_in_dim3A_702 : f32 to vector<16xf32>
            %select_n3A_704 = arith.select %lt3A_699, %get3A_701, %broadcast_in_dim3A_703 : vector<16xi1>, vector<16xf32>
            %swap3A_705 = arith.constant 2048 : index
            %swap3A_706 = tpu.vector_load %arg22[%swap3A_705] {strides = array<i32>} : memref<2064xf32, #tpu.memory_space<vmem>>, vector<16xf32>,
            tpu.vector_store %arg22[%swap3A_705], %select_n3A_704 {strides = array<i32>} : memref<2064xf32, #tpu.memory_space<vmem>>, vector<16xf32>,
            %get3A_707 = arith.index_cast %add3A_695 : i32 to index
            %get3A_708 = tpu.vector_load %arg18[%get3A_707] {strides = array<i32>} : memref<2016xi32, #tpu.memory_space<vmem>>, vector<16xi32>,
            %add3A_709 = arith.constant 786432 : i32
            %add3A_710 = vector.broadcast %add3A_709 : i32 to vector<16xi32>
            %add3A_711 = arith.addi %get3A_708, %add3A_710 : vector<16xi32>
            %swap3A_712 = arith.constant 2048 : index
            %swap3A_713 = tpu.vector_load %arg24[%swap3A_712] {strides = array<i32>} : memref<2064xi32, #tpu.memory_space<vmem>>, vector<16xi32>,
            tpu.vector_store %arg24[%swap3A_712], %add3A_711 {strides = array<i32>} : memref<2064xi32, #tpu.memory_space<vmem>>, vector<16xi32>,
            %dma_start3A_714 = arith.constant 0 : i32
            %dma_start3A_715 = tpu.memref_slice %arg26[%dma_start3A_714] : memref<790528xf32, #tpu.memory_space<vmem_shared>> -> memref<790528xf32, #tpu.memory_space<vmem_shared>>
            tpu.enqueue_indirect_dma source(%arg22 : memref<2064xf32, #tpu.memory_space<vmem>>) target(%dma_start3A_715 : memref<790528xf32, #tpu.memory_space<vmem_shared>>) offsets(%arg24 : memref<2064xi32, #tpu.memory_space<vmem>>) semaphore(%arg29 : memref<!tpu.dma_semaphore, #tpu.memory_space<semaphore_mem>>) {add = true}
          } else {
          }
          %mul3A_662 = arith.constant 2 : i32
          %mul3A_663 = arith.muli %while3A_653, %mul3A_662 : i32
          %add3A_664 = arith.constant 1 : i32
          %add3A_665 = arith.addi %mul3A_663, %add3A_664 : i32
          %lt3A_666 = arith.cmpi slt, %add3A_665, %max3A_606 : i32
          %convert_element_type3A_667 = arith.extui %lt3A_666 : i1 to i32
          %cond3A_668 = arith.constant 0 : i32
          %cond3A_669 = arith.cmpi ne, %convert_element_type3A_667, %cond3A_668 : i32
          scf.if %cond3A_669 {
            %mul3A_670 = arith.constant 16 : i32
            %mul3A_671 = arith.muli %add3A_665, %mul3A_670 : i32
            %dma_wait3A_672 = arith.constant 0 : i32
            %dma_wait3A_673 = tpu.memref_slice %arg16[%dma_wait3A_672] : memref<2016xi32, #tpu.memory_space<vmem>> -> memref<16xi32, #tpu.memory_space<vmem>>
            %dma_wait3A_674 = arith.constant 0 : i32
            %dma_wait3A_675 = arith.constant 0 : i32
            %dma_wait3A_676 = tpu.memref_slice %arg2[%dma_wait3A_674, %dma_wait3A_675] : memref<10000x128xf32, #tpu.memory_space<hbm>> -> memref<10000x128xf32, #tpu.memory_space<hbm>>
            tpu.wait_indirect_dma semaphore(%arg28 : memref<!tpu.dma_semaphore, #tpu.memory_space<semaphore_mem>>) src(%dma_wait3A_676 : memref<10000x128xf32, #tpu.memory_space<hbm>>) dst(%arg21 : memref<16x128xf32, #tpu.memory_space<vmem>>)
            %add3A_677 = arith.constant 1 : i32
            %add3A_678 = arith.addi %add3A_665, %add3A_677 : i32
            %lt3A_679 = arith.cmpi slt, %add3A_678, %max3A_606 : i32
            %convert_element_type3A_680 = arith.extui %lt3A_679 : i1 to i32
            %cond3A_681 = arith.constant 0 : i32
            %cond3A_682 = arith.cmpi ne, %convert_element_type3A_680, %cond3A_681 : i32
            scf.if %cond3A_682 {
              %add3A_716 = arith.constant 16 : i32
              %add3A_717 = arith.addi %mul3A_671, %add3A_716 : i32
              %dma_start3A_718 = tpu.memref_slice %arg16[%add3A_717] : memref<2016xi32, #tpu.memory_space<vmem>> -> memref<16xi32, #tpu.memory_space<vmem>>
              %dma_start3A_719 = arith.constant 0 : i32
              %dma_start3A_720 = arith.constant 0 : i32
              %dma_start3A_721 = tpu.memref_slice %arg2[%dma_start3A_719, %dma_start3A_720] : memref<10000x128xf32, #tpu.memory_space<hbm>> -> memref<10000x128xf32, #tpu.memory_space<hbm>>
              tpu.enqueue_indirect_dma source(%dma_start3A_721 : memref<10000x128xf32, #tpu.memory_space<hbm>>) target(%arg20 : memref<16x128xf32, #tpu.memory_space<vmem>>) offsets(%dma_start3A_718 : memref<16xi32, #tpu.memory_space<vmem>>) semaphore(%arg27 : memref<!tpu.dma_semaphore, #tpu.memory_space<semaphore_mem>>)
            } else {
            }
            %ge3A_683 = arith.constant 2 : i32
            %ge3A_684 = arith.cmpi sge, %add3A_665, %ge3A_683 : i32
            %convert_element_type3A_685 = arith.extui %ge3A_684 : i1 to i32
            %cond3A_686 = arith.constant 0 : i32
            %cond3A_687 = arith.cmpi ne, %convert_element_type3A_685, %cond3A_686 : i32
            scf.if %cond3A_687 {
              %dma_wait3A_716 = arith.constant 0 : i32
              %dma_wait3A_717 = tpu.memref_slice %arg26[%dma_wait3A_716] : memref<790528xf32, #tpu.memory_space<vmem_shared>> -> memref<790528xf32, #tpu.memory_space<vmem_shared>>
              tpu.wait_indirect_dma semaphore(%arg30 : memref<!tpu.dma_semaphore, #tpu.memory_space<semaphore_mem>>) src(%arg23 : memref<2064xf32, #tpu.memory_space<vmem>>) dst(%dma_wait3A_717 : memref<790528xf32, #tpu.memory_space<vmem_shared>>)
            } else {
            }
            %scan3A_688 = arith.constant 0 : i32
            %scan3A_689 = arith.constant 0 : i32
            %scan3A_690 = arith.constant 16 : i32
            %scan3A_691 = arith.addi %scan3A_689, %scan3A_690 : i32
            %scan3A_692 = arith.constant 1 : i32
            scf.for %scan3A_716 = %scan3A_689 to %scan3A_691 step %scan3A_692  : i32 {
              %add3A_717 = arith.addi %mul3A_671, %scan3A_716 : i32
              %broadcast_in_dim3A_718 = vector.broadcast %add3A_717 : i32 to vector<16xi32>
              %gather3A = tpu.vector_load_idx %arg17[%broadcast_in_dim3A_718] : memref<2016xf32, #tpu.memory_space<vmem>>[vector<16xi32>], vector<16xf32>,
              %gather3A_719 = tpu.vector_load_idx %arg19[%broadcast_in_dim3A_718] : memref<2016xi32, #tpu.memory_space<vmem>>[vector<16xi32>], vector<16xi32>,
              %lt3A_720 = arith.constant 3000 : i32
              %lt3A_721 = vector.broadcast %lt3A_720 : i32 to vector<16xi32>
              %lt3A_722 = arith.cmpi slt, %gather3A_719, %lt3A_721 : vector<16xi32>
              %gather3A_723 = tpu.vector_load_idx %arg18[%broadcast_in_dim3A_718] : memref<2016xi32, #tpu.memory_space<vmem>>[vector<16xi32>], vector<16xi32>,
              %mul3A_724 = arith.constant 256 : i32
              %mul3A_725 = vector.broadcast %mul3A_724 : i32 to vector<16xi32>
              %mul3A_726 = arith.muli %gather3A_723, %mul3A_725 : vector<16xi32>
              %add3A_727 = arith.addi %mul3A_726, %iota3A : vector<16xi32>
              %convert_element_type3A_728 = arith.extui %lt3A_722 : vector<16xi1> to vector<16xi32>
              %mul3A_729 = arith.constant 128 : i32
              %mul3A_730 = vector.broadcast %mul3A_729 : i32 to vector<16xi32>
              %mul3A_731 = arith.muli %convert_element_type3A_728, %mul3A_730 : vector<16xi32>
              %add3A_732 = arith.addi %add3A_727, %mul3A_731 : vector<16xi32>
              %mul3A_733 = arith.constant 128 : i32
              %mul3A_734 = arith.muli %scan3A_716, %mul3A_733 : i32
              %get3A_735 = arith.index_cast %scan3A_716 : i32 to index
              %get3A_736 = arith.constant 0 : index
              %get3A_737 = tpu.vector_load %arg21[%get3A_735, %get3A_736] {strides = array<i32>} : memref<16x128xf32, #tpu.memory_space<vmem>>, vector<16xf32>,
              %mul3A_738 = arith.mulf %get3A_737, %gather3A : vector<16xf32>
              %add3A_739 = arith.constant 0 : i32
              %add3A_740 = arith.addi %mul3A_734, %add3A_739 : i32
              %swap3A_741 = arith.index_cast %add3A_740 : i32 to index
              %swap3A_742 = tpu.vector_load %arg23[%swap3A_741] {strides = array<i32>} : memref<2064xf32, #tpu.memory_space<vmem>>, vector<16xf32>,
              tpu.vector_store %arg23[%swap3A_741], %mul3A_738 {strides = array<i32>} : memref<2064xf32, #tpu.memory_space<vmem>>, vector<16xf32>,
              %add3A_743 = arith.constant 0 : i32
              %add3A_744 = vector.broadcast %add3A_743 : i32 to vector<16xi32>
              %add3A_745 = arith.addi %add3A_732, %add3A_744 : vector<16xi32>
              %add3A_746 = arith.constant 0 : i32
              %add3A_747 = arith.addi %mul3A_734, %add3A_746 : i32
              %swap3A_748 = arith.index_cast %add3A_747 : i32 to index
              %swap3A_749 = tpu.vector_load %arg25[%swap3A_748] {strides = array<i32>} : memref<2064xi32, #tpu.memory_space<vmem>>, vector<16xi32>,
              tpu.vector_store %arg25[%swap3A_748], %add3A_745 {strides = array<i32>} : memref<2064xi32, #tpu.memory_space<vmem>>, vector<16xi32>,
              %get3A_750 = arith.index_cast %scan3A_716 : i32 to index
              %get3A_751 = arith.constant 16 : index
              %get3A_752 = tpu.vector_load %arg21[%get3A_750, %get3A_751] {strides = array<i32>} : memref<16x128xf32, #tpu.memory_space<vmem>>, vector<16xf32>,
              %mul3A_753 = arith.mulf %get3A_752, %gather3A : vector<16xf32>
              %add3A_754 = arith.constant 16 : i32
              %add3A_755 = arith.addi %mul3A_734, %add3A_754 : i32
              %swap3A_756 = arith.index_cast %add3A_755 : i32 to index
              %swap3A_757 = tpu.vector_load %arg23[%swap3A_756] {strides = array<i32>} : memref<2064xf32, #tpu.memory_space<vmem>>, vector<16xf32>,
              tpu.vector_store %arg23[%swap3A_756], %mul3A_753 {strides = array<i32>} : memref<2064xf32, #tpu.memory_space<vmem>>, vector<16xf32>,
              %add3A_758 = arith.constant 16 : i32
              %add3A_759 = vector.broadcast %add3A_758 : i32 to vector<16xi32>
              %add3A_760 = arith.addi %add3A_732, %add3A_759 : vector<16xi32>
              %add3A_761 = arith.constant 16 : i32
              %add3A_762 = arith.addi %mul3A_734, %add3A_761 : i32
              %swap3A_763 = arith.index_cast %add3A_762 : i32 to index
              %swap3A_764 = tpu.vector_load %arg25[%swap3A_763] {strides = array<i32>} : memref<2064xi32, #tpu.memory_space<vmem>>, vector<16xi32>,
              tpu.vector_store %arg25[%swap3A_763], %add3A_760 {strides = array<i32>} : memref<2064xi32, #tpu.memory_space<vmem>>, vector<16xi32>,
              %get3A_765 = arith.index_cast %scan3A_716 : i32 to index
              %get3A_766 = arith.constant 32 : index
              %get3A_767 = tpu.vector_load %arg21[%get3A_765, %get3A_766] {strides = array<i32>} : memref<16x128xf32, #tpu.memory_space<vmem>>, vector<16xf32>,
              %mul3A_768 = arith.mulf %get3A_767, %gather3A : vector<16xf32>
              %add3A_769 = arith.constant 32 : i32
              %add3A_770 = arith.addi %mul3A_734, %add3A_769 : i32
              %swap3A_771 = arith.index_cast %add3A_770 : i32 to index
              %swap3A_772 = tpu.vector_load %arg23[%swap3A_771] {strides = array<i32>} : memref<2064xf32, #tpu.memory_space<vmem>>, vector<16xf32>,
              tpu.vector_store %arg23[%swap3A_771], %mul3A_768 {strides = array<i32>} : memref<2064xf32, #tpu.memory_space<vmem>>, vector<16xf32>,
              %add3A_773 = arith.constant 32 : i32
              %add3A_774 = vector.broadcast %add3A_773 : i32 to vector<16xi32>
              %add3A_775 = arith.addi %add3A_732, %add3A_774 : vector<16xi32>
              %add3A_776 = arith.constant 32 : i32
              %add3A_777 = arith.addi %mul3A_734, %add3A_776 : i32
              %swap3A_778 = arith.index_cast %add3A_777 : i32 to index
              %swap3A_779 = tpu.vector_load %arg25[%swap3A_778] {strides = array<i32>} : memref<2064xi32, #tpu.memory_space<vmem>>, vector<16xi32>,
              tpu.vector_store %arg25[%swap3A_778], %add3A_775 {strides = array<i32>} : memref<2064xi32, #tpu.memory_space<vmem>>, vector<16xi32>,
              %get3A_780 = arith.index_cast %scan3A_716 : i32 to index
              %get3A_781 = arith.constant 48 : index
              %get3A_782 = tpu.vector_load %arg21[%get3A_780, %get3A_781] {strides = array<i32>} : memref<16x128xf32, #tpu.memory_space<vmem>>, vector<16xf32>,
              %mul3A_783 = arith.mulf %get3A_782, %gather3A : vector<16xf32>
              %add3A_784 = arith.constant 48 : i32
              %add3A_785 = arith.addi %mul3A_734, %add3A_784 : i32
              %swap3A_786 = arith.index_cast %add3A_785 : i32 to index
              %swap3A_787 = tpu.vector_load %arg23[%swap3A_786] {strides = array<i32>} : memref<2064xf32, #tpu.memory_space<vmem>>, vector<16xf32>,
              tpu.vector_store %arg23[%swap3A_786], %mul3A_783 {strides = array<i32>} : memref<2064xf32, #tpu.memory_space<vmem>>, vector<16xf32>,
              %add3A_788 = arith.constant 48 : i32
              %add3A_789 = vector.broadcast %add3A_788 : i32 to vector<16xi32>
              %add3A_790 = arith.addi %add3A_732, %add3A_789 : vector<16xi32>
              %add3A_791 = arith.constant 48 : i32
              %add3A_792 = arith.addi %mul3A_734, %add3A_791 : i32
              %swap3A_793 = arith.index_cast %add3A_792 : i32 to index
              %swap3A_794 = tpu.vector_load %arg25[%swap3A_793] {strides = array<i32>} : memref<2064xi32, #tpu.memory_space<vmem>>, vector<16xi32>,
              tpu.vector_store %arg25[%swap3A_793], %add3A_790 {strides = array<i32>} : memref<2064xi32, #tpu.memory_space<vmem>>, vector<16xi32>,
              %get3A_795 = arith.index_cast %scan3A_716 : i32 to index
              %get3A_796 = arith.constant 64 : index
              %get3A_797 = tpu.vector_load %arg21[%get3A_795, %get3A_796] {strides = array<i32>} : memref<16x128xf32, #tpu.memory_space<vmem>>, vector<16xf32>,
              %mul3A_798 = arith.mulf %get3A_797, %gather3A : vector<16xf32>
              %add3A_799 = arith.constant 64 : i32
              %add3A_800 = arith.addi %mul3A_734, %add3A_799 : i32
              %swap3A_801 = arith.index_cast %add3A_800 : i32 to index
              %swap3A_802 = tpu.vector_load %arg23[%swap3A_801] {strides = array<i32>} : memref<2064xf32, #tpu.memory_space<vmem>>, vector<16xf32>,
              tpu.vector_store %arg23[%swap3A_801], %mul3A_798 {strides = array<i32>} : memref<2064xf32, #tpu.memory_space<vmem>>, vector<16xf32>,
              %add3A_803 = arith.constant 64 : i32
              %add3A_804 = vector.broadcast %add3A_803 : i32 to vector<16xi32>
              %add3A_805 = arith.addi %add3A_732, %add3A_804 : vector<16xi32>
              %add3A_806 = arith.constant 64 : i32
              %add3A_807 = arith.addi %mul3A_734, %add3A_806 : i32
              %swap3A_808 = arith.index_cast %add3A_807 : i32 to index
              %swap3A_809 = tpu.vector_load %arg25[%swap3A_808] {strides = array<i32>} : memref<2064xi32, #tpu.memory_space<vmem>>, vector<16xi32>,
              tpu.vector_store %arg25[%swap3A_808], %add3A_805 {strides = array<i32>} : memref<2064xi32, #tpu.memory_space<vmem>>, vector<16xi32>,
              %get3A_810 = arith.index_cast %scan3A_716 : i32 to index
              %get3A_811 = arith.constant 80 : index
              %get3A_812 = tpu.vector_load %arg21[%get3A_810, %get3A_811] {strides = array<i32>} : memref<16x128xf32, #tpu.memory_space<vmem>>, vector<16xf32>,
              %mul3A_813 = arith.mulf %get3A_812, %gather3A : vector<16xf32>
              %add3A_814 = arith.constant 80 : i32
              %add3A_815 = arith.addi %mul3A_734, %add3A_814 : i32
              %swap3A_816 = arith.index_cast %add3A_815 : i32 to index
              %swap3A_817 = tpu.vector_load %arg23[%swap3A_816] {strides = array<i32>} : memref<2064xf32, #tpu.memory_space<vmem>>, vector<16xf32>,
              tpu.vector_store %arg23[%swap3A_816], %mul3A_813 {strides = array<i32>} : memref<2064xf32, #tpu.memory_space<vmem>>, vector<16xf32>,
              %add3A_818 = arith.constant 80 : i32
              %add3A_819 = vector.broadcast %add3A_818 : i32 to vector<16xi32>
              %add3A_820 = arith.addi %add3A_732, %add3A_819 : vector<16xi32>
              %add3A_821 = arith.constant 80 : i32
              %add3A_822 = arith.addi %mul3A_734, %add3A_821 : i32
              %swap3A_823 = arith.index_cast %add3A_822 : i32 to index
              %swap3A_824 = tpu.vector_load %arg25[%swap3A_823] {strides = array<i32>} : memref<2064xi32, #tpu.memory_space<vmem>>, vector<16xi32>,
              tpu.vector_store %arg25[%swap3A_823], %add3A_820 {strides = array<i32>} : memref<2064xi32, #tpu.memory_space<vmem>>, vector<16xi32>,
              %get3A_825 = arith.index_cast %scan3A_716 : i32 to index
              %get3A_826 = arith.constant 96 : index
              %get3A_827 = tpu.vector_load %arg21[%get3A_825, %get3A_826] {strides = array<i32>} : memref<16x128xf32, #tpu.memory_space<vmem>>, vector<16xf32>,
              %mul3A_828 = arith.mulf %get3A_827, %gather3A : vector<16xf32>
              %add3A_829 = arith.constant 96 : i32
              %add3A_830 = arith.addi %mul3A_734, %add3A_829 : i32
              %swap3A_831 = arith.index_cast %add3A_830 : i32 to index
              %swap3A_832 = tpu.vector_load %arg23[%swap3A_831] {strides = array<i32>} : memref<2064xf32, #tpu.memory_space<vmem>>, vector<16xf32>,
              tpu.vector_store %arg23[%swap3A_831], %mul3A_828 {strides = array<i32>} : memref<2064xf32, #tpu.memory_space<vmem>>, vector<16xf32>,
              %add3A_833 = arith.constant 96 : i32
              %add3A_834 = vector.broadcast %add3A_833 : i32 to vector<16xi32>
              %add3A_835 = arith.addi %add3A_732, %add3A_834 : vector<16xi32>
              %add3A_836 = arith.constant 96 : i32
              %add3A_837 = arith.addi %mul3A_734, %add3A_836 : i32
              %swap3A_838 = arith.index_cast %add3A_837 : i32 to index
              %swap3A_839 = tpu.vector_load %arg25[%swap3A_838] {strides = array<i32>} : memref<2064xi32, #tpu.memory_space<vmem>>, vector<16xi32>,
              tpu.vector_store %arg25[%swap3A_838], %add3A_835 {strides = array<i32>} : memref<2064xi32, #tpu.memory_space<vmem>>, vector<16xi32>,
              %get3A_840 = arith.index_cast %scan3A_716 : i32 to index
              %get3A_841 = arith.constant 112 : index
              %get3A_842 = tpu.vector_load %arg21[%get3A_840, %get3A_841] {strides = array<i32>} : memref<16x128xf32, #tpu.memory_space<vmem>>, vector<16xf32>,
              %mul3A_843 = arith.mulf %get3A_842, %gather3A : vector<16xf32>
              %add3A_844 = arith.constant 112 : i32
              %add3A_845 = arith.addi %mul3A_734, %add3A_844 : i32
              %swap3A_846 = arith.index_cast %add3A_845 : i32 to index
              %swap3A_847 = tpu.vector_load %arg23[%swap3A_846] {strides = array<i32>} : memref<2064xf32, #tpu.memory_space<vmem>>, vector<16xf32>,
              tpu.vector_store %arg23[%swap3A_846], %mul3A_843 {strides = array<i32>} : memref<2064xf32, #tpu.memory_space<vmem>>, vector<16xf32>,
              %add3A_848 = arith.constant 112 : i32
              %add3A_849 = vector.broadcast %add3A_848 : i32 to vector<16xi32>
              %add3A_850 = arith.addi %add3A_732, %add3A_849 : vector<16xi32>
              %add3A_851 = arith.constant 112 : i32
              %add3A_852 = arith.addi %mul3A_734, %add3A_851 : i32
              %swap3A_853 = arith.index_cast %add3A_852 : i32 to index
              %swap3A_854 = tpu.vector_load %arg25[%swap3A_853] {strides = array<i32>} : memref<2064xi32, #tpu.memory_space<vmem>>, vector<16xi32>,
              tpu.vector_store %arg25[%swap3A_853], %add3A_850 {strides = array<i32>} : memref<2064xi32, #tpu.memory_space<vmem>>, vector<16xi32>,
            }
            %scan3A_693 = arith.constant 16 : i32
            %add3A_694 = arith.constant 0 : i32
            %add3A_695 = arith.addi %mul3A_671, %add3A_694 : i32
            %get3A = arith.index_cast %add3A_695 : i32 to index
            %get3A_696 = tpu.vector_load %arg19[%get3A] {strides = array<i32>} : memref<2016xi32, #tpu.memory_space<vmem>>, vector<16xi32>,
            %lt3A_697 = arith.constant 3000 : i32
            %lt3A_698 = vector.broadcast %lt3A_697 : i32 to vector<16xi32>
            %lt3A_699 = arith.cmpi slt, %get3A_696, %lt3A_698 : vector<16xi32>
            %get3A_700 = arith.index_cast %add3A_695 : i32 to index
            %get3A_701 = tpu.vector_load %arg17[%get3A_700] {strides = array<i32>} : memref<2016xf32, #tpu.memory_space<vmem>>, vector<16xf32>,
            %broadcast_in_dim3A_702 = arith.constant 0.000000e+00 : f32
            %broadcast_in_dim3A_703 = vector.broadcast %broadcast_in_dim3A_702 : f32 to vector<16xf32>
            %select_n3A_704 = arith.select %lt3A_699, %get3A_701, %broadcast_in_dim3A_703 : vector<16xi1>, vector<16xf32>
            %swap3A_705 = arith.constant 2048 : index
            %swap3A_706 = tpu.vector_load %arg23[%swap3A_705] {strides = array<i32>} : memref<2064xf32, #tpu.memory_space<vmem>>, vector<16xf32>,
            tpu.vector_store %arg23[%swap3A_705], %select_n3A_704 {strides = array<i32>} : memref<2064xf32, #tpu.memory_space<vmem>>, vector<16xf32>,
            %get3A_707 = arith.index_cast %add3A_695 : i32 to index
            %get3A_708 = tpu.vector_load %arg18[%get3A_707] {strides = array<i32>} : memref<2016xi32, #tpu.memory_space<vmem>>, vector<16xi32>,
            %add3A_709 = arith.constant 786432 : i32
            %add3A_710 = vector.broadcast %add3A_709 : i32 to vector<16xi32>
            %add3A_711 = arith.addi %get3A_708, %add3A_710 : vector<16xi32>
            %swap3A_712 = arith.constant 2048 : index
            %swap3A_713 = tpu.vector_load %arg25[%swap3A_712] {strides = array<i32>} : memref<2064xi32, #tpu.memory_space<vmem>>, vector<16xi32>,
            tpu.vector_store %arg25[%swap3A_712], %add3A_711 {strides = array<i32>} : memref<2064xi32, #tpu.memory_space<vmem>>, vector<16xi32>,
            %dma_start3A_714 = arith.constant 0 : i32
            %dma_start3A_715 = tpu.memref_slice %arg26[%dma_start3A_714] : memref<790528xf32, #tpu.memory_space<vmem_shared>> -> memref<790528xf32, #tpu.memory_space<vmem_shared>>
            tpu.enqueue_indirect_dma source(%arg23 : memref<2064xf32, #tpu.memory_space<vmem>>) target(%dma_start3A_715 : memref<790528xf32, #tpu.memory_space<vmem_shared>>) offsets(%arg25 : memref<2064xi32, #tpu.memory_space<vmem>>) semaphore(%arg30 : memref<!tpu.dma_semaphore, #tpu.memory_space<semaphore_mem>>) {add = true}
          } else {
          }
        }
        %dma_wait3A_647 = arith.constant 0 : i32
        %dma_wait3A_648 = tpu.memref_slice %arg26[%dma_wait3A_647] : memref<790528xf32, #tpu.memory_space<vmem_shared>> -> memref<790528xf32, #tpu.memory_space<vmem_shared>>
        tpu.wait_indirect_dma semaphore(%arg29 : memref<!tpu.dma_semaphore, #tpu.memory_space<semaphore_mem>>) src(%arg22 : memref<2064xf32, #tpu.memory_space<vmem>>) dst(%dma_wait3A_648 : memref<790528xf32, #tpu.memory_space<vmem_shared>>)
        %ge3A = arith.constant 2 : i32
        %ge3A_649 = arith.cmpi sge, %max3A_606, %ge3A : i32
        %convert_element_type3A_650 = arith.extui %ge3A_649 : i1 to i32
        %cond3A_651 = arith.constant 0 : i32
        %cond3A_652 = arith.cmpi ne, %convert_element_type3A_650, %cond3A_651 : i32
        scf.if %cond3A_652 {
          %dma_wait3A_653 = arith.constant 0 : i32
          %dma_wait3A_654 = tpu.memref_slice %arg26[%dma_wait3A_653] : memref<790528xf32, #tpu.memory_space<vmem_shared>> -> memref<790528xf32, #tpu.memory_space<vmem_shared>>
          tpu.wait_indirect_dma semaphore(%arg30 : memref<!tpu.dma_semaphore, #tpu.memory_space<semaphore_mem>>) src(%arg23 : memref<2064xf32, #tpu.memory_space<vmem>>) dst(%dma_wait3A_654 : memref<790528xf32, #tpu.memory_space<vmem_shared>>)
        } else {
        }
      } else {
      }
    }
    %scan3A_519 = arith.constant 3 : i32
    %barrier3A_520 = arith.constant 0 : index
    tpu.barrier barrier_id(%barrier3A_520)
    %mul3A_521 = arith.constant 49152 : i32
    %mul3A_522 = arith.muli %arg1, %mul3A_521 : i32
    %mul3A_523 = arith.constant 49152 : i32
    %mul3A_524 = arith.muli %arg1, %mul3A_523 : i32
    "tpu.region"() ({
      %run_scoped3A = tpu.sem_alloc : memref<!tpu.dma_semaphore, #tpu.memory_space<semaphore_mem>>
      %dma_start3A_527 = tpu.memref_slice %arg7[%arg0, %mul3A_524] : memref<2x786432xf32, #tpu.memory_space<hbm>> -> memref<1x49152xf32, #tpu.memory_space<hbm>>
      %dma_start3A_528 = tpu.memref_squeeze %dma_start3A_527 : memref<1x49152xf32, #tpu.memory_space<hbm>> -> memref<49152xf32, #tpu.memory_space<hbm>>
      %dma_start3A_529 = tpu.memref_slice %arg26[%mul3A_522] : memref<790528xf32, #tpu.memory_space<vmem_shared>> -> memref<49152xf32, #tpu.memory_space<vmem_shared>>
      tpu.enqueue_dma source(%dma_start3A_529 : memref<49152xf32, #tpu.memory_space<vmem_shared>>) target(%dma_start3A_528 : memref<49152xf32, #tpu.memory_space<hbm>>) target_semaphore(%run_scoped3A : memref<!tpu.dma_semaphore, #tpu.memory_space<semaphore_mem>>)
      %dma_wait3A_530 = tpu.memref_slice %arg7[%arg0, %mul3A_524] : memref<2x786432xf32, #tpu.memory_space<hbm>> -> memref<1x49152xf32, #tpu.memory_space<hbm>>
      %dma_wait3A_531 = tpu.memref_squeeze %dma_wait3A_530 : memref<1x49152xf32, #tpu.memory_space<hbm>> -> memref<49152xf32, #tpu.memory_space<hbm>>
      %dma_wait3A_532 = tpu.memref_slice %arg26[%mul3A_522] : memref<790528xf32, #tpu.memory_space<vmem_shared>> -> memref<49152xf32, #tpu.memory_space<vmem_shared>>
      tpu.wait_dma2 semaphore(%run_scoped3A : memref<!tpu.dma_semaphore, #tpu.memory_space<semaphore_mem>>) src(%dma_wait3A_532 : memref<49152xf32, #tpu.memory_space<vmem_shared>>) dst(%dma_wait3A_531 : memref<49152xf32, #tpu.memory_space<hbm>>)
      tpu.yield
    }) : () -> ()
    %lt3A = arith.constant 12 : i32
    %lt3A_525 = arith.cmpi slt, %arg1, %lt3A : i32
    %convert_element_type3A = arith.extui %lt3A_525 : i1 to i32
    %cond3A = arith.constant 0 : i32
    %cond3A_526 = arith.cmpi ne, %convert_element_type3A, %cond3A : i32
    scf.if %cond3A_526 {
      %mul3A_527 = arith.constant 256 : i32
      %mul3A_528 = arith.muli %arg1, %mul3A_527 : i32
      %add3A_529 = arith.constant 786432 : i32
      %add3A_530 = arith.addi %add3A_529, %mul3A_528 : i32
      %mul3A_531 = arith.constant 256 : i32
      %mul3A_532 = arith.muli %arg1, %mul3A_531 : i32
      "tpu.region"() ({
        %run_scoped3A = tpu.sem_alloc : memref<!tpu.dma_semaphore, #tpu.memory_space<semaphore_mem>>
        %dma_start3A_533 = tpu.memref_slice %arg8[%arg0, %mul3A_532] : memref<2x3072xf32, #tpu.memory_space<hbm>> -> memref<1x256xf32, #tpu.memory_space<hbm>>
        %dma_start3A_534 = tpu.memref_squeeze %dma_start3A_533 : memref<1x256xf32, #tpu.memory_space<hbm>> -> memref<256xf32, #tpu.memory_space<hbm>>
        %dma_start3A_535 = tpu.memref_slice %arg26[%add3A_530] : memref<790528xf32, #tpu.memory_space<vmem_shared>> -> memref<256xf32, #tpu.memory_space<vmem_shared>>
        tpu.enqueue_dma source(%dma_start3A_535 : memref<256xf32, #tpu.memory_space<vmem_shared>>) target(%dma_start3A_534 : memref<256xf32, #tpu.memory_space<hbm>>) target_semaphore(%run_scoped3A : memref<!tpu.dma_semaphore, #tpu.memory_space<semaphore_mem>>)
        %dma_wait3A_536 = tpu.memref_slice %arg8[%arg0, %mul3A_532] : memref<2x3072xf32, #tpu.memory_space<hbm>> -> memref<1x256xf32, #tpu.memory_space<hbm>>
        %dma_wait3A_537 = tpu.memref_squeeze %dma_wait3A_536 : memref<1x256xf32, #tpu.memory_space<hbm>> -> memref<256xf32, #tpu.memory_space<hbm>>
        %dma_wait3A_538 = tpu.memref_slice %arg26[%add3A_530] : memref<790528xf32, #tpu.memory_space<vmem_shared>> -> memref<256xf32, #tpu.memory_space<vmem_shared>>
        tpu.wait_dma2 semaphore(%run_scoped3A : memref<!tpu.dma_semaphore, #tpu.memory_space<semaphore_mem>>) src(%dma_wait3A_538 : memref<256xf32, #tpu.memory_space<vmem_shared>>) dst(%dma_wait3A_537 : memref<256xf32, #tpu.memory_space<hbm>>)
        tpu.yield
      }) : () -> ()
    } else {
    }
    return
  }
}

module attributes {stable_mosaic.version = 14 : i64} {
  func.func @body(%arg0: memref<2x3072x256xf32, #tpu.memory_space<vmem>>, %arg1: memref<2x3072x1xf32, #tpu.memory_space<vmem>>, %arg2: memref<1x128xf32, #tpu.memory_space<vmem>>, %arg3: memref<128x128xf32, #tpu.memory_space<vmem>>, %arg4: memref<1x128xf32, #tpu.memory_space<vmem>>, %arg5: memref<128x128xf32, #tpu.memory_space<vmem>>, %arg6: memref<1x128xf32, #tpu.memory_space<vmem>>, %arg7: memref<1x1xf32, #tpu.memory_space<vmem>>) attributes {dimension_semantics = [], scalar_prefetch = 0 : i64, scratch_operands = 0 : i64, tpu.core_type = #tpu.core_type<tc>} {
    %get3A = arith.constant 0 : index
    %get3A_0 = arith.constant 0 : index
    %get3A_1 = arith.constant 0 : index
    %get3A_2 = vector.load %arg0[%get3A, %get3A_0, %get3A_1] : memref<2x3072x256xf32, #tpu.memory_space<vmem>>, vector<1x3072x256xf32>
    %get3A_3 = vector.shape_cast %get3A_2 : vector<1x3072x256xf32> to vector<3072x256xf32>
    %get3A_4 = arith.constant 1 : index
    %get3A_5 = arith.constant 0 : index
    %get3A_6 = arith.constant 0 : index
    %get3A_7 = vector.load %arg0[%get3A_4, %get3A_5, %get3A_6] : memref<2x3072x256xf32, #tpu.memory_space<vmem>>, vector<1x3072x256xf32>
    %get3A_8 = vector.shape_cast %get3A_7 : vector<1x3072x256xf32> to vector<3072x256xf32>
    %add3A = arith.addf %get3A_3, %get3A_8 : vector<3072x256xf32>
    %slice3A = vector.extract_strided_slice %add3A {offsets = [0, 0], sizes = [3000, 128], strides = [1, 1]} : vector<3072x256xf32> to vector<3000x128xf32>
    %slice3A_9 = vector.extract_strided_slice %add3A {offsets = [0, 128], sizes = [3000, 128], strides = [1, 1]} : vector<3072x256xf32> to vector<3000x128xf32>
    %get3A_10 = arith.constant 0 : index
    %get3A_11 = arith.constant 0 : index
    %get3A_12 = arith.constant 0 : index
    %get3A_13 = vector.load %arg1[%get3A_10, %get3A_11, %get3A_12] : memref<2x3072x1xf32, #tpu.memory_space<vmem>>, vector<1x3000x1xf32>
    %get3A_14 = vector.shape_cast %get3A_13 : vector<1x3000x1xf32> to vector<3000x1xf32>
    %get3A_15 = arith.constant 1 : index
    %get3A_16 = arith.constant 0 : index
    %get3A_17 = arith.constant 0 : index
    %get3A_18 = vector.load %arg1[%get3A_15, %get3A_16, %get3A_17] : memref<2x3072x1xf32, #tpu.memory_space<vmem>>, vector<1x3000x1xf32>
    %get3A_19 = vector.shape_cast %get3A_18 : vector<1x3000x1xf32> to vector<3000x1xf32>
    %add3A_20 = arith.addf %get3A_14, %get3A_19 : vector<3000x1xf32>
    %add3A_21 = arith.addf %slice3A, %slice3A_9 : vector<3000x128xf32>
    %get3A_22 = arith.constant 0 : index
    %get3A_23 = arith.constant 0 : index
    %get3A_24 = vector.load %arg2[%get3A_22, %get3A_23] : memref<1x128xf32, #tpu.memory_space<vmem>>, vector<1x128xf32>
    %mul3A = vector.broadcast %add3A_20 : vector<3000x1xf32> to vector<3000x128xf32>
    %mul3A_25 = vector.broadcast %get3A_24 : vector<1x128xf32> to vector<3000x128xf32>
    %mul3A_26 = arith.mulf %mul3A, %mul3A_25 : vector<3000x128xf32>
    %add3A_27 = arith.addf %slice3A, %mul3A_26 : vector<3000x128xf32>
    %get3A_28 = arith.constant 0 : index
    %get3A_29 = arith.constant 0 : index
    %get3A_30 = vector.load %arg3[%get3A_28, %get3A_29] : memref<128x128xf32, #tpu.memory_space<vmem>>, vector<128x128xf32>
    %get3A_31 = arith.constant 0 : index
    %get3A_32 = arith.constant 0 : index
    %get3A_33 = vector.load %arg4[%get3A_31, %get3A_32] : memref<1x128xf32, #tpu.memory_space<vmem>>, vector<1x128xf32>
    %dot_general3A = arith.constant dense<0.000000e+00> : vector<3000x128xf32>
    %dot_general3A_34 = tpu.matmul %add3A_21, %get3A_30, %dot_general3A {dimension_numbers = #tpu.dot_dimension_numbers<[1], [0], [0], [1], [0, 0, 1, 1], [], []>, precision = #tpu.contract_precision<fp32>, transpose_lhs_hint = false} : vector<3000x128xf32>, vector<128x128xf32>, vector<3000x128xf32> -> vector<3000x128xf32>
    %add3A_35 = vector.broadcast %get3A_33 : vector<1x128xf32> to vector<3000x128xf32>
    %add3A_36 = arith.addf %dot_general3A_34, %add3A_35 : vector<3000x128xf32>
    %max3A = arith.constant 0.000000e+00 : f32
    %max3A_37 = vector.broadcast %max3A : f32 to vector<3000x128xf32>
    %max3A_38 = arith.maximumf %add3A_36, %max3A_37 : vector<3000x128xf32>
    %dot_general3A_39 = arith.constant dense<0.000000e+00> : vector<3000x128xf32>
    %dot_general3A_40 = tpu.matmul %add3A_27, %get3A_30, %dot_general3A_39 {dimension_numbers = #tpu.dot_dimension_numbers<[1], [0], [0], [1], [0, 0, 1, 1], [], []>, precision = #tpu.contract_precision<fp32>, transpose_lhs_hint = false} : vector<3000x128xf32>, vector<128x128xf32>, vector<3000x128xf32> -> vector<3000x128xf32>
    %add3A_41 = vector.broadcast %get3A_33 : vector<1x128xf32> to vector<3000x128xf32>
    %add3A_42 = arith.addf %dot_general3A_40, %add3A_41 : vector<3000x128xf32>
    %max3A_43 = arith.constant 0.000000e+00 : f32
    %max3A_44 = vector.broadcast %max3A_43 : f32 to vector<3000x128xf32>
    %max3A_45 = arith.maximumf %add3A_42, %max3A_44 : vector<3000x128xf32>
    %get3A_46 = arith.constant 0 : index
    %get3A_47 = arith.constant 0 : index
    %get3A_48 = vector.load %arg5[%get3A_46, %get3A_47] : memref<128x128xf32, #tpu.memory_space<vmem>>, vector<128x128xf32>
    %dot_general3A_49 = arith.constant dense<0.000000e+00> : vector<3000x128xf32>
    %dot_general3A_50 = tpu.matmul %max3A_45, %get3A_48, %dot_general3A_49 {dimension_numbers = #tpu.dot_dimension_numbers<[1], [0], [0], [1], [0, 0, 1, 1], [], []>, precision = #tpu.contract_precision<fp32>, transpose_lhs_hint = false} : vector<3000x128xf32>, vector<128x128xf32>, vector<3000x128xf32> -> vector<3000x128xf32>
    %get3A_51 = arith.constant 0 : index
    %get3A_52 = arith.constant 0 : index
    %get3A_53 = vector.load %arg6[%get3A_51, %get3A_52] : memref<1x128xf32, #tpu.memory_space<vmem>>, vector<1x128xf32>
    %add3A_54 = vector.broadcast %get3A_53 : vector<1x128xf32> to vector<3000x128xf32>
    %add3A_55 = arith.addf %dot_general3A_50, %add3A_54 : vector<3000x128xf32>
    %sub3A = arith.subf %add3A_55, %max3A_38 : vector<3000x128xf32>
    %mul3A_56 = arith.mulf %sub3A, %sub3A : vector<3000x128xf32>
    %reduce_sum3A = vector.shape_cast %mul3A_56 : vector<3000x128xf32> to vector<1x3000x128xf32>
    %reduce_sum3A_57 = arith.constant dense<0.000000e+00> : vector<1xf32>
    %reduce_sum3A_58 = vector.multi_reduction <add>, %reduce_sum3A, %reduce_sum3A_57 [1, 2] : vector<1x3000x128xf32> to vector<1xf32>
    %reduce_sum3A_59 = vector.shape_cast %reduce_sum3A_58 : vector<1xf32> to vector<1x1x1xf32>
    %reduce_sum3A_60 = vector.extract %reduce_sum3A_59[0, 0, 0] : f32 from vector<1x1x1xf32>
    %div3A = arith.constant 3.840000e+05 : f32
    %div3A_61 = arith.divf %reduce_sum3A_60, %div3A : f32
    %reshape3A = vector.broadcast %div3A_61 : f32 to vector<1x1xf32>
    %swap3A = arith.constant 0 : index
    %swap3A_62 = arith.constant 0 : index
    %swap3A_63 = vector.load %arg7[%swap3A, %swap3A_62] : memref<1x1xf32, #tpu.memory_space<vmem>>, vector<1x1xf32>
    tpu.vector_store %arg7[%swap3A, %swap3A_62], %reshape3A {strides = array<i32>} : memref<1x1xf32, #tpu.memory_space<vmem>>, vector<1x1xf32>,
    return
  }
}

</mosaic_0001>

<sc_bundles>
// kernel: kernel.4.cloned.1.call-start
scs
__scs_entry_jumppad:
0x0: {  	(pc) =	sbr.rel $0x88, $3  }
0x1: {  	(tag) =	ssettag $0x0;
	lr =	simm.s32 $0x1  }
0x2: {  	[smem:$0x3F99] =	sst lr;
	_ =	strace $0xD0000000  }
0x3: {  	_ = 	snop  }
0x4: {  	_ = 	snop  }
0x5: {  	_ = 	snop  }
0x6: {  	_ = 	snop  }
0x7: {  	_ = 	snop  }
__scs_overlays_trampoline_lowered:
0x8: {  	[smem:$0x3FA8] =	sst s0  }
0x9: {  	[smem:$0x3FA9] =	sst s1  }
0xa: {  	[smem:$0x3FAA] =	sst s2  }
0xb: {  	[smem:$0x3FAB] =	sst s3  }
0xc: {  	[smem:$0x3FAC] =	sst s4  }
0xd: {  	[smem:$0x3FAD] =	sst s5  }
0xe: {  	[smem:$0x3FAE] =	sst s6  }
0xf: {  	[smem:$0x3FAF] =	sst s7  }
0x10: {  	[smem:$0x3FB0] =	sst s8  }
0x11: {  	[smem:$0x3FB1] =	sst s9;
	s0 =	simm.s32 @!p0 $0x0  }
0x12: {  	s1 =	sld [smem:$0x3F97];
	s0 =	simm.s32 @p0 $0x1  }
0x13: {  	[smem:$0x3FB2] =	sst s0;
	s0 =	simm.s32 @!p1 $0x0  }
0x14: {  	s2 =	sld [smem:$0x3F96];
	s0 =	simm.s32 @p1 $0x1  }
0x15: {  	[smem:$0x3FB3] =	sst s0;
	s0 =	simm.s32 @!p2 $0x0  }
0x16: {  	s3 =	sld [smem:$0x3FDB];
	s0 =	simm.s32 @p2 $0x1  }
0x17: {  	s4 =	simm.s32 $0x1BF5;
	[smem:$0x3FB5] =	sst s0  }
0x18: {  	s0 =	sld [smem:$0x3F98];
	_ =	swait.ge [sflag:s4], $0x0  }
0x19: {  	s7 =	sld [smem:$0x3F99]  }
0x1a: {  	s8 =	sadd.s32 $0xFFFFE003, lr  }
0x1b: {  	s9 =	sadd.s32 $0xFFFFFEF7, lr;
	s5 =	simm.s32 $0xFFFFFFFF;
	p2 =	slt.u32 s8, $0xFFFFF086  }
0x1c: {  	p1 =	slt.u32 s9, $0xF7A;
	s5 =	simm.s32 @!p2 $0x0  }
0x1d: {  	s5 =	simm.s32 @p1 $0x1;
	p0 =	seq.s32 s7, s2  }
0x1e: {  	s7 =	smul.u32 @!p0 $0xF7A, s2;
	p2 =	seq.s32 @!p0 s5, $0x0  }
0x1f: {  	s9 =	smul.u32 $0xF7A, s1;
	s8 =	simm.s32 @!p0 $0x1BF5;
	p2 =	por !p2, p0  }
0x20: {  	[sflag:s8] =	ssyncset.s32 @!p0 $0xFFFFF086;
	s6 =	sadd.s32 @!p0 s3, s7;
	s7 =	simm.s32 @!p0 $0x108  }
0x21: {  	s3 =	sadd.s32 s3, s9;
	s6 =	sadd.s32 @!p0 $0x88, s6;
	s7 =	simm.s32 @p2 $0x1082  }
0x22: {  	[simem:s7], [sflag:s8] =	dma.local @!p0 [hbm:s6], $0xF7A  }
0x23: {  	s9 =	sor.u32 $0xD0000000, s2;
	s6 =	simm.s32 $0x108;
	_ =	swait.ge @!p0 [sflag:s8], $0x0  }
0x24: {  	s3 =	sadd.s32 $0x88, s3;
	s6 =	simm.s32 @!p1 $0x1082;
	[sflag:s4] =	ssyncset.s32 $0xFFFFF086  }
0x25: {  	[simem:s6], [sflag:s4] =	dma.local [hbm:s3], $0xF7A  }
0x26: {  	[smem:$0x3F99] =	sst s1;
	(tag) =	ssettag s2;
	_ =	strace s9  }
0x27: {  	s1 =	sld [smem:$0x3FA9]  }
0x28: {  	s2 =	sld [smem:$0x3FAA]  }
0x29: {  	s4 =	sld [smem:$0x3FAC]  }
0x2a: {  	p0 =	seq.s32 s5, $0x0;
	s5 =	sld [smem:$0x3FAD]  }
0x2b: {  	s6 =	sld [smem:$0x3FAE]  }
0x2c: {  	s7 =	sld [smem:$0x3FAF]  }
0x2d: {  	s3 =	simm.s32 $0x108;
	s8 =	sld [smem:$0x3FB0]  }
0x2e: {  	s3 =	simm.s32 @!p0 $0x1082;
	s9 =	sld [smem:$0x3FB1]  }
0x2f: {  	lr =	sadd.s32 s0, s3;
	s0 =	sld [smem:$0x3FA8]  }
0x30: {  	s3 =	sld [smem:$0x3FAB]  }
0x31: {  	[smem:$0x3FB4] =	sst s10  }
0x32: {  	s10 =	sld [smem:$0x3FB2];
	_ =	sdelay $0x3  }
0x33: {  	p0 =	seq.s32 s10, $0x1;
	s10 =	sld [smem:$0x3FB4];
	_ =	sdelay $0x3  }
0x34: {  	[smem:$0x3FB4] =	sst s10  }
0x35: {  	s10 =	sld [smem:$0x3FB3];
	_ =	sdelay $0x3  }
0x36: {  	p1 =	seq.s32 s10, $0x1;
	s10 =	sld [smem:$0x3FB4];
	_ =	sdelay $0x3  }
0x37: {  	[smem:$0x3FB4] =	sst s10  }
0x38: {  	s10 =	sld [smem:$0x3FB5]  }
0x39: {  	_ = 	snop;
	(pc) =	sbr.ind lr, $3  }
0x3a: {  	_ = 	snop  }
0x3b: {  	_ = 	snop  }
0x3c: {  	p2 =	seq.s32 s10, $0x1;
	s10 =	sld [smem:$0x3FB4]  }
0x3d: {  	_ =	shalt  }
0x3e: {  	_ =	shalt  }
0x3f: {  	_ =	shalt  }
0x40: {  	_ =	shalt  }
0x41: {  	_ =	shalt  }
0x42: {  	_ =	shalt  }
0x43: {  	_ =	shalt  }
0x44: {  	_ =	shalt  }
0x45: {  	_ =	shalt  }
0x46: {  	_ =	shalt  }
0x47: {  	_ =	shalt  }
0x48: {  	_ =	shalt  }
0x49: {  	_ =	shalt  }
0x4a: {  	_ =	shalt  }
0x4b: {  	_ =	shalt  }
0x4c: {  	_ =	shalt  }
0x4d: {  	_ =	shalt  }
0x4e: {  	_ =	shalt  }
0x4f: {  	_ =	shalt  }
0x50: {  	_ =	shalt  }
0x51: {  	_ =	shalt  }
0x52: {  	_ =	shalt  }
0x53: {  	_ =	shalt  }
0x54: {  	_ =	shalt  }
0x55: {  	_ =	shalt  }
0x56: {  	_ =	shalt  }
0x57: {  	_ =	shalt  }
0x58: {  	_ =	shalt  }
0x59: {  	_ =	shalt  }
0x5a: {  	_ =	shalt  }
0x5b: {  	_ =	shalt  }
0x5c: {  	_ =	shalt  }
0x5d: {  	_ =	shalt  }
0x5e: {  	_ =	shalt  }
0x5f: {  	_ =	shalt  }
0x60: {  	_ =	shalt  }
0x61: {  	_ =	shalt  }
0x62: {  	_ =	shalt  }
0x63: {  	_ =	shalt  }
0x64: {  	_ =	shalt  }
0x65: {  	_ =	shalt  }
0x66: {  	_ =	shalt  }
0x67: {  	_ =	shalt  }
0x68: {  	_ =	shalt  }
0x69: {  	_ =	shalt  }
0x6a: {  	_ =	shalt  }
0x6b: {  	_ =	shalt  }
0x6c: {  	_ =	shalt  }
0x6d: {  	_ =	shalt  }
0x6e: {  	_ =	shalt  }
0x6f: {  	_ =	shalt  }
0x70: {  	_ =	shalt  }
0x71: {  	_ =	shalt  }
0x72: {  	_ =	shalt  }
0x73: {  	_ =	shalt  }
0x74: {  	_ =	shalt  }
0x75: {  	_ =	shalt  }
0x76: {  	_ =	shalt  }
0x77: {  	_ =	shalt  }
0x78: {  	_ =	shalt  }
0x79: {  	_ =	shalt  }
0x7a: {  	_ =	shalt  }
0x7b: {  	_ =	shalt  }
0x7c: {  	_ =	shalt  }
0x7d: {  	_ =	shalt  }
0x7e: {  	_ =	shalt  }
0x7f: {  	_ =	shalt  }
0x80: {  	_ =	shalt  }
0x81: {  	_ =	shalt  }
0x82: {  	_ =	shalt  }
0x83: {  	_ =	shalt  }
0x84: {  	_ =	shalt  }
0x85: {  	_ =	shalt  }
0x86: {  	_ =	shalt  }
0x87: {  	_ =	shalt  }
.Lfunc_end0:
.L_simem_size_0:
called_computation_lowered:
.L_overlay_start_0:
0x88: {  	s2 =	sld [smem:$0x3FD9]  }
0x89: {  	s3 =	sld [smem:$0x3FFE];
	_ =	sdelay $0x1  }
0x8a: {  	s1 =	srdreg.scid  }
0x8b: {  	s0 =	sand.u32 $0x1, s1  }
0x8c: {  	s17 =	sshll.u32 s0, $0xA;
	s2 =	sadd.s32 s3, s2  }
0x8d: {  	s2 =	sadd.s32 s2, s17  }
0x8e: {  	[smem:$0x3FC0] =	sst s2  }
0x8f: {  	_ = 	snop  }
0x90: {  	s2 =	sld [smem:$0x3FC9]  }
0x91: {  	s18 =	sld [smem:$0x3FC7];
	(tm) =	ssettm $0x1  }
0x92: {  	s4 =	sld [smem:$0x3FFB];
	_ =	sdelay $0x3  }
0x93: {  	_ =	strace s4  }
0x94: {  	s4 =	sld [smem:$0x3FFC];
	_ =	sdelay $0x3  }
0x95: {  	_ =	strace s4  }
0x96: {  	s4 =	sld [smem:$0x3FFD];
	_ =	sdelay $0x3  }
0x97: {  	_ =	strace s4  }
0x98: {  	_ =	strace $0x8FFFFFFF  }
0x99: {  	s19 =	sld [smem:$0x3FDB];
	_ =	sdelay $0x1  }
0x9a: {  	s5 =	simm.s32 $_scs_section_size  }
0x9b: {  	s6 =	simm.s32 $_size__tile_overlayer_lowered;
	s7 =	simm.s32 $_tile_overlayer_lowered  }
0x9c: {  	s22 =	simm.s32 $0x1BFF;
	s21 =	sshll.u32 s7, $0x1;
	s4 =	sadd.s32 s5, s19  }
0x9d: {  	s8 =	simm.s32 $0x0;
	s20 =	sshll.u32 s6, $0x1;
	s6 =	sadd.s32 s21, s4  }
0x9e: {  	[timem:s8], [sflag:s22] =	dma.local [hbm:s6], s20  }
0x9f: {  	_ =	swait.ge [sflag:s22], s20  }
0xa0: {  	s5 =	ssub.s32 $0x0, s20;
	[sflag:s22] =	ssyncset.done $0x0  }
0xa1: {  	[sflag:s22] =	ssyncadd.s32 s5;
	_ =	sdelay $0x1  }
0xa2: {  	s23 =	simm.s32 $0x1B8B  }
0xa3: {  	_ =	swait.ge [sflag:s23], $0x1  }
0xa4: {  	[sflag:s23] =	ssyncset.done $0x0  }
0xa5: {  	s25 =	simm.s32 $0x1B8E;
	s24 =	sld [smem:$0x3FFE];
	[sflag:s23] =	ssyncadd.s32 $0xFFFFFFFF  }
0xa6: {  	s26 =	simm.s32 $execute0_lowered;
	[smem:$0x3FD2] =	sst s25  }
0xa7: {  	s6 =	sshll.u32 s26, $0x1;
	_ =	strace $0x80000046;
	[dreg:$0x1] =	wrdreg $0xFFFFFFFF  }
0xa8: {  	s28 =	simm.s32 $_size_execute0_lowered;
	s4 =	sadd.s32 s4, s6;
	[dreg:$0x0] =	wrdreg $0x0  }
0xa9: {  	s6 =	sshll.u32 s28, $0x1;
	[dreg:$0x2] =	wrdreg s4  }
0xaa: {  	[dreg:$0x3] =	wrdreg s6  }
0xab: {  	[dreg:$0x4] =	wrdreg $0xC0  }
0xac: {  	_ =	task [dreg:s8], $0x5FFFF  }
0xad: {  	[dreg:$0x1] =	wrdreg $0xFFFFFFFF  }
0xae: {  	[dreg:$0x0] =	wrdreg $0x60  }
0xaf: {  	[dreg:$0x2] =	wrdreg s2  }
0xb0: {  	[dreg:$0x3] =	wrdreg s24  }
0xb1: {  	[dreg:$0x4] =	wrdreg s18  }
0xb2: {  	[dreg:$0x5] =	wrdreg $0xA9800  }
0xb3: {  	[dreg:$0x6] =	wrdreg $0x9  }
0xb4: {  	_ =	task.clear_ibuf [dreg:s8], $0x7FFFF;
	_ =	strace $0x90000046  }
0xb5: {  	s29 =	simm.s32 $0x9;
	_ =	strace $0x80000048  }
0xb6: {  	_ =	swait.ge [sflag:s29], $0x1  }
0xb7: {  	[sflag:s29] =	ssyncadd.s32 $0xFFFFFFFF  }
0xb8: {  	_ =	strace $0x90000048  }
0xb9: {  	_ =	sfence  }
0xba: {  	s30 =	sld [smem:$0x0];
	_ =	sdelay $0x2  }
0xbb: {  	s31 =	sshll.u32 s1, $0xD;
	s1 =	sshrl.u32 s1, $0x2  }
0xbc: {  	s3 =	sand.u32 $0x4000, s31;
	s1 =	sadd.s32 s1, s30  }
0xbd: {  	s0 =	sor.u32 s3, s0;
	s1 =	sshll.u32 s1, $0x11  }
0xbe: {  	s0 =	sor.u32 s1, s0  }
0xbf: {  	s0 =	sadd.s32 $0x8F2B, s0  }
0xc0: {  	[sflag:s0] =	ssyncadd.remote.s32 $0x1  }
0xc1: {  	_ =	sfence.sel $0xFFFF  }
0xc2: {  	[dreg:$0x0] =	wrdreg $0xFFFFFFFF;
	(pc) =	sbr.abs _section_cstart, $3  }
0xc3: {  	[dreg:$0x1] =	wrdreg $0xFFFFFFFF  }
0xc4: {  	_ =	task.clear_ibuf [dreg:s8], $0x2FFFF;
	_ =	strace $0x9FFFFFFF  }
0xc5: {  	(tm) =	ssettm $0x7FFFFFFF  }
tec
execute0_lowered:
.L_overlay_start_1:
0x0: {  	(tag) =	ssettag $0x1  }
0x1: {  	s1 =	rddreg [dreg:$0x0]  }
0x2: {  	s10 =	rddreg [dreg:$0x1]  }
0x3: {  	s11 =	rddreg [dreg:$0x2]  }
0x4: {  	s5 =	rddreg [dreg:$0x3];
	s6 =	simm.s32 $0x0;
	s0 =	srdreg.scid  }
0x5: {  	s12 =	stileid.u32;
	[smem:$0x7FF] =	sst s6;
	s0 =	sand.u32 $0x1, s0  }
0x6: {  	s2 =	smul.u32 $0x18000, s12;
	s13 =	sadd.s32 $0x9E00, s10;
	s4 =	sshll.u32 s12, $0x9  }
0x7: {  	s26 =	smul.u32 $0x30400, s12;
	s7 =	sadd.s32 $0x13C00, s10;
	s9 =	sshll.u32 s12, $0x1  }
0x8: {  	_ =	strace $0x80000047;
	s3 =	sshll.u32 s0, $0x7;
	[dreg:$0x6] =	wrdreg s7  }
0x9: {  	s2 =	sor.u32 s3, s2;
	s3 =	sor.u32 s3, s4;
	s4 =	sshrl.u32 s26, $0x2  }
0xa: {  	s28 =	ssub.s32 $0x2, s0;
	[dreg:$0x5] =	wrdreg s13;
	s14 =	sadd.s32 s4, s5  }
0xb: {  	s0 =	sor.u32 s0, s9;
	s9 =	sadd.s32 $0x800, s14;
	[dreg:$0x7] =	wrdreg s14  }
0xc: {  	s15 =	sadd.s32 $0x1000, s14;
	[dreg:$0x8] =	wrdreg s9  }
0xd: {  	s22 =	smul.u32 $0x30000, s12;
	s16 =	sadd.s32 $0x1800, s14;
	[dreg:$0x9] =	wrdreg s15  }
0xe: {  	p0 =	sgt.u32 s12, $0xB;
	s17 =	sadd.s32 $0x2000, s14;
	[dreg:$0xa] =	wrdreg s16  }
0xf: {  	s8 =	sshrl.u32 s28, $0x1;
	s18 =	sadd.s32 $0x2800, s14;
	[dreg:$0xc] =	wrdreg s17  }
0x10: {  	s26 =	sshrl.u32 s22, $0x2;
	s19 =	sadd.s32 $0x3000, s14;
	[dreg:$0xd] =	wrdreg s18  }
0x11: {  	s4 =	ssub.s32 s28, s8;
	s20 =	sadd.s32 $0x3800, s14;
	[dreg:$0xe] =	wrdreg s19  }
0x12: {  	s2 =	sshrl.u32 s2, $0x3;
	s7 =	smax.u32 s4, $0x1;
	[dreg:$0xf] =	wrdreg s20  }
0x13: {  	s28 =	sshll.u32 s12, $0x8;
	s12 =	sadd.s32 $0x5800, s14;
	[dreg:$0x15] =	wrdreg s7  }
0x14: {  	s8 =	smul.u32 $0x2710, s0;
	s22 =	sadd.s32 $0xA000, s14;
	[dreg:$0x1b] =	wrdreg s12  }
0x15: {  	s3 =	sshrl.u32 s3, $0x3;
	s2 =	sadd.s32 s2, s10;
	[smem:$0x7F8] =	sst s22  }
0x16: {  	s3 =	sadd.s32 s3, s10;
	s25 =	sadd.s32 $0x14200, s2;
	[dreg:$0xb] =	wrdreg s8  }
0x17: {  	s3 =	sadd.s32 $0x44200, s3;
	[dreg:$0x13] =	wrdreg s25  }
0x18: {  	s9 =	sadd.s32 $0x4000, s14;
	[dreg:$0x14] =	wrdreg s3  }
0x19: {  	s15 =	sadd.s32 $0x6800, s14;
	[dreg:$0x18] =	wrdreg s9  }
0x1a: {  	s16 =	sadd.s32 $0x7000, s14;
	[dreg:$0x1d] =	wrdreg s15  }
0x1b: {  	s17 =	sadd.s32 $0x7800, s14;
	[dreg:$0x1e] =	wrdreg s16  }
0x1c: {  	s18 =	sadd.s32 $0x8000, s14;
	[dreg:$0x1f] =	wrdreg s17  }
0x1d: {  	s29 =	simm.s32 $0x5780;
	s19 =	sadd.s32 $0x8800, s14;
	[smem:$0x7F4] =	sst s18  }
0x1e: {  	s21 =	sshrl.u32 s8, $0x3;
	s20 =	sadd.s32 $0x9000, s14;
	[smem:$0x7F5] =	sst s19  }
0x1f: {  	s2 =	sadd.s32 s28, s5;
	s28 =	sadd.s32 $0xFA0, s8;
	[smem:$0x7F6] =	sst s20  }
0x20: {  	s30 =	simm.s32 $0x5F80;
	s23 =	sadd.s32 s13, s21;
	[smem:$0x7FD] =	sst s28  }
0x21: {  	s31 =	simm.s32 $0x6780;
	s24 =	sadd.s32 s10, s21;
	[dreg:$0x10] =	wrdreg s23  }
0x22: {  	s4 =	simm.s32 $0x0;
	s0 =	sadd.s32 s11, s21;
	[dreg:$0x11] =	wrdreg s24  }
0x23: {  	s22 =	simm.s32 $0x8780;
	s10 =	sadd.s32 $0x4800, s14;
	[dreg:$0x12] =	wrdreg s0  }
0x24: {  	s8 =	simm.s32 $0x810;
	s11 =	sadd.s32 $0x5000, s14;
	[dreg:$0x19] =	wrdreg s10  }
0x25: {  	s12 =	simm.s32 $0xA100;
	s13 =	sadd.s32 $0x6000, s14;
	[dreg:$0x1a] =	wrdreg s11  }
0x26: {  	s2 =	sadd.s32 $0xC0000, s2;
	s21 =	sadd.s32 $0x9800, s14;
	[dreg:$0x1c] =	wrdreg s13  }
0x27: {  	s25 =	sadd.s32 $0xB800, s14;
	s15 =	simm.s32 $0x7;
	[smem:$0x7F7] =	sst s21  }
0x28: {  	s0 =	sadd.s32 s26, s5;
	s23 =	sadd.s32 $0xA800, s14;
	[smem:$0x7FB] =	sst s25  }
.Ltmp0:
0x29: {  	s24 =	sadd.s32 $0xB000, s14;
	[smem:$0x7F9] =	sst s23;
	(pc) =	sbr.rel .LBB2_1-.Ltmp0, $4  }
0x2a: {  	s26 =	sadd.s32 $0xC000, s14;
	s10 =	simm.s32 $0x9880;
	[smem:$0x7FA] =	sst s24  }
0x2b: {  	s11 =	simm.s32 $0x2;
	s0 =	sshrl.u32 s0, $0x3;
	[smem:$0x7FC] =	sst s26  }
0x2c: {  	v0 =	vimm.f32 $0.0e+00;
	s14 =	simm.s32 $0x9000;
	[dreg:$0x16] =	wrdreg s0;
	s0 =	sshrl.u32 @!p0 s2, $0x3  }
0x2d: {  	v1 =	vimm.s32 $0x0;
	v2 =	vimm.s32 $0xBB8;
	v3 =	vlaneseq.u32;
	s23 =	simm.s32 $0x1;
	[dreg:$0x17] =	wrdreg s0;
	s0 =	simm.s32 $0x6F80  }
.LBB2_31:
0x2e: {  	s2 =	stileid.u32;
	[bflag:$0x0] =	sbarrier.arrive $0xFFFF;
	s7 =	simm.s32 $0x20  }
0x2f: {  	s9 =	simm.s32 $0x10;
	s2 =	sshll.u32 s2, $0x6;
	s3 =	rddreg [dreg:$0x13]  }
0x30: {  	s15 =	simm.s32 $0x7;
	s4 =	rddreg [dreg:$0x16];
	s2 =	sor.u32 $0x1C07, s2  }
0x31: {  	[hbm:s3@s7], [sflag:s2] =	dma.strided [spmem:s4@s9], $0x1800, s23, $0x10   }
0x32: {  	s3 =	simm.s32 @!p0 $0x1;
	_ =	swait.ge [sflag:s15], $0x1800  }
0x33: {  	s4 =	simm.s32 @!p0 $0x20;
	[sflag:s15] =	ssyncset.done $0x0;
	s9 =	rddreg [dreg:$0x14]  }
0x34: {  	s7 =	simm.s32 @!p0 $0x10;
	s13 =	rddreg [dreg:$0x17];
	[sflag:s15] =	ssyncadd.s32 $0xFFFFE800  }
0x35: {  	[hbm:s9@s4], [sflag:s2] =	dma.strided @!p0 [spmem:s13@s7], $0x20, s3, $0x10   }
0x36: {  	s2 =	simm.s32 @!p0 $0x7  }
0x37: {  	_ =	swait.ge @!p0 [sflag:s2], $0x20  }
0x38: {  	s26 =	sld [smem:$0x7F3];
	_ =	sdelay $0x2  }
0x39: {  	s28 =	rddreg [dreg:$0x15];
	s4 =	sadd.s32 $0x1, s26  }
0x3a: {  	p1 =	sne.s32 s4, s28  }
.Ltmp1:
0x3b: {  	_ = 	snop;
	(pc) =	sbr.rel @!p1 .LBB2_32-.Ltmp1, $3  }
0x3c: {  	_ =	sdelay $0x1  }
0x3d: {  	[sflag:s2] =	ssyncset.done @!p0 $0x0  }
0x3e: {  	[sflag:s2] =	ssyncadd.s32 @!p0 $0xFFFFFFE0  }
.LBB2_1:
0x3f: {  	s2 =	rddreg [dreg:$0x6]  }
0x40: {  	[tilespmem:s6], [sflag:$0x7] =	stream.linear.gather [hbm4b:s2+s6], $0x2780, $0x38;
	[tilespmem:$0x16A80] =	vst v63  }
0x41: {  	_ =	swait.ge [sflag:s15], $0x2780  }
0x42: {  	[sflag:s15] =	ssyncset.done $0x0  }
0x43: {  	s3 =	simm.s32 $0x0;
	s2 =	simm.s32 $0x40;
	[sflag:s15] =	ssyncadd.s32 $0xFFFFD880  }
.LBB2_2:
0x44: {  	p1 =	sne.s32 s2, $0x1FC0;
	[tilespmem:s3+$0x8780] =	vst v0;
	s3 =	smov.u32 s2;
	s2 =	sadd.s32 $0x40, s2  }
.Ltmp2:
0x45: {  	(pc) =	sbr.rel @p1 .LBB2_2-.Ltmp2, $2  }
0x46: {  	_ =	sdelay $0x2  }
0x47: {  	s3 =	sshra.s32 s3, $0x2  }
0x48: {  	[smem:$0x7F3] =	sst s4  }
0x49: {  	s2 =	rddreg [dreg:$0x7]  }
0x4a: {  	[tilespmem:s3+$0x8780] =	vst v0;
	s4 =	rddreg [dreg:$0x8]  }
0x4b: {  	[spmem:s2] =	stream.linear.scatter [tilespmem:s22], [sflag:$0x1], $0x800, $0x38;
	[tilespmem:$0x16A80] =	vst v63  }
0x4c: {  	s7 =	rddreg [dreg:$0x9]  }
0x4d: {  	[spmem:s4] =	stream.linear.scatter [tilespmem:s22], [sflag:$0x1], $0x800, $0x38;
	[tilespmem:$0x16A80] =	vst v63  }
0x4e: {  	s9 =	rddreg [dreg:$0xa]  }
0x4f: {  	[spmem:s7] =	stream.linear.scatter [tilespmem:s22], [sflag:$0x1], $0x800, $0x38;
	[tilespmem:$0x16A80] =	vst v63  }
0x50: {  	s13 =	rddreg [dreg:$0xc]  }
0x51: {  	[spmem:s9] =	stream.linear.scatter [tilespmem:s22], [sflag:$0x1], $0x800, $0x38;
	[tilespmem:$0x16A80] =	vst v63  }
0x52: {  	s15 =	rddreg [dreg:$0xd]  }
0x53: {  	[spmem:s13] =	stream.linear.scatter [tilespmem:s22], [sflag:$0x1], $0x800, $0x38;
	[tilespmem:$0x16A80] =	vst v63  }
0x54: {  	s16 =	rddreg [dreg:$0xe]  }
0x55: {  	[spmem:s15] =	stream.linear.scatter [tilespmem:s22], [sflag:$0x1], $0x800, $0x38;
	[tilespmem:$0x16A80] =	vst v63  }
0x56: {  	s17 =	rddreg [dreg:$0xf]  }
0x57: {  	[spmem:s16] =	stream.linear.scatter [tilespmem:s22], [sflag:$0x1], $0x800, $0x38;
	[tilespmem:$0x16A80] =	vst v63  }
0x58: {  	s18 =	rddreg [dreg:$0x18]  }
0x59: {  	[spmem:s17] =	stream.linear.scatter [tilespmem:s22], [sflag:$0x1], $0x800, $0x38;
	[tilespmem:$0x16A80] =	vst v63  }
0x5a: {  	s19 =	rddreg [dreg:$0x19]  }
0x5b: {  	[spmem:s18] =	stream.linear.scatter [tilespmem:s22], [sflag:$0x1], $0x800, $0x38;
	[tilespmem:$0x16A80] =	vst v63  }
0x5c: {  	s20 =	rddreg [dreg:$0x1a]  }
0x5d: {  	[spmem:s19] =	stream.linear.scatter [tilespmem:s22], [sflag:$0x1], $0x800, $0x38;
	[tilespmem:$0x16A80] =	vst v63  }
0x5e: {  	s21 =	rddreg [dreg:$0x1b]  }
0x5f: {  	[spmem:s20] =	stream.linear.scatter [tilespmem:s22], [sflag:$0x1], $0x800, $0x38;
	[tilespmem:$0x16A80] =	vst v63  }
0x60: {  	s24 =	rddreg [dreg:$0x1c]  }
0x61: {  	[spmem:s21] =	stream.linear.scatter [tilespmem:s22], [sflag:$0x1], $0x800, $0x38;
	[tilespmem:$0x16A80] =	vst v63  }
0x62: {  	s25 =	rddreg [dreg:$0x1d]  }
0x63: {  	[spmem:s24] =	stream.linear.scatter [tilespmem:s22], [sflag:$0x1], $0x800, $0x38;
	[tilespmem:$0x16A80] =	vst v63  }
0x64: {  	s26 =	rddreg [dreg:$0x1e]  }
0x65: {  	[spmem:s25] =	stream.linear.scatter [tilespmem:s22], [sflag:$0x1], $0x800, $0x38;
	[tilespmem:$0x16A80] =	vst v63  }
0x66: {  	s28 =	rddreg [dreg:$0x1f]  }
0x67: {  	[spmem:s26] =	stream.linear.scatter [tilespmem:s22], [sflag:$0x1], $0x800, $0x38;
	[tilespmem:$0x16A80] =	vst v63  }
0x68: {  	s3 =	sld [smem:$0x7F4]  }
0x69: {  	[spmem:s28] =	stream.linear.scatter [tilespmem:s22], [sflag:$0x1], $0x800, $0x38;
	[tilespmem:$0x16A80] =	vst v63  }
0x6a: {  	s4 =	sld [smem:$0x7F5]  }
0x6b: {  	[spmem:s3] =	stream.linear.scatter [tilespmem:s22], [sflag:$0x1], $0x800, $0x38;
	[tilespmem:$0x16A80] =	vst v63  }
0x6c: {  	s7 =	sld [smem:$0x7F6]  }
0x6d: {  	[spmem:s4] =	stream.linear.scatter [tilespmem:s22], [sflag:$0x1], $0x800, $0x38;
	[tilespmem:$0x16A80] =	vst v63  }
0x6e: {  	s9 =	sld [smem:$0x7F7]  }
0x6f: {  	[spmem:s7] =	stream.linear.scatter [tilespmem:s22], [sflag:$0x1], $0x800, $0x38;
	[tilespmem:$0x16A80] =	vst v63  }
0x70: {  	s13 =	sld [smem:$0x7F8]  }
0x71: {  	[spmem:s9] =	stream.linear.scatter [tilespmem:s22], [sflag:$0x1], $0x800, $0x38;
	[tilespmem:$0x16A80] =	vst v63  }
0x72: {  	s15 =	sld [smem:$0x7F9]  }
0x73: {  	[spmem:s13] =	stream.linear.scatter [tilespmem:s22], [sflag:$0x1], $0x800, $0x38;
	[tilespmem:$0x16A80] =	vst v63  }
0x74: {  	s16 =	sld [smem:$0x7FA]  }
0x75: {  	[spmem:s15] =	stream.linear.scatter [tilespmem:s22], [sflag:$0x1], $0x800, $0x38;
	[tilespmem:$0x16A80] =	vst v63  }
0x76: {  	s17 =	sld [smem:$0x7FB]  }
0x77: {  	[spmem:s16] =	stream.linear.scatter [tilespmem:s22], [sflag:$0x1], $0x800, $0x38;
	[tilespmem:$0x16A80] =	vst v63  }
0x78: {  	s18 =	sld [smem:$0x7FC]  }
0x79: {  	[spmem:s17] =	stream.linear.scatter [tilespmem:s22], [sflag:$0x1], $0x800, $0x38;
	[tilespmem:$0x16A80] =	vst v63  }
0x7a: {  	_ = 	snop  }
0x7b: {  	[spmem:s18] =	stream.linear.scatter [tilespmem:s22], [sflag:$0x1], $0x100, $0x38;
	[tilespmem:$0x16A80] =	vst v63  }
0x7c: {  	_ =	swait.ge [sflag:s23], $0x800  }
0x7d: {  	[sflag:s23] =	ssyncset.done $0x0  }
0x7e: {  	[sflag:s23] =	ssyncadd.s32 $0xFFFFF800  }
0x7f: {  	_ =	swait.ge [sflag:s23], $0x800  }
0x80: {  	[sflag:s23] =	ssyncset.done $0x0  }
0x81: {  	[sflag:s23] =	ssyncadd.s32 $0xFFFFF800  }
0x82: {  	_ =	swait.ge [sflag:s23], $0x800  }
0x83: {  	[sflag:s23] =	ssyncset.done $0x0  }
0x84: {  	[sflag:s23] =	ssyncadd.s32 $0xFFFFF800  }
0x85: {  	_ =	swait.ge [sflag:s23], $0x800  }
0x86: {  	[sflag:s23] =	ssyncset.done $0x0  }
0x87: {  	[sflag:s23] =	ssyncadd.s32 $0xFFFFF800  }
0x88: {  	_ =	swait.ge [sflag:s23], $0x800  }
0x89: {  	[sflag:s23] =	ssyncset.done $0x0  }
0x8a: {  	[sflag:s23] =	ssyncadd.s32 $0xFFFFF800  }
0x8b: {  	_ =	swait.ge [sflag:s23], $0x800  }
0x8c: {  	[sflag:s23] =	ssyncset.done $0x0  }
0x8d: {  	[sflag:s23] =	ssyncadd.s32 $0xFFFFF800  }
0x8e: {  	_ =	swait.ge [sflag:s23], $0x800  }
0x8f: {  	[sflag:s23] =	ssyncset.done $0x0  }
0x90: {  	[sflag:s23] =	ssyncadd.s32 $0xFFFFF800  }
0x91: {  	_ =	swait.ge [sflag:s23], $0x800  }
0x92: {  	[sflag:s23] =	ssyncset.done $0x0  }
0x93: {  	[sflag:s23] =	ssyncadd.s32 $0xFFFFF800  }
0x94: {  	_ =	swait.ge [sflag:s23], $0x800  }
0x95: {  	[sflag:s23] =	ssyncset.done $0x0  }
0x96: {  	[sflag:s23] =	ssyncadd.s32 $0xFFFFF800  }
0x97: {  	_ =	swait.ge [sflag:s23], $0x800  }
0x98: {  	[sflag:s23] =	ssyncset.done $0x0  }
0x99: {  	[sflag:s23] =	ssyncadd.s32 $0xFFFFF800  }
0x9a: {  	_ =	swait.ge [sflag:s23], $0x800  }
0x9b: {  	[sflag:s23] =	ssyncset.done $0x0  }
0x9c: {  	[sflag:s23] =	ssyncadd.s32 $0xFFFFF800  }
0x9d: {  	_ =	swait.ge [sflag:s23], $0x800  }
0x9e: {  	[sflag:s23] =	ssyncset.done $0x0  }
0x9f: {  	[sflag:s23] =	ssyncadd.s32 $0xFFFFF800  }
0xa0: {  	_ =	swait.ge [sflag:s23], $0x800  }
0xa1: {  	[sflag:s23] =	ssyncset.done $0x0  }
0xa2: {  	[sflag:s23] =	ssyncadd.s32 $0xFFFFF800  }
0xa3: {  	_ =	swait.ge [sflag:s23], $0x800  }
0xa4: {  	[sflag:s23] =	ssyncset.done $0x0  }
0xa5: {  	[sflag:s23] =	ssyncadd.s32 $0xFFFFF800  }
0xa6: {  	_ =	swait.ge [sflag:s23], $0x800  }
0xa7: {  	[sflag:s23] =	ssyncset.done $0x0  }
0xa8: {  	[sflag:s23] =	ssyncadd.s32 $0xFFFFF800  }
0xa9: {  	_ =	swait.ge [sflag:s23], $0x800  }
0xaa: {  	[sflag:s23] =	ssyncset.done $0x0  }
0xab: {  	[sflag:s23] =	ssyncadd.s32 $0xFFFFF800  }
0xac: {  	_ =	swait.ge [sflag:s23], $0x800  }
0xad: {  	[sflag:s23] =	ssyncset.done $0x0  }
0xae: {  	[sflag:s23] =	ssyncadd.s32 $0xFFFFF800  }
0xaf: {  	_ =	swait.ge [sflag:s23], $0x800  }
0xb0: {  	[sflag:s23] =	ssyncset.done $0x0  }
0xb1: {  	[sflag:s23] =	ssyncadd.s32 $0xFFFFF800  }
0xb2: {  	_ =	swait.ge [sflag:s23], $0x800  }
0xb3: {  	[sflag:s23] =	ssyncset.done $0x0  }
0xb4: {  	[sflag:s23] =	ssyncadd.s32 $0xFFFFF800  }
0xb5: {  	_ =	swait.ge [sflag:s23], $0x800  }
0xb6: {  	[sflag:s23] =	ssyncset.done $0x0  }
0xb7: {  	[sflag:s23] =	ssyncadd.s32 $0xFFFFF800  }
0xb8: {  	_ =	swait.ge [sflag:s23], $0x800  }
0xb9: {  	[sflag:s23] =	ssyncset.done $0x0  }
0xba: {  	[sflag:s23] =	ssyncadd.s32 $0xFFFFF800  }
0xbb: {  	_ =	swait.ge [sflag:s23], $0x800  }
0xbc: {  	[sflag:s23] =	ssyncset.done $0x0  }
0xbd: {  	[sflag:s23] =	ssyncadd.s32 $0xFFFFF800  }
0xbe: {  	_ =	swait.ge [sflag:s23], $0x800  }
0xbf: {  	[sflag:s23] =	ssyncset.done $0x0  }
0xc0: {  	[sflag:s23] =	ssyncadd.s32 $0xFFFFF800  }
0xc1: {  	_ =	swait.ge [sflag:s23], $0x800  }
0xc2: {  	[sflag:s23] =	ssyncset.done $0x0  }
0xc3: {  	[sflag:s23] =	ssyncadd.s32 $0xFFFFF800  }
0xc4: {  	_ =	swait.ge [sflag:s23], $0x100  }
0xc5: {  	[sflag:s23] =	ssyncset.done $0x0  }
0xc6: {  	[sflag:s23] =	ssyncadd.s32 $0xFFFFFF00  }
0xc7: {  	[bflag:$0x0] =	sbarrier.arrive $0xFFFF  }
0xc8: {  	s19 =	simm.s32 $0x0;
	s21 =	simm.s32 $0x2780;
	s20 =	rddreg [dreg:$0x10]  }
0xc9: {  	[tilespmem:s21], [sflag:$0x5] =	stream.linear.gather [hbm4b:s20+s19], $0x7D0, $0x38;
	[tilespmem:$0x16A80] =	vst v63  }
.Ltmp3:
0xca: {  	s25 =	simm.s32 $0x3780;
	s24 =	rddreg [dreg:$0x11];
	(pc) =	sbr.rel .LBB2_4-.Ltmp3, $4  }
0xcb: {  	[tilespmem:s25], [sflag:$0x5] =	stream.linear.gather [hbm4b:s24+s19], $0x7D0, $0x38;
	[tilespmem:$0x16A80] =	vst v63  }
0xcc: {  	s28 =	simm.s32 $0x4780;
	s26 =	rddreg [dreg:$0x12]  }
0xcd: {  	[tilespmem:s28], [sflag:$0x5] =	stream.linear.gather [hbm4b:s26+s19], $0x7D0, $0x38;
	[tilespmem:$0x16A80] =	vst v63  }
0xce: {  	s19 =	simm.s32 $0x0  }
.LBB2_29:
0xcf: {  	s2 =	simm.s32 $0x3  }
0xd0: {  	_ =	swait.ge [sflag:s2], $0x810  }
0xd1: {  	p1 =	slt.s32 s9, $0x2;
	[sflag:s2] =	ssyncset.done $0x0  }
0xd2: {  	[sflag:s2] =	ssyncadd.s32 $0xFFFFF7F0;
	s2 =	simm.s32 @!p1 $0x4  }
0xd3: {  	_ =	swait.ge @!p1 [sflag:s2], $0x810  }
0xd4: {  	[sflag:s2] =	ssyncset.done @!p1 $0x0  }
0xd5: {  	[sflag:s2] =	ssyncadd.s32 @!p1 $0xFFFFF7F0  }
.LBB2_30:
0xd6: {  	s19 =	sadd.s32 $0x1, s19  }
0xd7: {  	p1 =	sne.s32 s19, $0x3  }
.Ltmp4:
0xd8: {  	_ = 	snop;
	(pc) =	sbr.rel @!p1 .LBB2_31-.Ltmp4, $1  }
0xd9: {  	_ =	sdelay $0x3  }
.LBB2_4:
0xda: {  	s4 =	simm.s32 $0x5  }
0xdb: {  	_ =	swait.ge [sflag:s4], $0x7D0  }
0xdc: {  	[sflag:s4] =	ssyncset.done $0x0  }
0xdd: {  	[sflag:s4] =	ssyncadd.s32 $0xFFFFF830  }
0xde: {  	_ =	swait.ge [sflag:s4], $0x7D0  }
0xdf: {  	s2 =	sshllo.u32 s19, $0x1;
	[sflag:s4] =	ssyncset.done $0x0  }
0xe0: {  	p1 =	sgt.u32 s2, $0x4;
	[sflag:s4] =	ssyncadd.s32 $0xFFFFF830  }
0xe1: {  	s2 =	smul.u32 @!p1 $0x7D0, s2;
	_ =	swait.ge [sflag:s4], $0x7D0  }
0xe2: {  	s3 =	rddreg [dreg:$0xb]  }
0xe3: {  	s7 =	simm.s32 @!p1 $0x2F80;
	s2 =	sadd.s32 @!p1 s3, s2  }
0xe4: {  	[sflag:s4] =	ssyncset.done $0x0;
	s3 =	rddreg [dreg:$0x5];
	s2 =	sshrl.u32 @!p1 s2, $0x3  }
0xe5: {  	[sflag:s4] =	ssyncadd.s32 $0xFFFFF830;
	s4 =	simm.s32 @!p1 $0x0;
	s3 =	sadd.s32 @!p1 s3, s2  }
0xe6: {  	[tilespmem:s7], [sflag:$0x6] =	stream.linear.gather @!p1 [hbm4b:s3+s4], $0x7D0, $0x38;
	[tilespmem:$0x16A80] =	vst v63  }
0xe7: {  	s3 =	rddreg [dreg:$0x1]  }
0xe8: {  	s7 =	simm.s32 @!p1 $0x3F80;
	s3 =	sadd.s32 @!p1 s3, s2  }
0xe9: {  	[tilespmem:s7], [sflag:$0x6] =	stream.linear.gather @!p1 [hbm4b:s3+s4], $0x7D0, $0x38;
	[tilespmem:$0x16A80] =	vst v63  }
0xea: {  	s3 =	rddreg [dreg:$0x2]  }
0xeb: {  	s25 =	simm.s32 $0x0;
	s2 =	sadd.s32 @!p1 s3, s2;
	s3 =	simm.s32 @!p1 $0x4F80  }
0xec: {  	[tilespmem:s3], [sflag:$0x6] =	stream.linear.gather @!p1 [hbm4b:s2+s4], $0x7D0, $0x38;
	[tilespmem:$0x16A80] =	vst v63  }
0xed: {  	v4 =	vld [tilespmem:s25+$0x3780];
	_ =	sdelay $0x7  }
0xee: {  	v4 =	vld.idx.msk [tilespmem:v4+s6+$0x0], $0xffff;
	_ =	sdelay $0x4  }
0xef: {  	vm0 =	vlt.s32 v4, $0xBB8  }
0xf0: {  	v5 =	vsel vm0, $0x1, v1  }
0xf1: {  	(xrf0) =	vadd.scan.msk.s32 $0xffff, v5;
	_ =	sdelay $0x5  }
0xf2: {  	v5, _, _ =	vpop (xrf0)  }
0xf3: {  	v6 =	vxor.u32 $0x80000000, v5  }
0xf4: {  	s26 =	simm.s32 $0x0;
	(xrf0) =	vmax.scan.msk.u32 $0xffff, v6;
	v6 =	vsel vm0, $0xFFFFFFFF, v1  }
0xf5: {  	v6 =	vadd.s32 s26, v6  }
0xf6: {  	v7 =	vld [tilespmem:s25+$0x2780];
	v5 =	vadd.s32 v5, v6;
	_ =	sdelay $0x4  }
0xf7: {  	v6, _, _ =	vpop (xrf0);
	[tilespmem:v5+s29+$0x0] =	vst.idx.msk vm0, v7  }
0xf8: {  	(v2sf) =	vpush v6, $0xF;
	v6 =	vld [tilespmem:s25+$0x4780];
	_ =	sdelay $0x4  }
0xf9: {  	[tilespmem:v5+s30+$0x0] =	vst.idx.msk vm0, v6  }
0xfa: {  	[tilespmem:v5+s31+$0x0] =	vst.idx.msk vm0, v4  }
0xfb: {  	v4 =	vld.idx.msk [tilespmem:v7+s6+$0x0], $0xffff;
	_ =	sdelay $0x4  }
0xfc: {  	s2 =	simm.s32 $0x10;
	[tilespmem:v5+s0+$0x0] =	vst.idx.msk vm0, v4  }
0xfd: {  	v4 =	vld [tilespmem:s2+$0x3780];
	_ =	sdelay $0x1  }
0xfe: {  	s28 =	spop (v2sf)  }
0xff: {  	s3 =	simm.s32 $0x80;
	s4 =	sadd.s32 $0x0, s28  }
.LBB2_5:
0x100: {  	p2 =	sne.s32 s3, $0x1F00  }
0x101: {  	s4 =	sadd.s32 $0x80000000, s4;
	s7 =	smov.u32 s3;
	s3 =	sadd.s32 $0x40, s3  }
0x102: {  	_ =	sdelay $0x1  }
0x103: {  	v4 =	vld.idx.msk [tilespmem:v4+s6+$0x0], $0xffff;
	_ =	sdelay $0x5  }
0x104: {  	vm0 =	vlt.s32 v4, $0xBB8  }
0x105: {  	v5 =	vsel vm0, $0xFFFFFFFF, v1;
	v6 =	vsel vm0, $0x1, v1  }
0x106: {  	(xrf0) =	vadd.scan.msk.s32 $0xffff, v6;
	_ =	sdelay $0x5  }
0x107: {  	v5 =	vadd.s32 s4, v5;
	v6, _, _ =	vpop (xrf0)  }
0x108: {  	v7 =	vld [tilespmem:s2+$0x2780];
	v5 =	vadd.s32 v6, v5;
	v6 =	vxor.u32 $0x80000000, v6  }
0x109: {  	(xrf0) =	vmax.scan.msk.u32 $0xffff, v6;
	_ =	sdelay $0x3  }
0x10a: {  	[tilespmem:v5+s29+$0x0] =	vst.idx.msk vm0, v7  }
0x10b: {  	v6 =	vld [tilespmem:s2+$0x4780]  }
0x10c: {  	v8, _, _ =	vpop (xrf0)  }
0x10d: {  	(v2sf) =	vpush v8, $0xF;
	_ =	sdelay $0x2  }
0x10e: {  	[tilespmem:v5+s30+$0x0] =	vst.idx.msk vm0, v6  }
0x10f: {  	[tilespmem:v5+s31+$0x0] =	vst.idx.msk vm0, v4  }
0x110: {  	v4 =	vld.idx.msk [tilespmem:v7+s6+$0x0], $0xffff;
	_ =	sdelay $0x5  }
0x111: {  	s2 =	sshra.s32 s7, $0x2;
	[tilespmem:v5+s0+$0x0] =	vst.idx.msk vm0, v4  }
.Ltmp5:
0x112: {  	v4 =	vld [tilespmem:s2+$0x3780];
	(pc) =	sbr.rel @p2 .LBB2_5-.Ltmp5, $3  }
0x113: {  	_ =	sdelay $0x1  }
0x114: {  	s7 =	spop (v2sf)  }
0x115: {  	s4 =	sadd.s32 s7, s4  }
0x116: {  	_ =	sdelay $0x3  }
0x117: {  	v4 =	vld.idx.msk [tilespmem:v4+s6+$0x0], $0xffff;
	_ =	sdelay $0x4  }
0x118: {  	vm0 =	vlt.s32 v4, $0xBB8  }
0x119: {  	v5 =	vsel vm0, $0x1, v1  }
0x11a: {  	(xrf0) =	vadd.scan.msk.s32 $0xffff, v5;
	_ =	sdelay $0x5  }
0x11b: {  	v5, _, _ =	vpop (xrf0)  }
0x11c: {  	v6 =	vxor.u32 $0x80000000, v5  }
0x11d: {  	(xrf0) =	vmax.scan.msk.u32 $0xffff, v6;
	_ =	sdelay $0x5  }
0x11e: {  	s3 =	sadd.s32 $0x80000000, s4;
	v62 =	vsel vm0, $0xFFFFFFFF, v1;
	v6, _, _ =	vpop (xrf0)  }
0x11f: {  	(v2sf) =	vpush v6, $0xF;
	v6 =	vadd.s32 s3, v62  }
0x120: {  	v7 =	vld [tilespmem:s2+$0x2780];
	v5 =	vadd.s32 v5, v6;
	_ =	sdelay $0x4  }
0x121: {  	[tilespmem:v5+s29+$0x0] =	vst.idx.msk vm0, v7  }
0x122: {  	v63 =	vld [tilespmem:s2+$0x4780];
	_ =	sdelay $0x4  }
0x123: {  	[tilespmem:v5+s30+$0x0] =	vst.idx.msk vm0, v63  }
0x124: {  	[tilespmem:v5+s31+$0x0] =	vst.idx.msk vm0, v4  }
0x125: {  	v4 =	vld.idx.msk [tilespmem:v7+s6+$0x0], $0xffff;
	_ =	sdelay $0x2  }
0x126: {  	s20 =	spop (v2sf)  }
0x127: {  	s2 =	sadd.s32 s20, s3  }
0x128: {  	s2 =	sadd.s32 $0x80000000, s2;
	[tilespmem:v5+s0+$0x0] =	vst.idx.msk vm0, v4  }
0x129: {  	s21 =	sadd.s32 $0xF, s2;
	[tilespmem:s2+$0x5780] =	vst v1  }
0x12a: {  	s17 =	simm.s32 $0x10;
	s24 =	sand.u32 $0xF, s21;
	[tilespmem:s2+$0x5F80] =	vst v0  }
0x12b: {  	s7 =	sshra.s32 s21, $0x1F;
	p2 =	slt.s32 s21, $0x1;
	p3 =	sne.s32 s24, $0x0;
	[tilespmem:s2+$0x6780] =	vst v2  }
0x12c: {  	s26 =	simm.s32 $0x7780;
	s25 =	sshrl.u32 s7, $0x1C;
	[tilespmem:s2+$0x6F80] =	vst v2;
	p2 =	por !p2, !p3  }
0x12d: {  	[tilespmem:s26], [sflag:$0x1] =	stream.indirect.gather [hbm4b:s1+s17], $0x80, s29, s17, $0xb8;
	[tilespmem:$0x16A80] =	vst v63  }
0x12e: {  	s4 =	simm.s32 $0x1;
	s3 =	sadd.s32 s25, s21;
	p2 =	por !p2, !p2  }
0x12f: {  	s3 =	sshra.s32 s3, $0x4;
	s4 =	simm.s32 @!p2 $0x0  }
.Ltmp6:
0x130: {  	s21 =	ssub.s32 s3, s4;
	(pc) =	sbr.rel .LBB2_7-.Ltmp6, $4  }
0x131: {  	p2 =	sgt.s32 s21, $0x1;
	s9 =	smov.u32 s21  }
0x132: {  	s9 =	simm.s32 @!p2 $0x1  }
0x133: {  	s18 =	simm.s32 $0x0;
	s20 =	simm.s32 $0x0;
	s28 =	sadd.s32 $0x1, s9  }
0x134: {  	s25 =	sadd.s32 $0xFFFFFFFF, s9;
	s26 =	sadd.s32 $0xFFFFFFFE, s9;
	s24 =	sshrl.u32 s28, $0x1  }
.LBB2_14:
0x135: {  	[tilespmem:s3+$0x9000] =	vst v13;
	v7 =	vmul.f32 v7, v5;
	v40 =	vsel vm0, $0x80, v1  }
0x136: {  	s4 =	sshra.s32 s7, $0x2;
	[tilespmem:s3+$0x9020] =	vst v12;
	v11 =	vor.u32 v40, v11  }
0x137: {  	v13 =	vld [tilespmem:s4+$0x7FA0];
	[tilespmem:s3+$0x9050] =	vst v7;
	v41 =	vor.u32 v3, v11  }
0x138: {  	v42 =	vld [tilespmem:s4+$0x7F80];
	[tilespmem:s3+$0xA100] =	vst v41;
	v43 =	vor.u32 $0x10, v41  }
0x139: {  	v44 =	vor.u32 $0x50, v41;
	v14 =	vld [tilespmem:s4+$0x7FD0];
	[tilespmem:s3+$0xA110] =	vst v43  }
0x13a: {  	v45 =	vor.u32 $0x40, v41;
	v15 =	vld [tilespmem:s4+$0x7F90];
	[tilespmem:s3+$0xA150] =	vst v44  }
0x13b: {  	v16 =	vld [tilespmem:s4+$0x7FB0];
	[tilespmem:s3+$0xA140] =	vst v45  }
0x13c: {  	v10 =	vmul.f32 v10, v5;
	v46 =	vor.u32 $0x60, v41;
	[tilespmem:s3+$0x9040] =	vst v8  }
0x13d: {  	[tilespmem:s3+$0xA160] =	vst v46  }
0x13e: {  	v47 =	vor.u32 $0x30, v41;
	[tilespmem:s3+$0x9070] =	vst v10  }
0x13f: {  	v5 =	vmul.f32 v9, v5;
	v48 =	vor.u32 $0x70, v41;
	[tilespmem:s3+$0xA130] =	vst v47  }
0x140: {  	[tilespmem:s3+$0xA170] =	vst v48  }
0x141: {  	[tilespmem:s3+$0x9060] =	vst v5  }
0x142: {  	v5 =	vor.u32 $0x20, v41;
	[tilespmem:s3+$0x9030] =	vst v6  }
0x143: {  	[tilespmem:s3+$0xA120] =	vst v5  }
0x144: {  	v5 =	vld.idx.msk [tilespmem:v4+s30+$0x0], $0xffff;
	_ =	sdelay $0x2  }
0x145: {  	v6 =	vld.idx.msk [tilespmem:v4+s0+$0x0], $0xffff  }
0x146: {  	v52 =	vld [tilespmem:s4+$0x7FC0]  }
0x147: {  	v55 =	vld [tilespmem:s4+$0x7FF0];
	v49 =	vmul.f32 v15, v5  }
0x148: {  	v58 =	vld [tilespmem:s4+$0x7FE0];
	v50 =	vmul.f32 v42, v5  }
0x149: {  	v4 =	vld.idx.msk [tilespmem:v4+s31+$0x0], $0xffff;
	v51 =	vmul.f32 v13, v5;
	[tilespmem:s4+$0x9010] =	vst v49  }
0x14a: {  	v54 =	vmul.f32 v14, v5;
	[tilespmem:s4+$0x9000] =	vst v50  }
0x14b: {  	vm14 =	vlt.s32 v6, $0xBB8;
	v6 =	vmul.f32 v52, v5;
	[tilespmem:s4+$0x9020] =	vst v51  }
0x14c: {  	v7 =	vmul.f32 v55, v5;
	[tilespmem:s4+$0x9050] =	vst v54  }
0x14d: {  	v62 =	vmul.f32 v58, v5;
	[tilespmem:s4+$0x9040] =	vst v6  }
0x14e: {  	v4 =	vshll.u32 v4, $0x8;
	v5 =	vmul.f32 v16, v5;
	v53 =	vsel vm14, $0x80, v1;
	[tilespmem:s4+$0x9070] =	vst v7  }
0x14f: {  	v4 =	vor.u32 v53, v4;
	[tilespmem:s4+$0x9060] =	vst v62  }
0x150: {  	[tilespmem:s4+$0x9030] =	vst v5;
	v4 =	vor.u32 v3, v4  }
0x151: {  	[tilespmem:s4+$0xA100] =	vst v4;
	v56 =	vor.u32 $0x10, v4  }
0x152: {  	v57 =	vor.u32 $0x50, v4;
	[tilespmem:s4+$0xA110] =	vst v56  }
0x153: {  	v59 =	vor.u32 $0x40, v4;
	[tilespmem:s4+$0xA150] =	vst v57  }
0x154: {  	v60 =	vor.u32 $0x60, v4;
	[tilespmem:s4+$0xA140] =	vst v59  }
0x155: {  	v61 =	vor.u32 $0x30, v4;
	[tilespmem:s4+$0xA160] =	vst v60  }
0x156: {  	v63 =	vor.u32 $0x70, v4;
	[tilespmem:s4+$0xA130] =	vst v61  }
0x157: {  	v4 =	vor.u32 $0x20, v4;
	[tilespmem:s4+$0xA170] =	vst v63  }
0x158: {  	[tilespmem:s4+$0xA120] =	vst v4  }
0x159: {  	v4 =	vld [tilespmem:s2+$0x6F80]  }
0x15a: {  	v5 =	vld [tilespmem:s2+$0x5F80];
	_ =	sdelay $0x3  }
0x15b: {  	vm15 =	vlt.s32 v4, $0xBB8  }
0x15c: {  	v4 =	vnsel vm15, $0x0, v5  }
0x15d: {  	[tilespmem:$0x9800] =	vst v4  }
0x15e: {  	v4 =	vld [tilespmem:s2+$0x6780];
	_ =	sdelay $0x4  }
0x15f: {  	v4 =	vadd.s32 $0xC0000, v4  }
0x160: {  	[tilespmem:$0xA900] =	vst v4  }
0x161: {  	[spmem:s5] =	stream.indirect.scatter.add.f32 [tilespmem:s14], [sflag:$0x4], $0x1, s12, s8, $0xb8;
	[tilespmem:$0x16A80] =	vst v63  }
.LBB2_15:
0x162: {  	s18 =	sadd.s32 $0x1, s18  }
0x163: {  	p2 =	sne.s32 s18, s24  }
.Ltmp7:
0x164: {  	_ = 	snop;
	(pc) =	sbr.rel @!p2 .LBB2_16-.Ltmp7, $2  }
0x165: {  	_ =	sdelay $0x2  }
0x166: {  	s20 =	sadd.s32 $0x20, s20;
	s17 =	sadd.s32 $0x20, s17  }
.LBB2_7:
0x167: {  	s3 =	sshll.u32 s18, $0x1  }
0x168: {  	p2 =	sge.u32 s3, s9  }
.Ltmp8:
0x169: {  	_ = 	snop;
	(pc) =	sbr.rel @p2 .LBB2_11-.Ltmp8, $1  }
0x16a: {  	_ =	sdelay $0x3  }
0x16b: {  	_ =	swait.ge [sflag:s23], $0x800;
	s2 =	sshll.u32 s18, $0x5;
	p2 =	sge.u32 s3, s25  }
0x16c: {  	[sflag:s23] =	ssyncset.done $0x0;
	s4 =	sadd.s32 @!p2 $0x5790, s2  }
0x16d: {  	s7 =	simm.s32 @!p2 $0x10;
	s13 =	simm.s32 @!p2 $0x7F80;
	[sflag:s23] =	ssyncadd.s32 $0xFFFFF800  }
0x16e: {  	[tilespmem:s13], [sflag:$0x2] =	stream.indirect.gather @!p2 [hbm4b:s1+s7], $0x80, s4, s7, $0xb8;
	[tilespmem:$0x16A80] =	vst v63  }
0x16f: {  	p2 =	seq.s32 s18, $0x0  }
0x170: {  	s4 =	simm.s32 @!p2 $0x3  }
0x171: {  	_ =	swait.ge @!p2 [sflag:s4], $0x810  }
0x172: {  	[sflag:s4] =	ssyncset.done @!p2 $0x0  }
0x173: {  	v4 =	vmov s20;
	[sflag:s4] =	ssyncadd.s32 @!p2 $0xFFFFF7F0;
	s4 =	simm.s32 $0x0  }
0x174: {  	v6 =	vld [tilespmem:s4+$0x77A0]  }
0x175: {  	v8 =	vld [tilespmem:s4+$0x7780]  }
0x176: {  	v10 =	vld [tilespmem:s4+$0x7790]  }
0x177: {  	v14 =	vld [tilespmem:s4+$0x77B0]  }
0x178: {  	v5 =	vld.idx.msk [tilespmem:v4+s30+$0x0], $0xffff  }
0x179: {  	v11 =	vld.idx.msk [tilespmem:v4+s31+$0x0], $0xffff  }
0x17a: {  	v15 =	vld.idx.msk [tilespmem:v4+s0+$0x0], $0xffff  }
0x17b: {  	v16 =	vld [tilespmem:s4+$0x77C0]  }
0x17c: {  	v7 =	vld [tilespmem:s4+$0x77D0]  }
0x17d: {  	s13 =	sadd.s32 $0x1, s20;
	v9 =	vld [tilespmem:s4+$0x77E0]  }
0x17e: {  	v4 =	vmov s13;
	v17 =	vmul.f32 v10, v5  }
0x17f: {  	v13 =	vmul.f32 v8, v5;
	v11 =	vshll.u32 v11, $0x8;
	v12 =	vmul.f32 v6, v5  }
0x180: {  	s15 =	simm.s32 $0x400;
	s7 =	simm.s32 $0x200;
	v10 =	vld [tilespmem:s4+$0x77F0];
	vm0 =	vlt.s32 v15, $0xBB8;
	v6 =	vmul.f32 v14, v5;
	v8 =	vmul.f32 v16, v5;
	[tilespmem:s4+$0x8790] =	vst v17  }
.LBB2_9:
0x181: {  	p2 =	sne.s32 s15, $0x1E00  }
0x182: {  	s13 =	sadd.s32 $0x1, s13;
	v14 =	vsel vm0, $0x80, v1;
	[tilespmem:s4+$0x8780] =	vst v13;
	v7 =	vmul.f32 v7, v5;
	v9 =	vmul.f32 v9, v5;
	s16 =	smov.u32 s15;
	s15 =	sadd.s32 $0x200, s15  }
0x183: {  	s28 =	sshra.s32 s7, $0x2;
	v11 =	vor.u32 v14, v11;
	[tilespmem:s4+$0x87A0] =	vst v12;
	s7 =	smov.u32 s16  }
0x184: {  	v12 =	vld [tilespmem:s28+$0x77A0];
	v11 =	vor.u32 v3, v11;
	[tilespmem:s4+$0x87D0] =	vst v7  }
0x185: {  	v13 =	vld [tilespmem:s28+$0x7780];
	[tilespmem:s4+$0x9880] =	vst v11;
	v14 =	vor.u32 $0x10, v11;
	v15 =	vor.u32 $0x20, v11;
	v5 =	vmul.f32 v10, v5  }
0x186: {  	v10 =	vor.u32 $0x40, v11;
	v16 =	vor.u32 $0x60, v11;
	v7 =	vld [tilespmem:s28+$0x77D0];
	[tilespmem:s4+$0x9890] =	vst v14;
	v14 =	vor.u32 $0x50, v11  }
0x187: {  	v17 =	vld [tilespmem:s28+$0x7790];
	[tilespmem:s4+$0x98D0] =	vst v14;
	v14 =	vor.u32 $0x70, v11  }
0x188: {  	v18 =	vld [tilespmem:s28+$0x77B0];
	[tilespmem:s4+$0x98C0] =	vst v10  }
0x189: {  	[tilespmem:s4+$0x87C0] =	vst v8  }
0x18a: {  	v8 =	vmov s13;
	[tilespmem:s4+$0x98E0] =	vst v16  }
0x18b: {  	v10 =	vor.u32 $0x30, v11;
	[tilespmem:s4+$0x87F0] =	vst v5  }
0x18c: {  	[tilespmem:s4+$0x98B0] =	vst v10  }
0x18d: {  	[tilespmem:s4+$0x98F0] =	vst v14  }
0x18e: {  	[tilespmem:s4+$0x87E0] =	vst v9  }
0x18f: {  	[tilespmem:s4+$0x87B0] =	vst v6  }
0x190: {  	[tilespmem:s4+$0x98A0] =	vst v15;
	s4 =	smov.u32 s28  }
0x191: {  	v5 =	vld.idx.msk [tilespmem:v4+s30+$0x0], $0xffff  }
0x192: {  	v6 =	vld.idx.msk [tilespmem:v4+s31+$0x0], $0xffff  }
0x193: {  	v14 =	vld.idx.msk [tilespmem:v4+s0+$0x0], $0xffff;
	v4 =	vmov v8  }
0x194: {  	v8 =	vld [tilespmem:s4+$0x77C0]  }
.Ltmp9:
0x195: {  	v9 =	vld [tilespmem:s4+$0x77E0];
	(pc) =	sbr.rel @p2 .LBB2_9-.Ltmp9, $4  }
0x196: {  	_ = 	snop  }
0x197: {  	v13 =	vmul.f32 v13, v5;
	v15 =	vmul.f32 v17, v5  }
0x198: {  	v12 =	vmul.f32 v12, v5;
	v11 =	vshll.u32 v6, $0x8;
	v10 =	vld [tilespmem:s4+$0x77F0]  }
0x199: {  	v6 =	vmul.f32 v18, v5;
	vm0 =	vlt.s32 v14, $0xBB8;
	[tilespmem:s4+$0x8790] =	vst v15;
	v8 =	vmul.f32 v8, v5  }
0x19a: {  	[tilespmem:s4+$0x8780] =	vst v13;
	v7 =	vmul.f32 v7, v5;
	v40 =	vsel vm0, $0x80, v1  }
0x19b: {  	s7 =	sshra.s32 s7, $0x2;
	[tilespmem:s4+$0x87A0] =	vst v12;
	v11 =	vor.u32 v40, v11  }
0x19c: {  	v13 =	vld [tilespmem:s7+$0x77A0];
	[tilespmem:s4+$0x87D0] =	vst v7;
	v41 =	vor.u32 v3, v11  }
0x19d: {  	v42 =	vld [tilespmem:s7+$0x7780];
	[tilespmem:s4+$0x9880] =	vst v41;
	v43 =	vor.u32 $0x10, v41  }
0x19e: {  	v44 =	vor.u32 $0x50, v41;
	v14 =	vld [tilespmem:s7+$0x77D0];
	[tilespmem:s4+$0x9890] =	vst v43  }
0x19f: {  	v45 =	vor.u32 $0x40, v41;
	v15 =	vld [tilespmem:s7+$0x7790];
	[tilespmem:s4+$0x98D0] =	vst v44  }
0x1a0: {  	v16 =	vld [tilespmem:s7+$0x77B0];
	[tilespmem:s4+$0x98C0] =	vst v45  }
0x1a1: {  	v10 =	vmul.f32 v10, v5;
	v46 =	vor.u32 $0x60, v41;
	[tilespmem:s4+$0x87C0] =	vst v8  }
0x1a2: {  	[tilespmem:s4+$0x98E0] =	vst v46  }
0x1a3: {  	v47 =	vor.u32 $0x30, v41;
	[tilespmem:s4+$0x87F0] =	vst v10  }
0x1a4: {  	v5 =	vmul.f32 v9, v5;
	v48 =	vor.u32 $0x70, v41;
	[tilespmem:s4+$0x98B0] =	vst v47  }
0x1a5: {  	[tilespmem:s4+$0x98F0] =	vst v48  }
0x1a6: {  	[tilespmem:s4+$0x87E0] =	vst v5  }
0x1a7: {  	v5 =	vor.u32 $0x20, v41;
	[tilespmem:s4+$0x87B0] =	vst v6  }
0x1a8: {  	[tilespmem:s4+$0x98A0] =	vst v5  }
0x1a9: {  	v5 =	vld.idx.msk [tilespmem:v4+s30+$0x0], $0xffff;
	_ =	sdelay $0x2  }
0x1aa: {  	v6 =	vld.idx.msk [tilespmem:v4+s0+$0x0], $0xffff  }
0x1ab: {  	v52 =	vld [tilespmem:s7+$0x77C0]  }
0x1ac: {  	v55 =	vld [tilespmem:s7+$0x77F0];
	v49 =	vmul.f32 v15, v5  }
0x1ad: {  	v58 =	vld [tilespmem:s7+$0x77E0];
	v50 =	vmul.f32 v42, v5  }
0x1ae: {  	v4 =	vld.idx.msk [tilespmem:v4+s31+$0x0], $0xffff;
	v51 =	vmul.f32 v13, v5;
	[tilespmem:s7+$0x8790] =	vst v49  }
0x1af: {  	v54 =	vmul.f32 v14, v5;
	[tilespmem:s7+$0x8780] =	vst v50  }
0x1b0: {  	vm14 =	vlt.s32 v6, $0xBB8;
	v6 =	vmul.f32 v52, v5;
	[tilespmem:s7+$0x87A0] =	vst v51  }
0x1b1: {  	v7 =	vmul.f32 v55, v5;
	[tilespmem:s7+$0x87D0] =	vst v54  }
0x1b2: {  	v62 =	vmul.f32 v58, v5;
	[tilespmem:s7+$0x87C0] =	vst v6  }
0x1b3: {  	v4 =	vshll.u32 v4, $0x8;
	v5 =	vmul.f32 v16, v5;
	v53 =	vsel vm14, $0x80, v1;
	[tilespmem:s7+$0x87F0] =	vst v7  }
0x1b4: {  	v4 =	vor.u32 v53, v4;
	[tilespmem:s7+$0x87E0] =	vst v62  }
0x1b5: {  	[tilespmem:s7+$0x87B0] =	vst v5;
	v4 =	vor.u32 v3, v4  }
0x1b6: {  	[tilespmem:s7+$0x9880] =	vst v4;
	v56 =	vor.u32 $0x10, v4  }
0x1b7: {  	v57 =	vor.u32 $0x50, v4;
	[tilespmem:s7+$0x9890] =	vst v56  }
0x1b8: {  	v59 =	vor.u32 $0x40, v4;
	[tilespmem:s7+$0x98D0] =	vst v57  }
0x1b9: {  	v60 =	vor.u32 $0x60, v4;
	[tilespmem:s7+$0x98C0] =	vst v59  }
0x1ba: {  	v61 =	vor.u32 $0x30, v4;
	[tilespmem:s7+$0x98E0] =	vst v60  }
0x1bb: {  	v63 =	vor.u32 $0x70, v4;
	[tilespmem:s7+$0x98B0] =	vst v61  }
0x1bc: {  	v4 =	vor.u32 $0x20, v4;
	[tilespmem:s7+$0x98F0] =	vst v63  }
0x1bd: {  	[tilespmem:s7+$0x98A0] =	vst v4  }
0x1be: {  	v4 =	vld [tilespmem:s2+$0x6F80]  }
0x1bf: {  	v5 =	vld [tilespmem:s2+$0x5F80];
	_ =	sdelay $0x3  }
0x1c0: {  	vm15 =	vlt.s32 v4, $0xBB8  }
0x1c1: {  	v4 =	vnsel vm15, $0x0, v5  }
0x1c2: {  	[tilespmem:$0x8F80] =	vst v4  }
0x1c3: {  	v4 =	vld [tilespmem:s2+$0x6780];
	_ =	sdelay $0x4  }
0x1c4: {  	v4 =	vadd.s32 $0xC0000, v4  }
0x1c5: {  	[tilespmem:$0xA080] =	vst v4  }
0x1c6: {  	[spmem:s5] =	stream.indirect.scatter.add.f32 [tilespmem:s22], [sflag:$0x3], $0x1, s10, s8, $0xb8;
	[tilespmem:$0x16A80] =	vst v63  }
.LBB2_11:
0x1c7: {  	s2 =	sor.u32 $0x1, s3  }
0x1c8: {  	p2 =	sge.u32 s2, s9  }
.Ltmp10:
0x1c9: {  	_ = 	snop;
	(pc) =	sbr.rel @p2 .LBB2_15-.Ltmp10, $1  }
0x1ca: {  	_ =	sdelay $0x3  }
0x1cb: {  	_ =	swait.ge [sflag:s11], $0x800;
	s2 =	sshll.u32 s2, $0x4;
	p2 =	sge.u32 s3, s26  }
0x1cc: {  	[sflag:s11] =	ssyncset.done $0x0;
	s3 =	sadd.s32 @!p2 $0x5790, s2  }
0x1cd: {  	s4 =	simm.s32 @!p2 $0x10;
	s7 =	simm.s32 @!p2 $0x7780;
	[sflag:s11] =	ssyncadd.s32 $0xFFFFF800  }
0x1ce: {  	[tilespmem:s7], [sflag:$0x1] =	stream.indirect.gather @!p2 [hbm4b:s1+s4], $0x80, s3, s4, $0xb8;
	[tilespmem:$0x16A80] =	vst v63  }
0x1cf: {  	p2 =	seq.s32 s18, $0x0  }
0x1d0: {  	s3 =	simm.s32 @!p2 $0x4  }
0x1d1: {  	_ =	swait.ge @!p2 [sflag:s3], $0x810  }
0x1d2: {  	[sflag:s3] =	ssyncset.done @!p2 $0x0  }
0x1d3: {  	v4 =	vmov s17;
	[sflag:s3] =	ssyncadd.s32 @!p2 $0xFFFFF7F0;
	s3 =	simm.s32 $0x0  }
0x1d4: {  	v6 =	vld [tilespmem:s3+$0x7FA0]  }
0x1d5: {  	v8 =	vld [tilespmem:s3+$0x7F80]  }
0x1d6: {  	v10 =	vld [tilespmem:s3+$0x7F90]  }
0x1d7: {  	v14 =	vld [tilespmem:s3+$0x7FB0]  }
0x1d8: {  	v5 =	vld.idx.msk [tilespmem:v4+s30+$0x0], $0xffff  }
0x1d9: {  	v11 =	vld.idx.msk [tilespmem:v4+s31+$0x0], $0xffff  }
0x1da: {  	v15 =	vld.idx.msk [tilespmem:v4+s0+$0x0], $0xffff  }
0x1db: {  	v16 =	vld [tilespmem:s3+$0x7FC0]  }
0x1dc: {  	v7 =	vld [tilespmem:s3+$0x7FD0]  }
0x1dd: {  	s4 =	sadd.s32 $0x1, s17;
	v9 =	vld [tilespmem:s3+$0x7FE0]  }
0x1de: {  	v4 =	vmov s4;
	v17 =	vmul.f32 v10, v5  }
0x1df: {  	v13 =	vmul.f32 v8, v5;
	v11 =	vshll.u32 v11, $0x8;
	v12 =	vmul.f32 v6, v5  }
0x1e0: {  	s13 =	simm.s32 $0x400;
	s7 =	simm.s32 $0x200;
	v10 =	vld [tilespmem:s3+$0x7FF0];
	vm0 =	vlt.s32 v15, $0xBB8;
	v6 =	vmul.f32 v14, v5;
	v8 =	vmul.f32 v16, v5;
	[tilespmem:s3+$0x9010] =	vst v17  }
.LBB2_13:
0x1e1: {  	p2 =	sne.s32 s13, $0x1E00  }
0x1e2: {  	s4 =	sadd.s32 $0x1, s4;
	v14 =	vsel vm0, $0x80, v1;
	[tilespmem:s3+$0x9000] =	vst v13;
	v7 =	vmul.f32 v7, v5;
	v9 =	vmul.f32 v9, v5;
	s15 =	smov.u32 s13;
	s13 =	sadd.s32 $0x200, s13  }
0x1e3: {  	s16 =	sshra.s32 s7, $0x2;
	v11 =	vor.u32 v14, v11;
	[tilespmem:s3+$0x9020] =	vst v12;
	s7 =	smov.u32 s15  }
0x1e4: {  	v12 =	vld [tilespmem:s16+$0x7FA0];
	v11 =	vor.u32 v3, v11;
	[tilespmem:s3+$0x9050] =	vst v7  }
0x1e5: {  	v5 =	vmul.f32 v10, v5;
	v13 =	vld [tilespmem:s16+$0x7F80];
	[tilespmem:s3+$0xA100] =	vst v11;
	v14 =	vor.u32 $0x10, v11;
	v15 =	vor.u32 $0x20, v11  }
0x1e6: {  	v10 =	vor.u32 $0x40, v11;
	v16 =	vor.u32 $0x60, v11;
	v7 =	vld [tilespmem:s16+$0x7FD0];
	[tilespmem:s3+$0xA110] =	vst v14;
	v14 =	vor.u32 $0x50, v11  }
0x1e7: {  	v17 =	vld [tilespmem:s16+$0x7F90];
	[tilespmem:s3+$0xA150] =	vst v14;
	v14 =	vor.u32 $0x70, v11  }
0x1e8: {  	v18 =	vld [tilespmem:s16+$0x7FB0];
	[tilespmem:s3+$0xA140] =	vst v10  }
0x1e9: {  	[tilespmem:s3+$0x9040] =	vst v8  }
0x1ea: {  	v8 =	vmov s4;
	[tilespmem:s3+$0xA160] =	vst v16  }
0x1eb: {  	v10 =	vor.u32 $0x30, v11;
	[tilespmem:s3+$0x9070] =	vst v5  }
0x1ec: {  	[tilespmem:s3+$0xA130] =	vst v10  }
0x1ed: {  	[tilespmem:s3+$0xA170] =	vst v14  }
0x1ee: {  	[tilespmem:s3+$0x9060] =	vst v9  }
0x1ef: {  	[tilespmem:s3+$0x9030] =	vst v6  }
0x1f0: {  	[tilespmem:s3+$0xA120] =	vst v15;
	s3 =	smov.u32 s16  }
0x1f1: {  	v5 =	vld.idx.msk [tilespmem:v4+s30+$0x0], $0xffff  }
0x1f2: {  	v6 =	vld.idx.msk [tilespmem:v4+s31+$0x0], $0xffff  }
0x1f3: {  	v14 =	vld.idx.msk [tilespmem:v4+s0+$0x0], $0xffff;
	v4 =	vmov v8  }
0x1f4: {  	v8 =	vld [tilespmem:s3+$0x7FC0]  }
.Ltmp11:
0x1f5: {  	v9 =	vld [tilespmem:s3+$0x7FE0];
	(pc) =	sbr.rel @p2 .LBB2_13-.Ltmp11, $4  }
0x1f6: {  	_ = 	snop  }
0x1f7: {  	v13 =	vmul.f32 v13, v5;
	v15 =	vmul.f32 v17, v5  }
0x1f8: {  	v12 =	vmul.f32 v12, v5;
	v11 =	vshll.u32 v6, $0x8;
	v10 =	vld [tilespmem:s3+$0x7FF0]  }
0x1f9: {  	v6 =	vmul.f32 v18, v5;
	vm0 =	vlt.s32 v14, $0xBB8;
	[tilespmem:s3+$0x9010] =	vst v15;
	v8 =	vmul.f32 v8, v5  }
.Ltmp12:
0x1fa: {  	_ = 	snop;
	(pc) =	sbr.rel .LBB2_14-.Ltmp12, $1  }
0x1fb: {  	_ =	sdelay $0x3  }
.LBB2_16:
0x1fc: {  	s2 =	simm.s32 $0x3  }
0x1fd: {  	_ =	swait.ge [sflag:s2], $0x810  }
.Ltmp13:
0x1fe: {  	p2 =	slt.s32 s21, $0x2;
	[sflag:s2] =	ssyncset.done $0x0;
	(pc) =	sbr.rel @p1 .LBB2_30-.Ltmp13, $4  }
0x1ff: {  	[sflag:s2] =	ssyncadd.s32 $0xFFFFF7F0;
	s2 =	simm.s32 @!p2 $0x4  }
0x200: {  	_ =	swait.ge @!p2 [sflag:s2], $0x810  }
0x201: {  	[sflag:s2] =	ssyncset.done @!p2 $0x0  }
0x202: {  	[sflag:s2] =	ssyncadd.s32 @!p2 $0xFFFFF7F0  }
0x203: {  	s4 =	simm.s32 $0x6  }
0x204: {  	_ =	swait.ge [sflag:s4], $0x7D0  }
0x205: {  	[sflag:s4] =	ssyncset.done $0x0  }
0x206: {  	[sflag:s4] =	ssyncadd.s32 $0xFFFFF830  }
0x207: {  	_ =	swait.ge [sflag:s4], $0x7D0  }
0x208: {  	[sflag:s4] =	ssyncset.done $0x0  }
0x209: {  	[sflag:s4] =	ssyncadd.s32 $0xFFFFF830  }
0x20a: {  	_ =	swait.ge [sflag:s4], $0x7D0  }
0x20b: {  	s3 =	sld [smem:$0x7FD]  }
0x20c: {  	s2 =	smul.u32 $0xFA0, s19;
	_ =	sdelay $0x1  }
0x20d: {  	s18 =	simm.s32 $0x0;
	[sflag:s4] =	ssyncset.done $0x0;
	s2 =	sadd.s32 s2, s3  }
0x20e: {  	s17 =	rddreg [dreg:$0x5];
	[sflag:s4] =	ssyncadd.s32 $0xFFFFF830;
	s2 =	sshrl.u32 s2, $0x3  }
0x20f: {  	s7 =	simm.s32 $0x2780;
	s20 =	rddreg [dreg:$0x1];
	s3 =	sadd.s32 s17, s2  }
0x210: {  	[tilespmem:s7], [sflag:$0x5] =	stream.linear.gather [hbm4b:s3+s18], $0x7D0, $0x38;
	[tilespmem:$0x16A80] =	vst v63  }
0x211: {  	s21 =	simm.s32 $0x3780;
	s24 =	rddreg [dreg:$0x2];
	s3 =	sadd.s32 s20, s2  }
0x212: {  	[tilespmem:s21], [sflag:$0x5] =	stream.linear.gather [hbm4b:s3+s18], $0x7D0, $0x38;
	[tilespmem:$0x16A80] =	vst v63  }
0x213: {  	s25 =	simm.s32 $0x4780;
	s26 =	simm.s32 $0x0;
	s2 =	sadd.s32 s24, s2  }
0x214: {  	[tilespmem:s25], [sflag:$0x5] =	stream.linear.gather [hbm4b:s2+s18], $0x7D0, $0x38;
	[tilespmem:$0x16A80] =	vst v63  }
0x215: {  	v4 =	vld [tilespmem:s26+$0x3F80];
	_ =	sdelay $0x7  }
0x216: {  	v4 =	vld.idx.msk [tilespmem:v4+s6+$0x0], $0xffff;
	_ =	sdelay $0x4  }
0x217: {  	vm0 =	vlt.s32 v4, $0xBB8  }
0x218: {  	v5 =	vsel vm0, $0x1, v1  }
0x219: {  	(xrf0) =	vadd.scan.msk.s32 $0xffff, v5;
	_ =	sdelay $0x5  }
0x21a: {  	v5, _, _ =	vpop (xrf0)  }
0x21b: {  	v6 =	vxor.u32 $0x80000000, v5  }
0x21c: {  	(xrf0) =	vmax.scan.msk.u32 $0xffff, v6;
	v6 =	vsel vm0, $0xFFFFFFFF, v1  }
0x21d: {  	v6 =	vadd.s32 s18, v6  }
0x21e: {  	v7 =	vld [tilespmem:s26+$0x2F80];
	v5 =	vadd.s32 v5, v6;
	_ =	sdelay $0x4  }
0x21f: {  	v6, _, _ =	vpop (xrf0);
	[tilespmem:v5+s29+$0x0] =	vst.idx.msk vm0, v7  }
0x220: {  	(v2sf) =	vpush v6, $0xF;
	v6 =	vld [tilespmem:s26+$0x4F80];
	_ =	sdelay $0x4  }
0x221: {  	[tilespmem:v5+s30+$0x0] =	vst.idx.msk vm0, v6  }
0x222: {  	[tilespmem:v5+s31+$0x0] =	vst.idx.msk vm0, v4  }
0x223: {  	v4 =	vld.idx.msk [tilespmem:v7+s6+$0x0], $0xffff;
	_ =	sdelay $0x4  }
0x224: {  	s2 =	simm.s32 $0x10;
	[tilespmem:v5+s0+$0x0] =	vst.idx.msk vm0, v4  }
0x225: {  	v4 =	vld [tilespmem:s2+$0x3F80];
	_ =	sdelay $0x1  }
0x226: {  	s28 =	spop (v2sf)  }
0x227: {  	s3 =	simm.s32 $0x80;
	s4 =	sadd.s32 $0x0, s28  }
.LBB2_18:
0x228: {  	p1 =	sne.s32 s3, $0x1F00  }
0x229: {  	s4 =	sadd.s32 $0x80000000, s4;
	s7 =	smov.u32 s3;
	s3 =	sadd.s32 $0x40, s3  }
0x22a: {  	_ =	sdelay $0x1  }
0x22b: {  	v4 =	vld.idx.msk [tilespmem:v4+s6+$0x0], $0xffff;
	_ =	sdelay $0x5  }
0x22c: {  	vm0 =	vlt.s32 v4, $0xBB8  }
0x22d: {  	v5 =	vsel vm0, $0xFFFFFFFF, v1;
	v6 =	vsel vm0, $0x1, v1  }
0x22e: {  	(xrf0) =	vadd.scan.msk.s32 $0xffff, v6;
	_ =	sdelay $0x5  }
0x22f: {  	v5 =	vadd.s32 s4, v5;
	v6, _, _ =	vpop (xrf0)  }
0x230: {  	v7 =	vld [tilespmem:s2+$0x2F80];
	v5 =	vadd.s32 v6, v5;
	v6 =	vxor.u32 $0x80000000, v6  }
0x231: {  	(xrf0) =	vmax.scan.msk.u32 $0xffff, v6;
	_ =	sdelay $0x3  }
0x232: {  	[tilespmem:v5+s29+$0x0] =	vst.idx.msk vm0, v7  }
0x233: {  	v6 =	vld [tilespmem:s2+$0x4F80]  }
0x234: {  	v8, _, _ =	vpop (xrf0)  }
0x235: {  	(v2sf) =	vpush v8, $0xF;
	_ =	sdelay $0x2  }
0x236: {  	[tilespmem:v5+s30+$0x0] =	vst.idx.msk vm0, v6  }
0x237: {  	[tilespmem:v5+s31+$0x0] =	vst.idx.msk vm0, v4  }
0x238: {  	v4 =	vld.idx.msk [tilespmem:v7+s6+$0x0], $0xffff;
	_ =	sdelay $0x5  }
0x239: {  	s2 =	sshra.s32 s7, $0x2;
	[tilespmem:v5+s0+$0x0] =	vst.idx.msk vm0, v4  }
.Ltmp14:
0x23a: {  	v4 =	vld [tilespmem:s2+$0x3F80];
	(pc) =	sbr.rel @p1 .LBB2_18-.Ltmp14, $3  }
0x23b: {  	_ =	sdelay $0x1  }
0x23c: {  	s7 =	spop (v2sf)  }
0x23d: {  	s4 =	sadd.s32 s7, s4  }
0x23e: {  	_ =	sdelay $0x3  }
0x23f: {  	v4 =	vld.idx.msk [tilespmem:v4+s6+$0x0], $0xffff;
	_ =	sdelay $0x4  }
0x240: {  	vm0 =	vlt.s32 v4, $0xBB8  }
0x241: {  	v5 =	vsel vm0, $0x1, v1  }
0x242: {  	(xrf0) =	vadd.scan.msk.s32 $0xffff, v5;
	_ =	sdelay $0x5  }
0x243: {  	v5, _, _ =	vpop (xrf0)  }
0x244: {  	v6 =	vxor.u32 $0x80000000, v5  }
0x245: {  	(xrf0) =	vmax.scan.msk.u32 $0xffff, v6;
	_ =	sdelay $0x5  }
0x246: {  	s3 =	sadd.s32 $0x80000000, s4;
	v62 =	vsel vm0, $0xFFFFFFFF, v1;
	v6, _, _ =	vpop (xrf0)  }
0x247: {  	(v2sf) =	vpush v6, $0xF;
	v6 =	vadd.s32 s3, v62  }
0x248: {  	v7 =	vld [tilespmem:s2+$0x2F80];
	v5 =	vadd.s32 v5, v6;
	_ =	sdelay $0x4  }
0x249: {  	[tilespmem:v5+s29+$0x0] =	vst.idx.msk vm0, v7  }
0x24a: {  	v63 =	vld [tilespmem:s2+$0x4F80];
	_ =	sdelay $0x4  }
0x24b: {  	[tilespmem:v5+s30+$0x0] =	vst.idx.msk vm0, v63  }
0x24c: {  	[tilespmem:v5+s31+$0x0] =	vst.idx.msk vm0, v4  }
0x24d: {  	v4 =	vld.idx.msk [tilespmem:v7+s6+$0x0], $0xffff;
	_ =	sdelay $0x2  }
0x24e: {  	s20 =	spop (v2sf)  }
0x24f: {  	s2 =	sadd.s32 s20, s3  }
0x250: {  	s2 =	sadd.s32 $0x80000000, s2;
	[tilespmem:v5+s0+$0x0] =	vst.idx.msk vm0, v4  }
0x251: {  	s21 =	sadd.s32 $0xF, s2;
	[tilespmem:s2+$0x5780] =	vst v1  }
0x252: {  	s17 =	simm.s32 $0x10;
	s24 =	sand.u32 $0xF, s21;
	[tilespmem:s2+$0x5F80] =	vst v0  }
0x253: {  	s7 =	sshra.s32 s21, $0x1F;
	p1 =	slt.s32 s21, $0x1;
	p2 =	sne.s32 s24, $0x0;
	[tilespmem:s2+$0x6780] =	vst v2  }
0x254: {  	s26 =	simm.s32 $0x7780;
	s25 =	sshrl.u32 s7, $0x1C;
	[tilespmem:s2+$0x6F80] =	vst v2;
	p1 =	por !p1, !p2  }
0x255: {  	[tilespmem:s26], [sflag:$0x1] =	stream.indirect.gather [hbm4b:s1+s17], $0x80, s29, s17, $0xb8;
	[tilespmem:$0x16A80] =	vst v63  }
0x256: {  	s4 =	simm.s32 $0x1;
	s3 =	sadd.s32 s25, s21;
	p1 =	por !p1, !p1  }
0x257: {  	s3 =	sshra.s32 s3, $0x4;
	s4 =	simm.s32 @!p1 $0x0  }
.Ltmp15:
0x258: {  	s9 =	ssub.s32 s3, s4;
	(pc) =	sbr.rel .LBB2_20-.Ltmp15, $4  }
0x259: {  	p1 =	sgt.s32 s9, $0x1;
	s21 =	smov.u32 s9  }
0x25a: {  	s21 =	simm.s32 @!p1 $0x1  }
0x25b: {  	s18 =	simm.s32 $0x0;
	s20 =	simm.s32 $0x0;
	s28 =	sadd.s32 $0x1, s21  }
0x25c: {  	s25 =	sadd.s32 $0xFFFFFFFF, s21;
	s26 =	sadd.s32 $0xFFFFFFFE, s21;
	s24 =	sshrl.u32 s28, $0x1  }
.LBB2_27:
0x25d: {  	[tilespmem:s3+$0x9000] =	vst v13;
	v7 =	vmul.f32 v7, v5;
	v40 =	vsel vm0, $0x80, v1  }
0x25e: {  	s4 =	sshra.s32 s7, $0x2;
	[tilespmem:s3+$0x9020] =	vst v12;
	v11 =	vor.u32 v40, v11  }
0x25f: {  	v13 =	vld [tilespmem:s4+$0x7FA0];
	[tilespmem:s3+$0x9050] =	vst v7;
	v41 =	vor.u32 v3, v11  }
0x260: {  	v42 =	vld [tilespmem:s4+$0x7F80];
	[tilespmem:s3+$0xA100] =	vst v41;
	v43 =	vor.u32 $0x10, v41  }
0x261: {  	v44 =	vor.u32 $0x50, v41;
	v14 =	vld [tilespmem:s4+$0x7FD0];
	[tilespmem:s3+$0xA110] =	vst v43  }
0x262: {  	v45 =	vor.u32 $0x40, v41;
	v15 =	vld [tilespmem:s4+$0x7F90];
	[tilespmem:s3+$0xA150] =	vst v44  }
0x263: {  	v16 =	vld [tilespmem:s4+$0x7FB0];
	[tilespmem:s3+$0xA140] =	vst v45  }
0x264: {  	v10 =	vmul.f32 v10, v5;
	v46 =	vor.u32 $0x60, v41;
	[tilespmem:s3+$0x9040] =	vst v8  }
0x265: {  	[tilespmem:s3+$0xA160] =	vst v46  }
0x266: {  	v47 =	vor.u32 $0x30, v41;
	[tilespmem:s3+$0x9070] =	vst v10  }
0x267: {  	v5 =	vmul.f32 v9, v5;
	v48 =	vor.u32 $0x70, v41;
	[tilespmem:s3+$0xA130] =	vst v47  }
0x268: {  	[tilespmem:s3+$0xA170] =	vst v48  }
0x269: {  	[tilespmem:s3+$0x9060] =	vst v5  }
0x26a: {  	v5 =	vor.u32 $0x20, v41;
	[tilespmem:s3+$0x9030] =	vst v6  }
0x26b: {  	[tilespmem:s3+$0xA120] =	vst v5  }
0x26c: {  	v5 =	vld.idx.msk [tilespmem:v4+s30+$0x0], $0xffff;
	_ =	sdelay $0x2  }
0x26d: {  	v6 =	vld.idx.msk [tilespmem:v4+s0+$0x0], $0xffff  }
0x26e: {  	v52 =	vld [tilespmem:s4+$0x7FC0]  }
0x26f: {  	v55 =	vld [tilespmem:s4+$0x7FF0];
	v49 =	vmul.f32 v15, v5  }
0x270: {  	v58 =	vld [tilespmem:s4+$0x7FE0];
	v50 =	vmul.f32 v42, v5  }
0x271: {  	v4 =	vld.idx.msk [tilespmem:v4+s31+$0x0], $0xffff;
	v51 =	vmul.f32 v13, v5;
	[tilespmem:s4+$0x9010] =	vst v49  }
0x272: {  	v54 =	vmul.f32 v14, v5;
	[tilespmem:s4+$0x9000] =	vst v50  }
0x273: {  	vm14 =	vlt.s32 v6, $0xBB8;
	v6 =	vmul.f32 v52, v5;
	[tilespmem:s4+$0x9020] =	vst v51  }
0x274: {  	v7 =	vmul.f32 v55, v5;
	[tilespmem:s4+$0x9050] =	vst v54  }
0x275: {  	v62 =	vmul.f32 v58, v5;
	[tilespmem:s4+$0x9040] =	vst v6  }
0x276: {  	v4 =	vshll.u32 v4, $0x8;
	v5 =	vmul.f32 v16, v5;
	v53 =	vsel vm14, $0x80, v1;
	[tilespmem:s4+$0x9070] =	vst v7  }
0x277: {  	v4 =	vor.u32 v53, v4;
	[tilespmem:s4+$0x9060] =	vst v62  }
0x278: {  	[tilespmem:s4+$0x9030] =	vst v5;
	v4 =	vor.u32 v3, v4  }
0x279: {  	[tilespmem:s4+$0xA100] =	vst v4;
	v56 =	vor.u32 $0x10, v4  }
0x27a: {  	v57 =	vor.u32 $0x50, v4;
	[tilespmem:s4+$0xA110] =	vst v56  }
0x27b: {  	v59 =	vor.u32 $0x40, v4;
	[tilespmem:s4+$0xA150] =	vst v57  }
0x27c: {  	v60 =	vor.u32 $0x60, v4;
	[tilespmem:s4+$0xA140] =	vst v59  }
0x27d: {  	v61 =	vor.u32 $0x30, v4;
	[tilespmem:s4+$0xA160] =	vst v60  }
0x27e: {  	v63 =	vor.u32 $0x70, v4;
	[tilespmem:s4+$0xA130] =	vst v61  }
0x27f: {  	v4 =	vor.u32 $0x20, v4;
	[tilespmem:s4+$0xA170] =	vst v63  }
0x280: {  	[tilespmem:s4+$0xA120] =	vst v4  }
0x281: {  	v4 =	vld [tilespmem:s2+$0x6F80]  }
0x282: {  	v5 =	vld [tilespmem:s2+$0x5F80];
	_ =	sdelay $0x3  }
0x283: {  	vm15 =	vlt.s32 v4, $0xBB8  }
0x284: {  	v4 =	vnsel vm15, $0x0, v5  }
0x285: {  	[tilespmem:$0x9800] =	vst v4  }
0x286: {  	v4 =	vld [tilespmem:s2+$0x6780];
	_ =	sdelay $0x4  }
0x287: {  	v4 =	vadd.s32 $0xC0000, v4  }
0x288: {  	[tilespmem:$0xA900] =	vst v4  }
0x289: {  	[spmem:s5] =	stream.indirect.scatter.add.f32 [tilespmem:s14], [sflag:$0x4], $0x1, s12, s8, $0xb8;
	[tilespmem:$0x16A80] =	vst v63  }
.LBB2_28:
0x28a: {  	s18 =	sadd.s32 $0x1, s18  }
0x28b: {  	p1 =	sne.s32 s18, s24  }
.Ltmp16:
0x28c: {  	_ = 	snop;
	(pc) =	sbr.rel @!p1 .LBB2_29-.Ltmp16, $2  }
0x28d: {  	_ =	sdelay $0x2  }
0x28e: {  	s20 =	sadd.s32 $0x20, s20;
	s17 =	sadd.s32 $0x20, s17  }
.LBB2_20:
0x28f: {  	s3 =	sshll.u32 s18, $0x1  }
0x290: {  	p1 =	sge.u32 s3, s21  }
.Ltmp17:
0x291: {  	_ = 	snop;
	(pc) =	sbr.rel @p1 .LBB2_24-.Ltmp17, $1  }
0x292: {  	_ =	sdelay $0x3  }
0x293: {  	_ =	swait.ge [sflag:s23], $0x800;
	s2 =	sshll.u32 s18, $0x5;
	p1 =	sge.u32 s3, s25  }
0x294: {  	[sflag:s23] =	ssyncset.done $0x0;
	s4 =	sadd.s32 @!p1 $0x5790, s2  }
0x295: {  	s7 =	simm.s32 @!p1 $0x10;
	s13 =	simm.s32 @!p1 $0x7F80;
	[sflag:s23] =	ssyncadd.s32 $0xFFFFF800  }
0x296: {  	[tilespmem:s13], [sflag:$0x2] =	stream.indirect.gather @!p1 [hbm4b:s1+s7], $0x80, s4, s7, $0xb8;
	[tilespmem:$0x16A80] =	vst v63  }
0x297: {  	p1 =	seq.s32 s18, $0x0  }
0x298: {  	s4 =	simm.s32 @!p1 $0x3  }
0x299: {  	_ =	swait.ge @!p1 [sflag:s4], $0x810  }
0x29a: {  	[sflag:s4] =	ssyncset.done @!p1 $0x0  }
0x29b: {  	v4 =	vmov s20;
	[sflag:s4] =	ssyncadd.s32 @!p1 $0xFFFFF7F0;
	s4 =	simm.s32 $0x0  }
0x29c: {  	v6 =	vld [tilespmem:s4+$0x77A0]  }
0x29d: {  	v8 =	vld [tilespmem:s4+$0x7780]  }
0x29e: {  	v10 =	vld [tilespmem:s4+$0x7790]  }
0x29f: {  	v14 =	vld [tilespmem:s4+$0x77B0]  }
0x2a0: {  	v5 =	vld.idx.msk [tilespmem:v4+s30+$0x0], $0xffff  }
0x2a1: {  	v11 =	vld.idx.msk [tilespmem:v4+s31+$0x0], $0xffff  }
0x2a2: {  	v15 =	vld.idx.msk [tilespmem:v4+s0+$0x0], $0xffff  }
0x2a3: {  	v16 =	vld [tilespmem:s4+$0x77C0]  }
0x2a4: {  	v7 =	vld [tilespmem:s4+$0x77D0]  }
0x2a5: {  	s13 =	sadd.s32 $0x1, s20;
	v9 =	vld [tilespmem:s4+$0x77E0]  }
0x2a6: {  	v4 =	vmov s13;
	v17 =	vmul.f32 v10, v5  }
0x2a7: {  	v13 =	vmul.f32 v8, v5;
	v11 =	vshll.u32 v11, $0x8;
	v12 =	vmul.f32 v6, v5  }
0x2a8: {  	s15 =	simm.s32 $0x400;
	s7 =	simm.s32 $0x200;
	v10 =	vld [tilespmem:s4+$0x77F0];
	vm0 =	vlt.s32 v15, $0xBB8;
	v6 =	vmul.f32 v14, v5;
	v8 =	vmul.f32 v16, v5;
	[tilespmem:s4+$0x8790] =	vst v17  }
.LBB2_22:
0x2a9: {  	p1 =	sne.s32 s15, $0x1E00  }
0x2aa: {  	s13 =	sadd.s32 $0x1, s13;
	v14 =	vsel vm0, $0x80, v1;
	[tilespmem:s4+$0x8780] =	vst v13;
	v7 =	vmul.f32 v7, v5;
	v9 =	vmul.f32 v9, v5;
	s16 =	smov.u32 s15;
	s15 =	sadd.s32 $0x200, s15  }
0x2ab: {  	s28 =	sshra.s32 s7, $0x2;
	v11 =	vor.u32 v14, v11;
	[tilespmem:s4+$0x87A0] =	vst v12;
	s7 =	smov.u32 s16  }
0x2ac: {  	v12 =	vld [tilespmem:s28+$0x77A0];
	v11 =	vor.u32 v3, v11;
	[tilespmem:s4+$0x87D0] =	vst v7  }
0x2ad: {  	v13 =	vld [tilespmem:s28+$0x7780];
	[tilespmem:s4+$0x9880] =	vst v11;
	v14 =	vor.u32 $0x10, v11;
	v15 =	vor.u32 $0x20, v11;
	v5 =	vmul.f32 v10, v5  }
0x2ae: {  	v10 =	vor.u32 $0x40, v11;
	v16 =	vor.u32 $0x60, v11;
	v7 =	vld [tilespmem:s28+$0x77D0];
	[tilespmem:s4+$0x9890] =	vst v14;
	v14 =	vor.u32 $0x50, v11  }
0x2af: {  	v17 =	vld [tilespmem:s28+$0x7790];
	[tilespmem:s4+$0x98D0] =	vst v14;
	v14 =	vor.u32 $0x70, v11  }
0x2b0: {  	v18 =	vld [tilespmem:s28+$0x77B0];
	[tilespmem:s4+$0x98C0] =	vst v10  }
0x2b1: {  	[tilespmem:s4+$0x87C0] =	vst v8  }
0x2b2: {  	v8 =	vmov s13;
	[tilespmem:s4+$0x98E0] =	vst v16  }
0x2b3: {  	v10 =	vor.u32 $0x30, v11;
	[tilespmem:s4+$0x87F0] =	vst v5  }
0x2b4: {  	[tilespmem:s4+$0x98B0] =	vst v10  }
0x2b5: {  	[tilespmem:s4+$0x98F0] =	vst v14  }
0x2b6: {  	[tilespmem:s4+$0x87E0] =	vst v9  }
0x2b7: {  	[tilespmem:s4+$0x87B0] =	vst v6  }
0x2b8: {  	[tilespmem:s4+$0x98A0] =	vst v15;
	s4 =	smov.u32 s28  }
0x2b9: {  	v5 =	vld.idx.msk [tilespmem:v4+s30+$0x0], $0xffff  }
0x2ba: {  	v6 =	vld.idx.msk [tilespmem:v4+s31+$0x0], $0xffff  }
0x2bb: {  	v14 =	vld.idx.msk [tilespmem:v4+s0+$0x0], $0xffff;
	v4 =	vmov v8  }
0x2bc: {  	v8 =	vld [tilespmem:s4+$0x77C0]  }
.Ltmp18:
0x2bd: {  	v9 =	vld [tilespmem:s4+$0x77E0];
	(pc) =	sbr.rel @p1 .LBB2_22-.Ltmp18, $4  }
0x2be: {  	_ = 	snop  }
0x2bf: {  	v13 =	vmul.f32 v13, v5;
	v15 =	vmul.f32 v17, v5  }
0x2c0: {  	v12 =	vmul.f32 v12, v5;
	v11 =	vshll.u32 v6, $0x8;
	v10 =	vld [tilespmem:s4+$0x77F0]  }
0x2c1: {  	v6 =	vmul.f32 v18, v5;
	vm0 =	vlt.s32 v14, $0xBB8;
	[tilespmem:s4+$0x8790] =	vst v15;
	v8 =	vmul.f32 v8, v5  }
0x2c2: {  	[tilespmem:s4+$0x8780] =	vst v13;
	v7 =	vmul.f32 v7, v5;
	v40 =	vsel vm0, $0x80, v1  }
0x2c3: {  	s7 =	sshra.s32 s7, $0x2;
	[tilespmem:s4+$0x87A0] =	vst v12;
	v11 =	vor.u32 v40, v11  }
0x2c4: {  	v13 =	vld [tilespmem:s7+$0x77A0];
	[tilespmem:s4+$0x87D0] =	vst v7;
	v41 =	vor.u32 v3, v11  }
0x2c5: {  	v42 =	vld [tilespmem:s7+$0x7780];
	[tilespmem:s4+$0x9880] =	vst v41;
	v43 =	vor.u32 $0x10, v41  }
0x2c6: {  	v44 =	vor.u32 $0x50, v41;
	v14 =	vld [tilespmem:s7+$0x77D0];
	[tilespmem:s4+$0x9890] =	vst v43  }
0x2c7: {  	v45 =	vor.u32 $0x40, v41;
	v15 =	vld [tilespmem:s7+$0x7790];
	[tilespmem:s4+$0x98D0] =	vst v44  }
0x2c8: {  	v16 =	vld [tilespmem:s7+$0x77B0];
	[tilespmem:s4+$0x98C0] =	vst v45  }
0x2c9: {  	v10 =	vmul.f32 v10, v5;
	v46 =	vor.u32 $0x60, v41;
	[tilespmem:s4+$0x87C0] =	vst v8  }
0x2ca: {  	[tilespmem:s4+$0x98E0] =	vst v46  }
0x2cb: {  	v47 =	vor.u32 $0x30, v41;
	[tilespmem:s4+$0x87F0] =	vst v10  }
0x2cc: {  	v5 =	vmul.f32 v9, v5;
	v48 =	vor.u32 $0x70, v41;
	[tilespmem:s4+$0x98B0] =	vst v47  }
0x2cd: {  	[tilespmem:s4+$0x98F0] =	vst v48  }
0x2ce: {  	[tilespmem:s4+$0x87E0] =	vst v5  }
0x2cf: {  	v5 =	vor.u32 $0x20, v41;
	[tilespmem:s4+$0x87B0] =	vst v6  }
0x2d0: {  	[tilespmem:s4+$0x98A0] =	vst v5  }
0x2d1: {  	v5 =	vld.idx.msk [tilespmem:v4+s30+$0x0], $0xffff;
	_ =	sdelay $0x2  }
0x2d2: {  	v6 =	vld.idx.msk [tilespmem:v4+s0+$0x0], $0xffff  }
0x2d3: {  	v52 =	vld [tilespmem:s7+$0x77C0]  }
0x2d4: {  	v55 =	vld [tilespmem:s7+$0x77F0];
	v49 =	vmul.f32 v15, v5  }
0x2d5: {  	v58 =	vld [tilespmem:s7+$0x77E0];
	v50 =	vmul.f32 v42, v5  }
0x2d6: {  	v4 =	vld.idx.msk [tilespmem:v4+s31+$0x0], $0xffff;
	v51 =	vmul.f32 v13, v5;
	[tilespmem:s7+$0x8790] =	vst v49  }
0x2d7: {  	v54 =	vmul.f32 v14, v5;
	[tilespmem:s7+$0x8780] =	vst v50  }
0x2d8: {  	vm14 =	vlt.s32 v6, $0xBB8;
	v6 =	vmul.f32 v52, v5;
	[tilespmem:s7+$0x87A0] =	vst v51  }
0x2d9: {  	v7 =	vmul.f32 v55, v5;
	[tilespmem:s7+$0x87D0] =	vst v54  }
0x2da: {  	v62 =	vmul.f32 v58, v5;
	[tilespmem:s7+$0x87C0] =	vst v6  }
0x2db: {  	v4 =	vshll.u32 v4, $0x8;
	v5 =	vmul.f32 v16, v5;
	v53 =	vsel vm14, $0x80, v1;
	[tilespmem:s7+$0x87F0] =	vst v7  }
0x2dc: {  	v4 =	vor.u32 v53, v4;
	[tilespmem:s7+$0x87E0] =	vst v62  }
0x2dd: {  	[tilespmem:s7+$0x87B0] =	vst v5;
	v4 =	vor.u32 v3, v4  }
0x2de: {  	[tilespmem:s7+$0x9880] =	vst v4;
	v56 =	vor.u32 $0x10, v4  }
0x2df: {  	v57 =	vor.u32 $0x50, v4;
	[tilespmem:s7+$0x9890] =	vst v56  }
0x2e0: {  	v59 =	vor.u32 $0x40, v4;
	[tilespmem:s7+$0x98D0] =	vst v57  }
0x2e1: {  	v60 =	vor.u32 $0x60, v4;
	[tilespmem:s7+$0x98C0] =	vst v59  }
0x2e2: {  	v61 =	vor.u32 $0x30, v4;
	[tilespmem:s7+$0x98E0] =	vst v60  }
0x2e3: {  	v63 =	vor.u32 $0x70, v4;
	[tilespmem:s7+$0x98B0] =	vst v61  }
0x2e4: {  	v4 =	vor.u32 $0x20, v4;
	[tilespmem:s7+$0x98F0] =	vst v63  }
0x2e5: {  	[tilespmem:s7+$0x98A0] =	vst v4  }
0x2e6: {  	v4 =	vld [tilespmem:s2+$0x6F80]  }
0x2e7: {  	v5 =	vld [tilespmem:s2+$0x5F80];
	_ =	sdelay $0x3  }
0x2e8: {  	vm15 =	vlt.s32 v4, $0xBB8  }
0x2e9: {  	v4 =	vnsel vm15, $0x0, v5  }
0x2ea: {  	[tilespmem:$0x8F80] =	vst v4  }
0x2eb: {  	v4 =	vld [tilespmem:s2+$0x6780];
	_ =	sdelay $0x4  }
0x2ec: {  	v4 =	vadd.s32 $0xC0000, v4  }
0x2ed: {  	[tilespmem:$0xA080] =	vst v4  }
0x2ee: {  	[spmem:s5] =	stream.indirect.scatter.add.f32 [tilespmem:s22], [sflag:$0x3], $0x1, s10, s8, $0xb8;
	[tilespmem:$0x16A80] =	vst v63  }
.LBB2_24:
0x2ef: {  	s2 =	sor.u32 $0x1, s3  }
0x2f0: {  	p1 =	sge.u32 s2, s21  }
.Ltmp19:
0x2f1: {  	_ = 	snop;
	(pc) =	sbr.rel @p1 .LBB2_28-.Ltmp19, $1  }
0x2f2: {  	_ =	sdelay $0x3  }
0x2f3: {  	_ =	swait.ge [sflag:s11], $0x800;
	s2 =	sshll.u32 s2, $0x4;
	p1 =	sge.u32 s3, s26  }
0x2f4: {  	[sflag:s11] =	ssyncset.done $0x0;
	s3 =	sadd.s32 @!p1 $0x5790, s2  }
0x2f5: {  	s4 =	simm.s32 @!p1 $0x10;
	s7 =	simm.s32 @!p1 $0x7780;
	[sflag:s11] =	ssyncadd.s32 $0xFFFFF800  }
0x2f6: {  	[tilespmem:s7], [sflag:$0x1] =	stream.indirect.gather @!p1 [hbm4b:s1+s4], $0x80, s3, s4, $0xb8;
	[tilespmem:$0x16A80] =	vst v63  }
0x2f7: {  	p1 =	seq.s32 s18, $0x0  }
0x2f8: {  	s3 =	simm.s32 @!p1 $0x4  }
0x2f9: {  	_ =	swait.ge @!p1 [sflag:s3], $0x810  }
0x2fa: {  	[sflag:s3] =	ssyncset.done @!p1 $0x0  }
0x2fb: {  	v4 =	vmov s17;
	[sflag:s3] =	ssyncadd.s32 @!p1 $0xFFFFF7F0;
	s3 =	simm.s32 $0x0  }
0x2fc: {  	v6 =	vld [tilespmem:s3+$0x7FA0]  }
0x2fd: {  	v8 =	vld [tilespmem:s3+$0x7F80]  }
0x2fe: {  	v10 =	vld [tilespmem:s3+$0x7F90]  }
0x2ff: {  	v14 =	vld [tilespmem:s3+$0x7FB0]  }
0x300: {  	v5 =	vld.idx.msk [tilespmem:v4+s30+$0x0], $0xffff  }
0x301: {  	v11 =	vld.idx.msk [tilespmem:v4+s31+$0x0], $0xffff  }
0x302: {  	v15 =	vld.idx.msk [tilespmem:v4+s0+$0x0], $0xffff  }
0x303: {  	v16 =	vld [tilespmem:s3+$0x7FC0]  }
0x304: {  	v7 =	vld [tilespmem:s3+$0x7FD0]  }
0x305: {  	s4 =	sadd.s32 $0x1, s17;
	v9 =	vld [tilespmem:s3+$0x7FE0]  }
0x306: {  	v4 =	vmov s4;
	v17 =	vmul.f32 v10, v5  }
0x307: {  	v13 =	vmul.f32 v8, v5;
	v11 =	vshll.u32 v11, $0x8;
	v12 =	vmul.f32 v6, v5  }
0x308: {  	s13 =	simm.s32 $0x400;
	s7 =	simm.s32 $0x200;
	v10 =	vld [tilespmem:s3+$0x7FF0];
	vm0 =	vlt.s32 v15, $0xBB8;
	v6 =	vmul.f32 v14, v5;
	v8 =	vmul.f32 v16, v5;
	[tilespmem:s3+$0x9010] =	vst v17  }
.LBB2_26:
0x309: {  	p1 =	sne.s32 s13, $0x1E00  }
0x30a: {  	s4 =	sadd.s32 $0x1, s4;
	v14 =	vsel vm0, $0x80, v1;
	[tilespmem:s3+$0x9000] =	vst v13;
	v7 =	vmul.f32 v7, v5;
	v9 =	vmul.f32 v9, v5;
	s15 =	smov.u32 s13;
	s13 =	sadd.s32 $0x200, s13  }
0x30b: {  	s16 =	sshra.s32 s7, $0x2;
	v11 =	vor.u32 v14, v11;
	[tilespmem:s3+$0x9020] =	vst v12;
	s7 =	smov.u32 s15  }
0x30c: {  	v12 =	vld [tilespmem:s16+$0x7FA0];
	v11 =	vor.u32 v3, v11;
	[tilespmem:s3+$0x9050] =	vst v7  }
0x30d: {  	v5 =	vmul.f32 v10, v5;
	v13 =	vld [tilespmem:s16+$0x7F80];
	[tilespmem:s3+$0xA100] =	vst v11;
	v14 =	vor.u32 $0x10, v11;
	v15 =	vor.u32 $0x20, v11  }
0x30e: {  	v10 =	vor.u32 $0x40, v11;
	v16 =	vor.u32 $0x60, v11;
	v7 =	vld [tilespmem:s16+$0x7FD0];
	[tilespmem:s3+$0xA110] =	vst v14;
	v14 =	vor.u32 $0x50, v11  }
0x30f: {  	v17 =	vld [tilespmem:s16+$0x7F90];
	[tilespmem:s3+$0xA150] =	vst v14;
	v14 =	vor.u32 $0x70, v11  }
0x310: {  	v18 =	vld [tilespmem:s16+$0x7FB0];
	[tilespmem:s3+$0xA140] =	vst v10  }
0x311: {  	[tilespmem:s3+$0x9040] =	vst v8  }
0x312: {  	v8 =	vmov s4;
	[tilespmem:s3+$0xA160] =	vst v16  }
0x313: {  	v10 =	vor.u32 $0x30, v11;
	[tilespmem:s3+$0x9070] =	vst v5  }
0x314: {  	[tilespmem:s3+$0xA130] =	vst v10  }
0x315: {  	[tilespmem:s3+$0xA170] =	vst v14  }
0x316: {  	[tilespmem:s3+$0x9060] =	vst v9  }
0x317: {  	[tilespmem:s3+$0x9030] =	vst v6  }
0x318: {  	[tilespmem:s3+$0xA120] =	vst v15;
	s3 =	smov.u32 s16  }
0x319: {  	v5 =	vld.idx.msk [tilespmem:v4+s30+$0x0], $0xffff  }
0x31a: {  	v6 =	vld.idx.msk [tilespmem:v4+s31+$0x0], $0xffff  }
0x31b: {  	v14 =	vld.idx.msk [tilespmem:v4+s0+$0x0], $0xffff;
	v4 =	vmov v8  }
0x31c: {  	v8 =	vld [tilespmem:s3+$0x7FC0]  }
.Ltmp20:
0x31d: {  	v9 =	vld [tilespmem:s3+$0x7FE0];
	(pc) =	sbr.rel @p1 .LBB2_26-.Ltmp20, $4  }
0x31e: {  	_ = 	snop  }
0x31f: {  	v13 =	vmul.f32 v13, v5;
	v15 =	vmul.f32 v17, v5  }
0x320: {  	v12 =	vmul.f32 v12, v5;
	v11 =	vshll.u32 v6, $0x8;
	v10 =	vld [tilespmem:s3+$0x7FF0]  }
0x321: {  	v6 =	vmul.f32 v18, v5;
	vm0 =	vlt.s32 v14, $0xBB8;
	[tilespmem:s3+$0x9010] =	vst v15;
	v8 =	vmul.f32 v8, v5  }
.Ltmp21:
0x322: {  	_ = 	snop;
	(pc) =	sbr.rel .LBB2_27-.Ltmp21, $1  }
0x323: {  	_ =	sdelay $0x3  }
.LBB2_32:
0x324: {  	_ =	sfence.sel $0x180000  }
0x325: {  	[bflag:$0x0] =	sbarrier.arrive $0xFFFF  }
0x326: {  	_ =	strace $0x90000047  }
0x327: {  	s0 =	stileid.u32;
	[bflag:$0x2] =	sbarrier.arrive $0xFFFF  }
0x328: {  	p0 =	sne.s32 s0, $0x0;
	s0 =	rddreg [dreg:$0x4]  }
0x329: {  	s0 =	sadd.s32 @!p0 $0x100000, s0  }
0x32a: {  	[sflag:s0] =	ssyncadd.tile.s32 @!p0 $0x1;
	_ =	shalt  }
.Lfunc_end2:
_tile_overlayer_lowered:
.L_overlay_start_2:
0x32b: {  	(tag) =	ssettag $0x2  }
0x32c: {  	s0 =	rddreg [dreg:$0x0];
	s2 =	stileid.u32  }
0x32d: {  	s1 =	rddreg [dreg:$0x1];
	p0 =	sne.s32 s2, $0x0  }
0x32e: {  	s3 =	rddreg [dreg:$0x2];
	[bflag:$0x3] =	sbarrier.arrive $0xFFFF;
	s2 =	simm.s32 @!p0 $0x1C07  }
0x32f: {  	[timem:s3], [sflag:s2] =	dma.local @!p0 [hbm:s0], s1  }
0x330: {  	s0 =	simm.s32 @!p0 $0x7  }
0x331: {  	_ =	swait.ge @!p0 [sflag:s0], s1  }
0x332: {  	s1 =	ssub.s32 @!p0 $0x0, s1;
	[sflag:s0] =	ssyncset.done @!p0 $0x0  }
0x333: {  	[sflag:s0] =	ssyncadd.s32 @!p0 s1  }
0x334: {  	[bflag:$0x3] =	sbarrier.arrive $0xFFFF  }
0x335: {  	_ =	shalt  }

</sc_bundles>
